<compile_context>
chip_gen: v7x
topology: tpu7x:2x2x1
jax: 0.10.2.dev20260603
libtpu: 0.0.44.dev20260713+nightly
codegen_flags: <defaults>
</compile_context>

<pallas_src>
import functools

import jax
import jax.numpy as jnp
from jax import lax
from jax.experimental import pallas as pl
from jax.experimental.pallas import tpu as pltpu
from jax.experimental.pallas import tpu_sc as plsc

_H = 224
_W = 224
_HP = _H + 2
_WP = _W + 2
_FLAT = _HP * _WP
_OGRID = _H * _WP


_R = 14
_IY = _R + 2
_NG = 16
_GROUPS = _H // _R
_STEPS = _GROUPS // _NG
_BB = 8


def _conv_pool_body(x_ref, w_ref, out_ref):
    xb = x_ref[...].astype(jnp.bfloat16)
    xpad = jnp.pad(xb, ((0, 0), (0, 0), (1, 1), (1, 1)))
    ones_row = jnp.ones((1, _W * _NG), jnp.bfloat16)
    for bi in range(_BB):
        acc = jnp.zeros((_R, 64), jnp.float32)
        for i in range(_STEPS):
            cols = []
            for j in range(_NG):
                r0 = (i * _NG + j) * _R
                xs = xpad[bi, :, r0:r0 + _IY, :]
                xs3 = xs.reshape(3 * _IY, _WP)
                cols.append(jnp.concatenate(
                    [xs3[:, dx:dx + _W] for dx in range(3)], axis=0))
            rp = jnp.concatenate(
                [jnp.concatenate(cols, axis=1), ones_row], axis=0)
            h = jnp.dot(w_ref[...], rp, preferred_element_type=jnp.float32)
            h = jnp.maximum(h, 0.0)
            acc = acc + jnp.sum(h, axis=1).reshape(_R, 64)
        out_ref[bi, 0, :] = jnp.sum(acc, axis=0) * (1.0 / (_H * _W))


def _logits_body(pooled_ref, gw_ref, gb_ref, logits_ref):
    logits_ref[...] = lax.dot_general(
        pooled_ref[...], gw_ref[...], (((1,), (1,)), ((), ())),
        preferred_element_type=jnp.float32) + gb_ref[...]


_NC = 2
_NS = 16
_NW = _NC * _NS
_L = 16
_TOPK = 8


_GDN = lax.GatherDimensionNumbers(
    offset_dims=(), collapsed_slice_dims=(0,), start_index_map=(0,))


def _bfly(t, op):
    for k in (8, 4, 2, 1):
        idx = lax.iota(jnp.int32, _L) ^ k
        perm = lax.gather(t, idx[:, None], _GDN, (1,),
                          mode=lax.GatherScatterMode.PROMISE_IN_BOUNDS)
        t = op(t, perm)
    return t


def _sc_gate_body(logits_hbm, gates_hbm, load_hbm, lg_v, gt_v, ld_v):
    c = lax.axis_index("c")
    s = lax.axis_index("s")
    wid = s * _NC + c
    rpw = lg_v.shape[0]
    nk = lg_v.shape[1] // _L
    base = wid * rpw
    pltpu.sync_copy(logits_hbm.at[pl.ds(base, rpw)], lg_v)
    acc = [jnp.zeros((_L,), jnp.float32) for _ in range(nk)]
    neg = jnp.full((_L,), -jnp.inf, jnp.float32)
    for r in range(rpw):
        v = [lg_v[r, _L * k:_L * (k + 1)] for k in range(nk)]
        cur = list(v)
        rowmax = None
        thr = None
        for i in range(_TOPK):
            m = cur[0]
            for k in range(1, nk):
                m = jnp.maximum(m, cur[k])
            m = _bfly(m, jnp.maximum)
            if i == 0:
                rowmax = m
            thr = m
            cur = [jnp.where(ck >= m, neg, ck) for ck in cur]
        e = [jnp.where(vk >= thr, jnp.exp(vk - rowmax), 0.0) for vk in v]
        tot = e[0]
        for k in range(1, nk):
            tot = tot + e[k]
        tot = _bfly(tot, jnp.add)
        for k in range(nk):
            g = e[k] / tot
            gt_v[r, _L * k:_L * (k + 1)] = g
            acc[k] = acc[k] + g
    for k in range(nk):
        ld_v[_L * k:_L * (k + 1)] = acc[k]
    pltpu.sync_copy(gt_v, gates_hbm.at[pl.ds(base, rpw)])
    pltpu.sync_copy(ld_v, load_hbm.at[wid])


def _load_body(parts_ref, load_ref):
    load_ref[...] = jnp.sum(parts_ref[...], axis=0, keepdims=True)


def _sc_gate(logits):
    B, E = logits.shape
    rpw = B // _NW
    mesh = plsc.VectorSubcoreMesh(core_axis_name="c", subcore_axis_name="s",
                                  num_cores=_NC, num_subcores=_NS)
    run = pl.kernel(
        _sc_gate_body,
        out_type=[
            jax.ShapeDtypeStruct((B, E), jnp.float32),
            jax.ShapeDtypeStruct((_NW, E), jnp.float32),
        ],
        mesh=mesh,
        scratch_types=[
            pltpu.VMEM((rpw, E), jnp.float32),
            pltpu.VMEM((rpw, E), jnp.float32),
            pltpu.VMEM((E,), jnp.float32),
        ],
    )
    gates, parts = run(logits)
    load = pl.pallas_call(
        _load_body,
        in_specs=[pl.BlockSpec((_NW, E), lambda: (0, 0))],
        out_specs=pl.BlockSpec((1, E), lambda: (0, 0)),
        out_shape=jax.ShapeDtypeStruct((1, E), jnp.float32),
    )(parts)
    return gates, load.reshape(E)


def kernel(x, conv_w, conv_b, gate_w, gate_b, train):
    del train
    B = x.shape[0]
    O = conv_w.shape[0]
    E = gate_w.shape[0]
    wkx = conv_w.transpose(0, 3, 1, 2)
    wb = jnp.stack(
        [jnp.pad(wkx, ((0, 0), (0, 0), (0, 0), (r, _IY - 3 - r)))
         for r in range(_R)], axis=0)
    wb = wb.reshape(_R * O, 3 * x.shape[1] * _IY)
    bias_col = jnp.tile(conv_b, _R).reshape(_R * O, 1)
    wb = jnp.concatenate([wb, bias_col], axis=1).astype(jnp.bfloat16)
    K = 3 * x.shape[1] * _IY + 1

    pooled3 = pl.pallas_call(
        _conv_pool_body,
        grid=(B // _BB,),
        in_specs=[
            pl.BlockSpec((_BB, x.shape[1], _H, _W), lambda b: (b, 0, 0, 0)),
            pl.BlockSpec((_R * O, K), lambda b: (0, 0)),
        ],
        out_specs=pl.BlockSpec((_BB, 1, O), lambda b: (b, 0, 0)),
        out_shape=jax.ShapeDtypeStruct((B, 1, O), jnp.float32),
    )(x, wb)
    pooled = pooled3.reshape(B, O)

    logits = pl.pallas_call(
        _logits_body,
        in_specs=[
            pl.BlockSpec((B, O), lambda: (0, 0)),
            pl.BlockSpec((E, O), lambda: (0, 0)),
            pl.BlockSpec((1, E), lambda: (0, 0)),
        ],
        out_specs=pl.BlockSpec((B, E), lambda: (0, 0)),
        out_shape=jax.ShapeDtypeStruct((B, E), jnp.float32),
    )(pooled, gate_w, gate_b.reshape(1, E))
    gates, load = _sc_gate(logits)
    return (gates, load)

# --- scband reference (transcript-rebuilt; emitter-appended) ---
"""Pipeline reference for scband-simple-noisy-top-kgating-network-85718957294268 (READ-ONLY COPY).

The authoritative reference and input builder live on the scoring server;
editing this copy changes nothing except your own understanding.
"""

import jax, jax.numpy as jnp
import numpy as np
from jax import lax

B = 128
C_IN = 3
H = 224
W = 224
HIDDEN = 64
E = 64
TOP_K = 8


def setup_inputs(seed: int = 0) -> dict:
    key = jax.random.key(seed)
    k1, k2, k3, k4, k5 = jax.random.split(key, 5)
    x = jax.random.normal(k1, (B, C_IN, H, W), dtype=jnp.float32)
    conv_w = jax.random.normal(k2, (HIDDEN, C_IN, 3, 3), dtype=jnp.float32) * 0.1
    conv_b = jnp.zeros((HIDDEN,), dtype=jnp.float32)
    gate_w = jax.random.normal(k3, (E, HIDDEN), dtype=jnp.float32) * 0.1
    gate_b = jnp.zeros((E,), dtype=jnp.float32)
    return {"x": x, "conv_w": conv_w, "conv_b": conv_b, "gate_w": gate_w, "gate_b": gate_b, "train": 0}


def reference(x, conv_w, conv_b, gate_w, gate_b, train):
    # conv1 (3x3, stride 1, padding 1) + relu
    h = lax.conv_general_dilated(
        x, conv_w,
        window_strides=(1, 1),
        padding=((1, 1), (1, 1)),
        dimension_numbers=("NCHW", "OIHW", "NCHW"),
    ) + conv_b[None, :, None, None]
    h = jax.nn.relu(h)
    # global average pool -> [B, 64]
    pooled = jnp.mean(h, axis=(2, 3))
    clean_logits = pooled @ gate_w.T + gate_b
    # train=0 -> eval path (no noise)
    logits = clean_logits
    k = min(TOP_K + 1, E)
    top_logits, top_indices = lax.top_k(logits, k)
    top_k_logits = top_logits[:, :TOP_K]
    top_k_indices = top_indices[:, :TOP_K]
    top_k_gates = jax.nn.softmax(top_k_logits, axis=1)
    rows = jnp.arange(logits.shape[0])[:, None]
    gates = jnp.zeros_like(logits).at[rows, top_k_indices].set(top_k_gates)
    load = gates.sum(axis=0)
    return (gates, load)

if __name__ == "__main__":
    import jax
    _d = setup_inputs()
    print(jax.jit(kernel)(*tuple(_d.values())))

</pallas_src>

<mosaic_0001>
#map = affine_map<(d0, d1) -> (0, 0)>
module attributes {stable_mosaic.version = 14 : i64} {
  func.func @_sc_gate_body(%arg0: i32, %arg1: i32, %arg2: memref<128x64xf32, #tpu.memory_space<hbm>>, %arg3: memref<128x64xf32, #tpu.memory_space<hbm>>, %arg4: memref<32x64xf32, #tpu.memory_space<hbm>>, %arg5: memref<4x64xf32, #tpu.memory_space<vmem>>, %arg6: memref<4x64xf32, #tpu.memory_space<vmem>>, %arg7: memref<64xf32, #tpu.memory_space<vmem>>) attributes {dimension_semantics = [#tpu.dimension_semantics<core_parallel>, #tpu.dimension_semantics<subcore_parallel>], iteration_bounds = array<i64: 2, 16>, scalar_prefetch = 0 : i64, scratch_operands = 3 : i64, tpu.core_type = #tpu.core_type<sc_vector_subcore>, window_params = [{transform_indices = #map}, {transform_indices = #map}, {transform_indices = #map}]} {
    %mul3A = arith.constant 2 : i32
    %mul3A_0 = arith.muli %arg1, %mul3A : i32
    %add3A = arith.addi %mul3A_0, %arg0 : i32
    %mul3A_1 = arith.constant 4 : i32
    %mul3A_2 = arith.muli %add3A, %mul3A_1 : i32
    "tpu.region"() ({
      %run_scoped3A = tpu.sem_alloc : memref<!tpu.dma_semaphore, #tpu.memory_space<semaphore_mem>>
      %dma_start3A = arith.constant 0 : i32
      %dma_start3A_1836 = tpu.memref_slice %arg2[%mul3A_2, %dma_start3A] : memref<128x64xf32, #tpu.memory_space<hbm>> -> memref<4x64xf32, #tpu.memory_space<hbm>>
      %dma_start3A_1837 = arith.constant 0 : i32
      %dma_start3A_1838 = tpu.memref_slice %arg2[%mul3A_2, %dma_start3A_1837] : memref<128x64xf32, #tpu.memory_space<hbm>> -> memref<4x64xf32, #tpu.memory_space<hbm>>
      tpu.enqueue_dma source(%dma_start3A_1838 : memref<4x64xf32, #tpu.memory_space<hbm>>) target(%arg5 : memref<4x64xf32, #tpu.memory_space<vmem>>) target_semaphore(%run_scoped3A : memref<!tpu.dma_semaphore, #tpu.memory_space<semaphore_mem>>)
      %dma_wait3A = arith.constant 0 : i32
      %dma_wait3A_1839 = tpu.memref_slice %arg2[%mul3A_2, %dma_wait3A] : memref<128x64xf32, #tpu.memory_space<hbm>> -> memref<4x64xf32, #tpu.memory_space<hbm>>
      %dma_wait3A_1840 = arith.constant 0 : i32
      %dma_wait3A_1841 = tpu.memref_slice %arg2[%mul3A_2, %dma_wait3A_1840] : memref<128x64xf32, #tpu.memory_space<hbm>> -> memref<4x64xf32, #tpu.memory_space<hbm>>
      tpu.wait_dma2 semaphore(%run_scoped3A : memref<!tpu.dma_semaphore, #tpu.memory_space<semaphore_mem>>) src(%dma_wait3A_1841 : memref<4x64xf32, #tpu.memory_space<hbm>>) dst(%arg5 : memref<4x64xf32, #tpu.memory_space<vmem>>)
      tpu.yield
    }) : () -> ()
    %broadcast_in_dim3A = arith.constant 0.000000e+00 : f32
    %broadcast_in_dim3A_3 = vector.broadcast %broadcast_in_dim3A : f32 to vector<16xf32>
    %broadcast_in_dim3A_4 = arith.constant 0.000000e+00 : f32
    %broadcast_in_dim3A_5 = vector.broadcast %broadcast_in_dim3A_4 : f32 to vector<16xf32>
    %broadcast_in_dim3A_6 = arith.constant 0.000000e+00 : f32
    %broadcast_in_dim3A_7 = vector.broadcast %broadcast_in_dim3A_6 : f32 to vector<16xf32>
    %broadcast_in_dim3A_8 = arith.constant 0.000000e+00 : f32
    %broadcast_in_dim3A_9 = vector.broadcast %broadcast_in_dim3A_8 : f32 to vector<16xf32>
    %broadcast_in_dim3A_10 = arith.constant 0xFF800000 : f32
    %broadcast_in_dim3A_11 = vector.broadcast %broadcast_in_dim3A_10 : f32 to vector<16xf32>
    %get3A = arith.constant 0 : i32
    %get3A_12 = arith.index_cast %get3A : i32 to index
    %get3A_13 = arith.constant 0 : index
    %get3A_14 = tpu.vector_load %arg5[%get3A_12, %get3A_13] {strides = array<i32>} : memref<4x64xf32, #tpu.memory_space<vmem>>, vector<1x16xf32>,
    %get3A_15 = vector.shape_cast %get3A_14 : vector<1x16xf32> to vector<16xf32>
    %get3A_16 = arith.constant 0 : i32
    %get3A_17 = arith.index_cast %get3A_16 : i32 to index
    %get3A_18 = arith.constant 16 : index
    %get3A_19 = tpu.vector_load %arg5[%get3A_17, %get3A_18] {strides = array<i32>} : memref<4x64xf32, #tpu.memory_space<vmem>>, vector<1x16xf32>,
    %get3A_20 = vector.shape_cast %get3A_19 : vector<1x16xf32> to vector<16xf32>
    %get3A_21 = arith.constant 0 : i32
    %get3A_22 = arith.index_cast %get3A_21 : i32 to index
    %get3A_23 = arith.constant 32 : index
    %get3A_24 = tpu.vector_load %arg5[%get3A_22, %get3A_23] {strides = array<i32>} : memref<4x64xf32, #tpu.memory_space<vmem>>, vector<1x16xf32>,
    %get3A_25 = vector.shape_cast %get3A_24 : vector<1x16xf32> to vector<16xf32>
    %get3A_26 = arith.constant 0 : i32
    %get3A_27 = arith.index_cast %get3A_26 : i32 to index
    %get3A_28 = arith.constant 48 : index
    %get3A_29 = tpu.vector_load %arg5[%get3A_27, %get3A_28] {strides = array<i32>} : memref<4x64xf32, #tpu.memory_space<vmem>>, vector<1x16xf32>,
    %get3A_30 = vector.shape_cast %get3A_29 : vector<1x16xf32> to vector<16xf32>
    %max3A = arith.maximumf %get3A_15, %get3A_20 : vector<16xf32>
    %max3A_31 = arith.maximumf %max3A, %get3A_25 : vector<16xf32>
    %max3A_32 = arith.maximumf %max3A_31, %get3A_30 : vector<16xf32>
    %iota3A = tpu.iota {dimensions = array<i32: 0>} : vector<16xi32>
    %xor3A = arith.constant 8 : i32
    %xor3A_33 = vector.broadcast %xor3A : i32 to vector<16xi32>
    %xor3A_34 = arith.xori %iota3A, %xor3A_33 : vector<16xi32>
    %broadcast_in_dim3A_35 = vector.shape_cast %xor3A_34 : vector<16xi32> to vector<16x1xi32>
    %gather3A = vector.shape_cast %broadcast_in_dim3A_35 : vector<16x1xi32> to vector<16xi32>
    %gather3A_36 = tpu.dynamic_gather %max3A_32[%gather3A] in [0] : vector<16xf32>, vector<16xi32> -> vector<16xf32>
    %max3A_37 = arith.maximumf %max3A_32, %gather3A_36 : vector<16xf32>
    %iota3A_38 = tpu.iota {dimensions = array<i32: 0>} : vector<16xi32>
    %xor3A_39 = arith.constant 4 : i32
    %xor3A_40 = vector.broadcast %xor3A_39 : i32 to vector<16xi32>
    %xor3A_41 = arith.xori %iota3A_38, %xor3A_40 : vector<16xi32>
    %broadcast_in_dim3A_42 = vector.shape_cast %xor3A_41 : vector<16xi32> to vector<16x1xi32>
    %gather3A_43 = vector.shape_cast %broadcast_in_dim3A_42 : vector<16x1xi32> to vector<16xi32>
    %gather3A_44 = tpu.dynamic_gather %max3A_37[%gather3A_43] in [0] : vector<16xf32>, vector<16xi32> -> vector<16xf32>
    %max3A_45 = arith.maximumf %max3A_37, %gather3A_44 : vector<16xf32>
    %iota3A_46 = tpu.iota {dimensions = array<i32: 0>} : vector<16xi32>
    %xor3A_47 = arith.constant 2 : i32
    %xor3A_48 = vector.broadcast %xor3A_47 : i32 to vector<16xi32>
    %xor3A_49 = arith.xori %iota3A_46, %xor3A_48 : vector<16xi32>
    %broadcast_in_dim3A_50 = vector.shape_cast %xor3A_49 : vector<16xi32> to vector<16x1xi32>
    %gather3A_51 = vector.shape_cast %broadcast_in_dim3A_50 : vector<16x1xi32> to vector<16xi32>
    %gather3A_52 = tpu.dynamic_gather %max3A_45[%gather3A_51] in [0] : vector<16xf32>, vector<16xi32> -> vector<16xf32>
    %max3A_53 = arith.maximumf %max3A_45, %gather3A_52 : vector<16xf32>
    %iota3A_54 = tpu.iota {dimensions = array<i32: 0>} : vector<16xi32>
    %xor3A_55 = arith.constant 1 : i32
    %xor3A_56 = vector.broadcast %xor3A_55 : i32 to vector<16xi32>
    %xor3A_57 = arith.xori %iota3A_54, %xor3A_56 : vector<16xi32>
    %broadcast_in_dim3A_58 = vector.shape_cast %xor3A_57 : vector<16xi32> to vector<16x1xi32>
    %gather3A_59 = vector.shape_cast %broadcast_in_dim3A_58 : vector<16x1xi32> to vector<16xi32>
    %gather3A_60 = tpu.dynamic_gather %max3A_53[%gather3A_59] in [0] : vector<16xf32>, vector<16xi32> -> vector<16xf32>
    %max3A_61 = arith.maximumf %max3A_53, %gather3A_60 : vector<16xf32>
    %ge3A = arith.cmpf oge, %get3A_15, %max3A_61 : vector<16xf32>
    %select_n3A = arith.select %ge3A, %broadcast_in_dim3A_11, %get3A_15 : vector<16xi1>, vector<16xf32>
    %ge3A_62 = arith.cmpf oge, %get3A_20, %max3A_61 : vector<16xf32>
    %select_n3A_63 = arith.select %ge3A_62, %broadcast_in_dim3A_11, %get3A_20 : vector<16xi1>, vector<16xf32>
    %ge3A_64 = arith.cmpf oge, %get3A_25, %max3A_61 : vector<16xf32>
    %select_n3A_65 = arith.select %ge3A_64, %broadcast_in_dim3A_11, %get3A_25 : vector<16xi1>, vector<16xf32>
    %ge3A_66 = arith.cmpf oge, %get3A_30, %max3A_61 : vector<16xf32>
    %select_n3A_67 = arith.select %ge3A_66, %broadcast_in_dim3A_11, %get3A_30 : vector<16xi1>, vector<16xf32>
    %max3A_68 = arith.maximumf %select_n3A, %select_n3A_63 : vector<16xf32>
    %max3A_69 = arith.maximumf %max3A_68, %select_n3A_65 : vector<16xf32>
    %max3A_70 = arith.maximumf %max3A_69, %select_n3A_67 : vector<16xf32>
    %iota3A_71 = tpu.iota {dimensions = array<i32: 0>} : vector<16xi32>
    %xor3A_72 = arith.constant 8 : i32
    %xor3A_73 = vector.broadcast %xor3A_72 : i32 to vector<16xi32>
    %xor3A_74 = arith.xori %iota3A_71, %xor3A_73 : vector<16xi32>
    %broadcast_in_dim3A_75 = vector.shape_cast %xor3A_74 : vector<16xi32> to vector<16x1xi32>
    %gather3A_76 = vector.shape_cast %broadcast_in_dim3A_75 : vector<16x1xi32> to vector<16xi32>
    %gather3A_77 = tpu.dynamic_gather %max3A_70[%gather3A_76] in [0] : vector<16xf32>, vector<16xi32> -> vector<16xf32>
    %max3A_78 = arith.maximumf %max3A_70, %gather3A_77 : vector<16xf32>
    %iota3A_79 = tpu.iota {dimensions = array<i32: 0>} : vector<16xi32>
    %xor3A_80 = arith.constant 4 : i32
    %xor3A_81 = vector.broadcast %xor3A_80 : i32 to vector<16xi32>
    %xor3A_82 = arith.xori %iota3A_79, %xor3A_81 : vector<16xi32>
    %broadcast_in_dim3A_83 = vector.shape_cast %xor3A_82 : vector<16xi32> to vector<16x1xi32>
    %gather3A_84 = vector.shape_cast %broadcast_in_dim3A_83 : vector<16x1xi32> to vector<16xi32>
    %gather3A_85 = tpu.dynamic_gather %max3A_78[%gather3A_84] in [0] : vector<16xf32>, vector<16xi32> -> vector<16xf32>
    %max3A_86 = arith.maximumf %max3A_78, %gather3A_85 : vector<16xf32>
    %iota3A_87 = tpu.iota {dimensions = array<i32: 0>} : vector<16xi32>
    %xor3A_88 = arith.constant 2 : i32
    %xor3A_89 = vector.broadcast %xor3A_88 : i32 to vector<16xi32>
    %xor3A_90 = arith.xori %iota3A_87, %xor3A_89 : vector<16xi32>
    %broadcast_in_dim3A_91 = vector.shape_cast %xor3A_90 : vector<16xi32> to vector<16x1xi32>
    %gather3A_92 = vector.shape_cast %broadcast_in_dim3A_91 : vector<16x1xi32> to vector<16xi32>
    %gather3A_93 = tpu.dynamic_gather %max3A_86[%gather3A_92] in [0] : vector<16xf32>, vector<16xi32> -> vector<16xf32>
    %max3A_94 = arith.maximumf %max3A_86, %gather3A_93 : vector<16xf32>
    %iota3A_95 = tpu.iota {dimensions = array<i32: 0>} : vector<16xi32>
    %xor3A_96 = arith.constant 1 : i32
    %xor3A_97 = vector.broadcast %xor3A_96 : i32 to vector<16xi32>
    %xor3A_98 = arith.xori %iota3A_95, %xor3A_97 : vector<16xi32>
    %broadcast_in_dim3A_99 = vector.shape_cast %xor3A_98 : vector<16xi32> to vector<16x1xi32>
    %gather3A_100 = vector.shape_cast %broadcast_in_dim3A_99 : vector<16x1xi32> to vector<16xi32>
    %gather3A_101 = tpu.dynamic_gather %max3A_94[%gather3A_100] in [0] : vector<16xf32>, vector<16xi32> -> vector<16xf32>
    %max3A_102 = arith.maximumf %max3A_94, %gather3A_101 : vector<16xf32>
    %ge3A_103 = arith.cmpf oge, %select_n3A, %max3A_102 : vector<16xf32>
    %select_n3A_104 = arith.select %ge3A_103, %broadcast_in_dim3A_11, %select_n3A : vector<16xi1>, vector<16xf32>
    %ge3A_105 = arith.cmpf oge, %select_n3A_63, %max3A_102 : vector<16xf32>
    %select_n3A_106 = arith.select %ge3A_105, %broadcast_in_dim3A_11, %select_n3A_63 : vector<16xi1>, vector<16xf32>
    %ge3A_107 = arith.cmpf oge, %select_n3A_65, %max3A_102 : vector<16xf32>
    %select_n3A_108 = arith.select %ge3A_107, %broadcast_in_dim3A_11, %select_n3A_65 : vector<16xi1>, vector<16xf32>
    %ge3A_109 = arith.cmpf oge, %select_n3A_67, %max3A_102 : vector<16xf32>
    %select_n3A_110 = arith.select %ge3A_109, %broadcast_in_dim3A_11, %select_n3A_67 : vector<16xi1>, vector<16xf32>
    %max3A_111 = arith.maximumf %select_n3A_104, %select_n3A_106 : vector<16xf32>
    %max3A_112 = arith.maximumf %max3A_111, %select_n3A_108 : vector<16xf32>
    %max3A_113 = arith.maximumf %max3A_112, %select_n3A_110 : vector<16xf32>
    %iota3A_114 = tpu.iota {dimensions = array<i32: 0>} : vector<16xi32>
    %xor3A_115 = arith.constant 8 : i32
    %xor3A_116 = vector.broadcast %xor3A_115 : i32 to vector<16xi32>
    %xor3A_117 = arith.xori %iota3A_114, %xor3A_116 : vector<16xi32>
    %broadcast_in_dim3A_118 = vector.shape_cast %xor3A_117 : vector<16xi32> to vector<16x1xi32>
    %gather3A_119 = vector.shape_cast %broadcast_in_dim3A_118 : vector<16x1xi32> to vector<16xi32>
    %gather3A_120 = tpu.dynamic_gather %max3A_113[%gather3A_119] in [0] : vector<16xf32>, vector<16xi32> -> vector<16xf32>
    %max3A_121 = arith.maximumf %max3A_113, %gather3A_120 : vector<16xf32>
    %iota3A_122 = tpu.iota {dimensions = array<i32: 0>} : vector<16xi32>
    %xor3A_123 = arith.constant 4 : i32
    %xor3A_124 = vector.broadcast %xor3A_123 : i32 to vector<16xi32>
    %xor3A_125 = arith.xori %iota3A_122, %xor3A_124 : vector<16xi32>
    %broadcast_in_dim3A_126 = vector.shape_cast %xor3A_125 : vector<16xi32> to vector<16x1xi32>
    %gather3A_127 = vector.shape_cast %broadcast_in_dim3A_126 : vector<16x1xi32> to vector<16xi32>
    %gather3A_128 = tpu.dynamic_gather %max3A_121[%gather3A_127] in [0] : vector<16xf32>, vector<16xi32> -> vector<16xf32>
    %max3A_129 = arith.maximumf %max3A_121, %gather3A_128 : vector<16xf32>
    %iota3A_130 = tpu.iota {dimensions = array<i32: 0>} : vector<16xi32>
    %xor3A_131 = arith.constant 2 : i32
    %xor3A_132 = vector.broadcast %xor3A_131 : i32 to vector<16xi32>
    %xor3A_133 = arith.xori %iota3A_130, %xor3A_132 : vector<16xi32>
    %broadcast_in_dim3A_134 = vector.shape_cast %xor3A_133 : vector<16xi32> to vector<16x1xi32>
    %gather3A_135 = vector.shape_cast %broadcast_in_dim3A_134 : vector<16x1xi32> to vector<16xi32>
    %gather3A_136 = tpu.dynamic_gather %max3A_129[%gather3A_135] in [0] : vector<16xf32>, vector<16xi32> -> vector<16xf32>
    %max3A_137 = arith.maximumf %max3A_129, %gather3A_136 : vector<16xf32>
    %iota3A_138 = tpu.iota {dimensions = array<i32: 0>} : vector<16xi32>
    %xor3A_139 = arith.constant 1 : i32
    %xor3A_140 = vector.broadcast %xor3A_139 : i32 to vector<16xi32>
    %xor3A_141 = arith.xori %iota3A_138, %xor3A_140 : vector<16xi32>
    %broadcast_in_dim3A_142 = vector.shape_cast %xor3A_141 : vector<16xi32> to vector<16x1xi32>
    %gather3A_143 = vector.shape_cast %broadcast_in_dim3A_142 : vector<16x1xi32> to vector<16xi32>
    %gather3A_144 = tpu.dynamic_gather %max3A_137[%gather3A_143] in [0] : vector<16xf32>, vector<16xi32> -> vector<16xf32>
    %max3A_145 = arith.maximumf %max3A_137, %gather3A_144 : vector<16xf32>
    %ge3A_146 = arith.cmpf oge, %select_n3A_104, %max3A_145 : vector<16xf32>
    %select_n3A_147 = arith.select %ge3A_146, %broadcast_in_dim3A_11, %select_n3A_104 : vector<16xi1>, vector<16xf32>
    %ge3A_148 = arith.cmpf oge, %select_n3A_106, %max3A_145 : vector<16xf32>
    %select_n3A_149 = arith.select %ge3A_148, %broadcast_in_dim3A_11, %select_n3A_106 : vector<16xi1>, vector<16xf32>
    %ge3A_150 = arith.cmpf oge, %select_n3A_108, %max3A_145 : vector<16xf32>
    %select_n3A_151 = arith.select %ge3A_150, %broadcast_in_dim3A_11, %select_n3A_108 : vector<16xi1>, vector<16xf32>
    %ge3A_152 = arith.cmpf oge, %select_n3A_110, %max3A_145 : vector<16xf32>
    %select_n3A_153 = arith.select %ge3A_152, %broadcast_in_dim3A_11, %select_n3A_110 : vector<16xi1>, vector<16xf32>
    %max3A_154 = arith.maximumf %select_n3A_147, %select_n3A_149 : vector<16xf32>
    %max3A_155 = arith.maximumf %max3A_154, %select_n3A_151 : vector<16xf32>
    %max3A_156 = arith.maximumf %max3A_155, %select_n3A_153 : vector<16xf32>
    %iota3A_157 = tpu.iota {dimensions = array<i32: 0>} : vector<16xi32>
    %xor3A_158 = arith.constant 8 : i32
    %xor3A_159 = vector.broadcast %xor3A_158 : i32 to vector<16xi32>
    %xor3A_160 = arith.xori %iota3A_157, %xor3A_159 : vector<16xi32>
    %broadcast_in_dim3A_161 = vector.shape_cast %xor3A_160 : vector<16xi32> to vector<16x1xi32>
    %gather3A_162 = vector.shape_cast %broadcast_in_dim3A_161 : vector<16x1xi32> to vector<16xi32>
    %gather3A_163 = tpu.dynamic_gather %max3A_156[%gather3A_162] in [0] : vector<16xf32>, vector<16xi32> -> vector<16xf32>
    %max3A_164 = arith.maximumf %max3A_156, %gather3A_163 : vector<16xf32>
    %iota3A_165 = tpu.iota {dimensions = array<i32: 0>} : vector<16xi32>
    %xor3A_166 = arith.constant 4 : i32
    %xor3A_167 = vector.broadcast %xor3A_166 : i32 to vector<16xi32>
    %xor3A_168 = arith.xori %iota3A_165, %xor3A_167 : vector<16xi32>
    %broadcast_in_dim3A_169 = vector.shape_cast %xor3A_168 : vector<16xi32> to vector<16x1xi32>
    %gather3A_170 = vector.shape_cast %broadcast_in_dim3A_169 : vector<16x1xi32> to vector<16xi32>
    %gather3A_171 = tpu.dynamic_gather %max3A_164[%gather3A_170] in [0] : vector<16xf32>, vector<16xi32> -> vector<16xf32>
    %max3A_172 = arith.maximumf %max3A_164, %gather3A_171 : vector<16xf32>
    %iota3A_173 = tpu.iota {dimensions = array<i32: 0>} : vector<16xi32>
    %xor3A_174 = arith.constant 2 : i32
    %xor3A_175 = vector.broadcast %xor3A_174 : i32 to vector<16xi32>
    %xor3A_176 = arith.xori %iota3A_173, %xor3A_175 : vector<16xi32>
    %broadcast_in_dim3A_177 = vector.shape_cast %xor3A_176 : vector<16xi32> to vector<16x1xi32>
    %gather3A_178 = vector.shape_cast %broadcast_in_dim3A_177 : vector<16x1xi32> to vector<16xi32>
    %gather3A_179 = tpu.dynamic_gather %max3A_172[%gather3A_178] in [0] : vector<16xf32>, vector<16xi32> -> vector<16xf32>
    %max3A_180 = arith.maximumf %max3A_172, %gather3A_179 : vector<16xf32>
    %iota3A_181 = tpu.iota {dimensions = array<i32: 0>} : vector<16xi32>
    %xor3A_182 = arith.constant 1 : i32
    %xor3A_183 = vector.broadcast %xor3A_182 : i32 to vector<16xi32>
    %xor3A_184 = arith.xori %iota3A_181, %xor3A_183 : vector<16xi32>
    %broadcast_in_dim3A_185 = vector.shape_cast %xor3A_184 : vector<16xi32> to vector<16x1xi32>
    %gather3A_186 = vector.shape_cast %broadcast_in_dim3A_185 : vector<16x1xi32> to vector<16xi32>
    %gather3A_187 = tpu.dynamic_gather %max3A_180[%gather3A_186] in [0] : vector<16xf32>, vector<16xi32> -> vector<16xf32>
    %max3A_188 = arith.maximumf %max3A_180, %gather3A_187 : vector<16xf32>
    %ge3A_189 = arith.cmpf oge, %select_n3A_147, %max3A_188 : vector<16xf32>
    %select_n3A_190 = arith.select %ge3A_189, %broadcast_in_dim3A_11, %select_n3A_147 : vector<16xi1>, vector<16xf32>
    %ge3A_191 = arith.cmpf oge, %select_n3A_149, %max3A_188 : vector<16xf32>
    %select_n3A_192 = arith.select %ge3A_191, %broadcast_in_dim3A_11, %select_n3A_149 : vector<16xi1>, vector<16xf32>
    %ge3A_193 = arith.cmpf oge, %select_n3A_151, %max3A_188 : vector<16xf32>
    %select_n3A_194 = arith.select %ge3A_193, %broadcast_in_dim3A_11, %select_n3A_151 : vector<16xi1>, vector<16xf32>
    %ge3A_195 = arith.cmpf oge, %select_n3A_153, %max3A_188 : vector<16xf32>
    %select_n3A_196 = arith.select %ge3A_195, %broadcast_in_dim3A_11, %select_n3A_153 : vector<16xi1>, vector<16xf32>
    %max3A_197 = arith.maximumf %select_n3A_190, %select_n3A_192 : vector<16xf32>
    %max3A_198 = arith.maximumf %max3A_197, %select_n3A_194 : vector<16xf32>
    %max3A_199 = arith.maximumf %max3A_198, %select_n3A_196 : vector<16xf32>
    %iota3A_200 = tpu.iota {dimensions = array<i32: 0>} : vector<16xi32>
    %xor3A_201 = arith.constant 8 : i32
    %xor3A_202 = vector.broadcast %xor3A_201 : i32 to vector<16xi32>
    %xor3A_203 = arith.xori %iota3A_200, %xor3A_202 : vector<16xi32>
    %broadcast_in_dim3A_204 = vector.shape_cast %xor3A_203 : vector<16xi32> to vector<16x1xi32>
    %gather3A_205 = vector.shape_cast %broadcast_in_dim3A_204 : vector<16x1xi32> to vector<16xi32>
    %gather3A_206 = tpu.dynamic_gather %max3A_199[%gather3A_205] in [0] : vector<16xf32>, vector<16xi32> -> vector<16xf32>
    %max3A_207 = arith.maximumf %max3A_199, %gather3A_206 : vector<16xf32>
    %iota3A_208 = tpu.iota {dimensions = array<i32: 0>} : vector<16xi32>
    %xor3A_209 = arith.constant 4 : i32
    %xor3A_210 = vector.broadcast %xor3A_209 : i32 to vector<16xi32>
    %xor3A_211 = arith.xori %iota3A_208, %xor3A_210 : vector<16xi32>
    %broadcast_in_dim3A_212 = vector.shape_cast %xor3A_211 : vector<16xi32> to vector<16x1xi32>
    %gather3A_213 = vector.shape_cast %broadcast_in_dim3A_212 : vector<16x1xi32> to vector<16xi32>
    %gather3A_214 = tpu.dynamic_gather %max3A_207[%gather3A_213] in [0] : vector<16xf32>, vector<16xi32> -> vector<16xf32>
    %max3A_215 = arith.maximumf %max3A_207, %gather3A_214 : vector<16xf32>
    %iota3A_216 = tpu.iota {dimensions = array<i32: 0>} : vector<16xi32>
    %xor3A_217 = arith.constant 2 : i32
    %xor3A_218 = vector.broadcast %xor3A_217 : i32 to vector<16xi32>
    %xor3A_219 = arith.xori %iota3A_216, %xor3A_218 : vector<16xi32>
    %broadcast_in_dim3A_220 = vector.shape_cast %xor3A_219 : vector<16xi32> to vector<16x1xi32>
    %gather3A_221 = vector.shape_cast %broadcast_in_dim3A_220 : vector<16x1xi32> to vector<16xi32>
    %gather3A_222 = tpu.dynamic_gather %max3A_215[%gather3A_221] in [0] : vector<16xf32>, vector<16xi32> -> vector<16xf32>
    %max3A_223 = arith.maximumf %max3A_215, %gather3A_222 : vector<16xf32>
    %iota3A_224 = tpu.iota {dimensions = array<i32: 0>} : vector<16xi32>
    %xor3A_225 = arith.constant 1 : i32
    %xor3A_226 = vector.broadcast %xor3A_225 : i32 to vector<16xi32>
    %xor3A_227 = arith.xori %iota3A_224, %xor3A_226 : vector<16xi32>
    %broadcast_in_dim3A_228 = vector.shape_cast %xor3A_227 : vector<16xi32> to vector<16x1xi32>
    %gather3A_229 = vector.shape_cast %broadcast_in_dim3A_228 : vector<16x1xi32> to vector<16xi32>
    %gather3A_230 = tpu.dynamic_gather %max3A_223[%gather3A_229] in [0] : vector<16xf32>, vector<16xi32> -> vector<16xf32>
    %max3A_231 = arith.maximumf %max3A_223, %gather3A_230 : vector<16xf32>
    %ge3A_232 = arith.cmpf oge, %select_n3A_190, %max3A_231 : vector<16xf32>
    %select_n3A_233 = arith.select %ge3A_232, %broadcast_in_dim3A_11, %select_n3A_190 : vector<16xi1>, vector<16xf32>
    %ge3A_234 = arith.cmpf oge, %select_n3A_192, %max3A_231 : vector<16xf32>
    %select_n3A_235 = arith.select %ge3A_234, %broadcast_in_dim3A_11, %select_n3A_192 : vector<16xi1>, vector<16xf32>
    %ge3A_236 = arith.cmpf oge, %select_n3A_194, %max3A_231 : vector<16xf32>
    %select_n3A_237 = arith.select %ge3A_236, %broadcast_in_dim3A_11, %select_n3A_194 : vector<16xi1>, vector<16xf32>
    %ge3A_238 = arith.cmpf oge, %select_n3A_196, %max3A_231 : vector<16xf32>
    %select_n3A_239 = arith.select %ge3A_238, %broadcast_in_dim3A_11, %select_n3A_196 : vector<16xi1>, vector<16xf32>
    %max3A_240 = arith.maximumf %select_n3A_233, %select_n3A_235 : vector<16xf32>
    %max3A_241 = arith.maximumf %max3A_240, %select_n3A_237 : vector<16xf32>
    %max3A_242 = arith.maximumf %max3A_241, %select_n3A_239 : vector<16xf32>
    %iota3A_243 = tpu.iota {dimensions = array<i32: 0>} : vector<16xi32>
    %xor3A_244 = arith.constant 8 : i32
    %xor3A_245 = vector.broadcast %xor3A_244 : i32 to vector<16xi32>
    %xor3A_246 = arith.xori %iota3A_243, %xor3A_245 : vector<16xi32>
    %broadcast_in_dim3A_247 = vector.shape_cast %xor3A_246 : vector<16xi32> to vector<16x1xi32>
    %gather3A_248 = vector.shape_cast %broadcast_in_dim3A_247 : vector<16x1xi32> to vector<16xi32>
    %gather3A_249 = tpu.dynamic_gather %max3A_242[%gather3A_248] in [0] : vector<16xf32>, vector<16xi32> -> vector<16xf32>
    %max3A_250 = arith.maximumf %max3A_242, %gather3A_249 : vector<16xf32>
    %iota3A_251 = tpu.iota {dimensions = array<i32: 0>} : vector<16xi32>
    %xor3A_252 = arith.constant 4 : i32
    %xor3A_253 = vector.broadcast %xor3A_252 : i32 to vector<16xi32>
    %xor3A_254 = arith.xori %iota3A_251, %xor3A_253 : vector<16xi32>
    %broadcast_in_dim3A_255 = vector.shape_cast %xor3A_254 : vector<16xi32> to vector<16x1xi32>
    %gather3A_256 = vector.shape_cast %broadcast_in_dim3A_255 : vector<16x1xi32> to vector<16xi32>
    %gather3A_257 = tpu.dynamic_gather %max3A_250[%gather3A_256] in [0] : vector<16xf32>, vector<16xi32> -> vector<16xf32>
    %max3A_258 = arith.maximumf %max3A_250, %gather3A_257 : vector<16xf32>
    %iota3A_259 = tpu.iota {dimensions = array<i32: 0>} : vector<16xi32>
    %xor3A_260 = arith.constant 2 : i32
    %xor3A_261 = vector.broadcast %xor3A_260 : i32 to vector<16xi32>
    %xor3A_262 = arith.xori %iota3A_259, %xor3A_261 : vector<16xi32>
    %broadcast_in_dim3A_263 = vector.shape_cast %xor3A_262 : vector<16xi32> to vector<16x1xi32>
    %gather3A_264 = vector.shape_cast %broadcast_in_dim3A_263 : vector<16x1xi32> to vector<16xi32>
    %gather3A_265 = tpu.dynamic_gather %max3A_258[%gather3A_264] in [0] : vector<16xf32>, vector<16xi32> -> vector<16xf32>
    %max3A_266 = arith.maximumf %max3A_258, %gather3A_265 : vector<16xf32>
    %iota3A_267 = tpu.iota {dimensions = array<i32: 0>} : vector<16xi32>
    %xor3A_268 = arith.constant 1 : i32
    %xor3A_269 = vector.broadcast %xor3A_268 : i32 to vector<16xi32>
    %xor3A_270 = arith.xori %iota3A_267, %xor3A_269 : vector<16xi32>
    %broadcast_in_dim3A_271 = vector.shape_cast %xor3A_270 : vector<16xi32> to vector<16x1xi32>
    %gather3A_272 = vector.shape_cast %broadcast_in_dim3A_271 : vector<16x1xi32> to vector<16xi32>
    %gather3A_273 = tpu.dynamic_gather %max3A_266[%gather3A_272] in [0] : vector<16xf32>, vector<16xi32> -> vector<16xf32>
    %max3A_274 = arith.maximumf %max3A_266, %gather3A_273 : vector<16xf32>
    %ge3A_275 = arith.cmpf oge, %select_n3A_233, %max3A_274 : vector<16xf32>
    %select_n3A_276 = arith.select %ge3A_275, %broadcast_in_dim3A_11, %select_n3A_233 : vector<16xi1>, vector<16xf32>
    %ge3A_277 = arith.cmpf oge, %select_n3A_235, %max3A_274 : vector<16xf32>
    %select_n3A_278 = arith.select %ge3A_277, %broadcast_in_dim3A_11, %select_n3A_235 : vector<16xi1>, vector<16xf32>
    %ge3A_279 = arith.cmpf oge, %select_n3A_237, %max3A_274 : vector<16xf32>
    %select_n3A_280 = arith.select %ge3A_279, %broadcast_in_dim3A_11, %select_n3A_237 : vector<16xi1>, vector<16xf32>
    %ge3A_281 = arith.cmpf oge, %select_n3A_239, %max3A_274 : vector<16xf32>
    %select_n3A_282 = arith.select %ge3A_281, %broadcast_in_dim3A_11, %select_n3A_239 : vector<16xi1>, vector<16xf32>
    %max3A_283 = arith.maximumf %select_n3A_276, %select_n3A_278 : vector<16xf32>
    %max3A_284 = arith.maximumf %max3A_283, %select_n3A_280 : vector<16xf32>
    %max3A_285 = arith.maximumf %max3A_284, %select_n3A_282 : vector<16xf32>
    %iota3A_286 = tpu.iota {dimensions = array<i32: 0>} : vector<16xi32>
    %xor3A_287 = arith.constant 8 : i32
    %xor3A_288 = vector.broadcast %xor3A_287 : i32 to vector<16xi32>
    %xor3A_289 = arith.xori %iota3A_286, %xor3A_288 : vector<16xi32>
    %broadcast_in_dim3A_290 = vector.shape_cast %xor3A_289 : vector<16xi32> to vector<16x1xi32>
    %gather3A_291 = vector.shape_cast %broadcast_in_dim3A_290 : vector<16x1xi32> to vector<16xi32>
    %gather3A_292 = tpu.dynamic_gather %max3A_285[%gather3A_291] in [0] : vector<16xf32>, vector<16xi32> -> vector<16xf32>
    %max3A_293 = arith.maximumf %max3A_285, %gather3A_292 : vector<16xf32>
    %iota3A_294 = tpu.iota {dimensions = array<i32: 0>} : vector<16xi32>
    %xor3A_295 = arith.constant 4 : i32
    %xor3A_296 = vector.broadcast %xor3A_295 : i32 to vector<16xi32>
    %xor3A_297 = arith.xori %iota3A_294, %xor3A_296 : vector<16xi32>
    %broadcast_in_dim3A_298 = vector.shape_cast %xor3A_297 : vector<16xi32> to vector<16x1xi32>
    %gather3A_299 = vector.shape_cast %broadcast_in_dim3A_298 : vector<16x1xi32> to vector<16xi32>
    %gather3A_300 = tpu.dynamic_gather %max3A_293[%gather3A_299] in [0] : vector<16xf32>, vector<16xi32> -> vector<16xf32>
    %max3A_301 = arith.maximumf %max3A_293, %gather3A_300 : vector<16xf32>
    %iota3A_302 = tpu.iota {dimensions = array<i32: 0>} : vector<16xi32>
    %xor3A_303 = arith.constant 2 : i32
    %xor3A_304 = vector.broadcast %xor3A_303 : i32 to vector<16xi32>
    %xor3A_305 = arith.xori %iota3A_302, %xor3A_304 : vector<16xi32>
    %broadcast_in_dim3A_306 = vector.shape_cast %xor3A_305 : vector<16xi32> to vector<16x1xi32>
    %gather3A_307 = vector.shape_cast %broadcast_in_dim3A_306 : vector<16x1xi32> to vector<16xi32>
    %gather3A_308 = tpu.dynamic_gather %max3A_301[%gather3A_307] in [0] : vector<16xf32>, vector<16xi32> -> vector<16xf32>
    %max3A_309 = arith.maximumf %max3A_301, %gather3A_308 : vector<16xf32>
    %iota3A_310 = tpu.iota {dimensions = array<i32: 0>} : vector<16xi32>
    %xor3A_311 = arith.constant 1 : i32
    %xor3A_312 = vector.broadcast %xor3A_311 : i32 to vector<16xi32>
    %xor3A_313 = arith.xori %iota3A_310, %xor3A_312 : vector<16xi32>
    %broadcast_in_dim3A_314 = vector.shape_cast %xor3A_313 : vector<16xi32> to vector<16x1xi32>
    %gather3A_315 = vector.shape_cast %broadcast_in_dim3A_314 : vector<16x1xi32> to vector<16xi32>
    %gather3A_316 = tpu.dynamic_gather %max3A_309[%gather3A_315] in [0] : vector<16xf32>, vector<16xi32> -> vector<16xf32>
    %max3A_317 = arith.maximumf %max3A_309, %gather3A_316 : vector<16xf32>
    %ge3A_318 = arith.cmpf oge, %select_n3A_276, %max3A_317 : vector<16xf32>
    %select_n3A_319 = arith.select %ge3A_318, %broadcast_in_dim3A_11, %select_n3A_276 : vector<16xi1>, vector<16xf32>
    %ge3A_320 = arith.cmpf oge, %select_n3A_278, %max3A_317 : vector<16xf32>
    %select_n3A_321 = arith.select %ge3A_320, %broadcast_in_dim3A_11, %select_n3A_278 : vector<16xi1>, vector<16xf32>
    %ge3A_322 = arith.cmpf oge, %select_n3A_280, %max3A_317 : vector<16xf32>
    %select_n3A_323 = arith.select %ge3A_322, %broadcast_in_dim3A_11, %select_n3A_280 : vector<16xi1>, vector<16xf32>
    %ge3A_324 = arith.cmpf oge, %select_n3A_282, %max3A_317 : vector<16xf32>
    %select_n3A_325 = arith.select %ge3A_324, %broadcast_in_dim3A_11, %select_n3A_282 : vector<16xi1>, vector<16xf32>
    %max3A_326 = arith.maximumf %select_n3A_319, %select_n3A_321 : vector<16xf32>
    %max3A_327 = arith.maximumf %max3A_326, %select_n3A_323 : vector<16xf32>
    %max3A_328 = arith.maximumf %max3A_327, %select_n3A_325 : vector<16xf32>
    %iota3A_329 = tpu.iota {dimensions = array<i32: 0>} : vector<16xi32>
    %xor3A_330 = arith.constant 8 : i32
    %xor3A_331 = vector.broadcast %xor3A_330 : i32 to vector<16xi32>
    %xor3A_332 = arith.xori %iota3A_329, %xor3A_331 : vector<16xi32>
    %broadcast_in_dim3A_333 = vector.shape_cast %xor3A_332 : vector<16xi32> to vector<16x1xi32>
    %gather3A_334 = vector.shape_cast %broadcast_in_dim3A_333 : vector<16x1xi32> to vector<16xi32>
    %gather3A_335 = tpu.dynamic_gather %max3A_328[%gather3A_334] in [0] : vector<16xf32>, vector<16xi32> -> vector<16xf32>
    %max3A_336 = arith.maximumf %max3A_328, %gather3A_335 : vector<16xf32>
    %iota3A_337 = tpu.iota {dimensions = array<i32: 0>} : vector<16xi32>
    %xor3A_338 = arith.constant 4 : i32
    %xor3A_339 = vector.broadcast %xor3A_338 : i32 to vector<16xi32>
    %xor3A_340 = arith.xori %iota3A_337, %xor3A_339 : vector<16xi32>
    %broadcast_in_dim3A_341 = vector.shape_cast %xor3A_340 : vector<16xi32> to vector<16x1xi32>
    %gather3A_342 = vector.shape_cast %broadcast_in_dim3A_341 : vector<16x1xi32> to vector<16xi32>
    %gather3A_343 = tpu.dynamic_gather %max3A_336[%gather3A_342] in [0] : vector<16xf32>, vector<16xi32> -> vector<16xf32>
    %max3A_344 = arith.maximumf %max3A_336, %gather3A_343 : vector<16xf32>
    %iota3A_345 = tpu.iota {dimensions = array<i32: 0>} : vector<16xi32>
    %xor3A_346 = arith.constant 2 : i32
    %xor3A_347 = vector.broadcast %xor3A_346 : i32 to vector<16xi32>
    %xor3A_348 = arith.xori %iota3A_345, %xor3A_347 : vector<16xi32>
    %broadcast_in_dim3A_349 = vector.shape_cast %xor3A_348 : vector<16xi32> to vector<16x1xi32>
    %gather3A_350 = vector.shape_cast %broadcast_in_dim3A_349 : vector<16x1xi32> to vector<16xi32>
    %gather3A_351 = tpu.dynamic_gather %max3A_344[%gather3A_350] in [0] : vector<16xf32>, vector<16xi32> -> vector<16xf32>
    %max3A_352 = arith.maximumf %max3A_344, %gather3A_351 : vector<16xf32>
    %iota3A_353 = tpu.iota {dimensions = array<i32: 0>} : vector<16xi32>
    %xor3A_354 = arith.constant 1 : i32
    %xor3A_355 = vector.broadcast %xor3A_354 : i32 to vector<16xi32>
    %xor3A_356 = arith.xori %iota3A_353, %xor3A_355 : vector<16xi32>
    %broadcast_in_dim3A_357 = vector.shape_cast %xor3A_356 : vector<16xi32> to vector<16x1xi32>
    %gather3A_358 = vector.shape_cast %broadcast_in_dim3A_357 : vector<16x1xi32> to vector<16xi32>
    %gather3A_359 = tpu.dynamic_gather %max3A_352[%gather3A_358] in [0] : vector<16xf32>, vector<16xi32> -> vector<16xf32>
    %max3A_360 = arith.maximumf %max3A_352, %gather3A_359 : vector<16xf32>
    %ge3A_361 = arith.cmpf oge, %select_n3A_319, %max3A_360 : vector<16xf32>
    %select_n3A_362 = arith.select %ge3A_361, %broadcast_in_dim3A_11, %select_n3A_319 : vector<16xi1>, vector<16xf32>
    %ge3A_363 = arith.cmpf oge, %select_n3A_321, %max3A_360 : vector<16xf32>
    %select_n3A_364 = arith.select %ge3A_363, %broadcast_in_dim3A_11, %select_n3A_321 : vector<16xi1>, vector<16xf32>
    %ge3A_365 = arith.cmpf oge, %select_n3A_323, %max3A_360 : vector<16xf32>
    %select_n3A_366 = arith.select %ge3A_365, %broadcast_in_dim3A_11, %select_n3A_323 : vector<16xi1>, vector<16xf32>
    %ge3A_367 = arith.cmpf oge, %select_n3A_325, %max3A_360 : vector<16xf32>
    %select_n3A_368 = arith.select %ge3A_367, %broadcast_in_dim3A_11, %select_n3A_325 : vector<16xi1>, vector<16xf32>
    %ge3A_369 = arith.cmpf oge, %get3A_15, %max3A_360 : vector<16xf32>
    %sub3A = arith.subf %get3A_15, %max3A_61 : vector<16xf32>
    %exp3A = math.exp %sub3A : vector<16xf32>
    %jit3A = arith.constant 0.000000e+00 : f32
    %broadcast_in_dim3A_370 = vector.broadcast %jit3A : f32 to vector<16xf32>
    %select_n3A_371 = arith.select %ge3A_369, %exp3A, %broadcast_in_dim3A_370 : vector<16xi1>, vector<16xf32>
    %ge3A_372 = arith.cmpf oge, %get3A_20, %max3A_360 : vector<16xf32>
    %sub3A_373 = arith.subf %get3A_20, %max3A_61 : vector<16xf32>
    %exp3A_374 = math.exp %sub3A_373 : vector<16xf32>
    %jit3A_375 = arith.constant 0.000000e+00 : f32
    %broadcast_in_dim3A_376 = vector.broadcast %jit3A_375 : f32 to vector<16xf32>
    %select_n3A_377 = arith.select %ge3A_372, %exp3A_374, %broadcast_in_dim3A_376 : vector<16xi1>, vector<16xf32>
    %ge3A_378 = arith.cmpf oge, %get3A_25, %max3A_360 : vector<16xf32>
    %sub3A_379 = arith.subf %get3A_25, %max3A_61 : vector<16xf32>
    %exp3A_380 = math.exp %sub3A_379 : vector<16xf32>
    %jit3A_381 = arith.constant 0.000000e+00 : f32
    %broadcast_in_dim3A_382 = vector.broadcast %jit3A_381 : f32 to vector<16xf32>
    %select_n3A_383 = arith.select %ge3A_378, %exp3A_380, %broadcast_in_dim3A_382 : vector<16xi1>, vector<16xf32>
    %ge3A_384 = arith.cmpf oge, %get3A_30, %max3A_360 : vector<16xf32>
    %sub3A_385 = arith.subf %get3A_30, %max3A_61 : vector<16xf32>
    %exp3A_386 = math.exp %sub3A_385 : vector<16xf32>
    %jit3A_387 = arith.constant 0.000000e+00 : f32
    %broadcast_in_dim3A_388 = vector.broadcast %jit3A_387 : f32 to vector<16xf32>
    %select_n3A_389 = arith.select %ge3A_384, %exp3A_386, %broadcast_in_dim3A_388 : vector<16xi1>, vector<16xf32>
    %add3A_390 = arith.addf %select_n3A_371, %select_n3A_377 : vector<16xf32>
    %add3A_391 = arith.addf %add3A_390, %select_n3A_383 : vector<16xf32>
    %add3A_392 = arith.addf %add3A_391, %select_n3A_389 : vector<16xf32>
    %iota3A_393 = tpu.iota {dimensions = array<i32: 0>} : vector<16xi32>
    %xor3A_394 = arith.constant 8 : i32
    %xor3A_395 = vector.broadcast %xor3A_394 : i32 to vector<16xi32>
    %xor3A_396 = arith.xori %iota3A_393, %xor3A_395 : vector<16xi32>
    %broadcast_in_dim3A_397 = vector.shape_cast %xor3A_396 : vector<16xi32> to vector<16x1xi32>
    %gather3A_398 = vector.shape_cast %broadcast_in_dim3A_397 : vector<16x1xi32> to vector<16xi32>
    %gather3A_399 = tpu.dynamic_gather %add3A_392[%gather3A_398] in [0] : vector<16xf32>, vector<16xi32> -> vector<16xf32>
    %add3A_400 = arith.addf %add3A_392, %gather3A_399 : vector<16xf32>
    %iota3A_401 = tpu.iota {dimensions = array<i32: 0>} : vector<16xi32>
    %xor3A_402 = arith.constant 4 : i32
    %xor3A_403 = vector.broadcast %xor3A_402 : i32 to vector<16xi32>
    %xor3A_404 = arith.xori %iota3A_401, %xor3A_403 : vector<16xi32>
    %broadcast_in_dim3A_405 = vector.shape_cast %xor3A_404 : vector<16xi32> to vector<16x1xi32>
    %gather3A_406 = vector.shape_cast %broadcast_in_dim3A_405 : vector<16x1xi32> to vector<16xi32>
    %gather3A_407 = tpu.dynamic_gather %add3A_400[%gather3A_406] in [0] : vector<16xf32>, vector<16xi32> -> vector<16xf32>
    %add3A_408 = arith.addf %add3A_400, %gather3A_407 : vector<16xf32>
    %iota3A_409 = tpu.iota {dimensions = array<i32: 0>} : vector<16xi32>
    %xor3A_410 = arith.constant 2 : i32
    %xor3A_411 = vector.broadcast %xor3A_410 : i32 to vector<16xi32>
    %xor3A_412 = arith.xori %iota3A_409, %xor3A_411 : vector<16xi32>
    %broadcast_in_dim3A_413 = vector.shape_cast %xor3A_412 : vector<16xi32> to vector<16x1xi32>
    %gather3A_414 = vector.shape_cast %broadcast_in_dim3A_413 : vector<16x1xi32> to vector<16xi32>
    %gather3A_415 = tpu.dynamic_gather %add3A_408[%gather3A_414] in [0] : vector<16xf32>, vector<16xi32> -> vector<16xf32>
    %add3A_416 = arith.addf %add3A_408, %gather3A_415 : vector<16xf32>
    %iota3A_417 = tpu.iota {dimensions = array<i32: 0>} : vector<16xi32>
    %xor3A_418 = arith.constant 1 : i32
    %xor3A_419 = vector.broadcast %xor3A_418 : i32 to vector<16xi32>
    %xor3A_420 = arith.xori %iota3A_417, %xor3A_419 : vector<16xi32>
    %broadcast_in_dim3A_421 = vector.shape_cast %xor3A_420 : vector<16xi32> to vector<16x1xi32>
    %gather3A_422 = vector.shape_cast %broadcast_in_dim3A_421 : vector<16x1xi32> to vector<16xi32>
    %gather3A_423 = tpu.dynamic_gather %add3A_416[%gather3A_422] in [0] : vector<16xf32>, vector<16xi32> -> vector<16xf32>
    %add3A_424 = arith.addf %add3A_416, %gather3A_423 : vector<16xf32>
    %div3A = arith.divf %select_n3A_371, %add3A_424 : vector<16xf32>
    %swap3A = arith.constant 0 : i32
    %swap3A_425 = arith.index_cast %swap3A : i32 to index
    %swap3A_426 = arith.constant 0 : index
    %swap3A_427 = tpu.vector_load %arg6[%swap3A_425, %swap3A_426] {strides = array<i32>} : memref<4x64xf32, #tpu.memory_space<vmem>>, vector<1x16xf32>,
    %swap3A_428 = vector.shape_cast %swap3A_427 : vector<1x16xf32> to vector<16xf32>
    %swap3A_429 = vector.shape_cast %div3A : vector<16xf32> to vector<1x16xf32>
    tpu.vector_store %arg6[%swap3A_425, %swap3A_426], %swap3A_429 {strides = array<i32>} : memref<4x64xf32, #tpu.memory_space<vmem>>, vector<1x16xf32>,
    %add3A_430 = arith.addf %broadcast_in_dim3A_3, %div3A : vector<16xf32>
    %div3A_431 = arith.divf %select_n3A_377, %add3A_424 : vector<16xf32>
    %swap3A_432 = arith.constant 0 : i32
    %swap3A_433 = arith.index_cast %swap3A_432 : i32 to index
    %swap3A_434 = arith.constant 16 : index
    %swap3A_435 = tpu.vector_load %arg6[%swap3A_433, %swap3A_434] {strides = array<i32>} : memref<4x64xf32, #tpu.memory_space<vmem>>, vector<1x16xf32>,
    %swap3A_436 = vector.shape_cast %swap3A_435 : vector<1x16xf32> to vector<16xf32>
    %swap3A_437 = vector.shape_cast %div3A_431 : vector<16xf32> to vector<1x16xf32>
    tpu.vector_store %arg6[%swap3A_433, %swap3A_434], %swap3A_437 {strides = array<i32>} : memref<4x64xf32, #tpu.memory_space<vmem>>, vector<1x16xf32>,
    %add3A_438 = arith.addf %broadcast_in_dim3A_5, %div3A_431 : vector<16xf32>
    %div3A_439 = arith.divf %select_n3A_383, %add3A_424 : vector<16xf32>
    %swap3A_440 = arith.constant 0 : i32
    %swap3A_441 = arith.index_cast %swap3A_440 : i32 to index
    %swap3A_442 = arith.constant 32 : index
    %swap3A_443 = tpu.vector_load %arg6[%swap3A_441, %swap3A_442] {strides = array<i32>} : memref<4x64xf32, #tpu.memory_space<vmem>>, vector<1x16xf32>,
    %swap3A_444 = vector.shape_cast %swap3A_443 : vector<1x16xf32> to vector<16xf32>
    %swap3A_445 = vector.shape_cast %div3A_439 : vector<16xf32> to vector<1x16xf32>
    tpu.vector_store %arg6[%swap3A_441, %swap3A_442], %swap3A_445 {strides = array<i32>} : memref<4x64xf32, #tpu.memory_space<vmem>>, vector<1x16xf32>,
    %add3A_446 = arith.addf %broadcast_in_dim3A_7, %div3A_439 : vector<16xf32>
    %div3A_447 = arith.divf %select_n3A_389, %add3A_424 : vector<16xf32>
    %swap3A_448 = arith.constant 0 : i32
    %swap3A_449 = arith.index_cast %swap3A_448 : i32 to index
    %swap3A_450 = arith.constant 48 : index
    %swap3A_451 = tpu.vector_load %arg6[%swap3A_449, %swap3A_450] {strides = array<i32>} : memref<4x64xf32, #tpu.memory_space<vmem>>, vector<1x16xf32>,
    %swap3A_452 = vector.shape_cast %swap3A_451 : vector<1x16xf32> to vector<16xf32>
    %swap3A_453 = vector.shape_cast %div3A_447 : vector<16xf32> to vector<1x16xf32>
    tpu.vector_store %arg6[%swap3A_449, %swap3A_450], %swap3A_453 {strides = array<i32>} : memref<4x64xf32, #tpu.memory_space<vmem>>, vector<1x16xf32>,
    %add3A_454 = arith.addf %broadcast_in_dim3A_9, %div3A_447 : vector<16xf32>
    %get3A_455 = arith.constant 1 : i32
    %get3A_456 = arith.index_cast %get3A_455 : i32 to index
    %get3A_457 = arith.constant 0 : index
    %get3A_458 = tpu.vector_load %arg5[%get3A_456, %get3A_457] {strides = array<i32>} : memref<4x64xf32, #tpu.memory_space<vmem>>, vector<1x16xf32>,
    %get3A_459 = vector.shape_cast %get3A_458 : vector<1x16xf32> to vector<16xf32>
    %get3A_460 = arith.constant 1 : i32
    %get3A_461 = arith.index_cast %get3A_460 : i32 to index
    %get3A_462 = arith.constant 16 : index
    %get3A_463 = tpu.vector_load %arg5[%get3A_461, %get3A_462] {strides = array<i32>} : memref<4x64xf32, #tpu.memory_space<vmem>>, vector<1x16xf32>,
    %get3A_464 = vector.shape_cast %get3A_463 : vector<1x16xf32> to vector<16xf32>
    %get3A_465 = arith.constant 1 : i32
    %get3A_466 = arith.index_cast %get3A_465 : i32 to index
    %get3A_467 = arith.constant 32 : index
    %get3A_468 = tpu.vector_load %arg5[%get3A_466, %get3A_467] {strides = array<i32>} : memref<4x64xf32, #tpu.memory_space<vmem>>, vector<1x16xf32>,
    %get3A_469 = vector.shape_cast %get3A_468 : vector<1x16xf32> to vector<16xf32>
    %get3A_470 = arith.constant 1 : i32
    %get3A_471 = arith.index_cast %get3A_470 : i32 to index
    %get3A_472 = arith.constant 48 : index
    %get3A_473 = tpu.vector_load %arg5[%get3A_471, %get3A_472] {strides = array<i32>} : memref<4x64xf32, #tpu.memory_space<vmem>>, vector<1x16xf32>,
    %get3A_474 = vector.shape_cast %get3A_473 : vector<1x16xf32> to vector<16xf32>
    %max3A_475 = arith.maximumf %get3A_459, %get3A_464 : vector<16xf32>
    %max3A_476 = arith.maximumf %max3A_475, %get3A_469 : vector<16xf32>
    %max3A_477 = arith.maximumf %max3A_476, %get3A_474 : vector<16xf32>
    %iota3A_478 = tpu.iota {dimensions = array<i32: 0>} : vector<16xi32>
    %xor3A_479 = arith.constant 8 : i32
    %xor3A_480 = vector.broadcast %xor3A_479 : i32 to vector<16xi32>
    %xor3A_481 = arith.xori %iota3A_478, %xor3A_480 : vector<16xi32>
    %broadcast_in_dim3A_482 = vector.shape_cast %xor3A_481 : vector<16xi32> to vector<16x1xi32>
    %gather3A_483 = vector.shape_cast %broadcast_in_dim3A_482 : vector<16x1xi32> to vector<16xi32>
    %gather3A_484 = tpu.dynamic_gather %max3A_477[%gather3A_483] in [0] : vector<16xf32>, vector<16xi32> -> vector<16xf32>
    %max3A_485 = arith.maximumf %max3A_477, %gather3A_484 : vector<16xf32>
    %iota3A_486 = tpu.iota {dimensions = array<i32: 0>} : vector<16xi32>
    %xor3A_487 = arith.constant 4 : i32
    %xor3A_488 = vector.broadcast %xor3A_487 : i32 to vector<16xi32>
    %xor3A_489 = arith.xori %iota3A_486, %xor3A_488 : vector<16xi32>
    %broadcast_in_dim3A_490 = vector.shape_cast %xor3A_489 : vector<16xi32> to vector<16x1xi32>
    %gather3A_491 = vector.shape_cast %broadcast_in_dim3A_490 : vector<16x1xi32> to vector<16xi32>
    %gather3A_492 = tpu.dynamic_gather %max3A_485[%gather3A_491] in [0] : vector<16xf32>, vector<16xi32> -> vector<16xf32>
    %max3A_493 = arith.maximumf %max3A_485, %gather3A_492 : vector<16xf32>
    %iota3A_494 = tpu.iota {dimensions = array<i32: 0>} : vector<16xi32>
    %xor3A_495 = arith.constant 2 : i32
    %xor3A_496 = vector.broadcast %xor3A_495 : i32 to vector<16xi32>
    %xor3A_497 = arith.xori %iota3A_494, %xor3A_496 : vector<16xi32>
    %broadcast_in_dim3A_498 = vector.shape_cast %xor3A_497 : vector<16xi32> to vector<16x1xi32>
    %gather3A_499 = vector.shape_cast %broadcast_in_dim3A_498 : vector<16x1xi32> to vector<16xi32>
    %gather3A_500 = tpu.dynamic_gather %max3A_493[%gather3A_499] in [0] : vector<16xf32>, vector<16xi32> -> vector<16xf32>
    %max3A_501 = arith.maximumf %max3A_493, %gather3A_500 : vector<16xf32>
    %iota3A_502 = tpu.iota {dimensions = array<i32: 0>} : vector<16xi32>
    %xor3A_503 = arith.constant 1 : i32
    %xor3A_504 = vector.broadcast %xor3A_503 : i32 to vector<16xi32>
    %xor3A_505 = arith.xori %iota3A_502, %xor3A_504 : vector<16xi32>
    %broadcast_in_dim3A_506 = vector.shape_cast %xor3A_505 : vector<16xi32> to vector<16x1xi32>
    %gather3A_507 = vector.shape_cast %broadcast_in_dim3A_506 : vector<16x1xi32> to vector<16xi32>
    %gather3A_508 = tpu.dynamic_gather %max3A_501[%gather3A_507] in [0] : vector<16xf32>, vector<16xi32> -> vector<16xf32>
    %max3A_509 = arith.maximumf %max3A_501, %gather3A_508 : vector<16xf32>
    %ge3A_510 = arith.cmpf oge, %get3A_459, %max3A_509 : vector<16xf32>
    %select_n3A_511 = arith.select %ge3A_510, %broadcast_in_dim3A_11, %get3A_459 : vector<16xi1>, vector<16xf32>
    %ge3A_512 = arith.cmpf oge, %get3A_464, %max3A_509 : vector<16xf32>
    %select_n3A_513 = arith.select %ge3A_512, %broadcast_in_dim3A_11, %get3A_464 : vector<16xi1>, vector<16xf32>
    %ge3A_514 = arith.cmpf oge, %get3A_469, %max3A_509 : vector<16xf32>
    %select_n3A_515 = arith.select %ge3A_514, %broadcast_in_dim3A_11, %get3A_469 : vector<16xi1>, vector<16xf32>
    %ge3A_516 = arith.cmpf oge, %get3A_474, %max3A_509 : vector<16xf32>
    %select_n3A_517 = arith.select %ge3A_516, %broadcast_in_dim3A_11, %get3A_474 : vector<16xi1>, vector<16xf32>
    %max3A_518 = arith.maximumf %select_n3A_511, %select_n3A_513 : vector<16xf32>
    %max3A_519 = arith.maximumf %max3A_518, %select_n3A_515 : vector<16xf32>
    %max3A_520 = arith.maximumf %max3A_519, %select_n3A_517 : vector<16xf32>
    %iota3A_521 = tpu.iota {dimensions = array<i32: 0>} : vector<16xi32>
    %xor3A_522 = arith.constant 8 : i32
    %xor3A_523 = vector.broadcast %xor3A_522 : i32 to vector<16xi32>
    %xor3A_524 = arith.xori %iota3A_521, %xor3A_523 : vector<16xi32>
    %broadcast_in_dim3A_525 = vector.shape_cast %xor3A_524 : vector<16xi32> to vector<16x1xi32>
    %gather3A_526 = vector.shape_cast %broadcast_in_dim3A_525 : vector<16x1xi32> to vector<16xi32>
    %gather3A_527 = tpu.dynamic_gather %max3A_520[%gather3A_526] in [0] : vector<16xf32>, vector<16xi32> -> vector<16xf32>
    %max3A_528 = arith.maximumf %max3A_520, %gather3A_527 : vector<16xf32>
    %iota3A_529 = tpu.iota {dimensions = array<i32: 0>} : vector<16xi32>
    %xor3A_530 = arith.constant 4 : i32
    %xor3A_531 = vector.broadcast %xor3A_530 : i32 to vector<16xi32>
    %xor3A_532 = arith.xori %iota3A_529, %xor3A_531 : vector<16xi32>
    %broadcast_in_dim3A_533 = vector.shape_cast %xor3A_532 : vector<16xi32> to vector<16x1xi32>
    %gather3A_534 = vector.shape_cast %broadcast_in_dim3A_533 : vector<16x1xi32> to vector<16xi32>
    %gather3A_535 = tpu.dynamic_gather %max3A_528[%gather3A_534] in [0] : vector<16xf32>, vector<16xi32> -> vector<16xf32>
    %max3A_536 = arith.maximumf %max3A_528, %gather3A_535 : vector<16xf32>
    %iota3A_537 = tpu.iota {dimensions = array<i32: 0>} : vector<16xi32>
    %xor3A_538 = arith.constant 2 : i32
    %xor3A_539 = vector.broadcast %xor3A_538 : i32 to vector<16xi32>
    %xor3A_540 = arith.xori %iota3A_537, %xor3A_539 : vector<16xi32>
    %broadcast_in_dim3A_541 = vector.shape_cast %xor3A_540 : vector<16xi32> to vector<16x1xi32>
    %gather3A_542 = vector.shape_cast %broadcast_in_dim3A_541 : vector<16x1xi32> to vector<16xi32>
    %gather3A_543 = tpu.dynamic_gather %max3A_536[%gather3A_542] in [0] : vector<16xf32>, vector<16xi32> -> vector<16xf32>
    %max3A_544 = arith.maximumf %max3A_536, %gather3A_543 : vector<16xf32>
    %iota3A_545 = tpu.iota {dimensions = array<i32: 0>} : vector<16xi32>
    %xor3A_546 = arith.constant 1 : i32
    %xor3A_547 = vector.broadcast %xor3A_546 : i32 to vector<16xi32>
    %xor3A_548 = arith.xori %iota3A_545, %xor3A_547 : vector<16xi32>
    %broadcast_in_dim3A_549 = vector.shape_cast %xor3A_548 : vector<16xi32> to vector<16x1xi32>
    %gather3A_550 = vector.shape_cast %broadcast_in_dim3A_549 : vector<16x1xi32> to vector<16xi32>
    %gather3A_551 = tpu.dynamic_gather %max3A_544[%gather3A_550] in [0] : vector<16xf32>, vector<16xi32> -> vector<16xf32>
    %max3A_552 = arith.maximumf %max3A_544, %gather3A_551 : vector<16xf32>
    %ge3A_553 = arith.cmpf oge, %select_n3A_511, %max3A_552 : vector<16xf32>
    %select_n3A_554 = arith.select %ge3A_553, %broadcast_in_dim3A_11, %select_n3A_511 : vector<16xi1>, vector<16xf32>
    %ge3A_555 = arith.cmpf oge, %select_n3A_513, %max3A_552 : vector<16xf32>
    %select_n3A_556 = arith.select %ge3A_555, %broadcast_in_dim3A_11, %select_n3A_513 : vector<16xi1>, vector<16xf32>
    %ge3A_557 = arith.cmpf oge, %select_n3A_515, %max3A_552 : vector<16xf32>
    %select_n3A_558 = arith.select %ge3A_557, %broadcast_in_dim3A_11, %select_n3A_515 : vector<16xi1>, vector<16xf32>
    %ge3A_559 = arith.cmpf oge, %select_n3A_517, %max3A_552 : vector<16xf32>
    %select_n3A_560 = arith.select %ge3A_559, %broadcast_in_dim3A_11, %select_n3A_517 : vector<16xi1>, vector<16xf32>
    %max3A_561 = arith.maximumf %select_n3A_554, %select_n3A_556 : vector<16xf32>
    %max3A_562 = arith.maximumf %max3A_561, %select_n3A_558 : vector<16xf32>
    %max3A_563 = arith.maximumf %max3A_562, %select_n3A_560 : vector<16xf32>
    %iota3A_564 = tpu.iota {dimensions = array<i32: 0>} : vector<16xi32>
    %xor3A_565 = arith.constant 8 : i32
    %xor3A_566 = vector.broadcast %xor3A_565 : i32 to vector<16xi32>
    %xor3A_567 = arith.xori %iota3A_564, %xor3A_566 : vector<16xi32>
    %broadcast_in_dim3A_568 = vector.shape_cast %xor3A_567 : vector<16xi32> to vector<16x1xi32>
    %gather3A_569 = vector.shape_cast %broadcast_in_dim3A_568 : vector<16x1xi32> to vector<16xi32>
    %gather3A_570 = tpu.dynamic_gather %max3A_563[%gather3A_569] in [0] : vector<16xf32>, vector<16xi32> -> vector<16xf32>
    %max3A_571 = arith.maximumf %max3A_563, %gather3A_570 : vector<16xf32>
    %iota3A_572 = tpu.iota {dimensions = array<i32: 0>} : vector<16xi32>
    %xor3A_573 = arith.constant 4 : i32
    %xor3A_574 = vector.broadcast %xor3A_573 : i32 to vector<16xi32>
    %xor3A_575 = arith.xori %iota3A_572, %xor3A_574 : vector<16xi32>
    %broadcast_in_dim3A_576 = vector.shape_cast %xor3A_575 : vector<16xi32> to vector<16x1xi32>
    %gather3A_577 = vector.shape_cast %broadcast_in_dim3A_576 : vector<16x1xi32> to vector<16xi32>
    %gather3A_578 = tpu.dynamic_gather %max3A_571[%gather3A_577] in [0] : vector<16xf32>, vector<16xi32> -> vector<16xf32>
    %max3A_579 = arith.maximumf %max3A_571, %gather3A_578 : vector<16xf32>
    %iota3A_580 = tpu.iota {dimensions = array<i32: 0>} : vector<16xi32>
    %xor3A_581 = arith.constant 2 : i32
    %xor3A_582 = vector.broadcast %xor3A_581 : i32 to vector<16xi32>
    %xor3A_583 = arith.xori %iota3A_580, %xor3A_582 : vector<16xi32>
    %broadcast_in_dim3A_584 = vector.shape_cast %xor3A_583 : vector<16xi32> to vector<16x1xi32>
    %gather3A_585 = vector.shape_cast %broadcast_in_dim3A_584 : vector<16x1xi32> to vector<16xi32>
    %gather3A_586 = tpu.dynamic_gather %max3A_579[%gather3A_585] in [0] : vector<16xf32>, vector<16xi32> -> vector<16xf32>
    %max3A_587 = arith.maximumf %max3A_579, %gather3A_586 : vector<16xf32>
    %iota3A_588 = tpu.iota {dimensions = array<i32: 0>} : vector<16xi32>
    %xor3A_589 = arith.constant 1 : i32
    %xor3A_590 = vector.broadcast %xor3A_589 : i32 to vector<16xi32>
    %xor3A_591 = arith.xori %iota3A_588, %xor3A_590 : vector<16xi32>
    %broadcast_in_dim3A_592 = vector.shape_cast %xor3A_591 : vector<16xi32> to vector<16x1xi32>
    %gather3A_593 = vector.shape_cast %broadcast_in_dim3A_592 : vector<16x1xi32> to vector<16xi32>
    %gather3A_594 = tpu.dynamic_gather %max3A_587[%gather3A_593] in [0] : vector<16xf32>, vector<16xi32> -> vector<16xf32>
    %max3A_595 = arith.maximumf %max3A_587, %gather3A_594 : vector<16xf32>
    %ge3A_596 = arith.cmpf oge, %select_n3A_554, %max3A_595 : vector<16xf32>
    %select_n3A_597 = arith.select %ge3A_596, %broadcast_in_dim3A_11, %select_n3A_554 : vector<16xi1>, vector<16xf32>
    %ge3A_598 = arith.cmpf oge, %select_n3A_556, %max3A_595 : vector<16xf32>
    %select_n3A_599 = arith.select %ge3A_598, %broadcast_in_dim3A_11, %select_n3A_556 : vector<16xi1>, vector<16xf32>
    %ge3A_600 = arith.cmpf oge, %select_n3A_558, %max3A_595 : vector<16xf32>
    %select_n3A_601 = arith.select %ge3A_600, %broadcast_in_dim3A_11, %select_n3A_558 : vector<16xi1>, vector<16xf32>
    %ge3A_602 = arith.cmpf oge, %select_n3A_560, %max3A_595 : vector<16xf32>
    %select_n3A_603 = arith.select %ge3A_602, %broadcast_in_dim3A_11, %select_n3A_560 : vector<16xi1>, vector<16xf32>
    %max3A_604 = arith.maximumf %select_n3A_597, %select_n3A_599 : vector<16xf32>
    %max3A_605 = arith.maximumf %max3A_604, %select_n3A_601 : vector<16xf32>
    %max3A_606 = arith.maximumf %max3A_605, %select_n3A_603 : vector<16xf32>
    %iota3A_607 = tpu.iota {dimensions = array<i32: 0>} : vector<16xi32>
    %xor3A_608 = arith.constant 8 : i32
    %xor3A_609 = vector.broadcast %xor3A_608 : i32 to vector<16xi32>
    %xor3A_610 = arith.xori %iota3A_607, %xor3A_609 : vector<16xi32>
    %broadcast_in_dim3A_611 = vector.shape_cast %xor3A_610 : vector<16xi32> to vector<16x1xi32>
    %gather3A_612 = vector.shape_cast %broadcast_in_dim3A_611 : vector<16x1xi32> to vector<16xi32>
    %gather3A_613 = tpu.dynamic_gather %max3A_606[%gather3A_612] in [0] : vector<16xf32>, vector<16xi32> -> vector<16xf32>
    %max3A_614 = arith.maximumf %max3A_606, %gather3A_613 : vector<16xf32>
    %iota3A_615 = tpu.iota {dimensions = array<i32: 0>} : vector<16xi32>
    %xor3A_616 = arith.constant 4 : i32
    %xor3A_617 = vector.broadcast %xor3A_616 : i32 to vector<16xi32>
    %xor3A_618 = arith.xori %iota3A_615, %xor3A_617 : vector<16xi32>
    %broadcast_in_dim3A_619 = vector.shape_cast %xor3A_618 : vector<16xi32> to vector<16x1xi32>
    %gather3A_620 = vector.shape_cast %broadcast_in_dim3A_619 : vector<16x1xi32> to vector<16xi32>
    %gather3A_621 = tpu.dynamic_gather %max3A_614[%gather3A_620] in [0] : vector<16xf32>, vector<16xi32> -> vector<16xf32>
    %max3A_622 = arith.maximumf %max3A_614, %gather3A_621 : vector<16xf32>
    %iota3A_623 = tpu.iota {dimensions = array<i32: 0>} : vector<16xi32>
    %xor3A_624 = arith.constant 2 : i32
    %xor3A_625 = vector.broadcast %xor3A_624 : i32 to vector<16xi32>
    %xor3A_626 = arith.xori %iota3A_623, %xor3A_625 : vector<16xi32>
    %broadcast_in_dim3A_627 = vector.shape_cast %xor3A_626 : vector<16xi32> to vector<16x1xi32>
    %gather3A_628 = vector.shape_cast %broadcast_in_dim3A_627 : vector<16x1xi32> to vector<16xi32>
    %gather3A_629 = tpu.dynamic_gather %max3A_622[%gather3A_628] in [0] : vector<16xf32>, vector<16xi32> -> vector<16xf32>
    %max3A_630 = arith.maximumf %max3A_622, %gather3A_629 : vector<16xf32>
    %iota3A_631 = tpu.iota {dimensions = array<i32: 0>} : vector<16xi32>
    %xor3A_632 = arith.constant 1 : i32
    %xor3A_633 = vector.broadcast %xor3A_632 : i32 to vector<16xi32>
    %xor3A_634 = arith.xori %iota3A_631, %xor3A_633 : vector<16xi32>
    %broadcast_in_dim3A_635 = vector.shape_cast %xor3A_634 : vector<16xi32> to vector<16x1xi32>
    %gather3A_636 = vector.shape_cast %broadcast_in_dim3A_635 : vector<16x1xi32> to vector<16xi32>
    %gather3A_637 = tpu.dynamic_gather %max3A_630[%gather3A_636] in [0] : vector<16xf32>, vector<16xi32> -> vector<16xf32>
    %max3A_638 = arith.maximumf %max3A_630, %gather3A_637 : vector<16xf32>
    %ge3A_639 = arith.cmpf oge, %select_n3A_597, %max3A_638 : vector<16xf32>
    %select_n3A_640 = arith.select %ge3A_639, %broadcast_in_dim3A_11, %select_n3A_597 : vector<16xi1>, vector<16xf32>
    %ge3A_641 = arith.cmpf oge, %select_n3A_599, %max3A_638 : vector<16xf32>
    %select_n3A_642 = arith.select %ge3A_641, %broadcast_in_dim3A_11, %select_n3A_599 : vector<16xi1>, vector<16xf32>
    %ge3A_643 = arith.cmpf oge, %select_n3A_601, %max3A_638 : vector<16xf32>
    %select_n3A_644 = arith.select %ge3A_643, %broadcast_in_dim3A_11, %select_n3A_601 : vector<16xi1>, vector<16xf32>
    %ge3A_645 = arith.cmpf oge, %select_n3A_603, %max3A_638 : vector<16xf32>
    %select_n3A_646 = arith.select %ge3A_645, %broadcast_in_dim3A_11, %select_n3A_603 : vector<16xi1>, vector<16xf32>
    %max3A_647 = arith.maximumf %select_n3A_640, %select_n3A_642 : vector<16xf32>
    %max3A_648 = arith.maximumf %max3A_647, %select_n3A_644 : vector<16xf32>
    %max3A_649 = arith.maximumf %max3A_648, %select_n3A_646 : vector<16xf32>
    %iota3A_650 = tpu.iota {dimensions = array<i32: 0>} : vector<16xi32>
    %xor3A_651 = arith.constant 8 : i32
    %xor3A_652 = vector.broadcast %xor3A_651 : i32 to vector<16xi32>
    %xor3A_653 = arith.xori %iota3A_650, %xor3A_652 : vector<16xi32>
    %broadcast_in_dim3A_654 = vector.shape_cast %xor3A_653 : vector<16xi32> to vector<16x1xi32>
    %gather3A_655 = vector.shape_cast %broadcast_in_dim3A_654 : vector<16x1xi32> to vector<16xi32>
    %gather3A_656 = tpu.dynamic_gather %max3A_649[%gather3A_655] in [0] : vector<16xf32>, vector<16xi32> -> vector<16xf32>
    %max3A_657 = arith.maximumf %max3A_649, %gather3A_656 : vector<16xf32>
    %iota3A_658 = tpu.iota {dimensions = array<i32: 0>} : vector<16xi32>
    %xor3A_659 = arith.constant 4 : i32
    %xor3A_660 = vector.broadcast %xor3A_659 : i32 to vector<16xi32>
    %xor3A_661 = arith.xori %iota3A_658, %xor3A_660 : vector<16xi32>
    %broadcast_in_dim3A_662 = vector.shape_cast %xor3A_661 : vector<16xi32> to vector<16x1xi32>
    %gather3A_663 = vector.shape_cast %broadcast_in_dim3A_662 : vector<16x1xi32> to vector<16xi32>
    %gather3A_664 = tpu.dynamic_gather %max3A_657[%gather3A_663] in [0] : vector<16xf32>, vector<16xi32> -> vector<16xf32>
    %max3A_665 = arith.maximumf %max3A_657, %gather3A_664 : vector<16xf32>
    %iota3A_666 = tpu.iota {dimensions = array<i32: 0>} : vector<16xi32>
    %xor3A_667 = arith.constant 2 : i32
    %xor3A_668 = vector.broadcast %xor3A_667 : i32 to vector<16xi32>
    %xor3A_669 = arith.xori %iota3A_666, %xor3A_668 : vector<16xi32>
    %broadcast_in_dim3A_670 = vector.shape_cast %xor3A_669 : vector<16xi32> to vector<16x1xi32>
    %gather3A_671 = vector.shape_cast %broadcast_in_dim3A_670 : vector<16x1xi32> to vector<16xi32>
    %gather3A_672 = tpu.dynamic_gather %max3A_665[%gather3A_671] in [0] : vector<16xf32>, vector<16xi32> -> vector<16xf32>
    %max3A_673 = arith.maximumf %max3A_665, %gather3A_672 : vector<16xf32>
    %iota3A_674 = tpu.iota {dimensions = array<i32: 0>} : vector<16xi32>
    %xor3A_675 = arith.constant 1 : i32
    %xor3A_676 = vector.broadcast %xor3A_675 : i32 to vector<16xi32>
    %xor3A_677 = arith.xori %iota3A_674, %xor3A_676 : vector<16xi32>
    %broadcast_in_dim3A_678 = vector.shape_cast %xor3A_677 : vector<16xi32> to vector<16x1xi32>
    %gather3A_679 = vector.shape_cast %broadcast_in_dim3A_678 : vector<16x1xi32> to vector<16xi32>
    %gather3A_680 = tpu.dynamic_gather %max3A_673[%gather3A_679] in [0] : vector<16xf32>, vector<16xi32> -> vector<16xf32>
    %max3A_681 = arith.maximumf %max3A_673, %gather3A_680 : vector<16xf32>
    %ge3A_682 = arith.cmpf oge, %select_n3A_640, %max3A_681 : vector<16xf32>
    %select_n3A_683 = arith.select %ge3A_682, %broadcast_in_dim3A_11, %select_n3A_640 : vector<16xi1>, vector<16xf32>
    %ge3A_684 = arith.cmpf oge, %select_n3A_642, %max3A_681 : vector<16xf32>
    %select_n3A_685 = arith.select %ge3A_684, %broadcast_in_dim3A_11, %select_n3A_642 : vector<16xi1>, vector<16xf32>
    %ge3A_686 = arith.cmpf oge, %select_n3A_644, %max3A_681 : vector<16xf32>
    %select_n3A_687 = arith.select %ge3A_686, %broadcast_in_dim3A_11, %select_n3A_644 : vector<16xi1>, vector<16xf32>
    %ge3A_688 = arith.cmpf oge, %select_n3A_646, %max3A_681 : vector<16xf32>
    %select_n3A_689 = arith.select %ge3A_688, %broadcast_in_dim3A_11, %select_n3A_646 : vector<16xi1>, vector<16xf32>
    %max3A_690 = arith.maximumf %select_n3A_683, %select_n3A_685 : vector<16xf32>
    %max3A_691 = arith.maximumf %max3A_690, %select_n3A_687 : vector<16xf32>
    %max3A_692 = arith.maximumf %max3A_691, %select_n3A_689 : vector<16xf32>
    %iota3A_693 = tpu.iota {dimensions = array<i32: 0>} : vector<16xi32>
    %xor3A_694 = arith.constant 8 : i32
    %xor3A_695 = vector.broadcast %xor3A_694 : i32 to vector<16xi32>
    %xor3A_696 = arith.xori %iota3A_693, %xor3A_695 : vector<16xi32>
    %broadcast_in_dim3A_697 = vector.shape_cast %xor3A_696 : vector<16xi32> to vector<16x1xi32>
    %gather3A_698 = vector.shape_cast %broadcast_in_dim3A_697 : vector<16x1xi32> to vector<16xi32>
    %gather3A_699 = tpu.dynamic_gather %max3A_692[%gather3A_698] in [0] : vector<16xf32>, vector<16xi32> -> vector<16xf32>
    %max3A_700 = arith.maximumf %max3A_692, %gather3A_699 : vector<16xf32>
    %iota3A_701 = tpu.iota {dimensions = array<i32: 0>} : vector<16xi32>
    %xor3A_702 = arith.constant 4 : i32
    %xor3A_703 = vector.broadcast %xor3A_702 : i32 to vector<16xi32>
    %xor3A_704 = arith.xori %iota3A_701, %xor3A_703 : vector<16xi32>
    %broadcast_in_dim3A_705 = vector.shape_cast %xor3A_704 : vector<16xi32> to vector<16x1xi32>
    %gather3A_706 = vector.shape_cast %broadcast_in_dim3A_705 : vector<16x1xi32> to vector<16xi32>
    %gather3A_707 = tpu.dynamic_gather %max3A_700[%gather3A_706] in [0] : vector<16xf32>, vector<16xi32> -> vector<16xf32>
    %max3A_708 = arith.maximumf %max3A_700, %gather3A_707 : vector<16xf32>
    %iota3A_709 = tpu.iota {dimensions = array<i32: 0>} : vector<16xi32>
    %xor3A_710 = arith.constant 2 : i32
    %xor3A_711 = vector.broadcast %xor3A_710 : i32 to vector<16xi32>
    %xor3A_712 = arith.xori %iota3A_709, %xor3A_711 : vector<16xi32>
    %broadcast_in_dim3A_713 = vector.shape_cast %xor3A_712 : vector<16xi32> to vector<16x1xi32>
    %gather3A_714 = vector.shape_cast %broadcast_in_dim3A_713 : vector<16x1xi32> to vector<16xi32>
    %gather3A_715 = tpu.dynamic_gather %max3A_708[%gather3A_714] in [0] : vector<16xf32>, vector<16xi32> -> vector<16xf32>
    %max3A_716 = arith.maximumf %max3A_708, %gather3A_715 : vector<16xf32>
    %iota3A_717 = tpu.iota {dimensions = array<i32: 0>} : vector<16xi32>
    %xor3A_718 = arith.constant 1 : i32
    %xor3A_719 = vector.broadcast %xor3A_718 : i32 to vector<16xi32>
    %xor3A_720 = arith.xori %iota3A_717, %xor3A_719 : vector<16xi32>
    %broadcast_in_dim3A_721 = vector.shape_cast %xor3A_720 : vector<16xi32> to vector<16x1xi32>
    %gather3A_722 = vector.shape_cast %broadcast_in_dim3A_721 : vector<16x1xi32> to vector<16xi32>
    %gather3A_723 = tpu.dynamic_gather %max3A_716[%gather3A_722] in [0] : vector<16xf32>, vector<16xi32> -> vector<16xf32>
    %max3A_724 = arith.maximumf %max3A_716, %gather3A_723 : vector<16xf32>
    %ge3A_725 = arith.cmpf oge, %select_n3A_683, %max3A_724 : vector<16xf32>
    %select_n3A_726 = arith.select %ge3A_725, %broadcast_in_dim3A_11, %select_n3A_683 : vector<16xi1>, vector<16xf32>
    %ge3A_727 = arith.cmpf oge, %select_n3A_685, %max3A_724 : vector<16xf32>
    %select_n3A_728 = arith.select %ge3A_727, %broadcast_in_dim3A_11, %select_n3A_685 : vector<16xi1>, vector<16xf32>
    %ge3A_729 = arith.cmpf oge, %select_n3A_687, %max3A_724 : vector<16xf32>
    %select_n3A_730 = arith.select %ge3A_729, %broadcast_in_dim3A_11, %select_n3A_687 : vector<16xi1>, vector<16xf32>
    %ge3A_731 = arith.cmpf oge, %select_n3A_689, %max3A_724 : vector<16xf32>
    %select_n3A_732 = arith.select %ge3A_731, %broadcast_in_dim3A_11, %select_n3A_689 : vector<16xi1>, vector<16xf32>
    %max3A_733 = arith.maximumf %select_n3A_726, %select_n3A_728 : vector<16xf32>
    %max3A_734 = arith.maximumf %max3A_733, %select_n3A_730 : vector<16xf32>
    %max3A_735 = arith.maximumf %max3A_734, %select_n3A_732 : vector<16xf32>
    %iota3A_736 = tpu.iota {dimensions = array<i32: 0>} : vector<16xi32>
    %xor3A_737 = arith.constant 8 : i32
    %xor3A_738 = vector.broadcast %xor3A_737 : i32 to vector<16xi32>
    %xor3A_739 = arith.xori %iota3A_736, %xor3A_738 : vector<16xi32>
    %broadcast_in_dim3A_740 = vector.shape_cast %xor3A_739 : vector<16xi32> to vector<16x1xi32>
    %gather3A_741 = vector.shape_cast %broadcast_in_dim3A_740 : vector<16x1xi32> to vector<16xi32>
    %gather3A_742 = tpu.dynamic_gather %max3A_735[%gather3A_741] in [0] : vector<16xf32>, vector<16xi32> -> vector<16xf32>
    %max3A_743 = arith.maximumf %max3A_735, %gather3A_742 : vector<16xf32>
    %iota3A_744 = tpu.iota {dimensions = array<i32: 0>} : vector<16xi32>
    %xor3A_745 = arith.constant 4 : i32
    %xor3A_746 = vector.broadcast %xor3A_745 : i32 to vector<16xi32>
    %xor3A_747 = arith.xori %iota3A_744, %xor3A_746 : vector<16xi32>
    %broadcast_in_dim3A_748 = vector.shape_cast %xor3A_747 : vector<16xi32> to vector<16x1xi32>
    %gather3A_749 = vector.shape_cast %broadcast_in_dim3A_748 : vector<16x1xi32> to vector<16xi32>
    %gather3A_750 = tpu.dynamic_gather %max3A_743[%gather3A_749] in [0] : vector<16xf32>, vector<16xi32> -> vector<16xf32>
    %max3A_751 = arith.maximumf %max3A_743, %gather3A_750 : vector<16xf32>
    %iota3A_752 = tpu.iota {dimensions = array<i32: 0>} : vector<16xi32>
    %xor3A_753 = arith.constant 2 : i32
    %xor3A_754 = vector.broadcast %xor3A_753 : i32 to vector<16xi32>
    %xor3A_755 = arith.xori %iota3A_752, %xor3A_754 : vector<16xi32>
    %broadcast_in_dim3A_756 = vector.shape_cast %xor3A_755 : vector<16xi32> to vector<16x1xi32>
    %gather3A_757 = vector.shape_cast %broadcast_in_dim3A_756 : vector<16x1xi32> to vector<16xi32>
    %gather3A_758 = tpu.dynamic_gather %max3A_751[%gather3A_757] in [0] : vector<16xf32>, vector<16xi32> -> vector<16xf32>
    %max3A_759 = arith.maximumf %max3A_751, %gather3A_758 : vector<16xf32>
    %iota3A_760 = tpu.iota {dimensions = array<i32: 0>} : vector<16xi32>
    %xor3A_761 = arith.constant 1 : i32
    %xor3A_762 = vector.broadcast %xor3A_761 : i32 to vector<16xi32>
    %xor3A_763 = arith.xori %iota3A_760, %xor3A_762 : vector<16xi32>
    %broadcast_in_dim3A_764 = vector.shape_cast %xor3A_763 : vector<16xi32> to vector<16x1xi32>
    %gather3A_765 = vector.shape_cast %broadcast_in_dim3A_764 : vector<16x1xi32> to vector<16xi32>
    %gather3A_766 = tpu.dynamic_gather %max3A_759[%gather3A_765] in [0] : vector<16xf32>, vector<16xi32> -> vector<16xf32>
    %max3A_767 = arith.maximumf %max3A_759, %gather3A_766 : vector<16xf32>
    %ge3A_768 = arith.cmpf oge, %select_n3A_726, %max3A_767 : vector<16xf32>
    %select_n3A_769 = arith.select %ge3A_768, %broadcast_in_dim3A_11, %select_n3A_726 : vector<16xi1>, vector<16xf32>
    %ge3A_770 = arith.cmpf oge, %select_n3A_728, %max3A_767 : vector<16xf32>
    %select_n3A_771 = arith.select %ge3A_770, %broadcast_in_dim3A_11, %select_n3A_728 : vector<16xi1>, vector<16xf32>
    %ge3A_772 = arith.cmpf oge, %select_n3A_730, %max3A_767 : vector<16xf32>
    %select_n3A_773 = arith.select %ge3A_772, %broadcast_in_dim3A_11, %select_n3A_730 : vector<16xi1>, vector<16xf32>
    %ge3A_774 = arith.cmpf oge, %select_n3A_732, %max3A_767 : vector<16xf32>
    %select_n3A_775 = arith.select %ge3A_774, %broadcast_in_dim3A_11, %select_n3A_732 : vector<16xi1>, vector<16xf32>
    %max3A_776 = arith.maximumf %select_n3A_769, %select_n3A_771 : vector<16xf32>
    %max3A_777 = arith.maximumf %max3A_776, %select_n3A_773 : vector<16xf32>
    %max3A_778 = arith.maximumf %max3A_777, %select_n3A_775 : vector<16xf32>
    %iota3A_779 = tpu.iota {dimensions = array<i32: 0>} : vector<16xi32>
    %xor3A_780 = arith.constant 8 : i32
    %xor3A_781 = vector.broadcast %xor3A_780 : i32 to vector<16xi32>
    %xor3A_782 = arith.xori %iota3A_779, %xor3A_781 : vector<16xi32>
    %broadcast_in_dim3A_783 = vector.shape_cast %xor3A_782 : vector<16xi32> to vector<16x1xi32>
    %gather3A_784 = vector.shape_cast %broadcast_in_dim3A_783 : vector<16x1xi32> to vector<16xi32>
    %gather3A_785 = tpu.dynamic_gather %max3A_778[%gather3A_784] in [0] : vector<16xf32>, vector<16xi32> -> vector<16xf32>
    %max3A_786 = arith.maximumf %max3A_778, %gather3A_785 : vector<16xf32>
    %iota3A_787 = tpu.iota {dimensions = array<i32: 0>} : vector<16xi32>
    %xor3A_788 = arith.constant 4 : i32
    %xor3A_789 = vector.broadcast %xor3A_788 : i32 to vector<16xi32>
    %xor3A_790 = arith.xori %iota3A_787, %xor3A_789 : vector<16xi32>
    %broadcast_in_dim3A_791 = vector.shape_cast %xor3A_790 : vector<16xi32> to vector<16x1xi32>
    %gather3A_792 = vector.shape_cast %broadcast_in_dim3A_791 : vector<16x1xi32> to vector<16xi32>
    %gather3A_793 = tpu.dynamic_gather %max3A_786[%gather3A_792] in [0] : vector<16xf32>, vector<16xi32> -> vector<16xf32>
    %max3A_794 = arith.maximumf %max3A_786, %gather3A_793 : vector<16xf32>
    %iota3A_795 = tpu.iota {dimensions = array<i32: 0>} : vector<16xi32>
    %xor3A_796 = arith.constant 2 : i32
    %xor3A_797 = vector.broadcast %xor3A_796 : i32 to vector<16xi32>
    %xor3A_798 = arith.xori %iota3A_795, %xor3A_797 : vector<16xi32>
    %broadcast_in_dim3A_799 = vector.shape_cast %xor3A_798 : vector<16xi32> to vector<16x1xi32>
    %gather3A_800 = vector.shape_cast %broadcast_in_dim3A_799 : vector<16x1xi32> to vector<16xi32>
    %gather3A_801 = tpu.dynamic_gather %max3A_794[%gather3A_800] in [0] : vector<16xf32>, vector<16xi32> -> vector<16xf32>
    %max3A_802 = arith.maximumf %max3A_794, %gather3A_801 : vector<16xf32>
    %iota3A_803 = tpu.iota {dimensions = array<i32: 0>} : vector<16xi32>
    %xor3A_804 = arith.constant 1 : i32
    %xor3A_805 = vector.broadcast %xor3A_804 : i32 to vector<16xi32>
    %xor3A_806 = arith.xori %iota3A_803, %xor3A_805 : vector<16xi32>
    %broadcast_in_dim3A_807 = vector.shape_cast %xor3A_806 : vector<16xi32> to vector<16x1xi32>
    %gather3A_808 = vector.shape_cast %broadcast_in_dim3A_807 : vector<16x1xi32> to vector<16xi32>
    %gather3A_809 = tpu.dynamic_gather %max3A_802[%gather3A_808] in [0] : vector<16xf32>, vector<16xi32> -> vector<16xf32>
    %max3A_810 = arith.maximumf %max3A_802, %gather3A_809 : vector<16xf32>
    %ge3A_811 = arith.cmpf oge, %select_n3A_769, %max3A_810 : vector<16xf32>
    %select_n3A_812 = arith.select %ge3A_811, %broadcast_in_dim3A_11, %select_n3A_769 : vector<16xi1>, vector<16xf32>
    %ge3A_813 = arith.cmpf oge, %select_n3A_771, %max3A_810 : vector<16xf32>
    %select_n3A_814 = arith.select %ge3A_813, %broadcast_in_dim3A_11, %select_n3A_771 : vector<16xi1>, vector<16xf32>
    %ge3A_815 = arith.cmpf oge, %select_n3A_773, %max3A_810 : vector<16xf32>
    %select_n3A_816 = arith.select %ge3A_815, %broadcast_in_dim3A_11, %select_n3A_773 : vector<16xi1>, vector<16xf32>
    %ge3A_817 = arith.cmpf oge, %select_n3A_775, %max3A_810 : vector<16xf32>
    %select_n3A_818 = arith.select %ge3A_817, %broadcast_in_dim3A_11, %select_n3A_775 : vector<16xi1>, vector<16xf32>
    %ge3A_819 = arith.cmpf oge, %get3A_459, %max3A_810 : vector<16xf32>
    %sub3A_820 = arith.subf %get3A_459, %max3A_509 : vector<16xf32>
    %exp3A_821 = math.exp %sub3A_820 : vector<16xf32>
    %jit3A_822 = arith.constant 0.000000e+00 : f32
    %broadcast_in_dim3A_823 = vector.broadcast %jit3A_822 : f32 to vector<16xf32>
    %select_n3A_824 = arith.select %ge3A_819, %exp3A_821, %broadcast_in_dim3A_823 : vector<16xi1>, vector<16xf32>
    %ge3A_825 = arith.cmpf oge, %get3A_464, %max3A_810 : vector<16xf32>
    %sub3A_826 = arith.subf %get3A_464, %max3A_509 : vector<16xf32>
    %exp3A_827 = math.exp %sub3A_826 : vector<16xf32>
    %jit3A_828 = arith.constant 0.000000e+00 : f32
    %broadcast_in_dim3A_829 = vector.broadcast %jit3A_828 : f32 to vector<16xf32>
    %select_n3A_830 = arith.select %ge3A_825, %exp3A_827, %broadcast_in_dim3A_829 : vector<16xi1>, vector<16xf32>
    %ge3A_831 = arith.cmpf oge, %get3A_469, %max3A_810 : vector<16xf32>
    %sub3A_832 = arith.subf %get3A_469, %max3A_509 : vector<16xf32>
    %exp3A_833 = math.exp %sub3A_832 : vector<16xf32>
    %jit3A_834 = arith.constant 0.000000e+00 : f32
    %broadcast_in_dim3A_835 = vector.broadcast %jit3A_834 : f32 to vector<16xf32>
    %select_n3A_836 = arith.select %ge3A_831, %exp3A_833, %broadcast_in_dim3A_835 : vector<16xi1>, vector<16xf32>
    %ge3A_837 = arith.cmpf oge, %get3A_474, %max3A_810 : vector<16xf32>
    %sub3A_838 = arith.subf %get3A_474, %max3A_509 : vector<16xf32>
    %exp3A_839 = math.exp %sub3A_838 : vector<16xf32>
    %jit3A_840 = arith.constant 0.000000e+00 : f32
    %broadcast_in_dim3A_841 = vector.broadcast %jit3A_840 : f32 to vector<16xf32>
    %select_n3A_842 = arith.select %ge3A_837, %exp3A_839, %broadcast_in_dim3A_841 : vector<16xi1>, vector<16xf32>
    %add3A_843 = arith.addf %select_n3A_824, %select_n3A_830 : vector<16xf32>
    %add3A_844 = arith.addf %add3A_843, %select_n3A_836 : vector<16xf32>
    %add3A_845 = arith.addf %add3A_844, %select_n3A_842 : vector<16xf32>
    %iota3A_846 = tpu.iota {dimensions = array<i32: 0>} : vector<16xi32>
    %xor3A_847 = arith.constant 8 : i32
    %xor3A_848 = vector.broadcast %xor3A_847 : i32 to vector<16xi32>
    %xor3A_849 = arith.xori %iota3A_846, %xor3A_848 : vector<16xi32>
    %broadcast_in_dim3A_850 = vector.shape_cast %xor3A_849 : vector<16xi32> to vector<16x1xi32>
    %gather3A_851 = vector.shape_cast %broadcast_in_dim3A_850 : vector<16x1xi32> to vector<16xi32>
    %gather3A_852 = tpu.dynamic_gather %add3A_845[%gather3A_851] in [0] : vector<16xf32>, vector<16xi32> -> vector<16xf32>
    %add3A_853 = arith.addf %add3A_845, %gather3A_852 : vector<16xf32>
    %iota3A_854 = tpu.iota {dimensions = array<i32: 0>} : vector<16xi32>
    %xor3A_855 = arith.constant 4 : i32
    %xor3A_856 = vector.broadcast %xor3A_855 : i32 to vector<16xi32>
    %xor3A_857 = arith.xori %iota3A_854, %xor3A_856 : vector<16xi32>
    %broadcast_in_dim3A_858 = vector.shape_cast %xor3A_857 : vector<16xi32> to vector<16x1xi32>
    %gather3A_859 = vector.shape_cast %broadcast_in_dim3A_858 : vector<16x1xi32> to vector<16xi32>
    %gather3A_860 = tpu.dynamic_gather %add3A_853[%gather3A_859] in [0] : vector<16xf32>, vector<16xi32> -> vector<16xf32>
    %add3A_861 = arith.addf %add3A_853, %gather3A_860 : vector<16xf32>
    %iota3A_862 = tpu.iota {dimensions = array<i32: 0>} : vector<16xi32>
    %xor3A_863 = arith.constant 2 : i32
    %xor3A_864 = vector.broadcast %xor3A_863 : i32 to vector<16xi32>
    %xor3A_865 = arith.xori %iota3A_862, %xor3A_864 : vector<16xi32>
    %broadcast_in_dim3A_866 = vector.shape_cast %xor3A_865 : vector<16xi32> to vector<16x1xi32>
    %gather3A_867 = vector.shape_cast %broadcast_in_dim3A_866 : vector<16x1xi32> to vector<16xi32>
    %gather3A_868 = tpu.dynamic_gather %add3A_861[%gather3A_867] in [0] : vector<16xf32>, vector<16xi32> -> vector<16xf32>
    %add3A_869 = arith.addf %add3A_861, %gather3A_868 : vector<16xf32>
    %iota3A_870 = tpu.iota {dimensions = array<i32: 0>} : vector<16xi32>
    %xor3A_871 = arith.constant 1 : i32
    %xor3A_872 = vector.broadcast %xor3A_871 : i32 to vector<16xi32>
    %xor3A_873 = arith.xori %iota3A_870, %xor3A_872 : vector<16xi32>
    %broadcast_in_dim3A_874 = vector.shape_cast %xor3A_873 : vector<16xi32> to vector<16x1xi32>
    %gather3A_875 = vector.shape_cast %broadcast_in_dim3A_874 : vector<16x1xi32> to vector<16xi32>
    %gather3A_876 = tpu.dynamic_gather %add3A_869[%gather3A_875] in [0] : vector<16xf32>, vector<16xi32> -> vector<16xf32>
    %add3A_877 = arith.addf %add3A_869, %gather3A_876 : vector<16xf32>
    %div3A_878 = arith.divf %select_n3A_824, %add3A_877 : vector<16xf32>
    %swap3A_879 = arith.constant 1 : i32
    %swap3A_880 = arith.index_cast %swap3A_879 : i32 to index
    %swap3A_881 = arith.constant 0 : index
    %swap3A_882 = tpu.vector_load %arg6[%swap3A_880, %swap3A_881] {strides = array<i32>} : memref<4x64xf32, #tpu.memory_space<vmem>>, vector<1x16xf32>,
    %swap3A_883 = vector.shape_cast %swap3A_882 : vector<1x16xf32> to vector<16xf32>
    %swap3A_884 = vector.shape_cast %div3A_878 : vector<16xf32> to vector<1x16xf32>
    tpu.vector_store %arg6[%swap3A_880, %swap3A_881], %swap3A_884 {strides = array<i32>} : memref<4x64xf32, #tpu.memory_space<vmem>>, vector<1x16xf32>,
    %add3A_885 = arith.addf %add3A_430, %div3A_878 : vector<16xf32>
    %div3A_886 = arith.divf %select_n3A_830, %add3A_877 : vector<16xf32>
    %swap3A_887 = arith.constant 1 : i32
    %swap3A_888 = arith.index_cast %swap3A_887 : i32 to index
    %swap3A_889 = arith.constant 16 : index
    %swap3A_890 = tpu.vector_load %arg6[%swap3A_888, %swap3A_889] {strides = array<i32>} : memref<4x64xf32, #tpu.memory_space<vmem>>, vector<1x16xf32>,
    %swap3A_891 = vector.shape_cast %swap3A_890 : vector<1x16xf32> to vector<16xf32>
    %swap3A_892 = vector.shape_cast %div3A_886 : vector<16xf32> to vector<1x16xf32>
    tpu.vector_store %arg6[%swap3A_888, %swap3A_889], %swap3A_892 {strides = array<i32>} : memref<4x64xf32, #tpu.memory_space<vmem>>, vector<1x16xf32>,
    %add3A_893 = arith.addf %add3A_438, %div3A_886 : vector<16xf32>
    %div3A_894 = arith.divf %select_n3A_836, %add3A_877 : vector<16xf32>
    %swap3A_895 = arith.constant 1 : i32
    %swap3A_896 = arith.index_cast %swap3A_895 : i32 to index
    %swap3A_897 = arith.constant 32 : index
    %swap3A_898 = tpu.vector_load %arg6[%swap3A_896, %swap3A_897] {strides = array<i32>} : memref<4x64xf32, #tpu.memory_space<vmem>>, vector<1x16xf32>,
    %swap3A_899 = vector.shape_cast %swap3A_898 : vector<1x16xf32> to vector<16xf32>
    %swap3A_900 = vector.shape_cast %div3A_894 : vector<16xf32> to vector<1x16xf32>
    tpu.vector_store %arg6[%swap3A_896, %swap3A_897], %swap3A_900 {strides = array<i32>} : memref<4x64xf32, #tpu.memory_space<vmem>>, vector<1x16xf32>,
    %add3A_901 = arith.addf %add3A_446, %div3A_894 : vector<16xf32>
    %div3A_902 = arith.divf %select_n3A_842, %add3A_877 : vector<16xf32>
    %swap3A_903 = arith.constant 1 : i32
    %swap3A_904 = arith.index_cast %swap3A_903 : i32 to index
    %swap3A_905 = arith.constant 48 : index
    %swap3A_906 = tpu.vector_load %arg6[%swap3A_904, %swap3A_905] {strides = array<i32>} : memref<4x64xf32, #tpu.memory_space<vmem>>, vector<1x16xf32>,
    %swap3A_907 = vector.shape_cast %swap3A_906 : vector<1x16xf32> to vector<16xf32>
    %swap3A_908 = vector.shape_cast %div3A_902 : vector<16xf32> to vector<1x16xf32>
    tpu.vector_store %arg6[%swap3A_904, %swap3A_905], %swap3A_908 {strides = array<i32>} : memref<4x64xf32, #tpu.memory_space<vmem>>, vector<1x16xf32>,
    %add3A_909 = arith.addf %add3A_454, %div3A_902 : vector<16xf32>
    %get3A_910 = arith.constant 2 : i32
    %get3A_911 = arith.index_cast %get3A_910 : i32 to index
    %get3A_912 = arith.constant 0 : index
    %get3A_913 = tpu.vector_load %arg5[%get3A_911, %get3A_912] {strides = array<i32>} : memref<4x64xf32, #tpu.memory_space<vmem>>, vector<1x16xf32>,
    %get3A_914 = vector.shape_cast %get3A_913 : vector<1x16xf32> to vector<16xf32>
    %get3A_915 = arith.constant 2 : i32
    %get3A_916 = arith.index_cast %get3A_915 : i32 to index
    %get3A_917 = arith.constant 16 : index
    %get3A_918 = tpu.vector_load %arg5[%get3A_916, %get3A_917] {strides = array<i32>} : memref<4x64xf32, #tpu.memory_space<vmem>>, vector<1x16xf32>,
    %get3A_919 = vector.shape_cast %get3A_918 : vector<1x16xf32> to vector<16xf32>
    %get3A_920 = arith.constant 2 : i32
    %get3A_921 = arith.index_cast %get3A_920 : i32 to index
    %get3A_922 = arith.constant 32 : index
    %get3A_923 = tpu.vector_load %arg5[%get3A_921, %get3A_922] {strides = array<i32>} : memref<4x64xf32, #tpu.memory_space<vmem>>, vector<1x16xf32>,
    %get3A_924 = vector.shape_cast %get3A_923 : vector<1x16xf32> to vector<16xf32>
    %get3A_925 = arith.constant 2 : i32
    %get3A_926 = arith.index_cast %get3A_925 : i32 to index
    %get3A_927 = arith.constant 48 : index
    %get3A_928 = tpu.vector_load %arg5[%get3A_926, %get3A_927] {strides = array<i32>} : memref<4x64xf32, #tpu.memory_space<vmem>>, vector<1x16xf32>,
    %get3A_929 = vector.shape_cast %get3A_928 : vector<1x16xf32> to vector<16xf32>
    %max3A_930 = arith.maximumf %get3A_914, %get3A_919 : vector<16xf32>
    %max3A_931 = arith.maximumf %max3A_930, %get3A_924 : vector<16xf32>
    %max3A_932 = arith.maximumf %max3A_931, %get3A_929 : vector<16xf32>
    %iota3A_933 = tpu.iota {dimensions = array<i32: 0>} : vector<16xi32>
    %xor3A_934 = arith.constant 8 : i32
    %xor3A_935 = vector.broadcast %xor3A_934 : i32 to vector<16xi32>
    %xor3A_936 = arith.xori %iota3A_933, %xor3A_935 : vector<16xi32>
    %broadcast_in_dim3A_937 = vector.shape_cast %xor3A_936 : vector<16xi32> to vector<16x1xi32>
    %gather3A_938 = vector.shape_cast %broadcast_in_dim3A_937 : vector<16x1xi32> to vector<16xi32>
    %gather3A_939 = tpu.dynamic_gather %max3A_932[%gather3A_938] in [0] : vector<16xf32>, vector<16xi32> -> vector<16xf32>
    %max3A_940 = arith.maximumf %max3A_932, %gather3A_939 : vector<16xf32>
    %iota3A_941 = tpu.iota {dimensions = array<i32: 0>} : vector<16xi32>
    %xor3A_942 = arith.constant 4 : i32
    %xor3A_943 = vector.broadcast %xor3A_942 : i32 to vector<16xi32>
    %xor3A_944 = arith.xori %iota3A_941, %xor3A_943 : vector<16xi32>
    %broadcast_in_dim3A_945 = vector.shape_cast %xor3A_944 : vector<16xi32> to vector<16x1xi32>
    %gather3A_946 = vector.shape_cast %broadcast_in_dim3A_945 : vector<16x1xi32> to vector<16xi32>
    %gather3A_947 = tpu.dynamic_gather %max3A_940[%gather3A_946] in [0] : vector<16xf32>, vector<16xi32> -> vector<16xf32>
    %max3A_948 = arith.maximumf %max3A_940, %gather3A_947 : vector<16xf32>
    %iota3A_949 = tpu.iota {dimensions = array<i32: 0>} : vector<16xi32>
    %xor3A_950 = arith.constant 2 : i32
    %xor3A_951 = vector.broadcast %xor3A_950 : i32 to vector<16xi32>
    %xor3A_952 = arith.xori %iota3A_949, %xor3A_951 : vector<16xi32>
    %broadcast_in_dim3A_953 = vector.shape_cast %xor3A_952 : vector<16xi32> to vector<16x1xi32>
    %gather3A_954 = vector.shape_cast %broadcast_in_dim3A_953 : vector<16x1xi32> to vector<16xi32>
    %gather3A_955 = tpu.dynamic_gather %max3A_948[%gather3A_954] in [0] : vector<16xf32>, vector<16xi32> -> vector<16xf32>
    %max3A_956 = arith.maximumf %max3A_948, %gather3A_955 : vector<16xf32>
    %iota3A_957 = tpu.iota {dimensions = array<i32: 0>} : vector<16xi32>
    %xor3A_958 = arith.constant 1 : i32
    %xor3A_959 = vector.broadcast %xor3A_958 : i32 to vector<16xi32>
    %xor3A_960 = arith.xori %iota3A_957, %xor3A_959 : vector<16xi32>
    %broadcast_in_dim3A_961 = vector.shape_cast %xor3A_960 : vector<16xi32> to vector<16x1xi32>
    %gather3A_962 = vector.shape_cast %broadcast_in_dim3A_961 : vector<16x1xi32> to vector<16xi32>
    %gather3A_963 = tpu.dynamic_gather %max3A_956[%gather3A_962] in [0] : vector<16xf32>, vector<16xi32> -> vector<16xf32>
    %max3A_964 = arith.maximumf %max3A_956, %gather3A_963 : vector<16xf32>
    %ge3A_965 = arith.cmpf oge, %get3A_914, %max3A_964 : vector<16xf32>
    %select_n3A_966 = arith.select %ge3A_965, %broadcast_in_dim3A_11, %get3A_914 : vector<16xi1>, vector<16xf32>
    %ge3A_967 = arith.cmpf oge, %get3A_919, %max3A_964 : vector<16xf32>
    %select_n3A_968 = arith.select %ge3A_967, %broadcast_in_dim3A_11, %get3A_919 : vector<16xi1>, vector<16xf32>
    %ge3A_969 = arith.cmpf oge, %get3A_924, %max3A_964 : vector<16xf32>
    %select_n3A_970 = arith.select %ge3A_969, %broadcast_in_dim3A_11, %get3A_924 : vector<16xi1>, vector<16xf32>
    %ge3A_971 = arith.cmpf oge, %get3A_929, %max3A_964 : vector<16xf32>
    %select_n3A_972 = arith.select %ge3A_971, %broadcast_in_dim3A_11, %get3A_929 : vector<16xi1>, vector<16xf32>
    %max3A_973 = arith.maximumf %select_n3A_966, %select_n3A_968 : vector<16xf32>
    %max3A_974 = arith.maximumf %max3A_973, %select_n3A_970 : vector<16xf32>
    %max3A_975 = arith.maximumf %max3A_974, %select_n3A_972 : vector<16xf32>
    %iota3A_976 = tpu.iota {dimensions = array<i32: 0>} : vector<16xi32>
    %xor3A_977 = arith.constant 8 : i32
    %xor3A_978 = vector.broadcast %xor3A_977 : i32 to vector<16xi32>
    %xor3A_979 = arith.xori %iota3A_976, %xor3A_978 : vector<16xi32>
    %broadcast_in_dim3A_980 = vector.shape_cast %xor3A_979 : vector<16xi32> to vector<16x1xi32>
    %gather3A_981 = vector.shape_cast %broadcast_in_dim3A_980 : vector<16x1xi32> to vector<16xi32>
    %gather3A_982 = tpu.dynamic_gather %max3A_975[%gather3A_981] in [0] : vector<16xf32>, vector<16xi32> -> vector<16xf32>
    %max3A_983 = arith.maximumf %max3A_975, %gather3A_982 : vector<16xf32>
    %iota3A_984 = tpu.iota {dimensions = array<i32: 0>} : vector<16xi32>
    %xor3A_985 = arith.constant 4 : i32
    %xor3A_986 = vector.broadcast %xor3A_985 : i32 to vector<16xi32>
    %xor3A_987 = arith.xori %iota3A_984, %xor3A_986 : vector<16xi32>
    %broadcast_in_dim3A_988 = vector.shape_cast %xor3A_987 : vector<16xi32> to vector<16x1xi32>
    %gather3A_989 = vector.shape_cast %broadcast_in_dim3A_988 : vector<16x1xi32> to vector<16xi32>
    %gather3A_990 = tpu.dynamic_gather %max3A_983[%gather3A_989] in [0] : vector<16xf32>, vector<16xi32> -> vector<16xf32>
    %max3A_991 = arith.maximumf %max3A_983, %gather3A_990 : vector<16xf32>
    %iota3A_992 = tpu.iota {dimensions = array<i32: 0>} : vector<16xi32>
    %xor3A_993 = arith.constant 2 : i32
    %xor3A_994 = vector.broadcast %xor3A_993 : i32 to vector<16xi32>
    %xor3A_995 = arith.xori %iota3A_992, %xor3A_994 : vector<16xi32>
    %broadcast_in_dim3A_996 = vector.shape_cast %xor3A_995 : vector<16xi32> to vector<16x1xi32>
    %gather3A_997 = vector.shape_cast %broadcast_in_dim3A_996 : vector<16x1xi32> to vector<16xi32>
    %gather3A_998 = tpu.dynamic_gather %max3A_991[%gather3A_997] in [0] : vector<16xf32>, vector<16xi32> -> vector<16xf32>
    %max3A_999 = arith.maximumf %max3A_991, %gather3A_998 : vector<16xf32>
    %iota3A_1000 = tpu.iota {dimensions = array<i32: 0>} : vector<16xi32>
    %xor3A_1001 = arith.constant 1 : i32
    %xor3A_1002 = vector.broadcast %xor3A_1001 : i32 to vector<16xi32>
    %xor3A_1003 = arith.xori %iota3A_1000, %xor3A_1002 : vector<16xi32>
    %broadcast_in_dim3A_1004 = vector.shape_cast %xor3A_1003 : vector<16xi32> to vector<16x1xi32>
    %gather3A_1005 = vector.shape_cast %broadcast_in_dim3A_1004 : vector<16x1xi32> to vector<16xi32>
    %gather3A_1006 = tpu.dynamic_gather %max3A_999[%gather3A_1005] in [0] : vector<16xf32>, vector<16xi32> -> vector<16xf32>
    %max3A_1007 = arith.maximumf %max3A_999, %gather3A_1006 : vector<16xf32>
    %ge3A_1008 = arith.cmpf oge, %select_n3A_966, %max3A_1007 : vector<16xf32>
    %select_n3A_1009 = arith.select %ge3A_1008, %broadcast_in_dim3A_11, %select_n3A_966 : vector<16xi1>, vector<16xf32>
    %ge3A_1010 = arith.cmpf oge, %select_n3A_968, %max3A_1007 : vector<16xf32>
    %select_n3A_1011 = arith.select %ge3A_1010, %broadcast_in_dim3A_11, %select_n3A_968 : vector<16xi1>, vector<16xf32>
    %ge3A_1012 = arith.cmpf oge, %select_n3A_970, %max3A_1007 : vector<16xf32>
    %select_n3A_1013 = arith.select %ge3A_1012, %broadcast_in_dim3A_11, %select_n3A_970 : vector<16xi1>, vector<16xf32>
    %ge3A_1014 = arith.cmpf oge, %select_n3A_972, %max3A_1007 : vector<16xf32>
    %select_n3A_1015 = arith.select %ge3A_1014, %broadcast_in_dim3A_11, %select_n3A_972 : vector<16xi1>, vector<16xf32>
    %max3A_1016 = arith.maximumf %select_n3A_1009, %select_n3A_1011 : vector<16xf32>
    %max3A_1017 = arith.maximumf %max3A_1016, %select_n3A_1013 : vector<16xf32>
    %max3A_1018 = arith.maximumf %max3A_1017, %select_n3A_1015 : vector<16xf32>
    %iota3A_1019 = tpu.iota {dimensions = array<i32: 0>} : vector<16xi32>
    %xor3A_1020 = arith.constant 8 : i32
    %xor3A_1021 = vector.broadcast %xor3A_1020 : i32 to vector<16xi32>
    %xor3A_1022 = arith.xori %iota3A_1019, %xor3A_1021 : vector<16xi32>
    %broadcast_in_dim3A_1023 = vector.shape_cast %xor3A_1022 : vector<16xi32> to vector<16x1xi32>
    %gather3A_1024 = vector.shape_cast %broadcast_in_dim3A_1023 : vector<16x1xi32> to vector<16xi32>
    %gather3A_1025 = tpu.dynamic_gather %max3A_1018[%gather3A_1024] in [0] : vector<16xf32>, vector<16xi32> -> vector<16xf32>
    %max3A_1026 = arith.maximumf %max3A_1018, %gather3A_1025 : vector<16xf32>
    %iota3A_1027 = tpu.iota {dimensions = array<i32: 0>} : vector<16xi32>
    %xor3A_1028 = arith.constant 4 : i32
    %xor3A_1029 = vector.broadcast %xor3A_1028 : i32 to vector<16xi32>
    %xor3A_1030 = arith.xori %iota3A_1027, %xor3A_1029 : vector<16xi32>
    %broadcast_in_dim3A_1031 = vector.shape_cast %xor3A_1030 : vector<16xi32> to vector<16x1xi32>
    %gather3A_1032 = vector.shape_cast %broadcast_in_dim3A_1031 : vector<16x1xi32> to vector<16xi32>
    %gather3A_1033 = tpu.dynamic_gather %max3A_1026[%gather3A_1032] in [0] : vector<16xf32>, vector<16xi32> -> vector<16xf32>
    %max3A_1034 = arith.maximumf %max3A_1026, %gather3A_1033 : vector<16xf32>
    %iota3A_1035 = tpu.iota {dimensions = array<i32: 0>} : vector<16xi32>
    %xor3A_1036 = arith.constant 2 : i32
    %xor3A_1037 = vector.broadcast %xor3A_1036 : i32 to vector<16xi32>
    %xor3A_1038 = arith.xori %iota3A_1035, %xor3A_1037 : vector<16xi32>
    %broadcast_in_dim3A_1039 = vector.shape_cast %xor3A_1038 : vector<16xi32> to vector<16x1xi32>
    %gather3A_1040 = vector.shape_cast %broadcast_in_dim3A_1039 : vector<16x1xi32> to vector<16xi32>
    %gather3A_1041 = tpu.dynamic_gather %max3A_1034[%gather3A_1040] in [0] : vector<16xf32>, vector<16xi32> -> vector<16xf32>
    %max3A_1042 = arith.maximumf %max3A_1034, %gather3A_1041 : vector<16xf32>
    %iota3A_1043 = tpu.iota {dimensions = array<i32: 0>} : vector<16xi32>
    %xor3A_1044 = arith.constant 1 : i32
    %xor3A_1045 = vector.broadcast %xor3A_1044 : i32 to vector<16xi32>
    %xor3A_1046 = arith.xori %iota3A_1043, %xor3A_1045 : vector<16xi32>
    %broadcast_in_dim3A_1047 = vector.shape_cast %xor3A_1046 : vector<16xi32> to vector<16x1xi32>
    %gather3A_1048 = vector.shape_cast %broadcast_in_dim3A_1047 : vector<16x1xi32> to vector<16xi32>
    %gather3A_1049 = tpu.dynamic_gather %max3A_1042[%gather3A_1048] in [0] : vector<16xf32>, vector<16xi32> -> vector<16xf32>
    %max3A_1050 = arith.maximumf %max3A_1042, %gather3A_1049 : vector<16xf32>
    %ge3A_1051 = arith.cmpf oge, %select_n3A_1009, %max3A_1050 : vector<16xf32>
    %select_n3A_1052 = arith.select %ge3A_1051, %broadcast_in_dim3A_11, %select_n3A_1009 : vector<16xi1>, vector<16xf32>
    %ge3A_1053 = arith.cmpf oge, %select_n3A_1011, %max3A_1050 : vector<16xf32>
    %select_n3A_1054 = arith.select %ge3A_1053, %broadcast_in_dim3A_11, %select_n3A_1011 : vector<16xi1>, vector<16xf32>
    %ge3A_1055 = arith.cmpf oge, %select_n3A_1013, %max3A_1050 : vector<16xf32>
    %select_n3A_1056 = arith.select %ge3A_1055, %broadcast_in_dim3A_11, %select_n3A_1013 : vector<16xi1>, vector<16xf32>
    %ge3A_1057 = arith.cmpf oge, %select_n3A_1015, %max3A_1050 : vector<16xf32>
    %select_n3A_1058 = arith.select %ge3A_1057, %broadcast_in_dim3A_11, %select_n3A_1015 : vector<16xi1>, vector<16xf32>
    %max3A_1059 = arith.maximumf %select_n3A_1052, %select_n3A_1054 : vector<16xf32>
    %max3A_1060 = arith.maximumf %max3A_1059, %select_n3A_1056 : vector<16xf32>
    %max3A_1061 = arith.maximumf %max3A_1060, %select_n3A_1058 : vector<16xf32>
    %iota3A_1062 = tpu.iota {dimensions = array<i32: 0>} : vector<16xi32>
    %xor3A_1063 = arith.constant 8 : i32
    %xor3A_1064 = vector.broadcast %xor3A_1063 : i32 to vector<16xi32>
    %xor3A_1065 = arith.xori %iota3A_1062, %xor3A_1064 : vector<16xi32>
    %broadcast_in_dim3A_1066 = vector.shape_cast %xor3A_1065 : vector<16xi32> to vector<16x1xi32>
    %gather3A_1067 = vector.shape_cast %broadcast_in_dim3A_1066 : vector<16x1xi32> to vector<16xi32>
    %gather3A_1068 = tpu.dynamic_gather %max3A_1061[%gather3A_1067] in [0] : vector<16xf32>, vector<16xi32> -> vector<16xf32>
    %max3A_1069 = arith.maximumf %max3A_1061, %gather3A_1068 : vector<16xf32>
    %iota3A_1070 = tpu.iota {dimensions = array<i32: 0>} : vector<16xi32>
    %xor3A_1071 = arith.constant 4 : i32
    %xor3A_1072 = vector.broadcast %xor3A_1071 : i32 to vector<16xi32>
    %xor3A_1073 = arith.xori %iota3A_1070, %xor3A_1072 : vector<16xi32>
    %broadcast_in_dim3A_1074 = vector.shape_cast %xor3A_1073 : vector<16xi32> to vector<16x1xi32>
    %gather3A_1075 = vector.shape_cast %broadcast_in_dim3A_1074 : vector<16x1xi32> to vector<16xi32>
    %gather3A_1076 = tpu.dynamic_gather %max3A_1069[%gather3A_1075] in [0] : vector<16xf32>, vector<16xi32> -> vector<16xf32>
    %max3A_1077 = arith.maximumf %max3A_1069, %gather3A_1076 : vector<16xf32>
    %iota3A_1078 = tpu.iota {dimensions = array<i32: 0>} : vector<16xi32>
    %xor3A_1079 = arith.constant 2 : i32
    %xor3A_1080 = vector.broadcast %xor3A_1079 : i32 to vector<16xi32>
    %xor3A_1081 = arith.xori %iota3A_1078, %xor3A_1080 : vector<16xi32>
    %broadcast_in_dim3A_1082 = vector.shape_cast %xor3A_1081 : vector<16xi32> to vector<16x1xi32>
    %gather3A_1083 = vector.shape_cast %broadcast_in_dim3A_1082 : vector<16x1xi32> to vector<16xi32>
    %gather3A_1084 = tpu.dynamic_gather %max3A_1077[%gather3A_1083] in [0] : vector<16xf32>, vector<16xi32> -> vector<16xf32>
    %max3A_1085 = arith.maximumf %max3A_1077, %gather3A_1084 : vector<16xf32>
    %iota3A_1086 = tpu.iota {dimensions = array<i32: 0>} : vector<16xi32>
    %xor3A_1087 = arith.constant 1 : i32
    %xor3A_1088 = vector.broadcast %xor3A_1087 : i32 to vector<16xi32>
    %xor3A_1089 = arith.xori %iota3A_1086, %xor3A_1088 : vector<16xi32>
    %broadcast_in_dim3A_1090 = vector.shape_cast %xor3A_1089 : vector<16xi32> to vector<16x1xi32>
    %gather3A_1091 = vector.shape_cast %broadcast_in_dim3A_1090 : vector<16x1xi32> to vector<16xi32>
    %gather3A_1092 = tpu.dynamic_gather %max3A_1085[%gather3A_1091] in [0] : vector<16xf32>, vector<16xi32> -> vector<16xf32>
    %max3A_1093 = arith.maximumf %max3A_1085, %gather3A_1092 : vector<16xf32>
    %ge3A_1094 = arith.cmpf oge, %select_n3A_1052, %max3A_1093 : vector<16xf32>
    %select_n3A_1095 = arith.select %ge3A_1094, %broadcast_in_dim3A_11, %select_n3A_1052 : vector<16xi1>, vector<16xf32>
    %ge3A_1096 = arith.cmpf oge, %select_n3A_1054, %max3A_1093 : vector<16xf32>
    %select_n3A_1097 = arith.select %ge3A_1096, %broadcast_in_dim3A_11, %select_n3A_1054 : vector<16xi1>, vector<16xf32>
    %ge3A_1098 = arith.cmpf oge, %select_n3A_1056, %max3A_1093 : vector<16xf32>
    %select_n3A_1099 = arith.select %ge3A_1098, %broadcast_in_dim3A_11, %select_n3A_1056 : vector<16xi1>, vector<16xf32>
    %ge3A_1100 = arith.cmpf oge, %select_n3A_1058, %max3A_1093 : vector<16xf32>
    %select_n3A_1101 = arith.select %ge3A_1100, %broadcast_in_dim3A_11, %select_n3A_1058 : vector<16xi1>, vector<16xf32>
    %max3A_1102 = arith.maximumf %select_n3A_1095, %select_n3A_1097 : vector<16xf32>
    %max3A_1103 = arith.maximumf %max3A_1102, %select_n3A_1099 : vector<16xf32>
    %max3A_1104 = arith.maximumf %max3A_1103, %select_n3A_1101 : vector<16xf32>
    %iota3A_1105 = tpu.iota {dimensions = array<i32: 0>} : vector<16xi32>
    %xor3A_1106 = arith.constant 8 : i32
    %xor3A_1107 = vector.broadcast %xor3A_1106 : i32 to vector<16xi32>
    %xor3A_1108 = arith.xori %iota3A_1105, %xor3A_1107 : vector<16xi32>
    %broadcast_in_dim3A_1109 = vector.shape_cast %xor3A_1108 : vector<16xi32> to vector<16x1xi32>
    %gather3A_1110 = vector.shape_cast %broadcast_in_dim3A_1109 : vector<16x1xi32> to vector<16xi32>
    %gather3A_1111 = tpu.dynamic_gather %max3A_1104[%gather3A_1110] in [0] : vector<16xf32>, vector<16xi32> -> vector<16xf32>
    %max3A_1112 = arith.maximumf %max3A_1104, %gather3A_1111 : vector<16xf32>
    %iota3A_1113 = tpu.iota {dimensions = array<i32: 0>} : vector<16xi32>
    %xor3A_1114 = arith.constant 4 : i32
    %xor3A_1115 = vector.broadcast %xor3A_1114 : i32 to vector<16xi32>
    %xor3A_1116 = arith.xori %iota3A_1113, %xor3A_1115 : vector<16xi32>
    %broadcast_in_dim3A_1117 = vector.shape_cast %xor3A_1116 : vector<16xi32> to vector<16x1xi32>
    %gather3A_1118 = vector.shape_cast %broadcast_in_dim3A_1117 : vector<16x1xi32> to vector<16xi32>
    %gather3A_1119 = tpu.dynamic_gather %max3A_1112[%gather3A_1118] in [0] : vector<16xf32>, vector<16xi32> -> vector<16xf32>
    %max3A_1120 = arith.maximumf %max3A_1112, %gather3A_1119 : vector<16xf32>
    %iota3A_1121 = tpu.iota {dimensions = array<i32: 0>} : vector<16xi32>
    %xor3A_1122 = arith.constant 2 : i32
    %xor3A_1123 = vector.broadcast %xor3A_1122 : i32 to vector<16xi32>
    %xor3A_1124 = arith.xori %iota3A_1121, %xor3A_1123 : vector<16xi32>
    %broadcast_in_dim3A_1125 = vector.shape_cast %xor3A_1124 : vector<16xi32> to vector<16x1xi32>
    %gather3A_1126 = vector.shape_cast %broadcast_in_dim3A_1125 : vector<16x1xi32> to vector<16xi32>
    %gather3A_1127 = tpu.dynamic_gather %max3A_1120[%gather3A_1126] in [0] : vector<16xf32>, vector<16xi32> -> vector<16xf32>
    %max3A_1128 = arith.maximumf %max3A_1120, %gather3A_1127 : vector<16xf32>
    %iota3A_1129 = tpu.iota {dimensions = array<i32: 0>} : vector<16xi32>
    %xor3A_1130 = arith.constant 1 : i32
    %xor3A_1131 = vector.broadcast %xor3A_1130 : i32 to vector<16xi32>
    %xor3A_1132 = arith.xori %iota3A_1129, %xor3A_1131 : vector<16xi32>
    %broadcast_in_dim3A_1133 = vector.shape_cast %xor3A_1132 : vector<16xi32> to vector<16x1xi32>
    %gather3A_1134 = vector.shape_cast %broadcast_in_dim3A_1133 : vector<16x1xi32> to vector<16xi32>
    %gather3A_1135 = tpu.dynamic_gather %max3A_1128[%gather3A_1134] in [0] : vector<16xf32>, vector<16xi32> -> vector<16xf32>
    %max3A_1136 = arith.maximumf %max3A_1128, %gather3A_1135 : vector<16xf32>
    %ge3A_1137 = arith.cmpf oge, %select_n3A_1095, %max3A_1136 : vector<16xf32>
    %select_n3A_1138 = arith.select %ge3A_1137, %broadcast_in_dim3A_11, %select_n3A_1095 : vector<16xi1>, vector<16xf32>
    %ge3A_1139 = arith.cmpf oge, %select_n3A_1097, %max3A_1136 : vector<16xf32>
    %select_n3A_1140 = arith.select %ge3A_1139, %broadcast_in_dim3A_11, %select_n3A_1097 : vector<16xi1>, vector<16xf32>
    %ge3A_1141 = arith.cmpf oge, %select_n3A_1099, %max3A_1136 : vector<16xf32>
    %select_n3A_1142 = arith.select %ge3A_1141, %broadcast_in_dim3A_11, %select_n3A_1099 : vector<16xi1>, vector<16xf32>
    %ge3A_1143 = arith.cmpf oge, %select_n3A_1101, %max3A_1136 : vector<16xf32>
    %select_n3A_1144 = arith.select %ge3A_1143, %broadcast_in_dim3A_11, %select_n3A_1101 : vector<16xi1>, vector<16xf32>
    %max3A_1145 = arith.maximumf %select_n3A_1138, %select_n3A_1140 : vector<16xf32>
    %max3A_1146 = arith.maximumf %max3A_1145, %select_n3A_1142 : vector<16xf32>
    %max3A_1147 = arith.maximumf %max3A_1146, %select_n3A_1144 : vector<16xf32>
    %iota3A_1148 = tpu.iota {dimensions = array<i32: 0>} : vector<16xi32>
    %xor3A_1149 = arith.constant 8 : i32
    %xor3A_1150 = vector.broadcast %xor3A_1149 : i32 to vector<16xi32>
    %xor3A_1151 = arith.xori %iota3A_1148, %xor3A_1150 : vector<16xi32>
    %broadcast_in_dim3A_1152 = vector.shape_cast %xor3A_1151 : vector<16xi32> to vector<16x1xi32>
    %gather3A_1153 = vector.shape_cast %broadcast_in_dim3A_1152 : vector<16x1xi32> to vector<16xi32>
    %gather3A_1154 = tpu.dynamic_gather %max3A_1147[%gather3A_1153] in [0] : vector<16xf32>, vector<16xi32> -> vector<16xf32>
    %max3A_1155 = arith.maximumf %max3A_1147, %gather3A_1154 : vector<16xf32>
    %iota3A_1156 = tpu.iota {dimensions = array<i32: 0>} : vector<16xi32>
    %xor3A_1157 = arith.constant 4 : i32
    %xor3A_1158 = vector.broadcast %xor3A_1157 : i32 to vector<16xi32>
    %xor3A_1159 = arith.xori %iota3A_1156, %xor3A_1158 : vector<16xi32>
    %broadcast_in_dim3A_1160 = vector.shape_cast %xor3A_1159 : vector<16xi32> to vector<16x1xi32>
    %gather3A_1161 = vector.shape_cast %broadcast_in_dim3A_1160 : vector<16x1xi32> to vector<16xi32>
    %gather3A_1162 = tpu.dynamic_gather %max3A_1155[%gather3A_1161] in [0] : vector<16xf32>, vector<16xi32> -> vector<16xf32>
    %max3A_1163 = arith.maximumf %max3A_1155, %gather3A_1162 : vector<16xf32>
    %iota3A_1164 = tpu.iota {dimensions = array<i32: 0>} : vector<16xi32>
    %xor3A_1165 = arith.constant 2 : i32
    %xor3A_1166 = vector.broadcast %xor3A_1165 : i32 to vector<16xi32>
    %xor3A_1167 = arith.xori %iota3A_1164, %xor3A_1166 : vector<16xi32>
    %broadcast_in_dim3A_1168 = vector.shape_cast %xor3A_1167 : vector<16xi32> to vector<16x1xi32>
    %gather3A_1169 = vector.shape_cast %broadcast_in_dim3A_1168 : vector<16x1xi32> to vector<16xi32>
    %gather3A_1170 = tpu.dynamic_gather %max3A_1163[%gather3A_1169] in [0] : vector<16xf32>, vector<16xi32> -> vector<16xf32>
    %max3A_1171 = arith.maximumf %max3A_1163, %gather3A_1170 : vector<16xf32>
    %iota3A_1172 = tpu.iota {dimensions = array<i32: 0>} : vector<16xi32>
    %xor3A_1173 = arith.constant 1 : i32
    %xor3A_1174 = vector.broadcast %xor3A_1173 : i32 to vector<16xi32>
    %xor3A_1175 = arith.xori %iota3A_1172, %xor3A_1174 : vector<16xi32>
    %broadcast_in_dim3A_1176 = vector.shape_cast %xor3A_1175 : vector<16xi32> to vector<16x1xi32>
    %gather3A_1177 = vector.shape_cast %broadcast_in_dim3A_1176 : vector<16x1xi32> to vector<16xi32>
    %gather3A_1178 = tpu.dynamic_gather %max3A_1171[%gather3A_1177] in [0] : vector<16xf32>, vector<16xi32> -> vector<16xf32>
    %max3A_1179 = arith.maximumf %max3A_1171, %gather3A_1178 : vector<16xf32>
    %ge3A_1180 = arith.cmpf oge, %select_n3A_1138, %max3A_1179 : vector<16xf32>
    %select_n3A_1181 = arith.select %ge3A_1180, %broadcast_in_dim3A_11, %select_n3A_1138 : vector<16xi1>, vector<16xf32>
    %ge3A_1182 = arith.cmpf oge, %select_n3A_1140, %max3A_1179 : vector<16xf32>
    %select_n3A_1183 = arith.select %ge3A_1182, %broadcast_in_dim3A_11, %select_n3A_1140 : vector<16xi1>, vector<16xf32>
    %ge3A_1184 = arith.cmpf oge, %select_n3A_1142, %max3A_1179 : vector<16xf32>
    %select_n3A_1185 = arith.select %ge3A_1184, %broadcast_in_dim3A_11, %select_n3A_1142 : vector<16xi1>, vector<16xf32>
    %ge3A_1186 = arith.cmpf oge, %select_n3A_1144, %max3A_1179 : vector<16xf32>
    %select_n3A_1187 = arith.select %ge3A_1186, %broadcast_in_dim3A_11, %select_n3A_1144 : vector<16xi1>, vector<16xf32>
    %max3A_1188 = arith.maximumf %select_n3A_1181, %select_n3A_1183 : vector<16xf32>
    %max3A_1189 = arith.maximumf %max3A_1188, %select_n3A_1185 : vector<16xf32>
    %max3A_1190 = arith.maximumf %max3A_1189, %select_n3A_1187 : vector<16xf32>
    %iota3A_1191 = tpu.iota {dimensions = array<i32: 0>} : vector<16xi32>
    %xor3A_1192 = arith.constant 8 : i32
    %xor3A_1193 = vector.broadcast %xor3A_1192 : i32 to vector<16xi32>
    %xor3A_1194 = arith.xori %iota3A_1191, %xor3A_1193 : vector<16xi32>
    %broadcast_in_dim3A_1195 = vector.shape_cast %xor3A_1194 : vector<16xi32> to vector<16x1xi32>
    %gather3A_1196 = vector.shape_cast %broadcast_in_dim3A_1195 : vector<16x1xi32> to vector<16xi32>
    %gather3A_1197 = tpu.dynamic_gather %max3A_1190[%gather3A_1196] in [0] : vector<16xf32>, vector<16xi32> -> vector<16xf32>
    %max3A_1198 = arith.maximumf %max3A_1190, %gather3A_1197 : vector<16xf32>
    %iota3A_1199 = tpu.iota {dimensions = array<i32: 0>} : vector<16xi32>
    %xor3A_1200 = arith.constant 4 : i32
    %xor3A_1201 = vector.broadcast %xor3A_1200 : i32 to vector<16xi32>
    %xor3A_1202 = arith.xori %iota3A_1199, %xor3A_1201 : vector<16xi32>
    %broadcast_in_dim3A_1203 = vector.shape_cast %xor3A_1202 : vector<16xi32> to vector<16x1xi32>
    %gather3A_1204 = vector.shape_cast %broadcast_in_dim3A_1203 : vector<16x1xi32> to vector<16xi32>
    %gather3A_1205 = tpu.dynamic_gather %max3A_1198[%gather3A_1204] in [0] : vector<16xf32>, vector<16xi32> -> vector<16xf32>
    %max3A_1206 = arith.maximumf %max3A_1198, %gather3A_1205 : vector<16xf32>
    %iota3A_1207 = tpu.iota {dimensions = array<i32: 0>} : vector<16xi32>
    %xor3A_1208 = arith.constant 2 : i32
    %xor3A_1209 = vector.broadcast %xor3A_1208 : i32 to vector<16xi32>
    %xor3A_1210 = arith.xori %iota3A_1207, %xor3A_1209 : vector<16xi32>
    %broadcast_in_dim3A_1211 = vector.shape_cast %xor3A_1210 : vector<16xi32> to vector<16x1xi32>
    %gather3A_1212 = vector.shape_cast %broadcast_in_dim3A_1211 : vector<16x1xi32> to vector<16xi32>
    %gather3A_1213 = tpu.dynamic_gather %max3A_1206[%gather3A_1212] in [0] : vector<16xf32>, vector<16xi32> -> vector<16xf32>
    %max3A_1214 = arith.maximumf %max3A_1206, %gather3A_1213 : vector<16xf32>
    %iota3A_1215 = tpu.iota {dimensions = array<i32: 0>} : vector<16xi32>
    %xor3A_1216 = arith.constant 1 : i32
    %xor3A_1217 = vector.broadcast %xor3A_1216 : i32 to vector<16xi32>
    %xor3A_1218 = arith.xori %iota3A_1215, %xor3A_1217 : vector<16xi32>
    %broadcast_in_dim3A_1219 = vector.shape_cast %xor3A_1218 : vector<16xi32> to vector<16x1xi32>
    %gather3A_1220 = vector.shape_cast %broadcast_in_dim3A_1219 : vector<16x1xi32> to vector<16xi32>
    %gather3A_1221 = tpu.dynamic_gather %max3A_1214[%gather3A_1220] in [0] : vector<16xf32>, vector<16xi32> -> vector<16xf32>
    %max3A_1222 = arith.maximumf %max3A_1214, %gather3A_1221 : vector<16xf32>
    %ge3A_1223 = arith.cmpf oge, %select_n3A_1181, %max3A_1222 : vector<16xf32>
    %select_n3A_1224 = arith.select %ge3A_1223, %broadcast_in_dim3A_11, %select_n3A_1181 : vector<16xi1>, vector<16xf32>
    %ge3A_1225 = arith.cmpf oge, %select_n3A_1183, %max3A_1222 : vector<16xf32>
    %select_n3A_1226 = arith.select %ge3A_1225, %broadcast_in_dim3A_11, %select_n3A_1183 : vector<16xi1>, vector<16xf32>
    %ge3A_1227 = arith.cmpf oge, %select_n3A_1185, %max3A_1222 : vector<16xf32>
    %select_n3A_1228 = arith.select %ge3A_1227, %broadcast_in_dim3A_11, %select_n3A_1185 : vector<16xi1>, vector<16xf32>
    %ge3A_1229 = arith.cmpf oge, %select_n3A_1187, %max3A_1222 : vector<16xf32>
    %select_n3A_1230 = arith.select %ge3A_1229, %broadcast_in_dim3A_11, %select_n3A_1187 : vector<16xi1>, vector<16xf32>
    %max3A_1231 = arith.maximumf %select_n3A_1224, %select_n3A_1226 : vector<16xf32>
    %max3A_1232 = arith.maximumf %max3A_1231, %select_n3A_1228 : vector<16xf32>
    %max3A_1233 = arith.maximumf %max3A_1232, %select_n3A_1230 : vector<16xf32>
    %iota3A_1234 = tpu.iota {dimensions = array<i32: 0>} : vector<16xi32>
    %xor3A_1235 = arith.constant 8 : i32
    %xor3A_1236 = vector.broadcast %xor3A_1235 : i32 to vector<16xi32>
    %xor3A_1237 = arith.xori %iota3A_1234, %xor3A_1236 : vector<16xi32>
    %broadcast_in_dim3A_1238 = vector.shape_cast %xor3A_1237 : vector<16xi32> to vector<16x1xi32>
    %gather3A_1239 = vector.shape_cast %broadcast_in_dim3A_1238 : vector<16x1xi32> to vector<16xi32>
    %gather3A_1240 = tpu.dynamic_gather %max3A_1233[%gather3A_1239] in [0] : vector<16xf32>, vector<16xi32> -> vector<16xf32>
    %max3A_1241 = arith.maximumf %max3A_1233, %gather3A_1240 : vector<16xf32>
    %iota3A_1242 = tpu.iota {dimensions = array<i32: 0>} : vector<16xi32>
    %xor3A_1243 = arith.constant 4 : i32
    %xor3A_1244 = vector.broadcast %xor3A_1243 : i32 to vector<16xi32>
    %xor3A_1245 = arith.xori %iota3A_1242, %xor3A_1244 : vector<16xi32>
    %broadcast_in_dim3A_1246 = vector.shape_cast %xor3A_1245 : vector<16xi32> to vector<16x1xi32>
    %gather3A_1247 = vector.shape_cast %broadcast_in_dim3A_1246 : vector<16x1xi32> to vector<16xi32>
    %gather3A_1248 = tpu.dynamic_gather %max3A_1241[%gather3A_1247] in [0] : vector<16xf32>, vector<16xi32> -> vector<16xf32>
    %max3A_1249 = arith.maximumf %max3A_1241, %gather3A_1248 : vector<16xf32>
    %iota3A_1250 = tpu.iota {dimensions = array<i32: 0>} : vector<16xi32>
    %xor3A_1251 = arith.constant 2 : i32
    %xor3A_1252 = vector.broadcast %xor3A_1251 : i32 to vector<16xi32>
    %xor3A_1253 = arith.xori %iota3A_1250, %xor3A_1252 : vector<16xi32>
    %broadcast_in_dim3A_1254 = vector.shape_cast %xor3A_1253 : vector<16xi32> to vector<16x1xi32>
    %gather3A_1255 = vector.shape_cast %broadcast_in_dim3A_1254 : vector<16x1xi32> to vector<16xi32>
    %gather3A_1256 = tpu.dynamic_gather %max3A_1249[%gather3A_1255] in [0] : vector<16xf32>, vector<16xi32> -> vector<16xf32>
    %max3A_1257 = arith.maximumf %max3A_1249, %gather3A_1256 : vector<16xf32>
    %iota3A_1258 = tpu.iota {dimensions = array<i32: 0>} : vector<16xi32>
    %xor3A_1259 = arith.constant 1 : i32
    %xor3A_1260 = vector.broadcast %xor3A_1259 : i32 to vector<16xi32>
    %xor3A_1261 = arith.xori %iota3A_1258, %xor3A_1260 : vector<16xi32>
    %broadcast_in_dim3A_1262 = vector.shape_cast %xor3A_1261 : vector<16xi32> to vector<16x1xi32>
    %gather3A_1263 = vector.shape_cast %broadcast_in_dim3A_1262 : vector<16x1xi32> to vector<16xi32>
    %gather3A_1264 = tpu.dynamic_gather %max3A_1257[%gather3A_1263] in [0] : vector<16xf32>, vector<16xi32> -> vector<16xf32>
    %max3A_1265 = arith.maximumf %max3A_1257, %gather3A_1264 : vector<16xf32>
    %ge3A_1266 = arith.cmpf oge, %select_n3A_1224, %max3A_1265 : vector<16xf32>
    %select_n3A_1267 = arith.select %ge3A_1266, %broadcast_in_dim3A_11, %select_n3A_1224 : vector<16xi1>, vector<16xf32>
    %ge3A_1268 = arith.cmpf oge, %select_n3A_1226, %max3A_1265 : vector<16xf32>
    %select_n3A_1269 = arith.select %ge3A_1268, %broadcast_in_dim3A_11, %select_n3A_1226 : vector<16xi1>, vector<16xf32>
    %ge3A_1270 = arith.cmpf oge, %select_n3A_1228, %max3A_1265 : vector<16xf32>
    %select_n3A_1271 = arith.select %ge3A_1270, %broadcast_in_dim3A_11, %select_n3A_1228 : vector<16xi1>, vector<16xf32>
    %ge3A_1272 = arith.cmpf oge, %select_n3A_1230, %max3A_1265 : vector<16xf32>
    %select_n3A_1273 = arith.select %ge3A_1272, %broadcast_in_dim3A_11, %select_n3A_1230 : vector<16xi1>, vector<16xf32>
    %ge3A_1274 = arith.cmpf oge, %get3A_914, %max3A_1265 : vector<16xf32>
    %sub3A_1275 = arith.subf %get3A_914, %max3A_964 : vector<16xf32>
    %exp3A_1276 = math.exp %sub3A_1275 : vector<16xf32>
    %jit3A_1277 = arith.constant 0.000000e+00 : f32
    %broadcast_in_dim3A_1278 = vector.broadcast %jit3A_1277 : f32 to vector<16xf32>
    %select_n3A_1279 = arith.select %ge3A_1274, %exp3A_1276, %broadcast_in_dim3A_1278 : vector<16xi1>, vector<16xf32>
    %ge3A_1280 = arith.cmpf oge, %get3A_919, %max3A_1265 : vector<16xf32>
    %sub3A_1281 = arith.subf %get3A_919, %max3A_964 : vector<16xf32>
    %exp3A_1282 = math.exp %sub3A_1281 : vector<16xf32>
    %jit3A_1283 = arith.constant 0.000000e+00 : f32
    %broadcast_in_dim3A_1284 = vector.broadcast %jit3A_1283 : f32 to vector<16xf32>
    %select_n3A_1285 = arith.select %ge3A_1280, %exp3A_1282, %broadcast_in_dim3A_1284 : vector<16xi1>, vector<16xf32>
    %ge3A_1286 = arith.cmpf oge, %get3A_924, %max3A_1265 : vector<16xf32>
    %sub3A_1287 = arith.subf %get3A_924, %max3A_964 : vector<16xf32>
    %exp3A_1288 = math.exp %sub3A_1287 : vector<16xf32>
    %jit3A_1289 = arith.constant 0.000000e+00 : f32
    %broadcast_in_dim3A_1290 = vector.broadcast %jit3A_1289 : f32 to vector<16xf32>
    %select_n3A_1291 = arith.select %ge3A_1286, %exp3A_1288, %broadcast_in_dim3A_1290 : vector<16xi1>, vector<16xf32>
    %ge3A_1292 = arith.cmpf oge, %get3A_929, %max3A_1265 : vector<16xf32>
    %sub3A_1293 = arith.subf %get3A_929, %max3A_964 : vector<16xf32>
    %exp3A_1294 = math.exp %sub3A_1293 : vector<16xf32>
    %jit3A_1295 = arith.constant 0.000000e+00 : f32
    %broadcast_in_dim3A_1296 = vector.broadcast %jit3A_1295 : f32 to vector<16xf32>
    %select_n3A_1297 = arith.select %ge3A_1292, %exp3A_1294, %broadcast_in_dim3A_1296 : vector<16xi1>, vector<16xf32>
    %add3A_1298 = arith.addf %select_n3A_1279, %select_n3A_1285 : vector<16xf32>
    %add3A_1299 = arith.addf %add3A_1298, %select_n3A_1291 : vector<16xf32>
    %add3A_1300 = arith.addf %add3A_1299, %select_n3A_1297 : vector<16xf32>
    %iota3A_1301 = tpu.iota {dimensions = array<i32: 0>} : vector<16xi32>
    %xor3A_1302 = arith.constant 8 : i32
    %xor3A_1303 = vector.broadcast %xor3A_1302 : i32 to vector<16xi32>
    %xor3A_1304 = arith.xori %iota3A_1301, %xor3A_1303 : vector<16xi32>
    %broadcast_in_dim3A_1305 = vector.shape_cast %xor3A_1304 : vector<16xi32> to vector<16x1xi32>
    %gather3A_1306 = vector.shape_cast %broadcast_in_dim3A_1305 : vector<16x1xi32> to vector<16xi32>
    %gather3A_1307 = tpu.dynamic_gather %add3A_1300[%gather3A_1306] in [0] : vector<16xf32>, vector<16xi32> -> vector<16xf32>
    %add3A_1308 = arith.addf %add3A_1300, %gather3A_1307 : vector<16xf32>
    %iota3A_1309 = tpu.iota {dimensions = array<i32: 0>} : vector<16xi32>
    %xor3A_1310 = arith.constant 4 : i32
    %xor3A_1311 = vector.broadcast %xor3A_1310 : i32 to vector<16xi32>
    %xor3A_1312 = arith.xori %iota3A_1309, %xor3A_1311 : vector<16xi32>
    %broadcast_in_dim3A_1313 = vector.shape_cast %xor3A_1312 : vector<16xi32> to vector<16x1xi32>
    %gather3A_1314 = vector.shape_cast %broadcast_in_dim3A_1313 : vector<16x1xi32> to vector<16xi32>
    %gather3A_1315 = tpu.dynamic_gather %add3A_1308[%gather3A_1314] in [0] : vector<16xf32>, vector<16xi32> -> vector<16xf32>
    %add3A_1316 = arith.addf %add3A_1308, %gather3A_1315 : vector<16xf32>
    %iota3A_1317 = tpu.iota {dimensions = array<i32: 0>} : vector<16xi32>
    %xor3A_1318 = arith.constant 2 : i32
    %xor3A_1319 = vector.broadcast %xor3A_1318 : i32 to vector<16xi32>
    %xor3A_1320 = arith.xori %iota3A_1317, %xor3A_1319 : vector<16xi32>
    %broadcast_in_dim3A_1321 = vector.shape_cast %xor3A_1320 : vector<16xi32> to vector<16x1xi32>
    %gather3A_1322 = vector.shape_cast %broadcast_in_dim3A_1321 : vector<16x1xi32> to vector<16xi32>
    %gather3A_1323 = tpu.dynamic_gather %add3A_1316[%gather3A_1322] in [0] : vector<16xf32>, vector<16xi32> -> vector<16xf32>
    %add3A_1324 = arith.addf %add3A_1316, %gather3A_1323 : vector<16xf32>
    %iota3A_1325 = tpu.iota {dimensions = array<i32: 0>} : vector<16xi32>
    %xor3A_1326 = arith.constant 1 : i32
    %xor3A_1327 = vector.broadcast %xor3A_1326 : i32 to vector<16xi32>
    %xor3A_1328 = arith.xori %iota3A_1325, %xor3A_1327 : vector<16xi32>
    %broadcast_in_dim3A_1329 = vector.shape_cast %xor3A_1328 : vector<16xi32> to vector<16x1xi32>
    %gather3A_1330 = vector.shape_cast %broadcast_in_dim3A_1329 : vector<16x1xi32> to vector<16xi32>
    %gather3A_1331 = tpu.dynamic_gather %add3A_1324[%gather3A_1330] in [0] : vector<16xf32>, vector<16xi32> -> vector<16xf32>
    %add3A_1332 = arith.addf %add3A_1324, %gather3A_1331 : vector<16xf32>
    %div3A_1333 = arith.divf %select_n3A_1279, %add3A_1332 : vector<16xf32>
    %swap3A_1334 = arith.constant 2 : i32
    %swap3A_1335 = arith.index_cast %swap3A_1334 : i32 to index
    %swap3A_1336 = arith.constant 0 : index
    %swap3A_1337 = tpu.vector_load %arg6[%swap3A_1335, %swap3A_1336] {strides = array<i32>} : memref<4x64xf32, #tpu.memory_space<vmem>>, vector<1x16xf32>,
    %swap3A_1338 = vector.shape_cast %swap3A_1337 : vector<1x16xf32> to vector<16xf32>
    %swap3A_1339 = vector.shape_cast %div3A_1333 : vector<16xf32> to vector<1x16xf32>
    tpu.vector_store %arg6[%swap3A_1335, %swap3A_1336], %swap3A_1339 {strides = array<i32>} : memref<4x64xf32, #tpu.memory_space<vmem>>, vector<1x16xf32>,
    %add3A_1340 = arith.addf %add3A_885, %div3A_1333 : vector<16xf32>
    %div3A_1341 = arith.divf %select_n3A_1285, %add3A_1332 : vector<16xf32>
    %swap3A_1342 = arith.constant 2 : i32
    %swap3A_1343 = arith.index_cast %swap3A_1342 : i32 to index
    %swap3A_1344 = arith.constant 16 : index
    %swap3A_1345 = tpu.vector_load %arg6[%swap3A_1343, %swap3A_1344] {strides = array<i32>} : memref<4x64xf32, #tpu.memory_space<vmem>>, vector<1x16xf32>,
    %swap3A_1346 = vector.shape_cast %swap3A_1345 : vector<1x16xf32> to vector<16xf32>
    %swap3A_1347 = vector.shape_cast %div3A_1341 : vector<16xf32> to vector<1x16xf32>
    tpu.vector_store %arg6[%swap3A_1343, %swap3A_1344], %swap3A_1347 {strides = array<i32>} : memref<4x64xf32, #tpu.memory_space<vmem>>, vector<1x16xf32>,
    %add3A_1348 = arith.addf %add3A_893, %div3A_1341 : vector<16xf32>
    %div3A_1349 = arith.divf %select_n3A_1291, %add3A_1332 : vector<16xf32>
    %swap3A_1350 = arith.constant 2 : i32
    %swap3A_1351 = arith.index_cast %swap3A_1350 : i32 to index
    %swap3A_1352 = arith.constant 32 : index
    %swap3A_1353 = tpu.vector_load %arg6[%swap3A_1351, %swap3A_1352] {strides = array<i32>} : memref<4x64xf32, #tpu.memory_space<vmem>>, vector<1x16xf32>,
    %swap3A_1354 = vector.shape_cast %swap3A_1353 : vector<1x16xf32> to vector<16xf32>
    %swap3A_1355 = vector.shape_cast %div3A_1349 : vector<16xf32> to vector<1x16xf32>
    tpu.vector_store %arg6[%swap3A_1351, %swap3A_1352], %swap3A_1355 {strides = array<i32>} : memref<4x64xf32, #tpu.memory_space<vmem>>, vector<1x16xf32>,
    %add3A_1356 = arith.addf %add3A_901, %div3A_1349 : vector<16xf32>
    %div3A_1357 = arith.divf %select_n3A_1297, %add3A_1332 : vector<16xf32>
    %swap3A_1358 = arith.constant 2 : i32
    %swap3A_1359 = arith.index_cast %swap3A_1358 : i32 to index
    %swap3A_1360 = arith.constant 48 : index
    %swap3A_1361 = tpu.vector_load %arg6[%swap3A_1359, %swap3A_1360] {strides = array<i32>} : memref<4x64xf32, #tpu.memory_space<vmem>>, vector<1x16xf32>,
    %swap3A_1362 = vector.shape_cast %swap3A_1361 : vector<1x16xf32> to vector<16xf32>
    %swap3A_1363 = vector.shape_cast %div3A_1357 : vector<16xf32> to vector<1x16xf32>
    tpu.vector_store %arg6[%swap3A_1359, %swap3A_1360], %swap3A_1363 {strides = array<i32>} : memref<4x64xf32, #tpu.memory_space<vmem>>, vector<1x16xf32>,
    %add3A_1364 = arith.addf %add3A_909, %div3A_1357 : vector<16xf32>
    %get3A_1365 = arith.constant 3 : i32
    %get3A_1366 = arith.index_cast %get3A_1365 : i32 to index
    %get3A_1367 = arith.constant 0 : index
    %get3A_1368 = tpu.vector_load %arg5[%get3A_1366, %get3A_1367] {strides = array<i32>} : memref<4x64xf32, #tpu.memory_space<vmem>>, vector<1x16xf32>,
    %get3A_1369 = vector.shape_cast %get3A_1368 : vector<1x16xf32> to vector<16xf32>
    %get3A_1370 = arith.constant 3 : i32
    %get3A_1371 = arith.index_cast %get3A_1370 : i32 to index
    %get3A_1372 = arith.constant 16 : index
    %get3A_1373 = tpu.vector_load %arg5[%get3A_1371, %get3A_1372] {strides = array<i32>} : memref<4x64xf32, #tpu.memory_space<vmem>>, vector<1x16xf32>,
    %get3A_1374 = vector.shape_cast %get3A_1373 : vector<1x16xf32> to vector<16xf32>
    %get3A_1375 = arith.constant 3 : i32
    %get3A_1376 = arith.index_cast %get3A_1375 : i32 to index
    %get3A_1377 = arith.constant 32 : index
    %get3A_1378 = tpu.vector_load %arg5[%get3A_1376, %get3A_1377] {strides = array<i32>} : memref<4x64xf32, #tpu.memory_space<vmem>>, vector<1x16xf32>,
    %get3A_1379 = vector.shape_cast %get3A_1378 : vector<1x16xf32> to vector<16xf32>
    %get3A_1380 = arith.constant 3 : i32
    %get3A_1381 = arith.index_cast %get3A_1380 : i32 to index
    %get3A_1382 = arith.constant 48 : index
    %get3A_1383 = tpu.vector_load %arg5[%get3A_1381, %get3A_1382] {strides = array<i32>} : memref<4x64xf32, #tpu.memory_space<vmem>>, vector<1x16xf32>,
    %get3A_1384 = vector.shape_cast %get3A_1383 : vector<1x16xf32> to vector<16xf32>
    %max3A_1385 = arith.maximumf %get3A_1369, %get3A_1374 : vector<16xf32>
    %max3A_1386 = arith.maximumf %max3A_1385, %get3A_1379 : vector<16xf32>
    %max3A_1387 = arith.maximumf %max3A_1386, %get3A_1384 : vector<16xf32>
    %iota3A_1388 = tpu.iota {dimensions = array<i32: 0>} : vector<16xi32>
    %xor3A_1389 = arith.constant 8 : i32
    %xor3A_1390 = vector.broadcast %xor3A_1389 : i32 to vector<16xi32>
    %xor3A_1391 = arith.xori %iota3A_1388, %xor3A_1390 : vector<16xi32>
    %broadcast_in_dim3A_1392 = vector.shape_cast %xor3A_1391 : vector<16xi32> to vector<16x1xi32>
    %gather3A_1393 = vector.shape_cast %broadcast_in_dim3A_1392 : vector<16x1xi32> to vector<16xi32>
    %gather3A_1394 = tpu.dynamic_gather %max3A_1387[%gather3A_1393] in [0] : vector<16xf32>, vector<16xi32> -> vector<16xf32>
    %max3A_1395 = arith.maximumf %max3A_1387, %gather3A_1394 : vector<16xf32>
    %iota3A_1396 = tpu.iota {dimensions = array<i32: 0>} : vector<16xi32>
    %xor3A_1397 = arith.constant 4 : i32
    %xor3A_1398 = vector.broadcast %xor3A_1397 : i32 to vector<16xi32>
    %xor3A_1399 = arith.xori %iota3A_1396, %xor3A_1398 : vector<16xi32>
    %broadcast_in_dim3A_1400 = vector.shape_cast %xor3A_1399 : vector<16xi32> to vector<16x1xi32>
    %gather3A_1401 = vector.shape_cast %broadcast_in_dim3A_1400 : vector<16x1xi32> to vector<16xi32>
    %gather3A_1402 = tpu.dynamic_gather %max3A_1395[%gather3A_1401] in [0] : vector<16xf32>, vector<16xi32> -> vector<16xf32>
    %max3A_1403 = arith.maximumf %max3A_1395, %gather3A_1402 : vector<16xf32>
    %iota3A_1404 = tpu.iota {dimensions = array<i32: 0>} : vector<16xi32>
    %xor3A_1405 = arith.constant 2 : i32
    %xor3A_1406 = vector.broadcast %xor3A_1405 : i32 to vector<16xi32>
    %xor3A_1407 = arith.xori %iota3A_1404, %xor3A_1406 : vector<16xi32>
    %broadcast_in_dim3A_1408 = vector.shape_cast %xor3A_1407 : vector<16xi32> to vector<16x1xi32>
    %gather3A_1409 = vector.shape_cast %broadcast_in_dim3A_1408 : vector<16x1xi32> to vector<16xi32>
    %gather3A_1410 = tpu.dynamic_gather %max3A_1403[%gather3A_1409] in [0] : vector<16xf32>, vector<16xi32> -> vector<16xf32>
    %max3A_1411 = arith.maximumf %max3A_1403, %gather3A_1410 : vector<16xf32>
    %iota3A_1412 = tpu.iota {dimensions = array<i32: 0>} : vector<16xi32>
    %xor3A_1413 = arith.constant 1 : i32
    %xor3A_1414 = vector.broadcast %xor3A_1413 : i32 to vector<16xi32>
    %xor3A_1415 = arith.xori %iota3A_1412, %xor3A_1414 : vector<16xi32>
    %broadcast_in_dim3A_1416 = vector.shape_cast %xor3A_1415 : vector<16xi32> to vector<16x1xi32>
    %gather3A_1417 = vector.shape_cast %broadcast_in_dim3A_1416 : vector<16x1xi32> to vector<16xi32>
    %gather3A_1418 = tpu.dynamic_gather %max3A_1411[%gather3A_1417] in [0] : vector<16xf32>, vector<16xi32> -> vector<16xf32>
    %max3A_1419 = arith.maximumf %max3A_1411, %gather3A_1418 : vector<16xf32>
    %ge3A_1420 = arith.cmpf oge, %get3A_1369, %max3A_1419 : vector<16xf32>
    %select_n3A_1421 = arith.select %ge3A_1420, %broadcast_in_dim3A_11, %get3A_1369 : vector<16xi1>, vector<16xf32>
    %ge3A_1422 = arith.cmpf oge, %get3A_1374, %max3A_1419 : vector<16xf32>
    %select_n3A_1423 = arith.select %ge3A_1422, %broadcast_in_dim3A_11, %get3A_1374 : vector<16xi1>, vector<16xf32>
    %ge3A_1424 = arith.cmpf oge, %get3A_1379, %max3A_1419 : vector<16xf32>
    %select_n3A_1425 = arith.select %ge3A_1424, %broadcast_in_dim3A_11, %get3A_1379 : vector<16xi1>, vector<16xf32>
    %ge3A_1426 = arith.cmpf oge, %get3A_1384, %max3A_1419 : vector<16xf32>
    %select_n3A_1427 = arith.select %ge3A_1426, %broadcast_in_dim3A_11, %get3A_1384 : vector<16xi1>, vector<16xf32>
    %max3A_1428 = arith.maximumf %select_n3A_1421, %select_n3A_1423 : vector<16xf32>
    %max3A_1429 = arith.maximumf %max3A_1428, %select_n3A_1425 : vector<16xf32>
    %max3A_1430 = arith.maximumf %max3A_1429, %select_n3A_1427 : vector<16xf32>
    %iota3A_1431 = tpu.iota {dimensions = array<i32: 0>} : vector<16xi32>
    %xor3A_1432 = arith.constant 8 : i32
    %xor3A_1433 = vector.broadcast %xor3A_1432 : i32 to vector<16xi32>
    %xor3A_1434 = arith.xori %iota3A_1431, %xor3A_1433 : vector<16xi32>
    %broadcast_in_dim3A_1435 = vector.shape_cast %xor3A_1434 : vector<16xi32> to vector<16x1xi32>
    %gather3A_1436 = vector.shape_cast %broadcast_in_dim3A_1435 : vector<16x1xi32> to vector<16xi32>
    %gather3A_1437 = tpu.dynamic_gather %max3A_1430[%gather3A_1436] in [0] : vector<16xf32>, vector<16xi32> -> vector<16xf32>
    %max3A_1438 = arith.maximumf %max3A_1430, %gather3A_1437 : vector<16xf32>
    %iota3A_1439 = tpu.iota {dimensions = array<i32: 0>} : vector<16xi32>
    %xor3A_1440 = arith.constant 4 : i32
    %xor3A_1441 = vector.broadcast %xor3A_1440 : i32 to vector<16xi32>
    %xor3A_1442 = arith.xori %iota3A_1439, %xor3A_1441 : vector<16xi32>
    %broadcast_in_dim3A_1443 = vector.shape_cast %xor3A_1442 : vector<16xi32> to vector<16x1xi32>
    %gather3A_1444 = vector.shape_cast %broadcast_in_dim3A_1443 : vector<16x1xi32> to vector<16xi32>
    %gather3A_1445 = tpu.dynamic_gather %max3A_1438[%gather3A_1444] in [0] : vector<16xf32>, vector<16xi32> -> vector<16xf32>
    %max3A_1446 = arith.maximumf %max3A_1438, %gather3A_1445 : vector<16xf32>
    %iota3A_1447 = tpu.iota {dimensions = array<i32: 0>} : vector<16xi32>
    %xor3A_1448 = arith.constant 2 : i32
    %xor3A_1449 = vector.broadcast %xor3A_1448 : i32 to vector<16xi32>
    %xor3A_1450 = arith.xori %iota3A_1447, %xor3A_1449 : vector<16xi32>
    %broadcast_in_dim3A_1451 = vector.shape_cast %xor3A_1450 : vector<16xi32> to vector<16x1xi32>
    %gather3A_1452 = vector.shape_cast %broadcast_in_dim3A_1451 : vector<16x1xi32> to vector<16xi32>
    %gather3A_1453 = tpu.dynamic_gather %max3A_1446[%gather3A_1452] in [0] : vector<16xf32>, vector<16xi32> -> vector<16xf32>
    %max3A_1454 = arith.maximumf %max3A_1446, %gather3A_1453 : vector<16xf32>
    %iota3A_1455 = tpu.iota {dimensions = array<i32: 0>} : vector<16xi32>
    %xor3A_1456 = arith.constant 1 : i32
    %xor3A_1457 = vector.broadcast %xor3A_1456 : i32 to vector<16xi32>
    %xor3A_1458 = arith.xori %iota3A_1455, %xor3A_1457 : vector<16xi32>
    %broadcast_in_dim3A_1459 = vector.shape_cast %xor3A_1458 : vector<16xi32> to vector<16x1xi32>
    %gather3A_1460 = vector.shape_cast %broadcast_in_dim3A_1459 : vector<16x1xi32> to vector<16xi32>
    %gather3A_1461 = tpu.dynamic_gather %max3A_1454[%gather3A_1460] in [0] : vector<16xf32>, vector<16xi32> -> vector<16xf32>
    %max3A_1462 = arith.maximumf %max3A_1454, %gather3A_1461 : vector<16xf32>
    %ge3A_1463 = arith.cmpf oge, %select_n3A_1421, %max3A_1462 : vector<16xf32>
    %select_n3A_1464 = arith.select %ge3A_1463, %broadcast_in_dim3A_11, %select_n3A_1421 : vector<16xi1>, vector<16xf32>
    %ge3A_1465 = arith.cmpf oge, %select_n3A_1423, %max3A_1462 : vector<16xf32>
    %select_n3A_1466 = arith.select %ge3A_1465, %broadcast_in_dim3A_11, %select_n3A_1423 : vector<16xi1>, vector<16xf32>
    %ge3A_1467 = arith.cmpf oge, %select_n3A_1425, %max3A_1462 : vector<16xf32>
    %select_n3A_1468 = arith.select %ge3A_1467, %broadcast_in_dim3A_11, %select_n3A_1425 : vector<16xi1>, vector<16xf32>
    %ge3A_1469 = arith.cmpf oge, %select_n3A_1427, %max3A_1462 : vector<16xf32>
    %select_n3A_1470 = arith.select %ge3A_1469, %broadcast_in_dim3A_11, %select_n3A_1427 : vector<16xi1>, vector<16xf32>
    %max3A_1471 = arith.maximumf %select_n3A_1464, %select_n3A_1466 : vector<16xf32>
    %max3A_1472 = arith.maximumf %max3A_1471, %select_n3A_1468 : vector<16xf32>
    %max3A_1473 = arith.maximumf %max3A_1472, %select_n3A_1470 : vector<16xf32>
    %iota3A_1474 = tpu.iota {dimensions = array<i32: 0>} : vector<16xi32>
    %xor3A_1475 = arith.constant 8 : i32
    %xor3A_1476 = vector.broadcast %xor3A_1475 : i32 to vector<16xi32>
    %xor3A_1477 = arith.xori %iota3A_1474, %xor3A_1476 : vector<16xi32>
    %broadcast_in_dim3A_1478 = vector.shape_cast %xor3A_1477 : vector<16xi32> to vector<16x1xi32>
    %gather3A_1479 = vector.shape_cast %broadcast_in_dim3A_1478 : vector<16x1xi32> to vector<16xi32>
    %gather3A_1480 = tpu.dynamic_gather %max3A_1473[%gather3A_1479] in [0] : vector<16xf32>, vector<16xi32> -> vector<16xf32>
    %max3A_1481 = arith.maximumf %max3A_1473, %gather3A_1480 : vector<16xf32>
    %iota3A_1482 = tpu.iota {dimensions = array<i32: 0>} : vector<16xi32>
    %xor3A_1483 = arith.constant 4 : i32
    %xor3A_1484 = vector.broadcast %xor3A_1483 : i32 to vector<16xi32>
    %xor3A_1485 = arith.xori %iota3A_1482, %xor3A_1484 : vector<16xi32>
    %broadcast_in_dim3A_1486 = vector.shape_cast %xor3A_1485 : vector<16xi32> to vector<16x1xi32>
    %gather3A_1487 = vector.shape_cast %broadcast_in_dim3A_1486 : vector<16x1xi32> to vector<16xi32>
    %gather3A_1488 = tpu.dynamic_gather %max3A_1481[%gather3A_1487] in [0] : vector<16xf32>, vector<16xi32> -> vector<16xf32>
    %max3A_1489 = arith.maximumf %max3A_1481, %gather3A_1488 : vector<16xf32>
    %iota3A_1490 = tpu.iota {dimensions = array<i32: 0>} : vector<16xi32>
    %xor3A_1491 = arith.constant 2 : i32
    %xor3A_1492 = vector.broadcast %xor3A_1491 : i32 to vector<16xi32>
    %xor3A_1493 = arith.xori %iota3A_1490, %xor3A_1492 : vector<16xi32>
    %broadcast_in_dim3A_1494 = vector.shape_cast %xor3A_1493 : vector<16xi32> to vector<16x1xi32>
    %gather3A_1495 = vector.shape_cast %broadcast_in_dim3A_1494 : vector<16x1xi32> to vector<16xi32>
    %gather3A_1496 = tpu.dynamic_gather %max3A_1489[%gather3A_1495] in [0] : vector<16xf32>, vector<16xi32> -> vector<16xf32>
    %max3A_1497 = arith.maximumf %max3A_1489, %gather3A_1496 : vector<16xf32>
    %iota3A_1498 = tpu.iota {dimensions = array<i32: 0>} : vector<16xi32>
    %xor3A_1499 = arith.constant 1 : i32
    %xor3A_1500 = vector.broadcast %xor3A_1499 : i32 to vector<16xi32>
    %xor3A_1501 = arith.xori %iota3A_1498, %xor3A_1500 : vector<16xi32>
    %broadcast_in_dim3A_1502 = vector.shape_cast %xor3A_1501 : vector<16xi32> to vector<16x1xi32>
    %gather3A_1503 = vector.shape_cast %broadcast_in_dim3A_1502 : vector<16x1xi32> to vector<16xi32>
    %gather3A_1504 = tpu.dynamic_gather %max3A_1497[%gather3A_1503] in [0] : vector<16xf32>, vector<16xi32> -> vector<16xf32>
    %max3A_1505 = arith.maximumf %max3A_1497, %gather3A_1504 : vector<16xf32>
    %ge3A_1506 = arith.cmpf oge, %select_n3A_1464, %max3A_1505 : vector<16xf32>
    %select_n3A_1507 = arith.select %ge3A_1506, %broadcast_in_dim3A_11, %select_n3A_1464 : vector<16xi1>, vector<16xf32>
    %ge3A_1508 = arith.cmpf oge, %select_n3A_1466, %max3A_1505 : vector<16xf32>
    %select_n3A_1509 = arith.select %ge3A_1508, %broadcast_in_dim3A_11, %select_n3A_1466 : vector<16xi1>, vector<16xf32>
    %ge3A_1510 = arith.cmpf oge, %select_n3A_1468, %max3A_1505 : vector<16xf32>
    %select_n3A_1511 = arith.select %ge3A_1510, %broadcast_in_dim3A_11, %select_n3A_1468 : vector<16xi1>, vector<16xf32>
    %ge3A_1512 = arith.cmpf oge, %select_n3A_1470, %max3A_1505 : vector<16xf32>
    %select_n3A_1513 = arith.select %ge3A_1512, %broadcast_in_dim3A_11, %select_n3A_1470 : vector<16xi1>, vector<16xf32>
    %max3A_1514 = arith.maximumf %select_n3A_1507, %select_n3A_1509 : vector<16xf32>
    %max3A_1515 = arith.maximumf %max3A_1514, %select_n3A_1511 : vector<16xf32>
    %max3A_1516 = arith.maximumf %max3A_1515, %select_n3A_1513 : vector<16xf32>
    %iota3A_1517 = tpu.iota {dimensions = array<i32: 0>} : vector<16xi32>
    %xor3A_1518 = arith.constant 8 : i32
    %xor3A_1519 = vector.broadcast %xor3A_1518 : i32 to vector<16xi32>
    %xor3A_1520 = arith.xori %iota3A_1517, %xor3A_1519 : vector<16xi32>
    %broadcast_in_dim3A_1521 = vector.shape_cast %xor3A_1520 : vector<16xi32> to vector<16x1xi32>
    %gather3A_1522 = vector.shape_cast %broadcast_in_dim3A_1521 : vector<16x1xi32> to vector<16xi32>
    %gather3A_1523 = tpu.dynamic_gather %max3A_1516[%gather3A_1522] in [0] : vector<16xf32>, vector<16xi32> -> vector<16xf32>
    %max3A_1524 = arith.maximumf %max3A_1516, %gather3A_1523 : vector<16xf32>
    %iota3A_1525 = tpu.iota {dimensions = array<i32: 0>} : vector<16xi32>
    %xor3A_1526 = arith.constant 4 : i32
    %xor3A_1527 = vector.broadcast %xor3A_1526 : i32 to vector<16xi32>
    %xor3A_1528 = arith.xori %iota3A_1525, %xor3A_1527 : vector<16xi32>
    %broadcast_in_dim3A_1529 = vector.shape_cast %xor3A_1528 : vector<16xi32> to vector<16x1xi32>
    %gather3A_1530 = vector.shape_cast %broadcast_in_dim3A_1529 : vector<16x1xi32> to vector<16xi32>
    %gather3A_1531 = tpu.dynamic_gather %max3A_1524[%gather3A_1530] in [0] : vector<16xf32>, vector<16xi32> -> vector<16xf32>
    %max3A_1532 = arith.maximumf %max3A_1524, %gather3A_1531 : vector<16xf32>
    %iota3A_1533 = tpu.iota {dimensions = array<i32: 0>} : vector<16xi32>
    %xor3A_1534 = arith.constant 2 : i32
    %xor3A_1535 = vector.broadcast %xor3A_1534 : i32 to vector<16xi32>
    %xor3A_1536 = arith.xori %iota3A_1533, %xor3A_1535 : vector<16xi32>
    %broadcast_in_dim3A_1537 = vector.shape_cast %xor3A_1536 : vector<16xi32> to vector<16x1xi32>
    %gather3A_1538 = vector.shape_cast %broadcast_in_dim3A_1537 : vector<16x1xi32> to vector<16xi32>
    %gather3A_1539 = tpu.dynamic_gather %max3A_1532[%gather3A_1538] in [0] : vector<16xf32>, vector<16xi32> -> vector<16xf32>
    %max3A_1540 = arith.maximumf %max3A_1532, %gather3A_1539 : vector<16xf32>
    %iota3A_1541 = tpu.iota {dimensions = array<i32: 0>} : vector<16xi32>
    %xor3A_1542 = arith.constant 1 : i32
    %xor3A_1543 = vector.broadcast %xor3A_1542 : i32 to vector<16xi32>
    %xor3A_1544 = arith.xori %iota3A_1541, %xor3A_1543 : vector<16xi32>
    %broadcast_in_dim3A_1545 = vector.shape_cast %xor3A_1544 : vector<16xi32> to vector<16x1xi32>
    %gather3A_1546 = vector.shape_cast %broadcast_in_dim3A_1545 : vector<16x1xi32> to vector<16xi32>
    %gather3A_1547 = tpu.dynamic_gather %max3A_1540[%gather3A_1546] in [0] : vector<16xf32>, vector<16xi32> -> vector<16xf32>
    %max3A_1548 = arith.maximumf %max3A_1540, %gather3A_1547 : vector<16xf32>
    %ge3A_1549 = arith.cmpf oge, %select_n3A_1507, %max3A_1548 : vector<16xf32>
    %select_n3A_1550 = arith.select %ge3A_1549, %broadcast_in_dim3A_11, %select_n3A_1507 : vector<16xi1>, vector<16xf32>
    %ge3A_1551 = arith.cmpf oge, %select_n3A_1509, %max3A_1548 : vector<16xf32>
    %select_n3A_1552 = arith.select %ge3A_1551, %broadcast_in_dim3A_11, %select_n3A_1509 : vector<16xi1>, vector<16xf32>
    %ge3A_1553 = arith.cmpf oge, %select_n3A_1511, %max3A_1548 : vector<16xf32>
    %select_n3A_1554 = arith.select %ge3A_1553, %broadcast_in_dim3A_11, %select_n3A_1511 : vector<16xi1>, vector<16xf32>
    %ge3A_1555 = arith.cmpf oge, %select_n3A_1513, %max3A_1548 : vector<16xf32>
    %select_n3A_1556 = arith.select %ge3A_1555, %broadcast_in_dim3A_11, %select_n3A_1513 : vector<16xi1>, vector<16xf32>
    %max3A_1557 = arith.maximumf %select_n3A_1550, %select_n3A_1552 : vector<16xf32>
    %max3A_1558 = arith.maximumf %max3A_1557, %select_n3A_1554 : vector<16xf32>
    %max3A_1559 = arith.maximumf %max3A_1558, %select_n3A_1556 : vector<16xf32>
    %iota3A_1560 = tpu.iota {dimensions = array<i32: 0>} : vector<16xi32>
    %xor3A_1561 = arith.constant 8 : i32
    %xor3A_1562 = vector.broadcast %xor3A_1561 : i32 to vector<16xi32>
    %xor3A_1563 = arith.xori %iota3A_1560, %xor3A_1562 : vector<16xi32>
    %broadcast_in_dim3A_1564 = vector.shape_cast %xor3A_1563 : vector<16xi32> to vector<16x1xi32>
    %gather3A_1565 = vector.shape_cast %broadcast_in_dim3A_1564 : vector<16x1xi32> to vector<16xi32>
    %gather3A_1566 = tpu.dynamic_gather %max3A_1559[%gather3A_1565] in [0] : vector<16xf32>, vector<16xi32> -> vector<16xf32>
    %max3A_1567 = arith.maximumf %max3A_1559, %gather3A_1566 : vector<16xf32>
    %iota3A_1568 = tpu.iota {dimensions = array<i32: 0>} : vector<16xi32>
    %xor3A_1569 = arith.constant 4 : i32
    %xor3A_1570 = vector.broadcast %xor3A_1569 : i32 to vector<16xi32>
    %xor3A_1571 = arith.xori %iota3A_1568, %xor3A_1570 : vector<16xi32>
    %broadcast_in_dim3A_1572 = vector.shape_cast %xor3A_1571 : vector<16xi32> to vector<16x1xi32>
    %gather3A_1573 = vector.shape_cast %broadcast_in_dim3A_1572 : vector<16x1xi32> to vector<16xi32>
    %gather3A_1574 = tpu.dynamic_gather %max3A_1567[%gather3A_1573] in [0] : vector<16xf32>, vector<16xi32> -> vector<16xf32>
    %max3A_1575 = arith.maximumf %max3A_1567, %gather3A_1574 : vector<16xf32>
    %iota3A_1576 = tpu.iota {dimensions = array<i32: 0>} : vector<16xi32>
    %xor3A_1577 = arith.constant 2 : i32
    %xor3A_1578 = vector.broadcast %xor3A_1577 : i32 to vector<16xi32>
    %xor3A_1579 = arith.xori %iota3A_1576, %xor3A_1578 : vector<16xi32>
    %broadcast_in_dim3A_1580 = vector.shape_cast %xor3A_1579 : vector<16xi32> to vector<16x1xi32>
    %gather3A_1581 = vector.shape_cast %broadcast_in_dim3A_1580 : vector<16x1xi32> to vector<16xi32>
    %gather3A_1582 = tpu.dynamic_gather %max3A_1575[%gather3A_1581] in [0] : vector<16xf32>, vector<16xi32> -> vector<16xf32>
    %max3A_1583 = arith.maximumf %max3A_1575, %gather3A_1582 : vector<16xf32>
    %iota3A_1584 = tpu.iota {dimensions = array<i32: 0>} : vector<16xi32>
    %xor3A_1585 = arith.constant 1 : i32
    %xor3A_1586 = vector.broadcast %xor3A_1585 : i32 to vector<16xi32>
    %xor3A_1587 = arith.xori %iota3A_1584, %xor3A_1586 : vector<16xi32>
    %broadcast_in_dim3A_1588 = vector.shape_cast %xor3A_1587 : vector<16xi32> to vector<16x1xi32>
    %gather3A_1589 = vector.shape_cast %broadcast_in_dim3A_1588 : vector<16x1xi32> to vector<16xi32>
    %gather3A_1590 = tpu.dynamic_gather %max3A_1583[%gather3A_1589] in [0] : vector<16xf32>, vector<16xi32> -> vector<16xf32>
    %max3A_1591 = arith.maximumf %max3A_1583, %gather3A_1590 : vector<16xf32>
    %ge3A_1592 = arith.cmpf oge, %select_n3A_1550, %max3A_1591 : vector<16xf32>
    %select_n3A_1593 = arith.select %ge3A_1592, %broadcast_in_dim3A_11, %select_n3A_1550 : vector<16xi1>, vector<16xf32>
    %ge3A_1594 = arith.cmpf oge, %select_n3A_1552, %max3A_1591 : vector<16xf32>
    %select_n3A_1595 = arith.select %ge3A_1594, %broadcast_in_dim3A_11, %select_n3A_1552 : vector<16xi1>, vector<16xf32>
    %ge3A_1596 = arith.cmpf oge, %select_n3A_1554, %max3A_1591 : vector<16xf32>
    %select_n3A_1597 = arith.select %ge3A_1596, %broadcast_in_dim3A_11, %select_n3A_1554 : vector<16xi1>, vector<16xf32>
    %ge3A_1598 = arith.cmpf oge, %select_n3A_1556, %max3A_1591 : vector<16xf32>
    %select_n3A_1599 = arith.select %ge3A_1598, %broadcast_in_dim3A_11, %select_n3A_1556 : vector<16xi1>, vector<16xf32>
    %max3A_1600 = arith.maximumf %select_n3A_1593, %select_n3A_1595 : vector<16xf32>
    %max3A_1601 = arith.maximumf %max3A_1600, %select_n3A_1597 : vector<16xf32>
    %max3A_1602 = arith.maximumf %max3A_1601, %select_n3A_1599 : vector<16xf32>
    %iota3A_1603 = tpu.iota {dimensions = array<i32: 0>} : vector<16xi32>
    %xor3A_1604 = arith.constant 8 : i32
    %xor3A_1605 = vector.broadcast %xor3A_1604 : i32 to vector<16xi32>
    %xor3A_1606 = arith.xori %iota3A_1603, %xor3A_1605 : vector<16xi32>
    %broadcast_in_dim3A_1607 = vector.shape_cast %xor3A_1606 : vector<16xi32> to vector<16x1xi32>
    %gather3A_1608 = vector.shape_cast %broadcast_in_dim3A_1607 : vector<16x1xi32> to vector<16xi32>
    %gather3A_1609 = tpu.dynamic_gather %max3A_1602[%gather3A_1608] in [0] : vector<16xf32>, vector<16xi32> -> vector<16xf32>
    %max3A_1610 = arith.maximumf %max3A_1602, %gather3A_1609 : vector<16xf32>
    %iota3A_1611 = tpu.iota {dimensions = array<i32: 0>} : vector<16xi32>
    %xor3A_1612 = arith.constant 4 : i32
    %xor3A_1613 = vector.broadcast %xor3A_1612 : i32 to vector<16xi32>
    %xor3A_1614 = arith.xori %iota3A_1611, %xor3A_1613 : vector<16xi32>
    %broadcast_in_dim3A_1615 = vector.shape_cast %xor3A_1614 : vector<16xi32> to vector<16x1xi32>
    %gather3A_1616 = vector.shape_cast %broadcast_in_dim3A_1615 : vector<16x1xi32> to vector<16xi32>
    %gather3A_1617 = tpu.dynamic_gather %max3A_1610[%gather3A_1616] in [0] : vector<16xf32>, vector<16xi32> -> vector<16xf32>
    %max3A_1618 = arith.maximumf %max3A_1610, %gather3A_1617 : vector<16xf32>
    %iota3A_1619 = tpu.iota {dimensions = array<i32: 0>} : vector<16xi32>
    %xor3A_1620 = arith.constant 2 : i32
    %xor3A_1621 = vector.broadcast %xor3A_1620 : i32 to vector<16xi32>
    %xor3A_1622 = arith.xori %iota3A_1619, %xor3A_1621 : vector<16xi32>
    %broadcast_in_dim3A_1623 = vector.shape_cast %xor3A_1622 : vector<16xi32> to vector<16x1xi32>
    %gather3A_1624 = vector.shape_cast %broadcast_in_dim3A_1623 : vector<16x1xi32> to vector<16xi32>
    %gather3A_1625 = tpu.dynamic_gather %max3A_1618[%gather3A_1624] in [0] : vector<16xf32>, vector<16xi32> -> vector<16xf32>
    %max3A_1626 = arith.maximumf %max3A_1618, %gather3A_1625 : vector<16xf32>
    %iota3A_1627 = tpu.iota {dimensions = array<i32: 0>} : vector<16xi32>
    %xor3A_1628 = arith.constant 1 : i32
    %xor3A_1629 = vector.broadcast %xor3A_1628 : i32 to vector<16xi32>
    %xor3A_1630 = arith.xori %iota3A_1627, %xor3A_1629 : vector<16xi32>
    %broadcast_in_dim3A_1631 = vector.shape_cast %xor3A_1630 : vector<16xi32> to vector<16x1xi32>
    %gather3A_1632 = vector.shape_cast %broadcast_in_dim3A_1631 : vector<16x1xi32> to vector<16xi32>
    %gather3A_1633 = tpu.dynamic_gather %max3A_1626[%gather3A_1632] in [0] : vector<16xf32>, vector<16xi32> -> vector<16xf32>
    %max3A_1634 = arith.maximumf %max3A_1626, %gather3A_1633 : vector<16xf32>
    %ge3A_1635 = arith.cmpf oge, %select_n3A_1593, %max3A_1634 : vector<16xf32>
    %select_n3A_1636 = arith.select %ge3A_1635, %broadcast_in_dim3A_11, %select_n3A_1593 : vector<16xi1>, vector<16xf32>
    %ge3A_1637 = arith.cmpf oge, %select_n3A_1595, %max3A_1634 : vector<16xf32>
    %select_n3A_1638 = arith.select %ge3A_1637, %broadcast_in_dim3A_11, %select_n3A_1595 : vector<16xi1>, vector<16xf32>
    %ge3A_1639 = arith.cmpf oge, %select_n3A_1597, %max3A_1634 : vector<16xf32>
    %select_n3A_1640 = arith.select %ge3A_1639, %broadcast_in_dim3A_11, %select_n3A_1597 : vector<16xi1>, vector<16xf32>
    %ge3A_1641 = arith.cmpf oge, %select_n3A_1599, %max3A_1634 : vector<16xf32>
    %select_n3A_1642 = arith.select %ge3A_1641, %broadcast_in_dim3A_11, %select_n3A_1599 : vector<16xi1>, vector<16xf32>
    %max3A_1643 = arith.maximumf %select_n3A_1636, %select_n3A_1638 : vector<16xf32>
    %max3A_1644 = arith.maximumf %max3A_1643, %select_n3A_1640 : vector<16xf32>
    %max3A_1645 = arith.maximumf %max3A_1644, %select_n3A_1642 : vector<16xf32>
    %iota3A_1646 = tpu.iota {dimensions = array<i32: 0>} : vector<16xi32>
    %xor3A_1647 = arith.constant 8 : i32
    %xor3A_1648 = vector.broadcast %xor3A_1647 : i32 to vector<16xi32>
    %xor3A_1649 = arith.xori %iota3A_1646, %xor3A_1648 : vector<16xi32>
    %broadcast_in_dim3A_1650 = vector.shape_cast %xor3A_1649 : vector<16xi32> to vector<16x1xi32>
    %gather3A_1651 = vector.shape_cast %broadcast_in_dim3A_1650 : vector<16x1xi32> to vector<16xi32>
    %gather3A_1652 = tpu.dynamic_gather %max3A_1645[%gather3A_1651] in [0] : vector<16xf32>, vector<16xi32> -> vector<16xf32>
    %max3A_1653 = arith.maximumf %max3A_1645, %gather3A_1652 : vector<16xf32>
    %iota3A_1654 = tpu.iota {dimensions = array<i32: 0>} : vector<16xi32>
    %xor3A_1655 = arith.constant 4 : i32
    %xor3A_1656 = vector.broadcast %xor3A_1655 : i32 to vector<16xi32>
    %xor3A_1657 = arith.xori %iota3A_1654, %xor3A_1656 : vector<16xi32>
    %broadcast_in_dim3A_1658 = vector.shape_cast %xor3A_1657 : vector<16xi32> to vector<16x1xi32>
    %gather3A_1659 = vector.shape_cast %broadcast_in_dim3A_1658 : vector<16x1xi32> to vector<16xi32>
    %gather3A_1660 = tpu.dynamic_gather %max3A_1653[%gather3A_1659] in [0] : vector<16xf32>, vector<16xi32> -> vector<16xf32>
    %max3A_1661 = arith.maximumf %max3A_1653, %gather3A_1660 : vector<16xf32>
    %iota3A_1662 = tpu.iota {dimensions = array<i32: 0>} : vector<16xi32>
    %xor3A_1663 = arith.constant 2 : i32
    %xor3A_1664 = vector.broadcast %xor3A_1663 : i32 to vector<16xi32>
    %xor3A_1665 = arith.xori %iota3A_1662, %xor3A_1664 : vector<16xi32>
    %broadcast_in_dim3A_1666 = vector.shape_cast %xor3A_1665 : vector<16xi32> to vector<16x1xi32>
    %gather3A_1667 = vector.shape_cast %broadcast_in_dim3A_1666 : vector<16x1xi32> to vector<16xi32>
    %gather3A_1668 = tpu.dynamic_gather %max3A_1661[%gather3A_1667] in [0] : vector<16xf32>, vector<16xi32> -> vector<16xf32>
    %max3A_1669 = arith.maximumf %max3A_1661, %gather3A_1668 : vector<16xf32>
    %iota3A_1670 = tpu.iota {dimensions = array<i32: 0>} : vector<16xi32>
    %xor3A_1671 = arith.constant 1 : i32
    %xor3A_1672 = vector.broadcast %xor3A_1671 : i32 to vector<16xi32>
    %xor3A_1673 = arith.xori %iota3A_1670, %xor3A_1672 : vector<16xi32>
    %broadcast_in_dim3A_1674 = vector.shape_cast %xor3A_1673 : vector<16xi32> to vector<16x1xi32>
    %gather3A_1675 = vector.shape_cast %broadcast_in_dim3A_1674 : vector<16x1xi32> to vector<16xi32>
    %gather3A_1676 = tpu.dynamic_gather %max3A_1669[%gather3A_1675] in [0] : vector<16xf32>, vector<16xi32> -> vector<16xf32>
    %max3A_1677 = arith.maximumf %max3A_1669, %gather3A_1676 : vector<16xf32>
    %ge3A_1678 = arith.cmpf oge, %select_n3A_1636, %max3A_1677 : vector<16xf32>
    %select_n3A_1679 = arith.select %ge3A_1678, %broadcast_in_dim3A_11, %select_n3A_1636 : vector<16xi1>, vector<16xf32>
    %ge3A_1680 = arith.cmpf oge, %select_n3A_1638, %max3A_1677 : vector<16xf32>
    %select_n3A_1681 = arith.select %ge3A_1680, %broadcast_in_dim3A_11, %select_n3A_1638 : vector<16xi1>, vector<16xf32>
    %ge3A_1682 = arith.cmpf oge, %select_n3A_1640, %max3A_1677 : vector<16xf32>
    %select_n3A_1683 = arith.select %ge3A_1682, %broadcast_in_dim3A_11, %select_n3A_1640 : vector<16xi1>, vector<16xf32>
    %ge3A_1684 = arith.cmpf oge, %select_n3A_1642, %max3A_1677 : vector<16xf32>
    %select_n3A_1685 = arith.select %ge3A_1684, %broadcast_in_dim3A_11, %select_n3A_1642 : vector<16xi1>, vector<16xf32>
    %max3A_1686 = arith.maximumf %select_n3A_1679, %select_n3A_1681 : vector<16xf32>
    %max3A_1687 = arith.maximumf %max3A_1686, %select_n3A_1683 : vector<16xf32>
    %max3A_1688 = arith.maximumf %max3A_1687, %select_n3A_1685 : vector<16xf32>
    %iota3A_1689 = tpu.iota {dimensions = array<i32: 0>} : vector<16xi32>
    %xor3A_1690 = arith.constant 8 : i32
    %xor3A_1691 = vector.broadcast %xor3A_1690 : i32 to vector<16xi32>
    %xor3A_1692 = arith.xori %iota3A_1689, %xor3A_1691 : vector<16xi32>
    %broadcast_in_dim3A_1693 = vector.shape_cast %xor3A_1692 : vector<16xi32> to vector<16x1xi32>
    %gather3A_1694 = vector.shape_cast %broadcast_in_dim3A_1693 : vector<16x1xi32> to vector<16xi32>
    %gather3A_1695 = tpu.dynamic_gather %max3A_1688[%gather3A_1694] in [0] : vector<16xf32>, vector<16xi32> -> vector<16xf32>
    %max3A_1696 = arith.maximumf %max3A_1688, %gather3A_1695 : vector<16xf32>
    %iota3A_1697 = tpu.iota {dimensions = array<i32: 0>} : vector<16xi32>
    %xor3A_1698 = arith.constant 4 : i32
    %xor3A_1699 = vector.broadcast %xor3A_1698 : i32 to vector<16xi32>
    %xor3A_1700 = arith.xori %iota3A_1697, %xor3A_1699 : vector<16xi32>
    %broadcast_in_dim3A_1701 = vector.shape_cast %xor3A_1700 : vector<16xi32> to vector<16x1xi32>
    %gather3A_1702 = vector.shape_cast %broadcast_in_dim3A_1701 : vector<16x1xi32> to vector<16xi32>
    %gather3A_1703 = tpu.dynamic_gather %max3A_1696[%gather3A_1702] in [0] : vector<16xf32>, vector<16xi32> -> vector<16xf32>
    %max3A_1704 = arith.maximumf %max3A_1696, %gather3A_1703 : vector<16xf32>
    %iota3A_1705 = tpu.iota {dimensions = array<i32: 0>} : vector<16xi32>
    %xor3A_1706 = arith.constant 2 : i32
    %xor3A_1707 = vector.broadcast %xor3A_1706 : i32 to vector<16xi32>
    %xor3A_1708 = arith.xori %iota3A_1705, %xor3A_1707 : vector<16xi32>
    %broadcast_in_dim3A_1709 = vector.shape_cast %xor3A_1708 : vector<16xi32> to vector<16x1xi32>
    %gather3A_1710 = vector.shape_cast %broadcast_in_dim3A_1709 : vector<16x1xi32> to vector<16xi32>
    %gather3A_1711 = tpu.dynamic_gather %max3A_1704[%gather3A_1710] in [0] : vector<16xf32>, vector<16xi32> -> vector<16xf32>
    %max3A_1712 = arith.maximumf %max3A_1704, %gather3A_1711 : vector<16xf32>
    %iota3A_1713 = tpu.iota {dimensions = array<i32: 0>} : vector<16xi32>
    %xor3A_1714 = arith.constant 1 : i32
    %xor3A_1715 = vector.broadcast %xor3A_1714 : i32 to vector<16xi32>
    %xor3A_1716 = arith.xori %iota3A_1713, %xor3A_1715 : vector<16xi32>
    %broadcast_in_dim3A_1717 = vector.shape_cast %xor3A_1716 : vector<16xi32> to vector<16x1xi32>
    %gather3A_1718 = vector.shape_cast %broadcast_in_dim3A_1717 : vector<16x1xi32> to vector<16xi32>
    %gather3A_1719 = tpu.dynamic_gather %max3A_1712[%gather3A_1718] in [0] : vector<16xf32>, vector<16xi32> -> vector<16xf32>
    %max3A_1720 = arith.maximumf %max3A_1712, %gather3A_1719 : vector<16xf32>
    %ge3A_1721 = arith.cmpf oge, %select_n3A_1679, %max3A_1720 : vector<16xf32>
    %select_n3A_1722 = arith.select %ge3A_1721, %broadcast_in_dim3A_11, %select_n3A_1679 : vector<16xi1>, vector<16xf32>
    %ge3A_1723 = arith.cmpf oge, %select_n3A_1681, %max3A_1720 : vector<16xf32>
    %select_n3A_1724 = arith.select %ge3A_1723, %broadcast_in_dim3A_11, %select_n3A_1681 : vector<16xi1>, vector<16xf32>
    %ge3A_1725 = arith.cmpf oge, %select_n3A_1683, %max3A_1720 : vector<16xf32>
    %select_n3A_1726 = arith.select %ge3A_1725, %broadcast_in_dim3A_11, %select_n3A_1683 : vector<16xi1>, vector<16xf32>
    %ge3A_1727 = arith.cmpf oge, %select_n3A_1685, %max3A_1720 : vector<16xf32>
    %select_n3A_1728 = arith.select %ge3A_1727, %broadcast_in_dim3A_11, %select_n3A_1685 : vector<16xi1>, vector<16xf32>
    %ge3A_1729 = arith.cmpf oge, %get3A_1369, %max3A_1720 : vector<16xf32>
    %sub3A_1730 = arith.subf %get3A_1369, %max3A_1419 : vector<16xf32>
    %exp3A_1731 = math.exp %sub3A_1730 : vector<16xf32>
    %jit3A_1732 = arith.constant 0.000000e+00 : f32
    %broadcast_in_dim3A_1733 = vector.broadcast %jit3A_1732 : f32 to vector<16xf32>
    %select_n3A_1734 = arith.select %ge3A_1729, %exp3A_1731, %broadcast_in_dim3A_1733 : vector<16xi1>, vector<16xf32>
    %ge3A_1735 = arith.cmpf oge, %get3A_1374, %max3A_1720 : vector<16xf32>
    %sub3A_1736 = arith.subf %get3A_1374, %max3A_1419 : vector<16xf32>
    %exp3A_1737 = math.exp %sub3A_1736 : vector<16xf32>
    %jit3A_1738 = arith.constant 0.000000e+00 : f32
    %broadcast_in_dim3A_1739 = vector.broadcast %jit3A_1738 : f32 to vector<16xf32>
    %select_n3A_1740 = arith.select %ge3A_1735, %exp3A_1737, %broadcast_in_dim3A_1739 : vector<16xi1>, vector<16xf32>
    %ge3A_1741 = arith.cmpf oge, %get3A_1379, %max3A_1720 : vector<16xf32>
    %sub3A_1742 = arith.subf %get3A_1379, %max3A_1419 : vector<16xf32>
    %exp3A_1743 = math.exp %sub3A_1742 : vector<16xf32>
    %jit3A_1744 = arith.constant 0.000000e+00 : f32
    %broadcast_in_dim3A_1745 = vector.broadcast %jit3A_1744 : f32 to vector<16xf32>
    %select_n3A_1746 = arith.select %ge3A_1741, %exp3A_1743, %broadcast_in_dim3A_1745 : vector<16xi1>, vector<16xf32>
    %ge3A_1747 = arith.cmpf oge, %get3A_1384, %max3A_1720 : vector<16xf32>
    %sub3A_1748 = arith.subf %get3A_1384, %max3A_1419 : vector<16xf32>
    %exp3A_1749 = math.exp %sub3A_1748 : vector<16xf32>
    %jit3A_1750 = arith.constant 0.000000e+00 : f32
    %broadcast_in_dim3A_1751 = vector.broadcast %jit3A_1750 : f32 to vector<16xf32>
    %select_n3A_1752 = arith.select %ge3A_1747, %exp3A_1749, %broadcast_in_dim3A_1751 : vector<16xi1>, vector<16xf32>
    %add3A_1753 = arith.addf %select_n3A_1734, %select_n3A_1740 : vector<16xf32>
    %add3A_1754 = arith.addf %add3A_1753, %select_n3A_1746 : vector<16xf32>
    %add3A_1755 = arith.addf %add3A_1754, %select_n3A_1752 : vector<16xf32>
    %iota3A_1756 = tpu.iota {dimensions = array<i32: 0>} : vector<16xi32>
    %xor3A_1757 = arith.constant 8 : i32
    %xor3A_1758 = vector.broadcast %xor3A_1757 : i32 to vector<16xi32>
    %xor3A_1759 = arith.xori %iota3A_1756, %xor3A_1758 : vector<16xi32>
    %broadcast_in_dim3A_1760 = vector.shape_cast %xor3A_1759 : vector<16xi32> to vector<16x1xi32>
    %gather3A_1761 = vector.shape_cast %broadcast_in_dim3A_1760 : vector<16x1xi32> to vector<16xi32>
    %gather3A_1762 = tpu.dynamic_gather %add3A_1755[%gather3A_1761] in [0] : vector<16xf32>, vector<16xi32> -> vector<16xf32>
    %add3A_1763 = arith.addf %add3A_1755, %gather3A_1762 : vector<16xf32>
    %iota3A_1764 = tpu.iota {dimensions = array<i32: 0>} : vector<16xi32>
    %xor3A_1765 = arith.constant 4 : i32
    %xor3A_1766 = vector.broadcast %xor3A_1765 : i32 to vector<16xi32>
    %xor3A_1767 = arith.xori %iota3A_1764, %xor3A_1766 : vector<16xi32>
    %broadcast_in_dim3A_1768 = vector.shape_cast %xor3A_1767 : vector<16xi32> to vector<16x1xi32>
    %gather3A_1769 = vector.shape_cast %broadcast_in_dim3A_1768 : vector<16x1xi32> to vector<16xi32>
    %gather3A_1770 = tpu.dynamic_gather %add3A_1763[%gather3A_1769] in [0] : vector<16xf32>, vector<16xi32> -> vector<16xf32>
    %add3A_1771 = arith.addf %add3A_1763, %gather3A_1770 : vector<16xf32>
    %iota3A_1772 = tpu.iota {dimensions = array<i32: 0>} : vector<16xi32>
    %xor3A_1773 = arith.constant 2 : i32
    %xor3A_1774 = vector.broadcast %xor3A_1773 : i32 to vector<16xi32>
    %xor3A_1775 = arith.xori %iota3A_1772, %xor3A_1774 : vector<16xi32>
    %broadcast_in_dim3A_1776 = vector.shape_cast %xor3A_1775 : vector<16xi32> to vector<16x1xi32>
    %gather3A_1777 = vector.shape_cast %broadcast_in_dim3A_1776 : vector<16x1xi32> to vector<16xi32>
    %gather3A_1778 = tpu.dynamic_gather %add3A_1771[%gather3A_1777] in [0] : vector<16xf32>, vector<16xi32> -> vector<16xf32>
    %add3A_1779 = arith.addf %add3A_1771, %gather3A_1778 : vector<16xf32>
    %iota3A_1780 = tpu.iota {dimensions = array<i32: 0>} : vector<16xi32>
    %xor3A_1781 = arith.constant 1 : i32
    %xor3A_1782 = vector.broadcast %xor3A_1781 : i32 to vector<16xi32>
    %xor3A_1783 = arith.xori %iota3A_1780, %xor3A_1782 : vector<16xi32>
    %broadcast_in_dim3A_1784 = vector.shape_cast %xor3A_1783 : vector<16xi32> to vector<16x1xi32>
    %gather3A_1785 = vector.shape_cast %broadcast_in_dim3A_1784 : vector<16x1xi32> to vector<16xi32>
    %gather3A_1786 = tpu.dynamic_gather %add3A_1779[%gather3A_1785] in [0] : vector<16xf32>, vector<16xi32> -> vector<16xf32>
    %add3A_1787 = arith.addf %add3A_1779, %gather3A_1786 : vector<16xf32>
    %div3A_1788 = arith.divf %select_n3A_1734, %add3A_1787 : vector<16xf32>
    %swap3A_1789 = arith.constant 3 : i32
    %swap3A_1790 = arith.index_cast %swap3A_1789 : i32 to index
    %swap3A_1791 = arith.constant 0 : index
    %swap3A_1792 = tpu.vector_load %arg6[%swap3A_1790, %swap3A_1791] {strides = array<i32>} : memref<4x64xf32, #tpu.memory_space<vmem>>, vector<1x16xf32>,
    %swap3A_1793 = vector.shape_cast %swap3A_1792 : vector<1x16xf32> to vector<16xf32>
    %swap3A_1794 = vector.shape_cast %div3A_1788 : vector<16xf32> to vector<1x16xf32>
    tpu.vector_store %arg6[%swap3A_1790, %swap3A_1791], %swap3A_1794 {strides = array<i32>} : memref<4x64xf32, #tpu.memory_space<vmem>>, vector<1x16xf32>,
    %add3A_1795 = arith.addf %add3A_1340, %div3A_1788 : vector<16xf32>
    %div3A_1796 = arith.divf %select_n3A_1740, %add3A_1787 : vector<16xf32>
    %swap3A_1797 = arith.constant 3 : i32
    %swap3A_1798 = arith.index_cast %swap3A_1797 : i32 to index
    %swap3A_1799 = arith.constant 16 : index
    %swap3A_1800 = tpu.vector_load %arg6[%swap3A_1798, %swap3A_1799] {strides = array<i32>} : memref<4x64xf32, #tpu.memory_space<vmem>>, vector<1x16xf32>,
    %swap3A_1801 = vector.shape_cast %swap3A_1800 : vector<1x16xf32> to vector<16xf32>
    %swap3A_1802 = vector.shape_cast %div3A_1796 : vector<16xf32> to vector<1x16xf32>
    tpu.vector_store %arg6[%swap3A_1798, %swap3A_1799], %swap3A_1802 {strides = array<i32>} : memref<4x64xf32, #tpu.memory_space<vmem>>, vector<1x16xf32>,
    %add3A_1803 = arith.addf %add3A_1348, %div3A_1796 : vector<16xf32>
    %div3A_1804 = arith.divf %select_n3A_1746, %add3A_1787 : vector<16xf32>
    %swap3A_1805 = arith.constant 3 : i32
    %swap3A_1806 = arith.index_cast %swap3A_1805 : i32 to index
    %swap3A_1807 = arith.constant 32 : index
    %swap3A_1808 = tpu.vector_load %arg6[%swap3A_1806, %swap3A_1807] {strides = array<i32>} : memref<4x64xf32, #tpu.memory_space<vmem>>, vector<1x16xf32>,
    %swap3A_1809 = vector.shape_cast %swap3A_1808 : vector<1x16xf32> to vector<16xf32>
    %swap3A_1810 = vector.shape_cast %div3A_1804 : vector<16xf32> to vector<1x16xf32>
    tpu.vector_store %arg6[%swap3A_1806, %swap3A_1807], %swap3A_1810 {strides = array<i32>} : memref<4x64xf32, #tpu.memory_space<vmem>>, vector<1x16xf32>,
    %add3A_1811 = arith.addf %add3A_1356, %div3A_1804 : vector<16xf32>
    %div3A_1812 = arith.divf %select_n3A_1752, %add3A_1787 : vector<16xf32>
    %swap3A_1813 = arith.constant 3 : i32
    %swap3A_1814 = arith.index_cast %swap3A_1813 : i32 to index
    %swap3A_1815 = arith.constant 48 : index
    %swap3A_1816 = tpu.vector_load %arg6[%swap3A_1814, %swap3A_1815] {strides = array<i32>} : memref<4x64xf32, #tpu.memory_space<vmem>>, vector<1x16xf32>,
    %swap3A_1817 = vector.shape_cast %swap3A_1816 : vector<1x16xf32> to vector<16xf32>
    %swap3A_1818 = vector.shape_cast %div3A_1812 : vector<16xf32> to vector<1x16xf32>
    tpu.vector_store %arg6[%swap3A_1814, %swap3A_1815], %swap3A_1818 {strides = array<i32>} : memref<4x64xf32, #tpu.memory_space<vmem>>, vector<1x16xf32>,
    %add3A_1819 = arith.addf %add3A_1364, %div3A_1812 : vector<16xf32>
    %swap3A_1820 = arith.constant 0 : index
    %swap3A_1821 = tpu.vector_load %arg7[%swap3A_1820] {strides = array<i32>} : memref<64xf32, #tpu.memory_space<vmem>>, vector<16xf32>,
    %swap3A_1822 = vector.shape_cast %swap3A_1821 : vector<16xf32> to vector<16xf32>
    %swap3A_1823 = vector.shape_cast %add3A_1795 : vector<16xf32> to vector<16xf32>
    tpu.vector_store %arg7[%swap3A_1820], %swap3A_1823 {strides = array<i32>} : memref<64xf32, #tpu.memory_space<vmem>>, vector<16xf32>,
    %swap3A_1824 = arith.constant 16 : index
    %swap3A_1825 = tpu.vector_load %arg7[%swap3A_1824] {strides = array<i32>} : memref<64xf32, #tpu.memory_space<vmem>>, vector<16xf32>,
    %swap3A_1826 = vector.shape_cast %swap3A_1825 : vector<16xf32> to vector<16xf32>
    %swap3A_1827 = vector.shape_cast %add3A_1803 : vector<16xf32> to vector<16xf32>
    tpu.vector_store %arg7[%swap3A_1824], %swap3A_1827 {strides = array<i32>} : memref<64xf32, #tpu.memory_space<vmem>>, vector<16xf32>,
    %swap3A_1828 = arith.constant 32 : index
    %swap3A_1829 = tpu.vector_load %arg7[%swap3A_1828] {strides = array<i32>} : memref<64xf32, #tpu.memory_space<vmem>>, vector<16xf32>,
    %swap3A_1830 = vector.shape_cast %swap3A_1829 : vector<16xf32> to vector<16xf32>
    %swap3A_1831 = vector.shape_cast %add3A_1811 : vector<16xf32> to vector<16xf32>
    tpu.vector_store %arg7[%swap3A_1828], %swap3A_1831 {strides = array<i32>} : memref<64xf32, #tpu.memory_space<vmem>>, vector<16xf32>,
    %swap3A_1832 = arith.constant 48 : index
    %swap3A_1833 = tpu.vector_load %arg7[%swap3A_1832] {strides = array<i32>} : memref<64xf32, #tpu.memory_space<vmem>>, vector<16xf32>,
    %swap3A_1834 = vector.shape_cast %swap3A_1833 : vector<16xf32> to vector<16xf32>
    %swap3A_1835 = vector.shape_cast %add3A_1819 : vector<16xf32> to vector<16xf32>
    tpu.vector_store %arg7[%swap3A_1832], %swap3A_1835 {strides = array<i32>} : memref<64xf32, #tpu.memory_space<vmem>>, vector<16xf32>,
    "tpu.region"() ({
      %run_scoped3A = tpu.sem_alloc : memref<!tpu.dma_semaphore, #tpu.memory_space<semaphore_mem>>
      %dma_start3A = arith.constant 0 : i32
      %dma_start3A_1836 = tpu.memref_slice %arg3[%mul3A_2, %dma_start3A] : memref<128x64xf32, #tpu.memory_space<hbm>> -> memref<4x64xf32, #tpu.memory_space<hbm>>
      %dma_start3A_1837 = arith.constant 0 : i32
      %dma_start3A_1838 = tpu.memref_slice %arg3[%mul3A_2, %dma_start3A_1837] : memref<128x64xf32, #tpu.memory_space<hbm>> -> memref<4x64xf32, #tpu.memory_space<hbm>>
      tpu.enqueue_dma source(%arg6 : memref<4x64xf32, #tpu.memory_space<vmem>>) target(%dma_start3A_1838 : memref<4x64xf32, #tpu.memory_space<hbm>>) target_semaphore(%run_scoped3A : memref<!tpu.dma_semaphore, #tpu.memory_space<semaphore_mem>>)
      %dma_wait3A = arith.constant 0 : i32
      %dma_wait3A_1839 = tpu.memref_slice %arg3[%mul3A_2, %dma_wait3A] : memref<128x64xf32, #tpu.memory_space<hbm>> -> memref<4x64xf32, #tpu.memory_space<hbm>>
      %dma_wait3A_1840 = arith.constant 0 : i32
      %dma_wait3A_1841 = tpu.memref_slice %arg3[%mul3A_2, %dma_wait3A_1840] : memref<128x64xf32, #tpu.memory_space<hbm>> -> memref<4x64xf32, #tpu.memory_space<hbm>>
      tpu.wait_dma2 semaphore(%run_scoped3A : memref<!tpu.dma_semaphore, #tpu.memory_space<semaphore_mem>>) src(%arg6 : memref<4x64xf32, #tpu.memory_space<vmem>>) dst(%dma_wait3A_1841 : memref<4x64xf32, #tpu.memory_space<hbm>>)
      tpu.yield
    }) : () -> ()
    "tpu.region"() ({
      %run_scoped3A = tpu.sem_alloc : memref<!tpu.dma_semaphore, #tpu.memory_space<semaphore_mem>>
      %dma_start3A = arith.constant 0 : i32
      %dma_start3A_1836 = tpu.memref_slice %arg4[%add3A, %dma_start3A] : memref<32x64xf32, #tpu.memory_space<hbm>> -> memref<1x64xf32, #tpu.memory_space<hbm>>
      %dma_start3A_1837 = tpu.memref_squeeze %dma_start3A_1836 : memref<1x64xf32, #tpu.memory_space<hbm>> -> memref<64xf32, #tpu.memory_space<hbm>>
      %dma_start3A_1838 = arith.constant 0 : i32
      %dma_start3A_1839 = tpu.memref_slice %arg4[%add3A, %dma_start3A_1838] : memref<32x64xf32, #tpu.memory_space<hbm>> -> memref<1x64xf32, #tpu.memory_space<hbm>>
      %dma_start3A_1840 = tpu.memref_squeeze %dma_start3A_1839 : memref<1x64xf32, #tpu.memory_space<hbm>> -> memref<64xf32, #tpu.memory_space<hbm>>
      tpu.enqueue_dma source(%arg7 : memref<64xf32, #tpu.memory_space<vmem>>) target(%dma_start3A_1840 : memref<64xf32, #tpu.memory_space<hbm>>) target_semaphore(%run_scoped3A : memref<!tpu.dma_semaphore, #tpu.memory_space<semaphore_mem>>)
      %dma_wait3A = arith.constant 0 : i32
      %dma_wait3A_1841 = tpu.memref_slice %arg4[%add3A, %dma_wait3A] : memref<32x64xf32, #tpu.memory_space<hbm>> -> memref<1x64xf32, #tpu.memory_space<hbm>>
      %dma_wait3A_1842 = tpu.memref_squeeze %dma_wait3A_1841 : memref<1x64xf32, #tpu.memory_space<hbm>> -> memref<64xf32, #tpu.memory_space<hbm>>
      %dma_wait3A_1843 = arith.constant 0 : i32
      %dma_wait3A_1844 = tpu.memref_slice %arg4[%add3A, %dma_wait3A_1843] : memref<32x64xf32, #tpu.memory_space<hbm>> -> memref<1x64xf32, #tpu.memory_space<hbm>>
      %dma_wait3A_1845 = tpu.memref_squeeze %dma_wait3A_1844 : memref<1x64xf32, #tpu.memory_space<hbm>> -> memref<64xf32, #tpu.memory_space<hbm>>
      tpu.wait_dma2 semaphore(%run_scoped3A : memref<!tpu.dma_semaphore, #tpu.memory_space<semaphore_mem>>) src(%arg7 : memref<64xf32, #tpu.memory_space<vmem>>) dst(%dma_wait3A_1845 : memref<64xf32, #tpu.memory_space<hbm>>)
      tpu.yield
    }) : () -> ()
    return
  }
}

module attributes {stable_mosaic.version = 14 : i64} {
  func.func @_conv_pool_body(%arg0: i32, %arg1: memref<8x3x224x224xf32, #tpu.memory_space<vmem>>, %arg2: memref<896x145xbf16, #tpu.memory_space<vmem>>, %arg3: memref<8x1x64xf32, #tpu.memory_space<vmem>>) attributes {dimension_semantics = [#tpu.dimension_semantics<arbitrary>], iteration_bounds = array<i64: 16>, scalar_prefetch = 0 : i64, scratch_operands = 0 : i64, tpu.core_type = #tpu.core_type<tc>, window_params = [{transform_indices = @transform_0, window_bounds = array<i64: 8, 3, 224, 224>}, {pipeline_mode = #tpu.pipeline_mode<synchronous>, transform_indices = @transform_1, window_bounds = array<i64: 896, 145>}, {transform_indices = @transform_2, window_bounds = array<i64: 8, 1, 64>}]} {
    %get3A = arith.constant 0 : index
    %get3A_0 = arith.constant 0 : index
    %get3A_1 = arith.constant 0 : index
    %get3A_2 = arith.constant 0 : index
    %get3A_3 = vector.load %arg1[%get3A, %get3A_0, %get3A_1, %get3A_2] : memref<8x3x224x224xf32, #tpu.memory_space<vmem>>, vector<8x3x224x224xf32>
    %convert_element_type3A = arith.truncf %get3A_3 : vector<8x3x224x224xf32> to vector<8x3x224x224xbf16>
    %jit3A = arith.constant 0 : i32
    %convert_element_type3A_4 = arith.sitofp %jit3A : i32 to bf16
    %pad3A = vector.broadcast %convert_element_type3A_4 : bf16 to vector<8x3x1x224xbf16>
    %pad3A_5 = tpu.concatenate %pad3A, %convert_element_type3A in 2 : vector<8x3x1x224xbf16>, vector<8x3x224x224xbf16> -> vector<8x3x225x224xbf16>
    %pad3A_6 = vector.broadcast %convert_element_type3A_4 : bf16 to vector<8x3x1x224xbf16>
    %pad3A_7 = tpu.concatenate %pad3A_5, %pad3A_6 in 2 : vector<8x3x225x224xbf16>, vector<8x3x1x224xbf16> -> vector<8x3x226x224xbf16>
    %pad3A_8 = vector.broadcast %convert_element_type3A_4 : bf16 to vector<8x3x226x1xbf16>
    %pad3A_9 = tpu.concatenate %pad3A_8, %pad3A_7 in 3 : vector<8x3x226x1xbf16>, vector<8x3x226x224xbf16> -> vector<8x3x226x225xbf16>
    %pad3A_10 = vector.broadcast %convert_element_type3A_4 : bf16 to vector<8x3x226x1xbf16>
    %pad3A_11 = tpu.concatenate %pad3A_9, %pad3A_10 in 3 : vector<8x3x226x225xbf16>, vector<8x3x226x1xbf16> -> vector<8x3x226x226xbf16>
    %broadcast_in_dim3A = arith.constant 1.000000e+00 : bf16
    %broadcast_in_dim3A_12 = vector.broadcast %broadcast_in_dim3A : bf16 to vector<1x3584xbf16>
    %broadcast_in_dim3A_13 = arith.constant 0.000000e+00 : f32
    %broadcast_in_dim3A_14 = vector.broadcast %broadcast_in_dim3A_13 : f32 to vector<14x64xf32>
    %slice3A = vector.extract_strided_slice %pad3A_11 {offsets = [0, 0, 0, 0], sizes = [1, 3, 16, 226], strides = [1, 1, 1, 1]} : vector<8x3x226x226xbf16> to vector<1x3x16x226xbf16>
    %squeeze3A = vector.shape_cast %slice3A : vector<1x3x16x226xbf16> to vector<3x16x226xbf16>
    %reshape3A = vector.shape_cast %squeeze3A : vector<3x16x226xbf16> to vector<48x226xbf16>
    %slice3A_15 = vector.extract_strided_slice %reshape3A {offsets = [0, 0], sizes = [48, 224], strides = [1, 1]} : vector<48x226xbf16> to vector<48x224xbf16>
    %slice3A_16 = vector.extract_strided_slice %reshape3A {offsets = [0, 1], sizes = [48, 224], strides = [1, 1]} : vector<48x226xbf16> to vector<48x224xbf16>
    %slice3A_17 = vector.extract_strided_slice %reshape3A {offsets = [0, 2], sizes = [48, 224], strides = [1, 1]} : vector<48x226xbf16> to vector<48x224xbf16>
    %concatenate3A = tpu.concatenate %slice3A_15, %slice3A_16, %slice3A_17 in 0 : vector<48x224xbf16>, vector<48x224xbf16>, vector<48x224xbf16> -> vector<144x224xbf16>
    %slice3A_18 = vector.extract_strided_slice %pad3A_11 {offsets = [0, 0, 14, 0], sizes = [1, 3, 16, 226], strides = [1, 1, 1, 1]} : vector<8x3x226x226xbf16> to vector<1x3x16x226xbf16>
    %squeeze3A_19 = vector.shape_cast %slice3A_18 : vector<1x3x16x226xbf16> to vector<3x16x226xbf16>
    %reshape3A_20 = vector.shape_cast %squeeze3A_19 : vector<3x16x226xbf16> to vector<48x226xbf16>
    %slice3A_21 = vector.extract_strided_slice %reshape3A_20 {offsets = [0, 0], sizes = [48, 224], strides = [1, 1]} : vector<48x226xbf16> to vector<48x224xbf16>
    %slice3A_22 = vector.extract_strided_slice %reshape3A_20 {offsets = [0, 1], sizes = [48, 224], strides = [1, 1]} : vector<48x226xbf16> to vector<48x224xbf16>
    %slice3A_23 = vector.extract_strided_slice %reshape3A_20 {offsets = [0, 2], sizes = [48, 224], strides = [1, 1]} : vector<48x226xbf16> to vector<48x224xbf16>
    %concatenate3A_24 = tpu.concatenate %slice3A_21, %slice3A_22, %slice3A_23 in 0 : vector<48x224xbf16>, vector<48x224xbf16>, vector<48x224xbf16> -> vector<144x224xbf16>
    %slice3A_25 = vector.extract_strided_slice %pad3A_11 {offsets = [0, 0, 28, 0], sizes = [1, 3, 16, 226], strides = [1, 1, 1, 1]} : vector<8x3x226x226xbf16> to vector<1x3x16x226xbf16>
    %squeeze3A_26 = vector.shape_cast %slice3A_25 : vector<1x3x16x226xbf16> to vector<3x16x226xbf16>
    %reshape3A_27 = vector.shape_cast %squeeze3A_26 : vector<3x16x226xbf16> to vector<48x226xbf16>
    %slice3A_28 = vector.extract_strided_slice %reshape3A_27 {offsets = [0, 0], sizes = [48, 224], strides = [1, 1]} : vector<48x226xbf16> to vector<48x224xbf16>
    %slice3A_29 = vector.extract_strided_slice %reshape3A_27 {offsets = [0, 1], sizes = [48, 224], strides = [1, 1]} : vector<48x226xbf16> to vector<48x224xbf16>
    %slice3A_30 = vector.extract_strided_slice %reshape3A_27 {offsets = [0, 2], sizes = [48, 224], strides = [1, 1]} : vector<48x226xbf16> to vector<48x224xbf16>
    %concatenate3A_31 = tpu.concatenate %slice3A_28, %slice3A_29, %slice3A_30 in 0 : vector<48x224xbf16>, vector<48x224xbf16>, vector<48x224xbf16> -> vector<144x224xbf16>
    %slice3A_32 = vector.extract_strided_slice %pad3A_11 {offsets = [0, 0, 42, 0], sizes = [1, 3, 16, 226], strides = [1, 1, 1, 1]} : vector<8x3x226x226xbf16> to vector<1x3x16x226xbf16>
    %squeeze3A_33 = vector.shape_cast %slice3A_32 : vector<1x3x16x226xbf16> to vector<3x16x226xbf16>
    %reshape3A_34 = vector.shape_cast %squeeze3A_33 : vector<3x16x226xbf16> to vector<48x226xbf16>
    %slice3A_35 = vector.extract_strided_slice %reshape3A_34 {offsets = [0, 0], sizes = [48, 224], strides = [1, 1]} : vector<48x226xbf16> to vector<48x224xbf16>
    %slice3A_36 = vector.extract_strided_slice %reshape3A_34 {offsets = [0, 1], sizes = [48, 224], strides = [1, 1]} : vector<48x226xbf16> to vector<48x224xbf16>
    %slice3A_37 = vector.extract_strided_slice %reshape3A_34 {offsets = [0, 2], sizes = [48, 224], strides = [1, 1]} : vector<48x226xbf16> to vector<48x224xbf16>
    %concatenate3A_38 = tpu.concatenate %slice3A_35, %slice3A_36, %slice3A_37 in 0 : vector<48x224xbf16>, vector<48x224xbf16>, vector<48x224xbf16> -> vector<144x224xbf16>
    %slice3A_39 = vector.extract_strided_slice %pad3A_11 {offsets = [0, 0, 56, 0], sizes = [1, 3, 16, 226], strides = [1, 1, 1, 1]} : vector<8x3x226x226xbf16> to vector<1x3x16x226xbf16>
    %squeeze3A_40 = vector.shape_cast %slice3A_39 : vector<1x3x16x226xbf16> to vector<3x16x226xbf16>
    %reshape3A_41 = vector.shape_cast %squeeze3A_40 : vector<3x16x226xbf16> to vector<48x226xbf16>
    %slice3A_42 = vector.extract_strided_slice %reshape3A_41 {offsets = [0, 0], sizes = [48, 224], strides = [1, 1]} : vector<48x226xbf16> to vector<48x224xbf16>
    %slice3A_43 = vector.extract_strided_slice %reshape3A_41 {offsets = [0, 1], sizes = [48, 224], strides = [1, 1]} : vector<48x226xbf16> to vector<48x224xbf16>
    %slice3A_44 = vector.extract_strided_slice %reshape3A_41 {offsets = [0, 2], sizes = [48, 224], strides = [1, 1]} : vector<48x226xbf16> to vector<48x224xbf16>
    %concatenate3A_45 = tpu.concatenate %slice3A_42, %slice3A_43, %slice3A_44 in 0 : vector<48x224xbf16>, vector<48x224xbf16>, vector<48x224xbf16> -> vector<144x224xbf16>
    %slice3A_46 = vector.extract_strided_slice %pad3A_11 {offsets = [0, 0, 70, 0], sizes = [1, 3, 16, 226], strides = [1, 1, 1, 1]} : vector<8x3x226x226xbf16> to vector<1x3x16x226xbf16>
    %squeeze3A_47 = vector.shape_cast %slice3A_46 : vector<1x3x16x226xbf16> to vector<3x16x226xbf16>
    %reshape3A_48 = vector.shape_cast %squeeze3A_47 : vector<3x16x226xbf16> to vector<48x226xbf16>
    %slice3A_49 = vector.extract_strided_slice %reshape3A_48 {offsets = [0, 0], sizes = [48, 224], strides = [1, 1]} : vector<48x226xbf16> to vector<48x224xbf16>
    %slice3A_50 = vector.extract_strided_slice %reshape3A_48 {offsets = [0, 1], sizes = [48, 224], strides = [1, 1]} : vector<48x226xbf16> to vector<48x224xbf16>
    %slice3A_51 = vector.extract_strided_slice %reshape3A_48 {offsets = [0, 2], sizes = [48, 224], strides = [1, 1]} : vector<48x226xbf16> to vector<48x224xbf16>
    %concatenate3A_52 = tpu.concatenate %slice3A_49, %slice3A_50, %slice3A_51 in 0 : vector<48x224xbf16>, vector<48x224xbf16>, vector<48x224xbf16> -> vector<144x224xbf16>
    %slice3A_53 = vector.extract_strided_slice %pad3A_11 {offsets = [0, 0, 84, 0], sizes = [1, 3, 16, 226], strides = [1, 1, 1, 1]} : vector<8x3x226x226xbf16> to vector<1x3x16x226xbf16>
    %squeeze3A_54 = vector.shape_cast %slice3A_53 : vector<1x3x16x226xbf16> to vector<3x16x226xbf16>
    %reshape3A_55 = vector.shape_cast %squeeze3A_54 : vector<3x16x226xbf16> to vector<48x226xbf16>
    %slice3A_56 = vector.extract_strided_slice %reshape3A_55 {offsets = [0, 0], sizes = [48, 224], strides = [1, 1]} : vector<48x226xbf16> to vector<48x224xbf16>
    %slice3A_57 = vector.extract_strided_slice %reshape3A_55 {offsets = [0, 1], sizes = [48, 224], strides = [1, 1]} : vector<48x226xbf16> to vector<48x224xbf16>
    %slice3A_58 = vector.extract_strided_slice %reshape3A_55 {offsets = [0, 2], sizes = [48, 224], strides = [1, 1]} : vector<48x226xbf16> to vector<48x224xbf16>
    %concatenate3A_59 = tpu.concatenate %slice3A_56, %slice3A_57, %slice3A_58 in 0 : vector<48x224xbf16>, vector<48x224xbf16>, vector<48x224xbf16> -> vector<144x224xbf16>
    %slice3A_60 = vector.extract_strided_slice %pad3A_11 {offsets = [0, 0, 98, 0], sizes = [1, 3, 16, 226], strides = [1, 1, 1, 1]} : vector<8x3x226x226xbf16> to vector<1x3x16x226xbf16>
    %squeeze3A_61 = vector.shape_cast %slice3A_60 : vector<1x3x16x226xbf16> to vector<3x16x226xbf16>
    %reshape3A_62 = vector.shape_cast %squeeze3A_61 : vector<3x16x226xbf16> to vector<48x226xbf16>
    %slice3A_63 = vector.extract_strided_slice %reshape3A_62 {offsets = [0, 0], sizes = [48, 224], strides = [1, 1]} : vector<48x226xbf16> to vector<48x224xbf16>
    %slice3A_64 = vector.extract_strided_slice %reshape3A_62 {offsets = [0, 1], sizes = [48, 224], strides = [1, 1]} : vector<48x226xbf16> to vector<48x224xbf16>
    %slice3A_65 = vector.extract_strided_slice %reshape3A_62 {offsets = [0, 2], sizes = [48, 224], strides = [1, 1]} : vector<48x226xbf16> to vector<48x224xbf16>
    %concatenate3A_66 = tpu.concatenate %slice3A_63, %slice3A_64, %slice3A_65 in 0 : vector<48x224xbf16>, vector<48x224xbf16>, vector<48x224xbf16> -> vector<144x224xbf16>
    %slice3A_67 = vector.extract_strided_slice %pad3A_11 {offsets = [0, 0, 112, 0], sizes = [1, 3, 16, 226], strides = [1, 1, 1, 1]} : vector<8x3x226x226xbf16> to vector<1x3x16x226xbf16>
    %squeeze3A_68 = vector.shape_cast %slice3A_67 : vector<1x3x16x226xbf16> to vector<3x16x226xbf16>
    %reshape3A_69 = vector.shape_cast %squeeze3A_68 : vector<3x16x226xbf16> to vector<48x226xbf16>
    %slice3A_70 = vector.extract_strided_slice %reshape3A_69 {offsets = [0, 0], sizes = [48, 224], strides = [1, 1]} : vector<48x226xbf16> to vector<48x224xbf16>
    %slice3A_71 = vector.extract_strided_slice %reshape3A_69 {offsets = [0, 1], sizes = [48, 224], strides = [1, 1]} : vector<48x226xbf16> to vector<48x224xbf16>
    %slice3A_72 = vector.extract_strided_slice %reshape3A_69 {offsets = [0, 2], sizes = [48, 224], strides = [1, 1]} : vector<48x226xbf16> to vector<48x224xbf16>
    %concatenate3A_73 = tpu.concatenate %slice3A_70, %slice3A_71, %slice3A_72 in 0 : vector<48x224xbf16>, vector<48x224xbf16>, vector<48x224xbf16> -> vector<144x224xbf16>
    %slice3A_74 = vector.extract_strided_slice %pad3A_11 {offsets = [0, 0, 126, 0], sizes = [1, 3, 16, 226], strides = [1, 1, 1, 1]} : vector<8x3x226x226xbf16> to vector<1x3x16x226xbf16>
    %squeeze3A_75 = vector.shape_cast %slice3A_74 : vector<1x3x16x226xbf16> to vector<3x16x226xbf16>
    %reshape3A_76 = vector.shape_cast %squeeze3A_75 : vector<3x16x226xbf16> to vector<48x226xbf16>
    %slice3A_77 = vector.extract_strided_slice %reshape3A_76 {offsets = [0, 0], sizes = [48, 224], strides = [1, 1]} : vector<48x226xbf16> to vector<48x224xbf16>
    %slice3A_78 = vector.extract_strided_slice %reshape3A_76 {offsets = [0, 1], sizes = [48, 224], strides = [1, 1]} : vector<48x226xbf16> to vector<48x224xbf16>
    %slice3A_79 = vector.extract_strided_slice %reshape3A_76 {offsets = [0, 2], sizes = [48, 224], strides = [1, 1]} : vector<48x226xbf16> to vector<48x224xbf16>
    %concatenate3A_80 = tpu.concatenate %slice3A_77, %slice3A_78, %slice3A_79 in 0 : vector<48x224xbf16>, vector<48x224xbf16>, vector<48x224xbf16> -> vector<144x224xbf16>
    %slice3A_81 = vector.extract_strided_slice %pad3A_11 {offsets = [0, 0, 140, 0], sizes = [1, 3, 16, 226], strides = [1, 1, 1, 1]} : vector<8x3x226x226xbf16> to vector<1x3x16x226xbf16>
    %squeeze3A_82 = vector.shape_cast %slice3A_81 : vector<1x3x16x226xbf16> to vector<3x16x226xbf16>
    %reshape3A_83 = vector.shape_cast %squeeze3A_82 : vector<3x16x226xbf16> to vector<48x226xbf16>
    %slice3A_84 = vector.extract_strided_slice %reshape3A_83 {offsets = [0, 0], sizes = [48, 224], strides = [1, 1]} : vector<48x226xbf16> to vector<48x224xbf16>
    %slice3A_85 = vector.extract_strided_slice %reshape3A_83 {offsets = [0, 1], sizes = [48, 224], strides = [1, 1]} : vector<48x226xbf16> to vector<48x224xbf16>
    %slice3A_86 = vector.extract_strided_slice %reshape3A_83 {offsets = [0, 2], sizes = [48, 224], strides = [1, 1]} : vector<48x226xbf16> to vector<48x224xbf16>
    %concatenate3A_87 = tpu.concatenate %slice3A_84, %slice3A_85, %slice3A_86 in 0 : vector<48x224xbf16>, vector<48x224xbf16>, vector<48x224xbf16> -> vector<144x224xbf16>
    %slice3A_88 = vector.extract_strided_slice %pad3A_11 {offsets = [0, 0, 154, 0], sizes = [1, 3, 16, 226], strides = [1, 1, 1, 1]} : vector<8x3x226x226xbf16> to vector<1x3x16x226xbf16>
    %squeeze3A_89 = vector.shape_cast %slice3A_88 : vector<1x3x16x226xbf16> to vector<3x16x226xbf16>
    %reshape3A_90 = vector.shape_cast %squeeze3A_89 : vector<3x16x226xbf16> to vector<48x226xbf16>
    %slice3A_91 = vector.extract_strided_slice %reshape3A_90 {offsets = [0, 0], sizes = [48, 224], strides = [1, 1]} : vector<48x226xbf16> to vector<48x224xbf16>
    %slice3A_92 = vector.extract_strided_slice %reshape3A_90 {offsets = [0, 1], sizes = [48, 224], strides = [1, 1]} : vector<48x226xbf16> to vector<48x224xbf16>
    %slice3A_93 = vector.extract_strided_slice %reshape3A_90 {offsets = [0, 2], sizes = [48, 224], strides = [1, 1]} : vector<48x226xbf16> to vector<48x224xbf16>
    %concatenate3A_94 = tpu.concatenate %slice3A_91, %slice3A_92, %slice3A_93 in 0 : vector<48x224xbf16>, vector<48x224xbf16>, vector<48x224xbf16> -> vector<144x224xbf16>
    %slice3A_95 = vector.extract_strided_slice %pad3A_11 {offsets = [0, 0, 168, 0], sizes = [1, 3, 16, 226], strides = [1, 1, 1, 1]} : vector<8x3x226x226xbf16> to vector<1x3x16x226xbf16>
    %squeeze3A_96 = vector.shape_cast %slice3A_95 : vector<1x3x16x226xbf16> to vector<3x16x226xbf16>
    %reshape3A_97 = vector.shape_cast %squeeze3A_96 : vector<3x16x226xbf16> to vector<48x226xbf16>
    %slice3A_98 = vector.extract_strided_slice %reshape3A_97 {offsets = [0, 0], sizes = [48, 224], strides = [1, 1]} : vector<48x226xbf16> to vector<48x224xbf16>
    %slice3A_99 = vector.extract_strided_slice %reshape3A_97 {offsets = [0, 1], sizes = [48, 224], strides = [1, 1]} : vector<48x226xbf16> to vector<48x224xbf16>
    %slice3A_100 = vector.extract_strided_slice %reshape3A_97 {offsets = [0, 2], sizes = [48, 224], strides = [1, 1]} : vector<48x226xbf16> to vector<48x224xbf16>
    %concatenate3A_101 = tpu.concatenate %slice3A_98, %slice3A_99, %slice3A_100 in 0 : vector<48x224xbf16>, vector<48x224xbf16>, vector<48x224xbf16> -> vector<144x224xbf16>
    %slice3A_102 = vector.extract_strided_slice %pad3A_11 {offsets = [0, 0, 182, 0], sizes = [1, 3, 16, 226], strides = [1, 1, 1, 1]} : vector<8x3x226x226xbf16> to vector<1x3x16x226xbf16>
    %squeeze3A_103 = vector.shape_cast %slice3A_102 : vector<1x3x16x226xbf16> to vector<3x16x226xbf16>
    %reshape3A_104 = vector.shape_cast %squeeze3A_103 : vector<3x16x226xbf16> to vector<48x226xbf16>
    %slice3A_105 = vector.extract_strided_slice %reshape3A_104 {offsets = [0, 0], sizes = [48, 224], strides = [1, 1]} : vector<48x226xbf16> to vector<48x224xbf16>
    %slice3A_106 = vector.extract_strided_slice %reshape3A_104 {offsets = [0, 1], sizes = [48, 224], strides = [1, 1]} : vector<48x226xbf16> to vector<48x224xbf16>
    %slice3A_107 = vector.extract_strided_slice %reshape3A_104 {offsets = [0, 2], sizes = [48, 224], strides = [1, 1]} : vector<48x226xbf16> to vector<48x224xbf16>
    %concatenate3A_108 = tpu.concatenate %slice3A_105, %slice3A_106, %slice3A_107 in 0 : vector<48x224xbf16>, vector<48x224xbf16>, vector<48x224xbf16> -> vector<144x224xbf16>
    %slice3A_109 = vector.extract_strided_slice %pad3A_11 {offsets = [0, 0, 196, 0], sizes = [1, 3, 16, 226], strides = [1, 1, 1, 1]} : vector<8x3x226x226xbf16> to vector<1x3x16x226xbf16>
    %squeeze3A_110 = vector.shape_cast %slice3A_109 : vector<1x3x16x226xbf16> to vector<3x16x226xbf16>
    %reshape3A_111 = vector.shape_cast %squeeze3A_110 : vector<3x16x226xbf16> to vector<48x226xbf16>
    %slice3A_112 = vector.extract_strided_slice %reshape3A_111 {offsets = [0, 0], sizes = [48, 224], strides = [1, 1]} : vector<48x226xbf16> to vector<48x224xbf16>
    %slice3A_113 = vector.extract_strided_slice %reshape3A_111 {offsets = [0, 1], sizes = [48, 224], strides = [1, 1]} : vector<48x226xbf16> to vector<48x224xbf16>
    %slice3A_114 = vector.extract_strided_slice %reshape3A_111 {offsets = [0, 2], sizes = [48, 224], strides = [1, 1]} : vector<48x226xbf16> to vector<48x224xbf16>
    %concatenate3A_115 = tpu.concatenate %slice3A_112, %slice3A_113, %slice3A_114 in 0 : vector<48x224xbf16>, vector<48x224xbf16>, vector<48x224xbf16> -> vector<144x224xbf16>
    %slice3A_116 = vector.extract_strided_slice %pad3A_11 {offsets = [0, 0, 210, 0], sizes = [1, 3, 16, 226], strides = [1, 1, 1, 1]} : vector<8x3x226x226xbf16> to vector<1x3x16x226xbf16>
    %squeeze3A_117 = vector.shape_cast %slice3A_116 : vector<1x3x16x226xbf16> to vector<3x16x226xbf16>
    %reshape3A_118 = vector.shape_cast %squeeze3A_117 : vector<3x16x226xbf16> to vector<48x226xbf16>
    %slice3A_119 = vector.extract_strided_slice %reshape3A_118 {offsets = [0, 0], sizes = [48, 224], strides = [1, 1]} : vector<48x226xbf16> to vector<48x224xbf16>
    %slice3A_120 = vector.extract_strided_slice %reshape3A_118 {offsets = [0, 1], sizes = [48, 224], strides = [1, 1]} : vector<48x226xbf16> to vector<48x224xbf16>
    %slice3A_121 = vector.extract_strided_slice %reshape3A_118 {offsets = [0, 2], sizes = [48, 224], strides = [1, 1]} : vector<48x226xbf16> to vector<48x224xbf16>
    %concatenate3A_122 = tpu.concatenate %slice3A_119, %slice3A_120, %slice3A_121 in 0 : vector<48x224xbf16>, vector<48x224xbf16>, vector<48x224xbf16> -> vector<144x224xbf16>
    %concatenate3A_123 = tpu.concatenate %concatenate3A, %concatenate3A_24, %concatenate3A_31, %concatenate3A_38, %concatenate3A_45, %concatenate3A_52, %concatenate3A_59, %concatenate3A_66, %concatenate3A_73, %concatenate3A_80, %concatenate3A_87, %concatenate3A_94, %concatenate3A_101, %concatenate3A_108, %concatenate3A_115, %concatenate3A_122 in 1 : vector<144x224xbf16>, vector<144x224xbf16>, vector<144x224xbf16>, vector<144x224xbf16>, vector<144x224xbf16>, vector<144x224xbf16>, vector<144x224xbf16>, vector<144x224xbf16>, vector<144x224xbf16>, vector<144x224xbf16>, vector<144x224xbf16>, vector<144x224xbf16>, vector<144x224xbf16>, vector<144x224xbf16>, vector<144x224xbf16>, vector<144x224xbf16> -> vector<144x3584xbf16>
    %concatenate3A_124 = tpu.concatenate %concatenate3A_123, %broadcast_in_dim3A_12 in 0 : vector<144x3584xbf16>, vector<1x3584xbf16> -> vector<145x3584xbf16>
    %get3A_125 = arith.constant 0 : index
    %get3A_126 = arith.constant 0 : index
    %get3A_127 = vector.load %arg2[%get3A_125, %get3A_126] : memref<896x145xbf16, #tpu.memory_space<vmem>>, vector<896x145xbf16>
    %dot_general3A = arith.constant dense<0.000000e+00> : vector<896x3584xf32>
    %dot_general3A_128 = tpu.matmul %get3A_127, %concatenate3A_124, %dot_general3A {dimension_numbers = #tpu.dot_dimension_numbers<[1], [0], [0], [1], [0, 0, 1, 1], [], []>, transpose_lhs_hint = false} : vector<896x145xbf16>, vector<145x3584xbf16>, vector<896x3584xf32> -> vector<896x3584xf32>
    %max3A = arith.constant 0.000000e+00 : f32
    %max3A_129 = vector.broadcast %max3A : f32 to vector<896x3584xf32>
    %max3A_130 = arith.maximumf %dot_general3A_128, %max3A_129 : vector<896x3584xf32>
    %reduce_sum3A = arith.constant dense<0.000000e+00> : vector<896xf32>
    %reduce_sum3A_131 = vector.multi_reduction <add>, %max3A_130, %reduce_sum3A [1] : vector<896x3584xf32> to vector<896xf32>
    %reshape3A_132 = vector.shape_cast %reduce_sum3A_131 : vector<896xf32> to vector<14x64xf32>
    %add3A = arith.addf %broadcast_in_dim3A_14, %reshape3A_132 : vector<14x64xf32>
    %reduce_sum3A_133 = arith.constant dense<0.000000e+00> : vector<64xf32>
    %reduce_sum3A_134 = vector.multi_reduction <add>, %add3A, %reduce_sum3A_133 [0] : vector<14x64xf32> to vector<64xf32>
    %mul3A = arith.constant 1.99298465E-5 : f32
    %mul3A_135 = vector.broadcast %mul3A : f32 to vector<64xf32>
    %mul3A_136 = arith.mulf %reduce_sum3A_134, %mul3A_135 : vector<64xf32>
    %swap3A = arith.constant 0 : index
    %swap3A_137 = arith.constant 0 : index
    %swap3A_138 = arith.constant 0 : index
    %swap3A_139 = vector.load %arg3[%swap3A, %swap3A_137, %swap3A_138] : memref<8x1x64xf32, #tpu.memory_space<vmem>>, vector<1x1x64xf32>
    %swap3A_140 = vector.shape_cast %swap3A_139 : vector<1x1x64xf32> to vector<64xf32>
    %swap3A_141 = vector.shape_cast %mul3A_136 : vector<64xf32> to vector<1x1x64xf32>
    tpu.vector_store %arg3[%swap3A, %swap3A_137, %swap3A_138], %swap3A_141 {strides = array<i32>} : memref<8x1x64xf32, #tpu.memory_space<vmem>>, vector<1x1x64xf32>,
    %broadcast_in_dim3A_142 = arith.constant 0.000000e+00 : f32
    %broadcast_in_dim3A_143 = vector.broadcast %broadcast_in_dim3A_142 : f32 to vector<14x64xf32>
    %slice3A_144 = vector.extract_strided_slice %pad3A_11 {offsets = [1, 0, 0, 0], sizes = [1, 3, 16, 226], strides = [1, 1, 1, 1]} : vector<8x3x226x226xbf16> to vector<1x3x16x226xbf16>
    %squeeze3A_145 = vector.shape_cast %slice3A_144 : vector<1x3x16x226xbf16> to vector<3x16x226xbf16>
    %reshape3A_146 = vector.shape_cast %squeeze3A_145 : vector<3x16x226xbf16> to vector<48x226xbf16>
    %slice3A_147 = vector.extract_strided_slice %reshape3A_146 {offsets = [0, 0], sizes = [48, 224], strides = [1, 1]} : vector<48x226xbf16> to vector<48x224xbf16>
    %slice3A_148 = vector.extract_strided_slice %reshape3A_146 {offsets = [0, 1], sizes = [48, 224], strides = [1, 1]} : vector<48x226xbf16> to vector<48x224xbf16>
    %slice3A_149 = vector.extract_strided_slice %reshape3A_146 {offsets = [0, 2], sizes = [48, 224], strides = [1, 1]} : vector<48x226xbf16> to vector<48x224xbf16>
    %concatenate3A_150 = tpu.concatenate %slice3A_147, %slice3A_148, %slice3A_149 in 0 : vector<48x224xbf16>, vector<48x224xbf16>, vector<48x224xbf16> -> vector<144x224xbf16>
    %slice3A_151 = vector.extract_strided_slice %pad3A_11 {offsets = [1, 0, 14, 0], sizes = [1, 3, 16, 226], strides = [1, 1, 1, 1]} : vector<8x3x226x226xbf16> to vector<1x3x16x226xbf16>
    %squeeze3A_152 = vector.shape_cast %slice3A_151 : vector<1x3x16x226xbf16> to vector<3x16x226xbf16>
    %reshape3A_153 = vector.shape_cast %squeeze3A_152 : vector<3x16x226xbf16> to vector<48x226xbf16>
    %slice3A_154 = vector.extract_strided_slice %reshape3A_153 {offsets = [0, 0], sizes = [48, 224], strides = [1, 1]} : vector<48x226xbf16> to vector<48x224xbf16>
    %slice3A_155 = vector.extract_strided_slice %reshape3A_153 {offsets = [0, 1], sizes = [48, 224], strides = [1, 1]} : vector<48x226xbf16> to vector<48x224xbf16>
    %slice3A_156 = vector.extract_strided_slice %reshape3A_153 {offsets = [0, 2], sizes = [48, 224], strides = [1, 1]} : vector<48x226xbf16> to vector<48x224xbf16>
    %concatenate3A_157 = tpu.concatenate %slice3A_154, %slice3A_155, %slice3A_156 in 0 : vector<48x224xbf16>, vector<48x224xbf16>, vector<48x224xbf16> -> vector<144x224xbf16>
    %slice3A_158 = vector.extract_strided_slice %pad3A_11 {offsets = [1, 0, 28, 0], sizes = [1, 3, 16, 226], strides = [1, 1, 1, 1]} : vector<8x3x226x226xbf16> to vector<1x3x16x226xbf16>
    %squeeze3A_159 = vector.shape_cast %slice3A_158 : vector<1x3x16x226xbf16> to vector<3x16x226xbf16>
    %reshape3A_160 = vector.shape_cast %squeeze3A_159 : vector<3x16x226xbf16> to vector<48x226xbf16>
    %slice3A_161 = vector.extract_strided_slice %reshape3A_160 {offsets = [0, 0], sizes = [48, 224], strides = [1, 1]} : vector<48x226xbf16> to vector<48x224xbf16>
    %slice3A_162 = vector.extract_strided_slice %reshape3A_160 {offsets = [0, 1], sizes = [48, 224], strides = [1, 1]} : vector<48x226xbf16> to vector<48x224xbf16>
    %slice3A_163 = vector.extract_strided_slice %reshape3A_160 {offsets = [0, 2], sizes = [48, 224], strides = [1, 1]} : vector<48x226xbf16> to vector<48x224xbf16>
    %concatenate3A_164 = tpu.concatenate %slice3A_161, %slice3A_162, %slice3A_163 in 0 : vector<48x224xbf16>, vector<48x224xbf16>, vector<48x224xbf16> -> vector<144x224xbf16>
    %slice3A_165 = vector.extract_strided_slice %pad3A_11 {offsets = [1, 0, 42, 0], sizes = [1, 3, 16, 226], strides = [1, 1, 1, 1]} : vector<8x3x226x226xbf16> to vector<1x3x16x226xbf16>
    %squeeze3A_166 = vector.shape_cast %slice3A_165 : vector<1x3x16x226xbf16> to vector<3x16x226xbf16>
    %reshape3A_167 = vector.shape_cast %squeeze3A_166 : vector<3x16x226xbf16> to vector<48x226xbf16>
    %slice3A_168 = vector.extract_strided_slice %reshape3A_167 {offsets = [0, 0], sizes = [48, 224], strides = [1, 1]} : vector<48x226xbf16> to vector<48x224xbf16>
    %slice3A_169 = vector.extract_strided_slice %reshape3A_167 {offsets = [0, 1], sizes = [48, 224], strides = [1, 1]} : vector<48x226xbf16> to vector<48x224xbf16>
    %slice3A_170 = vector.extract_strided_slice %reshape3A_167 {offsets = [0, 2], sizes = [48, 224], strides = [1, 1]} : vector<48x226xbf16> to vector<48x224xbf16>
    %concatenate3A_171 = tpu.concatenate %slice3A_168, %slice3A_169, %slice3A_170 in 0 : vector<48x224xbf16>, vector<48x224xbf16>, vector<48x224xbf16> -> vector<144x224xbf16>
    %slice3A_172 = vector.extract_strided_slice %pad3A_11 {offsets = [1, 0, 56, 0], sizes = [1, 3, 16, 226], strides = [1, 1, 1, 1]} : vector<8x3x226x226xbf16> to vector<1x3x16x226xbf16>
    %squeeze3A_173 = vector.shape_cast %slice3A_172 : vector<1x3x16x226xbf16> to vector<3x16x226xbf16>
    %reshape3A_174 = vector.shape_cast %squeeze3A_173 : vector<3x16x226xbf16> to vector<48x226xbf16>
    %slice3A_175 = vector.extract_strided_slice %reshape3A_174 {offsets = [0, 0], sizes = [48, 224], strides = [1, 1]} : vector<48x226xbf16> to vector<48x224xbf16>
    %slice3A_176 = vector.extract_strided_slice %reshape3A_174 {offsets = [0, 1], sizes = [48, 224], strides = [1, 1]} : vector<48x226xbf16> to vector<48x224xbf16>
    %slice3A_177 = vector.extract_strided_slice %reshape3A_174 {offsets = [0, 2], sizes = [48, 224], strides = [1, 1]} : vector<48x226xbf16> to vector<48x224xbf16>
    %concatenate3A_178 = tpu.concatenate %slice3A_175, %slice3A_176, %slice3A_177 in 0 : vector<48x224xbf16>, vector<48x224xbf16>, vector<48x224xbf16> -> vector<144x224xbf16>
    %slice3A_179 = vector.extract_strided_slice %pad3A_11 {offsets = [1, 0, 70, 0], sizes = [1, 3, 16, 226], strides = [1, 1, 1, 1]} : vector<8x3x226x226xbf16> to vector<1x3x16x226xbf16>
    %squeeze3A_180 = vector.shape_cast %slice3A_179 : vector<1x3x16x226xbf16> to vector<3x16x226xbf16>
    %reshape3A_181 = vector.shape_cast %squeeze3A_180 : vector<3x16x226xbf16> to vector<48x226xbf16>
    %slice3A_182 = vector.extract_strided_slice %reshape3A_181 {offsets = [0, 0], sizes = [48, 224], strides = [1, 1]} : vector<48x226xbf16> to vector<48x224xbf16>
    %slice3A_183 = vector.extract_strided_slice %reshape3A_181 {offsets = [0, 1], sizes = [48, 224], strides = [1, 1]} : vector<48x226xbf16> to vector<48x224xbf16>
    %slice3A_184 = vector.extract_strided_slice %reshape3A_181 {offsets = [0, 2], sizes = [48, 224], strides = [1, 1]} : vector<48x226xbf16> to vector<48x224xbf16>
    %concatenate3A_185 = tpu.concatenate %slice3A_182, %slice3A_183, %slice3A_184 in 0 : vector<48x224xbf16>, vector<48x224xbf16>, vector<48x224xbf16> -> vector<144x224xbf16>
    %slice3A_186 = vector.extract_strided_slice %pad3A_11 {offsets = [1, 0, 84, 0], sizes = [1, 3, 16, 226], strides = [1, 1, 1, 1]} : vector<8x3x226x226xbf16> to vector<1x3x16x226xbf16>
    %squeeze3A_187 = vector.shape_cast %slice3A_186 : vector<1x3x16x226xbf16> to vector<3x16x226xbf16>
    %reshape3A_188 = vector.shape_cast %squeeze3A_187 : vector<3x16x226xbf16> to vector<48x226xbf16>
    %slice3A_189 = vector.extract_strided_slice %reshape3A_188 {offsets = [0, 0], sizes = [48, 224], strides = [1, 1]} : vector<48x226xbf16> to vector<48x224xbf16>
    %slice3A_190 = vector.extract_strided_slice %reshape3A_188 {offsets = [0, 1], sizes = [48, 224], strides = [1, 1]} : vector<48x226xbf16> to vector<48x224xbf16>
    %slice3A_191 = vector.extract_strided_slice %reshape3A_188 {offsets = [0, 2], sizes = [48, 224], strides = [1, 1]} : vector<48x226xbf16> to vector<48x224xbf16>
    %concatenate3A_192 = tpu.concatenate %slice3A_189, %slice3A_190, %slice3A_191 in 0 : vector<48x224xbf16>, vector<48x224xbf16>, vector<48x224xbf16> -> vector<144x224xbf16>
    %slice3A_193 = vector.extract_strided_slice %pad3A_11 {offsets = [1, 0, 98, 0], sizes = [1, 3, 16, 226], strides = [1, 1, 1, 1]} : vector<8x3x226x226xbf16> to vector<1x3x16x226xbf16>
    %squeeze3A_194 = vector.shape_cast %slice3A_193 : vector<1x3x16x226xbf16> to vector<3x16x226xbf16>
    %reshape3A_195 = vector.shape_cast %squeeze3A_194 : vector<3x16x226xbf16> to vector<48x226xbf16>
    %slice3A_196 = vector.extract_strided_slice %reshape3A_195 {offsets = [0, 0], sizes = [48, 224], strides = [1, 1]} : vector<48x226xbf16> to vector<48x224xbf16>
    %slice3A_197 = vector.extract_strided_slice %reshape3A_195 {offsets = [0, 1], sizes = [48, 224], strides = [1, 1]} : vector<48x226xbf16> to vector<48x224xbf16>
    %slice3A_198 = vector.extract_strided_slice %reshape3A_195 {offsets = [0, 2], sizes = [48, 224], strides = [1, 1]} : vector<48x226xbf16> to vector<48x224xbf16>
    %concatenate3A_199 = tpu.concatenate %slice3A_196, %slice3A_197, %slice3A_198 in 0 : vector<48x224xbf16>, vector<48x224xbf16>, vector<48x224xbf16> -> vector<144x224xbf16>
    %slice3A_200 = vector.extract_strided_slice %pad3A_11 {offsets = [1, 0, 112, 0], sizes = [1, 3, 16, 226], strides = [1, 1, 1, 1]} : vector<8x3x226x226xbf16> to vector<1x3x16x226xbf16>
    %squeeze3A_201 = vector.shape_cast %slice3A_200 : vector<1x3x16x226xbf16> to vector<3x16x226xbf16>
    %reshape3A_202 = vector.shape_cast %squeeze3A_201 : vector<3x16x226xbf16> to vector<48x226xbf16>
    %slice3A_203 = vector.extract_strided_slice %reshape3A_202 {offsets = [0, 0], sizes = [48, 224], strides = [1, 1]} : vector<48x226xbf16> to vector<48x224xbf16>
    %slice3A_204 = vector.extract_strided_slice %reshape3A_202 {offsets = [0, 1], sizes = [48, 224], strides = [1, 1]} : vector<48x226xbf16> to vector<48x224xbf16>
    %slice3A_205 = vector.extract_strided_slice %reshape3A_202 {offsets = [0, 2], sizes = [48, 224], strides = [1, 1]} : vector<48x226xbf16> to vector<48x224xbf16>
    %concatenate3A_206 = tpu.concatenate %slice3A_203, %slice3A_204, %slice3A_205 in 0 : vector<48x224xbf16>, vector<48x224xbf16>, vector<48x224xbf16> -> vector<144x224xbf16>
    %slice3A_207 = vector.extract_strided_slice %pad3A_11 {offsets = [1, 0, 126, 0], sizes = [1, 3, 16, 226], strides = [1, 1, 1, 1]} : vector<8x3x226x226xbf16> to vector<1x3x16x226xbf16>
    %squeeze3A_208 = vector.shape_cast %slice3A_207 : vector<1x3x16x226xbf16> to vector<3x16x226xbf16>
    %reshape3A_209 = vector.shape_cast %squeeze3A_208 : vector<3x16x226xbf16> to vector<48x226xbf16>
    %slice3A_210 = vector.extract_strided_slice %reshape3A_209 {offsets = [0, 0], sizes = [48, 224], strides = [1, 1]} : vector<48x226xbf16> to vector<48x224xbf16>
    %slice3A_211 = vector.extract_strided_slice %reshape3A_209 {offsets = [0, 1], sizes = [48, 224], strides = [1, 1]} : vector<48x226xbf16> to vector<48x224xbf16>
    %slice3A_212 = vector.extract_strided_slice %reshape3A_209 {offsets = [0, 2], sizes = [48, 224], strides = [1, 1]} : vector<48x226xbf16> to vector<48x224xbf16>
    %concatenate3A_213 = tpu.concatenate %slice3A_210, %slice3A_211, %slice3A_212 in 0 : vector<48x224xbf16>, vector<48x224xbf16>, vector<48x224xbf16> -> vector<144x224xbf16>
    %slice3A_214 = vector.extract_strided_slice %pad3A_11 {offsets = [1, 0, 140, 0], sizes = [1, 3, 16, 226], strides = [1, 1, 1, 1]} : vector<8x3x226x226xbf16> to vector<1x3x16x226xbf16>
    %squeeze3A_215 = vector.shape_cast %slice3A_214 : vector<1x3x16x226xbf16> to vector<3x16x226xbf16>
    %reshape3A_216 = vector.shape_cast %squeeze3A_215 : vector<3x16x226xbf16> to vector<48x226xbf16>
    %slice3A_217 = vector.extract_strided_slice %reshape3A_216 {offsets = [0, 0], sizes = [48, 224], strides = [1, 1]} : vector<48x226xbf16> to vector<48x224xbf16>
    %slice3A_218 = vector.extract_strided_slice %reshape3A_216 {offsets = [0, 1], sizes = [48, 224], strides = [1, 1]} : vector<48x226xbf16> to vector<48x224xbf16>
    %slice3A_219 = vector.extract_strided_slice %reshape3A_216 {offsets = [0, 2], sizes = [48, 224], strides = [1, 1]} : vector<48x226xbf16> to vector<48x224xbf16>
    %concatenate3A_220 = tpu.concatenate %slice3A_217, %slice3A_218, %slice3A_219 in 0 : vector<48x224xbf16>, vector<48x224xbf16>, vector<48x224xbf16> -> vector<144x224xbf16>
    %slice3A_221 = vector.extract_strided_slice %pad3A_11 {offsets = [1, 0, 154, 0], sizes = [1, 3, 16, 226], strides = [1, 1, 1, 1]} : vector<8x3x226x226xbf16> to vector<1x3x16x226xbf16>
    %squeeze3A_222 = vector.shape_cast %slice3A_221 : vector<1x3x16x226xbf16> to vector<3x16x226xbf16>
    %reshape3A_223 = vector.shape_cast %squeeze3A_222 : vector<3x16x226xbf16> to vector<48x226xbf16>
    %slice3A_224 = vector.extract_strided_slice %reshape3A_223 {offsets = [0, 0], sizes = [48, 224], strides = [1, 1]} : vector<48x226xbf16> to vector<48x224xbf16>
    %slice3A_225 = vector.extract_strided_slice %reshape3A_223 {offsets = [0, 1], sizes = [48, 224], strides = [1, 1]} : vector<48x226xbf16> to vector<48x224xbf16>
    %slice3A_226 = vector.extract_strided_slice %reshape3A_223 {offsets = [0, 2], sizes = [48, 224], strides = [1, 1]} : vector<48x226xbf16> to vector<48x224xbf16>
    %concatenate3A_227 = tpu.concatenate %slice3A_224, %slice3A_225, %slice3A_226 in 0 : vector<48x224xbf16>, vector<48x224xbf16>, vector<48x224xbf16> -> vector<144x224xbf16>
    %slice3A_228 = vector.extract_strided_slice %pad3A_11 {offsets = [1, 0, 168, 0], sizes = [1, 3, 16, 226], strides = [1, 1, 1, 1]} : vector<8x3x226x226xbf16> to vector<1x3x16x226xbf16>
    %squeeze3A_229 = vector.shape_cast %slice3A_228 : vector<1x3x16x226xbf16> to vector<3x16x226xbf16>
    %reshape3A_230 = vector.shape_cast %squeeze3A_229 : vector<3x16x226xbf16> to vector<48x226xbf16>
    %slice3A_231 = vector.extract_strided_slice %reshape3A_230 {offsets = [0, 0], sizes = [48, 224], strides = [1, 1]} : vector<48x226xbf16> to vector<48x224xbf16>
    %slice3A_232 = vector.extract_strided_slice %reshape3A_230 {offsets = [0, 1], sizes = [48, 224], strides = [1, 1]} : vector<48x226xbf16> to vector<48x224xbf16>
    %slice3A_233 = vector.extract_strided_slice %reshape3A_230 {offsets = [0, 2], sizes = [48, 224], strides = [1, 1]} : vector<48x226xbf16> to vector<48x224xbf16>
    %concatenate3A_234 = tpu.concatenate %slice3A_231, %slice3A_232, %slice3A_233 in 0 : vector<48x224xbf16>, vector<48x224xbf16>, vector<48x224xbf16> -> vector<144x224xbf16>
    %slice3A_235 = vector.extract_strided_slice %pad3A_11 {offsets = [1, 0, 182, 0], sizes = [1, 3, 16, 226], strides = [1, 1, 1, 1]} : vector<8x3x226x226xbf16> to vector<1x3x16x226xbf16>
    %squeeze3A_236 = vector.shape_cast %slice3A_235 : vector<1x3x16x226xbf16> to vector<3x16x226xbf16>
    %reshape3A_237 = vector.shape_cast %squeeze3A_236 : vector<3x16x226xbf16> to vector<48x226xbf16>
    %slice3A_238 = vector.extract_strided_slice %reshape3A_237 {offsets = [0, 0], sizes = [48, 224], strides = [1, 1]} : vector<48x226xbf16> to vector<48x224xbf16>
    %slice3A_239 = vector.extract_strided_slice %reshape3A_237 {offsets = [0, 1], sizes = [48, 224], strides = [1, 1]} : vector<48x226xbf16> to vector<48x224xbf16>
    %slice3A_240 = vector.extract_strided_slice %reshape3A_237 {offsets = [0, 2], sizes = [48, 224], strides = [1, 1]} : vector<48x226xbf16> to vector<48x224xbf16>
    %concatenate3A_241 = tpu.concatenate %slice3A_238, %slice3A_239, %slice3A_240 in 0 : vector<48x224xbf16>, vector<48x224xbf16>, vector<48x224xbf16> -> vector<144x224xbf16>
    %slice3A_242 = vector.extract_strided_slice %pad3A_11 {offsets = [1, 0, 196, 0], sizes = [1, 3, 16, 226], strides = [1, 1, 1, 1]} : vector<8x3x226x226xbf16> to vector<1x3x16x226xbf16>
    %squeeze3A_243 = vector.shape_cast %slice3A_242 : vector<1x3x16x226xbf16> to vector<3x16x226xbf16>
    %reshape3A_244 = vector.shape_cast %squeeze3A_243 : vector<3x16x226xbf16> to vector<48x226xbf16>
    %slice3A_245 = vector.extract_strided_slice %reshape3A_244 {offsets = [0, 0], sizes = [48, 224], strides = [1, 1]} : vector<48x226xbf16> to vector<48x224xbf16>
    %slice3A_246 = vector.extract_strided_slice %reshape3A_244 {offsets = [0, 1], sizes = [48, 224], strides = [1, 1]} : vector<48x226xbf16> to vector<48x224xbf16>
    %slice3A_247 = vector.extract_strided_slice %reshape3A_244 {offsets = [0, 2], sizes = [48, 224], strides = [1, 1]} : vector<48x226xbf16> to vector<48x224xbf16>
    %concatenate3A_248 = tpu.concatenate %slice3A_245, %slice3A_246, %slice3A_247 in 0 : vector<48x224xbf16>, vector<48x224xbf16>, vector<48x224xbf16> -> vector<144x224xbf16>
    %slice3A_249 = vector.extract_strided_slice %pad3A_11 {offsets = [1, 0, 210, 0], sizes = [1, 3, 16, 226], strides = [1, 1, 1, 1]} : vector<8x3x226x226xbf16> to vector<1x3x16x226xbf16>
    %squeeze3A_250 = vector.shape_cast %slice3A_249 : vector<1x3x16x226xbf16> to vector<3x16x226xbf16>
    %reshape3A_251 = vector.shape_cast %squeeze3A_250 : vector<3x16x226xbf16> to vector<48x226xbf16>
    %slice3A_252 = vector.extract_strided_slice %reshape3A_251 {offsets = [0, 0], sizes = [48, 224], strides = [1, 1]} : vector<48x226xbf16> to vector<48x224xbf16>
    %slice3A_253 = vector.extract_strided_slice %reshape3A_251 {offsets = [0, 1], sizes = [48, 224], strides = [1, 1]} : vector<48x226xbf16> to vector<48x224xbf16>
    %slice3A_254 = vector.extract_strided_slice %reshape3A_251 {offsets = [0, 2], sizes = [48, 224], strides = [1, 1]} : vector<48x226xbf16> to vector<48x224xbf16>
    %concatenate3A_255 = tpu.concatenate %slice3A_252, %slice3A_253, %slice3A_254 in 0 : vector<48x224xbf16>, vector<48x224xbf16>, vector<48x224xbf16> -> vector<144x224xbf16>
    %concatenate3A_256 = tpu.concatenate %concatenate3A_150, %concatenate3A_157, %concatenate3A_164, %concatenate3A_171, %concatenate3A_178, %concatenate3A_185, %concatenate3A_192, %concatenate3A_199, %concatenate3A_206, %concatenate3A_213, %concatenate3A_220, %concatenate3A_227, %concatenate3A_234, %concatenate3A_241, %concatenate3A_248, %concatenate3A_255 in 1 : vector<144x224xbf16>, vector<144x224xbf16>, vector<144x224xbf16>, vector<144x224xbf16>, vector<144x224xbf16>, vector<144x224xbf16>, vector<144x224xbf16>, vector<144x224xbf16>, vector<144x224xbf16>, vector<144x224xbf16>, vector<144x224xbf16>, vector<144x224xbf16>, vector<144x224xbf16>, vector<144x224xbf16>, vector<144x224xbf16>, vector<144x224xbf16> -> vector<144x3584xbf16>
    %concatenate3A_257 = tpu.concatenate %concatenate3A_256, %broadcast_in_dim3A_12 in 0 : vector<144x3584xbf16>, vector<1x3584xbf16> -> vector<145x3584xbf16>
    %get3A_258 = arith.constant 0 : index
    %get3A_259 = arith.constant 0 : index
    %get3A_260 = vector.load %arg2[%get3A_258, %get3A_259] : memref<896x145xbf16, #tpu.memory_space<vmem>>, vector<896x145xbf16>
    %dot_general3A_261 = arith.constant dense<0.000000e+00> : vector<896x3584xf32>
    %dot_general3A_262 = tpu.matmul %get3A_260, %concatenate3A_257, %dot_general3A_261 {dimension_numbers = #tpu.dot_dimension_numbers<[1], [0], [0], [1], [0, 0, 1, 1], [], []>, transpose_lhs_hint = false} : vector<896x145xbf16>, vector<145x3584xbf16>, vector<896x3584xf32> -> vector<896x3584xf32>
    %max3A_263 = arith.constant 0.000000e+00 : f32
    %max3A_264 = vector.broadcast %max3A_263 : f32 to vector<896x3584xf32>
    %max3A_265 = arith.maximumf %dot_general3A_262, %max3A_264 : vector<896x3584xf32>
    %reduce_sum3A_266 = arith.constant dense<0.000000e+00> : vector<896xf32>
    %reduce_sum3A_267 = vector.multi_reduction <add>, %max3A_265, %reduce_sum3A_266 [1] : vector<896x3584xf32> to vector<896xf32>
    %reshape3A_268 = vector.shape_cast %reduce_sum3A_267 : vector<896xf32> to vector<14x64xf32>
    %add3A_269 = arith.addf %broadcast_in_dim3A_143, %reshape3A_268 : vector<14x64xf32>
    %reduce_sum3A_270 = arith.constant dense<0.000000e+00> : vector<64xf32>
    %reduce_sum3A_271 = vector.multi_reduction <add>, %add3A_269, %reduce_sum3A_270 [0] : vector<14x64xf32> to vector<64xf32>
    %mul3A_272 = arith.constant 1.99298465E-5 : f32
    %mul3A_273 = vector.broadcast %mul3A_272 : f32 to vector<64xf32>
    %mul3A_274 = arith.mulf %reduce_sum3A_271, %mul3A_273 : vector<64xf32>
    %swap3A_275 = arith.constant 1 : index
    %swap3A_276 = arith.constant 0 : index
    %swap3A_277 = arith.constant 0 : index
    %swap3A_278 = vector.load %arg3[%swap3A_275, %swap3A_276, %swap3A_277] : memref<8x1x64xf32, #tpu.memory_space<vmem>>, vector<1x1x64xf32>
    %swap3A_279 = vector.shape_cast %swap3A_278 : vector<1x1x64xf32> to vector<64xf32>
    %swap3A_280 = vector.shape_cast %mul3A_274 : vector<64xf32> to vector<1x1x64xf32>
    tpu.vector_store %arg3[%swap3A_275, %swap3A_276, %swap3A_277], %swap3A_280 {strides = array<i32>} : memref<8x1x64xf32, #tpu.memory_space<vmem>>, vector<1x1x64xf32>,
    %broadcast_in_dim3A_281 = arith.constant 0.000000e+00 : f32
    %broadcast_in_dim3A_282 = vector.broadcast %broadcast_in_dim3A_281 : f32 to vector<14x64xf32>
    %slice3A_283 = vector.extract_strided_slice %pad3A_11 {offsets = [2, 0, 0, 0], sizes = [1, 3, 16, 226], strides = [1, 1, 1, 1]} : vector<8x3x226x226xbf16> to vector<1x3x16x226xbf16>
    %squeeze3A_284 = vector.shape_cast %slice3A_283 : vector<1x3x16x226xbf16> to vector<3x16x226xbf16>
    %reshape3A_285 = vector.shape_cast %squeeze3A_284 : vector<3x16x226xbf16> to vector<48x226xbf16>
    %slice3A_286 = vector.extract_strided_slice %reshape3A_285 {offsets = [0, 0], sizes = [48, 224], strides = [1, 1]} : vector<48x226xbf16> to vector<48x224xbf16>
    %slice3A_287 = vector.extract_strided_slice %reshape3A_285 {offsets = [0, 1], sizes = [48, 224], strides = [1, 1]} : vector<48x226xbf16> to vector<48x224xbf16>
    %slice3A_288 = vector.extract_strided_slice %reshape3A_285 {offsets = [0, 2], sizes = [48, 224], strides = [1, 1]} : vector<48x226xbf16> to vector<48x224xbf16>
    %concatenate3A_289 = tpu.concatenate %slice3A_286, %slice3A_287, %slice3A_288 in 0 : vector<48x224xbf16>, vector<48x224xbf16>, vector<48x224xbf16> -> vector<144x224xbf16>
    %slice3A_290 = vector.extract_strided_slice %pad3A_11 {offsets = [2, 0, 14, 0], sizes = [1, 3, 16, 226], strides = [1, 1, 1, 1]} : vector<8x3x226x226xbf16> to vector<1x3x16x226xbf16>
    %squeeze3A_291 = vector.shape_cast %slice3A_290 : vector<1x3x16x226xbf16> to vector<3x16x226xbf16>
    %reshape3A_292 = vector.shape_cast %squeeze3A_291 : vector<3x16x226xbf16> to vector<48x226xbf16>
    %slice3A_293 = vector.extract_strided_slice %reshape3A_292 {offsets = [0, 0], sizes = [48, 224], strides = [1, 1]} : vector<48x226xbf16> to vector<48x224xbf16>
    %slice3A_294 = vector.extract_strided_slice %reshape3A_292 {offsets = [0, 1], sizes = [48, 224], strides = [1, 1]} : vector<48x226xbf16> to vector<48x224xbf16>
    %slice3A_295 = vector.extract_strided_slice %reshape3A_292 {offsets = [0, 2], sizes = [48, 224], strides = [1, 1]} : vector<48x226xbf16> to vector<48x224xbf16>
    %concatenate3A_296 = tpu.concatenate %slice3A_293, %slice3A_294, %slice3A_295 in 0 : vector<48x224xbf16>, vector<48x224xbf16>, vector<48x224xbf16> -> vector<144x224xbf16>
    %slice3A_297 = vector.extract_strided_slice %pad3A_11 {offsets = [2, 0, 28, 0], sizes = [1, 3, 16, 226], strides = [1, 1, 1, 1]} : vector<8x3x226x226xbf16> to vector<1x3x16x226xbf16>
    %squeeze3A_298 = vector.shape_cast %slice3A_297 : vector<1x3x16x226xbf16> to vector<3x16x226xbf16>
    %reshape3A_299 = vector.shape_cast %squeeze3A_298 : vector<3x16x226xbf16> to vector<48x226xbf16>
    %slice3A_300 = vector.extract_strided_slice %reshape3A_299 {offsets = [0, 0], sizes = [48, 224], strides = [1, 1]} : vector<48x226xbf16> to vector<48x224xbf16>
    %slice3A_301 = vector.extract_strided_slice %reshape3A_299 {offsets = [0, 1], sizes = [48, 224], strides = [1, 1]} : vector<48x226xbf16> to vector<48x224xbf16>
    %slice3A_302 = vector.extract_strided_slice %reshape3A_299 {offsets = [0, 2], sizes = [48, 224], strides = [1, 1]} : vector<48x226xbf16> to vector<48x224xbf16>
    %concatenate3A_303 = tpu.concatenate %slice3A_300, %slice3A_301, %slice3A_302 in 0 : vector<48x224xbf16>, vector<48x224xbf16>, vector<48x224xbf16> -> vector<144x224xbf16>
    %slice3A_304 = vector.extract_strided_slice %pad3A_11 {offsets = [2, 0, 42, 0], sizes = [1, 3, 16, 226], strides = [1, 1, 1, 1]} : vector<8x3x226x226xbf16> to vector<1x3x16x226xbf16>
    %squeeze3A_305 = vector.shape_cast %slice3A_304 : vector<1x3x16x226xbf16> to vector<3x16x226xbf16>
    %reshape3A_306 = vector.shape_cast %squeeze3A_305 : vector<3x16x226xbf16> to vector<48x226xbf16>
    %slice3A_307 = vector.extract_strided_slice %reshape3A_306 {offsets = [0, 0], sizes = [48, 224], strides = [1, 1]} : vector<48x226xbf16> to vector<48x224xbf16>
    %slice3A_308 = vector.extract_strided_slice %reshape3A_306 {offsets = [0, 1], sizes = [48, 224], strides = [1, 1]} : vector<48x226xbf16> to vector<48x224xbf16>
    %slice3A_309 = vector.extract_strided_slice %reshape3A_306 {offsets = [0, 2], sizes = [48, 224], strides = [1, 1]} : vector<48x226xbf16> to vector<48x224xbf16>
    %concatenate3A_310 = tpu.concatenate %slice3A_307, %slice3A_308, %slice3A_309 in 0 : vector<48x224xbf16>, vector<48x224xbf16>, vector<48x224xbf16> -> vector<144x224xbf16>
    %slice3A_311 = vector.extract_strided_slice %pad3A_11 {offsets = [2, 0, 56, 0], sizes = [1, 3, 16, 226], strides = [1, 1, 1, 1]} : vector<8x3x226x226xbf16> to vector<1x3x16x226xbf16>
    %squeeze3A_312 = vector.shape_cast %slice3A_311 : vector<1x3x16x226xbf16> to vector<3x16x226xbf16>
    %reshape3A_313 = vector.shape_cast %squeeze3A_312 : vector<3x16x226xbf16> to vector<48x226xbf16>
    %slice3A_314 = vector.extract_strided_slice %reshape3A_313 {offsets = [0, 0], sizes = [48, 224], strides = [1, 1]} : vector<48x226xbf16> to vector<48x224xbf16>
    %slice3A_315 = vector.extract_strided_slice %reshape3A_313 {offsets = [0, 1], sizes = [48, 224], strides = [1, 1]} : vector<48x226xbf16> to vector<48x224xbf16>
    %slice3A_316 = vector.extract_strided_slice %reshape3A_313 {offsets = [0, 2], sizes = [48, 224], strides = [1, 1]} : vector<48x226xbf16> to vector<48x224xbf16>
    %concatenate3A_317 = tpu.concatenate %slice3A_314, %slice3A_315, %slice3A_316 in 0 : vector<48x224xbf16>, vector<48x224xbf16>, vector<48x224xbf16> -> vector<144x224xbf16>
    %slice3A_318 = vector.extract_strided_slice %pad3A_11 {offsets = [2, 0, 70, 0], sizes = [1, 3, 16, 226], strides = [1, 1, 1, 1]} : vector<8x3x226x226xbf16> to vector<1x3x16x226xbf16>
    %squeeze3A_319 = vector.shape_cast %slice3A_318 : vector<1x3x16x226xbf16> to vector<3x16x226xbf16>
    %reshape3A_320 = vector.shape_cast %squeeze3A_319 : vector<3x16x226xbf16> to vector<48x226xbf16>
    %slice3A_321 = vector.extract_strided_slice %reshape3A_320 {offsets = [0, 0], sizes = [48, 224], strides = [1, 1]} : vector<48x226xbf16> to vector<48x224xbf16>
    %slice3A_322 = vector.extract_strided_slice %reshape3A_320 {offsets = [0, 1], sizes = [48, 224], strides = [1, 1]} : vector<48x226xbf16> to vector<48x224xbf16>
    %slice3A_323 = vector.extract_strided_slice %reshape3A_320 {offsets = [0, 2], sizes = [48, 224], strides = [1, 1]} : vector<48x226xbf16> to vector<48x224xbf16>
    %concatenate3A_324 = tpu.concatenate %slice3A_321, %slice3A_322, %slice3A_323 in 0 : vector<48x224xbf16>, vector<48x224xbf16>, vector<48x224xbf16> -> vector<144x224xbf16>
    %slice3A_325 = vector.extract_strided_slice %pad3A_11 {offsets = [2, 0, 84, 0], sizes = [1, 3, 16, 226], strides = [1, 1, 1, 1]} : vector<8x3x226x226xbf16> to vector<1x3x16x226xbf16>
    %squeeze3A_326 = vector.shape_cast %slice3A_325 : vector<1x3x16x226xbf16> to vector<3x16x226xbf16>
    %reshape3A_327 = vector.shape_cast %squeeze3A_326 : vector<3x16x226xbf16> to vector<48x226xbf16>
    %slice3A_328 = vector.extract_strided_slice %reshape3A_327 {offsets = [0, 0], sizes = [48, 224], strides = [1, 1]} : vector<48x226xbf16> to vector<48x224xbf16>
    %slice3A_329 = vector.extract_strided_slice %reshape3A_327 {offsets = [0, 1], sizes = [48, 224], strides = [1, 1]} : vector<48x226xbf16> to vector<48x224xbf16>
    %slice3A_330 = vector.extract_strided_slice %reshape3A_327 {offsets = [0, 2], sizes = [48, 224], strides = [1, 1]} : vector<48x226xbf16> to vector<48x224xbf16>
    %concatenate3A_331 = tpu.concatenate %slice3A_328, %slice3A_329, %slice3A_330 in 0 : vector<48x224xbf16>, vector<48x224xbf16>, vector<48x224xbf16> -> vector<144x224xbf16>
    %slice3A_332 = vector.extract_strided_slice %pad3A_11 {offsets = [2, 0, 98, 0], sizes = [1, 3, 16, 226], strides = [1, 1, 1, 1]} : vector<8x3x226x226xbf16> to vector<1x3x16x226xbf16>
    %squeeze3A_333 = vector.shape_cast %slice3A_332 : vector<1x3x16x226xbf16> to vector<3x16x226xbf16>
    %reshape3A_334 = vector.shape_cast %squeeze3A_333 : vector<3x16x226xbf16> to vector<48x226xbf16>
    %slice3A_335 = vector.extract_strided_slice %reshape3A_334 {offsets = [0, 0], sizes = [48, 224], strides = [1, 1]} : vector<48x226xbf16> to vector<48x224xbf16>
    %slice3A_336 = vector.extract_strided_slice %reshape3A_334 {offsets = [0, 1], sizes = [48, 224], strides = [1, 1]} : vector<48x226xbf16> to vector<48x224xbf16>
    %slice3A_337 = vector.extract_strided_slice %reshape3A_334 {offsets = [0, 2], sizes = [48, 224], strides = [1, 1]} : vector<48x226xbf16> to vector<48x224xbf16>
    %concatenate3A_338 = tpu.concatenate %slice3A_335, %slice3A_336, %slice3A_337 in 0 : vector<48x224xbf16>, vector<48x224xbf16>, vector<48x224xbf16> -> vector<144x224xbf16>
    %slice3A_339 = vector.extract_strided_slice %pad3A_11 {offsets = [2, 0, 112, 0], sizes = [1, 3, 16, 226], strides = [1, 1, 1, 1]} : vector<8x3x226x226xbf16> to vector<1x3x16x226xbf16>
    %squeeze3A_340 = vector.shape_cast %slice3A_339 : vector<1x3x16x226xbf16> to vector<3x16x226xbf16>
    %reshape3A_341 = vector.shape_cast %squeeze3A_340 : vector<3x16x226xbf16> to vector<48x226xbf16>
    %slice3A_342 = vector.extract_strided_slice %reshape3A_341 {offsets = [0, 0], sizes = [48, 224], strides = [1, 1]} : vector<48x226xbf16> to vector<48x224xbf16>
    %slice3A_343 = vector.extract_strided_slice %reshape3A_341 {offsets = [0, 1], sizes = [48, 224], strides = [1, 1]} : vector<48x226xbf16> to vector<48x224xbf16>
    %slice3A_344 = vector.extract_strided_slice %reshape3A_341 {offsets = [0, 2], sizes = [48, 224], strides = [1, 1]} : vector<48x226xbf16> to vector<48x224xbf16>
    %concatenate3A_345 = tpu.concatenate %slice3A_342, %slice3A_343, %slice3A_344 in 0 : vector<48x224xbf16>, vector<48x224xbf16>, vector<48x224xbf16> -> vector<144x224xbf16>
    %slice3A_346 = vector.extract_strided_slice %pad3A_11 {offsets = [2, 0, 126, 0], sizes = [1, 3, 16, 226], strides = [1, 1, 1, 1]} : vector<8x3x226x226xbf16> to vector<1x3x16x226xbf16>
    %squeeze3A_347 = vector.shape_cast %slice3A_346 : vector<1x3x16x226xbf16> to vector<3x16x226xbf16>
    %reshape3A_348 = vector.shape_cast %squeeze3A_347 : vector<3x16x226xbf16> to vector<48x226xbf16>
    %slice3A_349 = vector.extract_strided_slice %reshape3A_348 {offsets = [0, 0], sizes = [48, 224], strides = [1, 1]} : vector<48x226xbf16> to vector<48x224xbf16>
    %slice3A_350 = vector.extract_strided_slice %reshape3A_348 {offsets = [0, 1], sizes = [48, 224], strides = [1, 1]} : vector<48x226xbf16> to vector<48x224xbf16>
    %slice3A_351 = vector.extract_strided_slice %reshape3A_348 {offsets = [0, 2], sizes = [48, 224], strides = [1, 1]} : vector<48x226xbf16> to vector<48x224xbf16>
    %concatenate3A_352 = tpu.concatenate %slice3A_349, %slice3A_350, %slice3A_351 in 0 : vector<48x224xbf16>, vector<48x224xbf16>, vector<48x224xbf16> -> vector<144x224xbf16>
    %slice3A_353 = vector.extract_strided_slice %pad3A_11 {offsets = [2, 0, 140, 0], sizes = [1, 3, 16, 226], strides = [1, 1, 1, 1]} : vector<8x3x226x226xbf16> to vector<1x3x16x226xbf16>
    %squeeze3A_354 = vector.shape_cast %slice3A_353 : vector<1x3x16x226xbf16> to vector<3x16x226xbf16>
    %reshape3A_355 = vector.shape_cast %squeeze3A_354 : vector<3x16x226xbf16> to vector<48x226xbf16>
    %slice3A_356 = vector.extract_strided_slice %reshape3A_355 {offsets = [0, 0], sizes = [48, 224], strides = [1, 1]} : vector<48x226xbf16> to vector<48x224xbf16>
    %slice3A_357 = vector.extract_strided_slice %reshape3A_355 {offsets = [0, 1], sizes = [48, 224], strides = [1, 1]} : vector<48x226xbf16> to vector<48x224xbf16>
    %slice3A_358 = vector.extract_strided_slice %reshape3A_355 {offsets = [0, 2], sizes = [48, 224], strides = [1, 1]} : vector<48x226xbf16> to vector<48x224xbf16>
    %concatenate3A_359 = tpu.concatenate %slice3A_356, %slice3A_357, %slice3A_358 in 0 : vector<48x224xbf16>, vector<48x224xbf16>, vector<48x224xbf16> -> vector<144x224xbf16>
    %slice3A_360 = vector.extract_strided_slice %pad3A_11 {offsets = [2, 0, 154, 0], sizes = [1, 3, 16, 226], strides = [1, 1, 1, 1]} : vector<8x3x226x226xbf16> to vector<1x3x16x226xbf16>
    %squeeze3A_361 = vector.shape_cast %slice3A_360 : vector<1x3x16x226xbf16> to vector<3x16x226xbf16>
    %reshape3A_362 = vector.shape_cast %squeeze3A_361 : vector<3x16x226xbf16> to vector<48x226xbf16>
    %slice3A_363 = vector.extract_strided_slice %reshape3A_362 {offsets = [0, 0], sizes = [48, 224], strides = [1, 1]} : vector<48x226xbf16> to vector<48x224xbf16>
    %slice3A_364 = vector.extract_strided_slice %reshape3A_362 {offsets = [0, 1], sizes = [48, 224], strides = [1, 1]} : vector<48x226xbf16> to vector<48x224xbf16>
    %slice3A_365 = vector.extract_strided_slice %reshape3A_362 {offsets = [0, 2], sizes = [48, 224], strides = [1, 1]} : vector<48x226xbf16> to vector<48x224xbf16>
    %concatenate3A_366 = tpu.concatenate %slice3A_363, %slice3A_364, %slice3A_365 in 0 : vector<48x224xbf16>, vector<48x224xbf16>, vector<48x224xbf16> -> vector<144x224xbf16>
    %slice3A_367 = vector.extract_strided_slice %pad3A_11 {offsets = [2, 0, 168, 0], sizes = [1, 3, 16, 226], strides = [1, 1, 1, 1]} : vector<8x3x226x226xbf16> to vector<1x3x16x226xbf16>
    %squeeze3A_368 = vector.shape_cast %slice3A_367 : vector<1x3x16x226xbf16> to vector<3x16x226xbf16>
    %reshape3A_369 = vector.shape_cast %squeeze3A_368 : vector<3x16x226xbf16> to vector<48x226xbf16>
    %slice3A_370 = vector.extract_strided_slice %reshape3A_369 {offsets = [0, 0], sizes = [48, 224], strides = [1, 1]} : vector<48x226xbf16> to vector<48x224xbf16>
    %slice3A_371 = vector.extract_strided_slice %reshape3A_369 {offsets = [0, 1], sizes = [48, 224], strides = [1, 1]} : vector<48x226xbf16> to vector<48x224xbf16>
    %slice3A_372 = vector.extract_strided_slice %reshape3A_369 {offsets = [0, 2], sizes = [48, 224], strides = [1, 1]} : vector<48x226xbf16> to vector<48x224xbf16>
    %concatenate3A_373 = tpu.concatenate %slice3A_370, %slice3A_371, %slice3A_372 in 0 : vector<48x224xbf16>, vector<48x224xbf16>, vector<48x224xbf16> -> vector<144x224xbf16>
    %slice3A_374 = vector.extract_strided_slice %pad3A_11 {offsets = [2, 0, 182, 0], sizes = [1, 3, 16, 226], strides = [1, 1, 1, 1]} : vector<8x3x226x226xbf16> to vector<1x3x16x226xbf16>
    %squeeze3A_375 = vector.shape_cast %slice3A_374 : vector<1x3x16x226xbf16> to vector<3x16x226xbf16>
    %reshape3A_376 = vector.shape_cast %squeeze3A_375 : vector<3x16x226xbf16> to vector<48x226xbf16>
    %slice3A_377 = vector.extract_strided_slice %reshape3A_376 {offsets = [0, 0], sizes = [48, 224], strides = [1, 1]} : vector<48x226xbf16> to vector<48x224xbf16>
    %slice3A_378 = vector.extract_strided_slice %reshape3A_376 {offsets = [0, 1], sizes = [48, 224], strides = [1, 1]} : vector<48x226xbf16> to vector<48x224xbf16>
    %slice3A_379 = vector.extract_strided_slice %reshape3A_376 {offsets = [0, 2], sizes = [48, 224], strides = [1, 1]} : vector<48x226xbf16> to vector<48x224xbf16>
    %concatenate3A_380 = tpu.concatenate %slice3A_377, %slice3A_378, %slice3A_379 in 0 : vector<48x224xbf16>, vector<48x224xbf16>, vector<48x224xbf16> -> vector<144x224xbf16>
    %slice3A_381 = vector.extract_strided_slice %pad3A_11 {offsets = [2, 0, 196, 0], sizes = [1, 3, 16, 226], strides = [1, 1, 1, 1]} : vector<8x3x226x226xbf16> to vector<1x3x16x226xbf16>
    %squeeze3A_382 = vector.shape_cast %slice3A_381 : vector<1x3x16x226xbf16> to vector<3x16x226xbf16>
    %reshape3A_383 = vector.shape_cast %squeeze3A_382 : vector<3x16x226xbf16> to vector<48x226xbf16>
    %slice3A_384 = vector.extract_strided_slice %reshape3A_383 {offsets = [0, 0], sizes = [48, 224], strides = [1, 1]} : vector<48x226xbf16> to vector<48x224xbf16>
    %slice3A_385 = vector.extract_strided_slice %reshape3A_383 {offsets = [0, 1], sizes = [48, 224], strides = [1, 1]} : vector<48x226xbf16> to vector<48x224xbf16>
    %slice3A_386 = vector.extract_strided_slice %reshape3A_383 {offsets = [0, 2], sizes = [48, 224], strides = [1, 1]} : vector<48x226xbf16> to vector<48x224xbf16>
    %concatenate3A_387 = tpu.concatenate %slice3A_384, %slice3A_385, %slice3A_386 in 0 : vector<48x224xbf16>, vector<48x224xbf16>, vector<48x224xbf16> -> vector<144x224xbf16>
    %slice3A_388 = vector.extract_strided_slice %pad3A_11 {offsets = [2, 0, 210, 0], sizes = [1, 3, 16, 226], strides = [1, 1, 1, 1]} : vector<8x3x226x226xbf16> to vector<1x3x16x226xbf16>
    %squeeze3A_389 = vector.shape_cast %slice3A_388 : vector<1x3x16x226xbf16> to vector<3x16x226xbf16>
    %reshape3A_390 = vector.shape_cast %squeeze3A_389 : vector<3x16x226xbf16> to vector<48x226xbf16>
    %slice3A_391 = vector.extract_strided_slice %reshape3A_390 {offsets = [0, 0], sizes = [48, 224], strides = [1, 1]} : vector<48x226xbf16> to vector<48x224xbf16>
    %slice3A_392 = vector.extract_strided_slice %reshape3A_390 {offsets = [0, 1], sizes = [48, 224], strides = [1, 1]} : vector<48x226xbf16> to vector<48x224xbf16>
    %slice3A_393 = vector.extract_strided_slice %reshape3A_390 {offsets = [0, 2], sizes = [48, 224], strides = [1, 1]} : vector<48x226xbf16> to vector<48x224xbf16>
    %concatenate3A_394 = tpu.concatenate %slice3A_391, %slice3A_392, %slice3A_393 in 0 : vector<48x224xbf16>, vector<48x224xbf16>, vector<48x224xbf16> -> vector<144x224xbf16>
    %concatenate3A_395 = tpu.concatenate %concatenate3A_289, %concatenate3A_296, %concatenate3A_303, %concatenate3A_310, %concatenate3A_317, %concatenate3A_324, %concatenate3A_331, %concatenate3A_338, %concatenate3A_345, %concatenate3A_352, %concatenate3A_359, %concatenate3A_366, %concatenate3A_373, %concatenate3A_380, %concatenate3A_387, %concatenate3A_394 in 1 : vector<144x224xbf16>, vector<144x224xbf16>, vector<144x224xbf16>, vector<144x224xbf16>, vector<144x224xbf16>, vector<144x224xbf16>, vector<144x224xbf16>, vector<144x224xbf16>, vector<144x224xbf16>, vector<144x224xbf16>, vector<144x224xbf16>, vector<144x224xbf16>, vector<144x224xbf16>, vector<144x224xbf16>, vector<144x224xbf16>, vector<144x224xbf16> -> vector<144x3584xbf16>
    %concatenate3A_396 = tpu.concatenate %concatenate3A_395, %broadcast_in_dim3A_12 in 0 : vector<144x3584xbf16>, vector<1x3584xbf16> -> vector<145x3584xbf16>
    %get3A_397 = arith.constant 0 : index
    %get3A_398 = arith.constant 0 : index
    %get3A_399 = vector.load %arg2[%get3A_397, %get3A_398] : memref<896x145xbf16, #tpu.memory_space<vmem>>, vector<896x145xbf16>
    %dot_general3A_400 = arith.constant dense<0.000000e+00> : vector<896x3584xf32>
    %dot_general3A_401 = tpu.matmul %get3A_399, %concatenate3A_396, %dot_general3A_400 {dimension_numbers = #tpu.dot_dimension_numbers<[1], [0], [0], [1], [0, 0, 1, 1], [], []>, transpose_lhs_hint = false} : vector<896x145xbf16>, vector<145x3584xbf16>, vector<896x3584xf32> -> vector<896x3584xf32>
    %max3A_402 = arith.constant 0.000000e+00 : f32
    %max3A_403 = vector.broadcast %max3A_402 : f32 to vector<896x3584xf32>
    %max3A_404 = arith.maximumf %dot_general3A_401, %max3A_403 : vector<896x3584xf32>
    %reduce_sum3A_405 = arith.constant dense<0.000000e+00> : vector<896xf32>
    %reduce_sum3A_406 = vector.multi_reduction <add>, %max3A_404, %reduce_sum3A_405 [1] : vector<896x3584xf32> to vector<896xf32>
    %reshape3A_407 = vector.shape_cast %reduce_sum3A_406 : vector<896xf32> to vector<14x64xf32>
    %add3A_408 = arith.addf %broadcast_in_dim3A_282, %reshape3A_407 : vector<14x64xf32>
    %reduce_sum3A_409 = arith.constant dense<0.000000e+00> : vector<64xf32>
    %reduce_sum3A_410 = vector.multi_reduction <add>, %add3A_408, %reduce_sum3A_409 [0] : vector<14x64xf32> to vector<64xf32>
    %mul3A_411 = arith.constant 1.99298465E-5 : f32
    %mul3A_412 = vector.broadcast %mul3A_411 : f32 to vector<64xf32>
    %mul3A_413 = arith.mulf %reduce_sum3A_410, %mul3A_412 : vector<64xf32>
    %swap3A_414 = arith.constant 2 : index
    %swap3A_415 = arith.constant 0 : index
    %swap3A_416 = arith.constant 0 : index
    %swap3A_417 = vector.load %arg3[%swap3A_414, %swap3A_415, %swap3A_416] : memref<8x1x64xf32, #tpu.memory_space<vmem>>, vector<1x1x64xf32>
    %swap3A_418 = vector.shape_cast %swap3A_417 : vector<1x1x64xf32> to vector<64xf32>
    %swap3A_419 = vector.shape_cast %mul3A_413 : vector<64xf32> to vector<1x1x64xf32>
    tpu.vector_store %arg3[%swap3A_414, %swap3A_415, %swap3A_416], %swap3A_419 {strides = array<i32>} : memref<8x1x64xf32, #tpu.memory_space<vmem>>, vector<1x1x64xf32>,
    %broadcast_in_dim3A_420 = arith.constant 0.000000e+00 : f32
    %broadcast_in_dim3A_421 = vector.broadcast %broadcast_in_dim3A_420 : f32 to vector<14x64xf32>
    %slice3A_422 = vector.extract_strided_slice %pad3A_11 {offsets = [3, 0, 0, 0], sizes = [1, 3, 16, 226], strides = [1, 1, 1, 1]} : vector<8x3x226x226xbf16> to vector<1x3x16x226xbf16>
    %squeeze3A_423 = vector.shape_cast %slice3A_422 : vector<1x3x16x226xbf16> to vector<3x16x226xbf16>
    %reshape3A_424 = vector.shape_cast %squeeze3A_423 : vector<3x16x226xbf16> to vector<48x226xbf16>
    %slice3A_425 = vector.extract_strided_slice %reshape3A_424 {offsets = [0, 0], sizes = [48, 224], strides = [1, 1]} : vector<48x226xbf16> to vector<48x224xbf16>
    %slice3A_426 = vector.extract_strided_slice %reshape3A_424 {offsets = [0, 1], sizes = [48, 224], strides = [1, 1]} : vector<48x226xbf16> to vector<48x224xbf16>
    %slice3A_427 = vector.extract_strided_slice %reshape3A_424 {offsets = [0, 2], sizes = [48, 224], strides = [1, 1]} : vector<48x226xbf16> to vector<48x224xbf16>
    %concatenate3A_428 = tpu.concatenate %slice3A_425, %slice3A_426, %slice3A_427 in 0 : vector<48x224xbf16>, vector<48x224xbf16>, vector<48x224xbf16> -> vector<144x224xbf16>
    %slice3A_429 = vector.extract_strided_slice %pad3A_11 {offsets = [3, 0, 14, 0], sizes = [1, 3, 16, 226], strides = [1, 1, 1, 1]} : vector<8x3x226x226xbf16> to vector<1x3x16x226xbf16>
    %squeeze3A_430 = vector.shape_cast %slice3A_429 : vector<1x3x16x226xbf16> to vector<3x16x226xbf16>
    %reshape3A_431 = vector.shape_cast %squeeze3A_430 : vector<3x16x226xbf16> to vector<48x226xbf16>
    %slice3A_432 = vector.extract_strided_slice %reshape3A_431 {offsets = [0, 0], sizes = [48, 224], strides = [1, 1]} : vector<48x226xbf16> to vector<48x224xbf16>
    %slice3A_433 = vector.extract_strided_slice %reshape3A_431 {offsets = [0, 1], sizes = [48, 224], strides = [1, 1]} : vector<48x226xbf16> to vector<48x224xbf16>
    %slice3A_434 = vector.extract_strided_slice %reshape3A_431 {offsets = [0, 2], sizes = [48, 224], strides = [1, 1]} : vector<48x226xbf16> to vector<48x224xbf16>
    %concatenate3A_435 = tpu.concatenate %slice3A_432, %slice3A_433, %slice3A_434 in 0 : vector<48x224xbf16>, vector<48x224xbf16>, vector<48x224xbf16> -> vector<144x224xbf16>
    %slice3A_436 = vector.extract_strided_slice %pad3A_11 {offsets = [3, 0, 28, 0], sizes = [1, 3, 16, 226], strides = [1, 1, 1, 1]} : vector<8x3x226x226xbf16> to vector<1x3x16x226xbf16>
    %squeeze3A_437 = vector.shape_cast %slice3A_436 : vector<1x3x16x226xbf16> to vector<3x16x226xbf16>
    %reshape3A_438 = vector.shape_cast %squeeze3A_437 : vector<3x16x226xbf16> to vector<48x226xbf16>
    %slice3A_439 = vector.extract_strided_slice %reshape3A_438 {offsets = [0, 0], sizes = [48, 224], strides = [1, 1]} : vector<48x226xbf16> to vector<48x224xbf16>
    %slice3A_440 = vector.extract_strided_slice %reshape3A_438 {offsets = [0, 1], sizes = [48, 224], strides = [1, 1]} : vector<48x226xbf16> to vector<48x224xbf16>
    %slice3A_441 = vector.extract_strided_slice %reshape3A_438 {offsets = [0, 2], sizes = [48, 224], strides = [1, 1]} : vector<48x226xbf16> to vector<48x224xbf16>
    %concatenate3A_442 = tpu.concatenate %slice3A_439, %slice3A_440, %slice3A_441 in 0 : vector<48x224xbf16>, vector<48x224xbf16>, vector<48x224xbf16> -> vector<144x224xbf16>
    %slice3A_443 = vector.extract_strided_slice %pad3A_11 {offsets = [3, 0, 42, 0], sizes = [1, 3, 16, 226], strides = [1, 1, 1, 1]} : vector<8x3x226x226xbf16> to vector<1x3x16x226xbf16>
    %squeeze3A_444 = vector.shape_cast %slice3A_443 : vector<1x3x16x226xbf16> to vector<3x16x226xbf16>
    %reshape3A_445 = vector.shape_cast %squeeze3A_444 : vector<3x16x226xbf16> to vector<48x226xbf16>
    %slice3A_446 = vector.extract_strided_slice %reshape3A_445 {offsets = [0, 0], sizes = [48, 224], strides = [1, 1]} : vector<48x226xbf16> to vector<48x224xbf16>
    %slice3A_447 = vector.extract_strided_slice %reshape3A_445 {offsets = [0, 1], sizes = [48, 224], strides = [1, 1]} : vector<48x226xbf16> to vector<48x224xbf16>
    %slice3A_448 = vector.extract_strided_slice %reshape3A_445 {offsets = [0, 2], sizes = [48, 224], strides = [1, 1]} : vector<48x226xbf16> to vector<48x224xbf16>
    %concatenate3A_449 = tpu.concatenate %slice3A_446, %slice3A_447, %slice3A_448 in 0 : vector<48x224xbf16>, vector<48x224xbf16>, vector<48x224xbf16> -> vector<144x224xbf16>
    %slice3A_450 = vector.extract_strided_slice %pad3A_11 {offsets = [3, 0, 56, 0], sizes = [1, 3, 16, 226], strides = [1, 1, 1, 1]} : vector<8x3x226x226xbf16> to vector<1x3x16x226xbf16>
    %squeeze3A_451 = vector.shape_cast %slice3A_450 : vector<1x3x16x226xbf16> to vector<3x16x226xbf16>
    %reshape3A_452 = vector.shape_cast %squeeze3A_451 : vector<3x16x226xbf16> to vector<48x226xbf16>
    %slice3A_453 = vector.extract_strided_slice %reshape3A_452 {offsets = [0, 0], sizes = [48, 224], strides = [1, 1]} : vector<48x226xbf16> to vector<48x224xbf16>
    %slice3A_454 = vector.extract_strided_slice %reshape3A_452 {offsets = [0, 1], sizes = [48, 224], strides = [1, 1]} : vector<48x226xbf16> to vector<48x224xbf16>
    %slice3A_455 = vector.extract_strided_slice %reshape3A_452 {offsets = [0, 2], sizes = [48, 224], strides = [1, 1]} : vector<48x226xbf16> to vector<48x224xbf16>
    %concatenate3A_456 = tpu.concatenate %slice3A_453, %slice3A_454, %slice3A_455 in 0 : vector<48x224xbf16>, vector<48x224xbf16>, vector<48x224xbf16> -> vector<144x224xbf16>
    %slice3A_457 = vector.extract_strided_slice %pad3A_11 {offsets = [3, 0, 70, 0], sizes = [1, 3, 16, 226], strides = [1, 1, 1, 1]} : vector<8x3x226x226xbf16> to vector<1x3x16x226xbf16>
    %squeeze3A_458 = vector.shape_cast %slice3A_457 : vector<1x3x16x226xbf16> to vector<3x16x226xbf16>
    %reshape3A_459 = vector.shape_cast %squeeze3A_458 : vector<3x16x226xbf16> to vector<48x226xbf16>
    %slice3A_460 = vector.extract_strided_slice %reshape3A_459 {offsets = [0, 0], sizes = [48, 224], strides = [1, 1]} : vector<48x226xbf16> to vector<48x224xbf16>
    %slice3A_461 = vector.extract_strided_slice %reshape3A_459 {offsets = [0, 1], sizes = [48, 224], strides = [1, 1]} : vector<48x226xbf16> to vector<48x224xbf16>
    %slice3A_462 = vector.extract_strided_slice %reshape3A_459 {offsets = [0, 2], sizes = [48, 224], strides = [1, 1]} : vector<48x226xbf16> to vector<48x224xbf16>
    %concatenate3A_463 = tpu.concatenate %slice3A_460, %slice3A_461, %slice3A_462 in 0 : vector<48x224xbf16>, vector<48x224xbf16>, vector<48x224xbf16> -> vector<144x224xbf16>
    %slice3A_464 = vector.extract_strided_slice %pad3A_11 {offsets = [3, 0, 84, 0], sizes = [1, 3, 16, 226], strides = [1, 1, 1, 1]} : vector<8x3x226x226xbf16> to vector<1x3x16x226xbf16>
    %squeeze3A_465 = vector.shape_cast %slice3A_464 : vector<1x3x16x226xbf16> to vector<3x16x226xbf16>
    %reshape3A_466 = vector.shape_cast %squeeze3A_465 : vector<3x16x226xbf16> to vector<48x226xbf16>
    %slice3A_467 = vector.extract_strided_slice %reshape3A_466 {offsets = [0, 0], sizes = [48, 224], strides = [1, 1]} : vector<48x226xbf16> to vector<48x224xbf16>
    %slice3A_468 = vector.extract_strided_slice %reshape3A_466 {offsets = [0, 1], sizes = [48, 224], strides = [1, 1]} : vector<48x226xbf16> to vector<48x224xbf16>
    %slice3A_469 = vector.extract_strided_slice %reshape3A_466 {offsets = [0, 2], sizes = [48, 224], strides = [1, 1]} : vector<48x226xbf16> to vector<48x224xbf16>
    %concatenate3A_470 = tpu.concatenate %slice3A_467, %slice3A_468, %slice3A_469 in 0 : vector<48x224xbf16>, vector<48x224xbf16>, vector<48x224xbf16> -> vector<144x224xbf16>
    %slice3A_471 = vector.extract_strided_slice %pad3A_11 {offsets = [3, 0, 98, 0], sizes = [1, 3, 16, 226], strides = [1, 1, 1, 1]} : vector<8x3x226x226xbf16> to vector<1x3x16x226xbf16>
    %squeeze3A_472 = vector.shape_cast %slice3A_471 : vector<1x3x16x226xbf16> to vector<3x16x226xbf16>
    %reshape3A_473 = vector.shape_cast %squeeze3A_472 : vector<3x16x226xbf16> to vector<48x226xbf16>
    %slice3A_474 = vector.extract_strided_slice %reshape3A_473 {offsets = [0, 0], sizes = [48, 224], strides = [1, 1]} : vector<48x226xbf16> to vector<48x224xbf16>
    %slice3A_475 = vector.extract_strided_slice %reshape3A_473 {offsets = [0, 1], sizes = [48, 224], strides = [1, 1]} : vector<48x226xbf16> to vector<48x224xbf16>
    %slice3A_476 = vector.extract_strided_slice %reshape3A_473 {offsets = [0, 2], sizes = [48, 224], strides = [1, 1]} : vector<48x226xbf16> to vector<48x224xbf16>
    %concatenate3A_477 = tpu.concatenate %slice3A_474, %slice3A_475, %slice3A_476 in 0 : vector<48x224xbf16>, vector<48x224xbf16>, vector<48x224xbf16> -> vector<144x224xbf16>
    %slice3A_478 = vector.extract_strided_slice %pad3A_11 {offsets = [3, 0, 112, 0], sizes = [1, 3, 16, 226], strides = [1, 1, 1, 1]} : vector<8x3x226x226xbf16> to vector<1x3x16x226xbf16>
    %squeeze3A_479 = vector.shape_cast %slice3A_478 : vector<1x3x16x226xbf16> to vector<3x16x226xbf16>
    %reshape3A_480 = vector.shape_cast %squeeze3A_479 : vector<3x16x226xbf16> to vector<48x226xbf16>
    %slice3A_481 = vector.extract_strided_slice %reshape3A_480 {offsets = [0, 0], sizes = [48, 224], strides = [1, 1]} : vector<48x226xbf16> to vector<48x224xbf16>
    %slice3A_482 = vector.extract_strided_slice %reshape3A_480 {offsets = [0, 1], sizes = [48, 224], strides = [1, 1]} : vector<48x226xbf16> to vector<48x224xbf16>
    %slice3A_483 = vector.extract_strided_slice %reshape3A_480 {offsets = [0, 2], sizes = [48, 224], strides = [1, 1]} : vector<48x226xbf16> to vector<48x224xbf16>
    %concatenate3A_484 = tpu.concatenate %slice3A_481, %slice3A_482, %slice3A_483 in 0 : vector<48x224xbf16>, vector<48x224xbf16>, vector<48x224xbf16> -> vector<144x224xbf16>
    %slice3A_485 = vector.extract_strided_slice %pad3A_11 {offsets = [3, 0, 126, 0], sizes = [1, 3, 16, 226], strides = [1, 1, 1, 1]} : vector<8x3x226x226xbf16> to vector<1x3x16x226xbf16>
    %squeeze3A_486 = vector.shape_cast %slice3A_485 : vector<1x3x16x226xbf16> to vector<3x16x226xbf16>
    %reshape3A_487 = vector.shape_cast %squeeze3A_486 : vector<3x16x226xbf16> to vector<48x226xbf16>
    %slice3A_488 = vector.extract_strided_slice %reshape3A_487 {offsets = [0, 0], sizes = [48, 224], strides = [1, 1]} : vector<48x226xbf16> to vector<48x224xbf16>
    %slice3A_489 = vector.extract_strided_slice %reshape3A_487 {offsets = [0, 1], sizes = [48, 224], strides = [1, 1]} : vector<48x226xbf16> to vector<48x224xbf16>
    %slice3A_490 = vector.extract_strided_slice %reshape3A_487 {offsets = [0, 2], sizes = [48, 224], strides = [1, 1]} : vector<48x226xbf16> to vector<48x224xbf16>
    %concatenate3A_491 = tpu.concatenate %slice3A_488, %slice3A_489, %slice3A_490 in 0 : vector<48x224xbf16>, vector<48x224xbf16>, vector<48x224xbf16> -> vector<144x224xbf16>
    %slice3A_492 = vector.extract_strided_slice %pad3A_11 {offsets = [3, 0, 140, 0], sizes = [1, 3, 16, 226], strides = [1, 1, 1, 1]} : vector<8x3x226x226xbf16> to vector<1x3x16x226xbf16>
    %squeeze3A_493 = vector.shape_cast %slice3A_492 : vector<1x3x16x226xbf16> to vector<3x16x226xbf16>
    %reshape3A_494 = vector.shape_cast %squeeze3A_493 : vector<3x16x226xbf16> to vector<48x226xbf16>
    %slice3A_495 = vector.extract_strided_slice %reshape3A_494 {offsets = [0, 0], sizes = [48, 224], strides = [1, 1]} : vector<48x226xbf16> to vector<48x224xbf16>
    %slice3A_496 = vector.extract_strided_slice %reshape3A_494 {offsets = [0, 1], sizes = [48, 224], strides = [1, 1]} : vector<48x226xbf16> to vector<48x224xbf16>
    %slice3A_497 = vector.extract_strided_slice %reshape3A_494 {offsets = [0, 2], sizes = [48, 224], strides = [1, 1]} : vector<48x226xbf16> to vector<48x224xbf16>
    %concatenate3A_498 = tpu.concatenate %slice3A_495, %slice3A_496, %slice3A_497 in 0 : vector<48x224xbf16>, vector<48x224xbf16>, vector<48x224xbf16> -> vector<144x224xbf16>
    %slice3A_499 = vector.extract_strided_slice %pad3A_11 {offsets = [3, 0, 154, 0], sizes = [1, 3, 16, 226], strides = [1, 1, 1, 1]} : vector<8x3x226x226xbf16> to vector<1x3x16x226xbf16>
    %squeeze3A_500 = vector.shape_cast %slice3A_499 : vector<1x3x16x226xbf16> to vector<3x16x226xbf16>
    %reshape3A_501 = vector.shape_cast %squeeze3A_500 : vector<3x16x226xbf16> to vector<48x226xbf16>
    %slice3A_502 = vector.extract_strided_slice %reshape3A_501 {offsets = [0, 0], sizes = [48, 224], strides = [1, 1]} : vector<48x226xbf16> to vector<48x224xbf16>
    %slice3A_503 = vector.extract_strided_slice %reshape3A_501 {offsets = [0, 1], sizes = [48, 224], strides = [1, 1]} : vector<48x226xbf16> to vector<48x224xbf16>
    %slice3A_504 = vector.extract_strided_slice %reshape3A_501 {offsets = [0, 2], sizes = [48, 224], strides = [1, 1]} : vector<48x226xbf16> to vector<48x224xbf16>
    %concatenate3A_505 = tpu.concatenate %slice3A_502, %slice3A_503, %slice3A_504 in 0 : vector<48x224xbf16>, vector<48x224xbf16>, vector<48x224xbf16> -> vector<144x224xbf16>
    %slice3A_506 = vector.extract_strided_slice %pad3A_11 {offsets = [3, 0, 168, 0], sizes = [1, 3, 16, 226], strides = [1, 1, 1, 1]} : vector<8x3x226x226xbf16> to vector<1x3x16x226xbf16>
    %squeeze3A_507 = vector.shape_cast %slice3A_506 : vector<1x3x16x226xbf16> to vector<3x16x226xbf16>
    %reshape3A_508 = vector.shape_cast %squeeze3A_507 : vector<3x16x226xbf16> to vector<48x226xbf16>
    %slice3A_509 = vector.extract_strided_slice %reshape3A_508 {offsets = [0, 0], sizes = [48, 224], strides = [1, 1]} : vector<48x226xbf16> to vector<48x224xbf16>
    %slice3A_510 = vector.extract_strided_slice %reshape3A_508 {offsets = [0, 1], sizes = [48, 224], strides = [1, 1]} : vector<48x226xbf16> to vector<48x224xbf16>
    %slice3A_511 = vector.extract_strided_slice %reshape3A_508 {offsets = [0, 2], sizes = [48, 224], strides = [1, 1]} : vector<48x226xbf16> to vector<48x224xbf16>
    %concatenate3A_512 = tpu.concatenate %slice3A_509, %slice3A_510, %slice3A_511 in 0 : vector<48x224xbf16>, vector<48x224xbf16>, vector<48x224xbf16> -> vector<144x224xbf16>
    %slice3A_513 = vector.extract_strided_slice %pad3A_11 {offsets = [3, 0, 182, 0], sizes = [1, 3, 16, 226], strides = [1, 1, 1, 1]} : vector<8x3x226x226xbf16> to vector<1x3x16x226xbf16>
    %squeeze3A_514 = vector.shape_cast %slice3A_513 : vector<1x3x16x226xbf16> to vector<3x16x226xbf16>
    %reshape3A_515 = vector.shape_cast %squeeze3A_514 : vector<3x16x226xbf16> to vector<48x226xbf16>
    %slice3A_516 = vector.extract_strided_slice %reshape3A_515 {offsets = [0, 0], sizes = [48, 224], strides = [1, 1]} : vector<48x226xbf16> to vector<48x224xbf16>
    %slice3A_517 = vector.extract_strided_slice %reshape3A_515 {offsets = [0, 1], sizes = [48, 224], strides = [1, 1]} : vector<48x226xbf16> to vector<48x224xbf16>
    %slice3A_518 = vector.extract_strided_slice %reshape3A_515 {offsets = [0, 2], sizes = [48, 224], strides = [1, 1]} : vector<48x226xbf16> to vector<48x224xbf16>
    %concatenate3A_519 = tpu.concatenate %slice3A_516, %slice3A_517, %slice3A_518 in 0 : vector<48x224xbf16>, vector<48x224xbf16>, vector<48x224xbf16> -> vector<144x224xbf16>
    %slice3A_520 = vector.extract_strided_slice %pad3A_11 {offsets = [3, 0, 196, 0], sizes = [1, 3, 16, 226], strides = [1, 1, 1, 1]} : vector<8x3x226x226xbf16> to vector<1x3x16x226xbf16>
    %squeeze3A_521 = vector.shape_cast %slice3A_520 : vector<1x3x16x226xbf16> to vector<3x16x226xbf16>
    %reshape3A_522 = vector.shape_cast %squeeze3A_521 : vector<3x16x226xbf16> to vector<48x226xbf16>
    %slice3A_523 = vector.extract_strided_slice %reshape3A_522 {offsets = [0, 0], sizes = [48, 224], strides = [1, 1]} : vector<48x226xbf16> to vector<48x224xbf16>
    %slice3A_524 = vector.extract_strided_slice %reshape3A_522 {offsets = [0, 1], sizes = [48, 224], strides = [1, 1]} : vector<48x226xbf16> to vector<48x224xbf16>
    %slice3A_525 = vector.extract_strided_slice %reshape3A_522 {offsets = [0, 2], sizes = [48, 224], strides = [1, 1]} : vector<48x226xbf16> to vector<48x224xbf16>
    %concatenate3A_526 = tpu.concatenate %slice3A_523, %slice3A_524, %slice3A_525 in 0 : vector<48x224xbf16>, vector<48x224xbf16>, vector<48x224xbf16> -> vector<144x224xbf16>
    %slice3A_527 = vector.extract_strided_slice %pad3A_11 {offsets = [3, 0, 210, 0], sizes = [1, 3, 16, 226], strides = [1, 1, 1, 1]} : vector<8x3x226x226xbf16> to vector<1x3x16x226xbf16>
    %squeeze3A_528 = vector.shape_cast %slice3A_527 : vector<1x3x16x226xbf16> to vector<3x16x226xbf16>
    %reshape3A_529 = vector.shape_cast %squeeze3A_528 : vector<3x16x226xbf16> to vector<48x226xbf16>
    %slice3A_530 = vector.extract_strided_slice %reshape3A_529 {offsets = [0, 0], sizes = [48, 224], strides = [1, 1]} : vector<48x226xbf16> to vector<48x224xbf16>
    %slice3A_531 = vector.extract_strided_slice %reshape3A_529 {offsets = [0, 1], sizes = [48, 224], strides = [1, 1]} : vector<48x226xbf16> to vector<48x224xbf16>
    %slice3A_532 = vector.extract_strided_slice %reshape3A_529 {offsets = [0, 2], sizes = [48, 224], strides = [1, 1]} : vector<48x226xbf16> to vector<48x224xbf16>
    %concatenate3A_533 = tpu.concatenate %slice3A_530, %slice3A_531, %slice3A_532 in 0 : vector<48x224xbf16>, vector<48x224xbf16>, vector<48x224xbf16> -> vector<144x224xbf16>
    %concatenate3A_534 = tpu.concatenate %concatenate3A_428, %concatenate3A_435, %concatenate3A_442, %concatenate3A_449, %concatenate3A_456, %concatenate3A_463, %concatenate3A_470, %concatenate3A_477, %concatenate3A_484, %concatenate3A_491, %concatenate3A_498, %concatenate3A_505, %concatenate3A_512, %concatenate3A_519, %concatenate3A_526, %concatenate3A_533 in 1 : vector<144x224xbf16>, vector<144x224xbf16>, vector<144x224xbf16>, vector<144x224xbf16>, vector<144x224xbf16>, vector<144x224xbf16>, vector<144x224xbf16>, vector<144x224xbf16>, vector<144x224xbf16>, vector<144x224xbf16>, vector<144x224xbf16>, vector<144x224xbf16>, vector<144x224xbf16>, vector<144x224xbf16>, vector<144x224xbf16>, vector<144x224xbf16> -> vector<144x3584xbf16>
    %concatenate3A_535 = tpu.concatenate %concatenate3A_534, %broadcast_in_dim3A_12 in 0 : vector<144x3584xbf16>, vector<1x3584xbf16> -> vector<145x3584xbf16>
    %get3A_536 = arith.constant 0 : index
    %get3A_537 = arith.constant 0 : index
    %get3A_538 = vector.load %arg2[%get3A_536, %get3A_537] : memref<896x145xbf16, #tpu.memory_space<vmem>>, vector<896x145xbf16>
    %dot_general3A_539 = arith.constant dense<0.000000e+00> : vector<896x3584xf32>
    %dot_general3A_540 = tpu.matmul %get3A_538, %concatenate3A_535, %dot_general3A_539 {dimension_numbers = #tpu.dot_dimension_numbers<[1], [0], [0], [1], [0, 0, 1, 1], [], []>, transpose_lhs_hint = false} : vector<896x145xbf16>, vector<145x3584xbf16>, vector<896x3584xf32> -> vector<896x3584xf32>
    %max3A_541 = arith.constant 0.000000e+00 : f32
    %max3A_542 = vector.broadcast %max3A_541 : f32 to vector<896x3584xf32>
    %max3A_543 = arith.maximumf %dot_general3A_540, %max3A_542 : vector<896x3584xf32>
    %reduce_sum3A_544 = arith.constant dense<0.000000e+00> : vector<896xf32>
    %reduce_sum3A_545 = vector.multi_reduction <add>, %max3A_543, %reduce_sum3A_544 [1] : vector<896x3584xf32> to vector<896xf32>
    %reshape3A_546 = vector.shape_cast %reduce_sum3A_545 : vector<896xf32> to vector<14x64xf32>
    %add3A_547 = arith.addf %broadcast_in_dim3A_421, %reshape3A_546 : vector<14x64xf32>
    %reduce_sum3A_548 = arith.constant dense<0.000000e+00> : vector<64xf32>
    %reduce_sum3A_549 = vector.multi_reduction <add>, %add3A_547, %reduce_sum3A_548 [0] : vector<14x64xf32> to vector<64xf32>
    %mul3A_550 = arith.constant 1.99298465E-5 : f32
    %mul3A_551 = vector.broadcast %mul3A_550 : f32 to vector<64xf32>
    %mul3A_552 = arith.mulf %reduce_sum3A_549, %mul3A_551 : vector<64xf32>
    %swap3A_553 = arith.constant 3 : index
    %swap3A_554 = arith.constant 0 : index
    %swap3A_555 = arith.constant 0 : index
    %swap3A_556 = vector.load %arg3[%swap3A_553, %swap3A_554, %swap3A_555] : memref<8x1x64xf32, #tpu.memory_space<vmem>>, vector<1x1x64xf32>
    %swap3A_557 = vector.shape_cast %swap3A_556 : vector<1x1x64xf32> to vector<64xf32>
    %swap3A_558 = vector.shape_cast %mul3A_552 : vector<64xf32> to vector<1x1x64xf32>
    tpu.vector_store %arg3[%swap3A_553, %swap3A_554, %swap3A_555], %swap3A_558 {strides = array<i32>} : memref<8x1x64xf32, #tpu.memory_space<vmem>>, vector<1x1x64xf32>,
    %broadcast_in_dim3A_559 = arith.constant 0.000000e+00 : f32
    %broadcast_in_dim3A_560 = vector.broadcast %broadcast_in_dim3A_559 : f32 to vector<14x64xf32>
    %slice3A_561 = vector.extract_strided_slice %pad3A_11 {offsets = [4, 0, 0, 0], sizes = [1, 3, 16, 226], strides = [1, 1, 1, 1]} : vector<8x3x226x226xbf16> to vector<1x3x16x226xbf16>
    %squeeze3A_562 = vector.shape_cast %slice3A_561 : vector<1x3x16x226xbf16> to vector<3x16x226xbf16>
    %reshape3A_563 = vector.shape_cast %squeeze3A_562 : vector<3x16x226xbf16> to vector<48x226xbf16>
    %slice3A_564 = vector.extract_strided_slice %reshape3A_563 {offsets = [0, 0], sizes = [48, 224], strides = [1, 1]} : vector<48x226xbf16> to vector<48x224xbf16>
    %slice3A_565 = vector.extract_strided_slice %reshape3A_563 {offsets = [0, 1], sizes = [48, 224], strides = [1, 1]} : vector<48x226xbf16> to vector<48x224xbf16>
    %slice3A_566 = vector.extract_strided_slice %reshape3A_563 {offsets = [0, 2], sizes = [48, 224], strides = [1, 1]} : vector<48x226xbf16> to vector<48x224xbf16>
    %concatenate3A_567 = tpu.concatenate %slice3A_564, %slice3A_565, %slice3A_566 in 0 : vector<48x224xbf16>, vector<48x224xbf16>, vector<48x224xbf16> -> vector<144x224xbf16>
    %slice3A_568 = vector.extract_strided_slice %pad3A_11 {offsets = [4, 0, 14, 0], sizes = [1, 3, 16, 226], strides = [1, 1, 1, 1]} : vector<8x3x226x226xbf16> to vector<1x3x16x226xbf16>
    %squeeze3A_569 = vector.shape_cast %slice3A_568 : vector<1x3x16x226xbf16> to vector<3x16x226xbf16>
    %reshape3A_570 = vector.shape_cast %squeeze3A_569 : vector<3x16x226xbf16> to vector<48x226xbf16>
    %slice3A_571 = vector.extract_strided_slice %reshape3A_570 {offsets = [0, 0], sizes = [48, 224], strides = [1, 1]} : vector<48x226xbf16> to vector<48x224xbf16>
    %slice3A_572 = vector.extract_strided_slice %reshape3A_570 {offsets = [0, 1], sizes = [48, 224], strides = [1, 1]} : vector<48x226xbf16> to vector<48x224xbf16>
    %slice3A_573 = vector.extract_strided_slice %reshape3A_570 {offsets = [0, 2], sizes = [48, 224], strides = [1, 1]} : vector<48x226xbf16> to vector<48x224xbf16>
    %concatenate3A_574 = tpu.concatenate %slice3A_571, %slice3A_572, %slice3A_573 in 0 : vector<48x224xbf16>, vector<48x224xbf16>, vector<48x224xbf16> -> vector<144x224xbf16>
    %slice3A_575 = vector.extract_strided_slice %pad3A_11 {offsets = [4, 0, 28, 0], sizes = [1, 3, 16, 226], strides = [1, 1, 1, 1]} : vector<8x3x226x226xbf16> to vector<1x3x16x226xbf16>
    %squeeze3A_576 = vector.shape_cast %slice3A_575 : vector<1x3x16x226xbf16> to vector<3x16x226xbf16>
    %reshape3A_577 = vector.shape_cast %squeeze3A_576 : vector<3x16x226xbf16> to vector<48x226xbf16>
    %slice3A_578 = vector.extract_strided_slice %reshape3A_577 {offsets = [0, 0], sizes = [48, 224], strides = [1, 1]} : vector<48x226xbf16> to vector<48x224xbf16>
    %slice3A_579 = vector.extract_strided_slice %reshape3A_577 {offsets = [0, 1], sizes = [48, 224], strides = [1, 1]} : vector<48x226xbf16> to vector<48x224xbf16>
    %slice3A_580 = vector.extract_strided_slice %reshape3A_577 {offsets = [0, 2], sizes = [48, 224], strides = [1, 1]} : vector<48x226xbf16> to vector<48x224xbf16>
    %concatenate3A_581 = tpu.concatenate %slice3A_578, %slice3A_579, %slice3A_580 in 0 : vector<48x224xbf16>, vector<48x224xbf16>, vector<48x224xbf16> -> vector<144x224xbf16>
    %slice3A_582 = vector.extract_strided_slice %pad3A_11 {offsets = [4, 0, 42, 0], sizes = [1, 3, 16, 226], strides = [1, 1, 1, 1]} : vector<8x3x226x226xbf16> to vector<1x3x16x226xbf16>
    %squeeze3A_583 = vector.shape_cast %slice3A_582 : vector<1x3x16x226xbf16> to vector<3x16x226xbf16>
    %reshape3A_584 = vector.shape_cast %squeeze3A_583 : vector<3x16x226xbf16> to vector<48x226xbf16>
    %slice3A_585 = vector.extract_strided_slice %reshape3A_584 {offsets = [0, 0], sizes = [48, 224], strides = [1, 1]} : vector<48x226xbf16> to vector<48x224xbf16>
    %slice3A_586 = vector.extract_strided_slice %reshape3A_584 {offsets = [0, 1], sizes = [48, 224], strides = [1, 1]} : vector<48x226xbf16> to vector<48x224xbf16>
    %slice3A_587 = vector.extract_strided_slice %reshape3A_584 {offsets = [0, 2], sizes = [48, 224], strides = [1, 1]} : vector<48x226xbf16> to vector<48x224xbf16>
    %concatenate3A_588 = tpu.concatenate %slice3A_585, %slice3A_586, %slice3A_587 in 0 : vector<48x224xbf16>, vector<48x224xbf16>, vector<48x224xbf16> -> vector<144x224xbf16>
    %slice3A_589 = vector.extract_strided_slice %pad3A_11 {offsets = [4, 0, 56, 0], sizes = [1, 3, 16, 226], strides = [1, 1, 1, 1]} : vector<8x3x226x226xbf16> to vector<1x3x16x226xbf16>
    %squeeze3A_590 = vector.shape_cast %slice3A_589 : vector<1x3x16x226xbf16> to vector<3x16x226xbf16>
    %reshape3A_591 = vector.shape_cast %squeeze3A_590 : vector<3x16x226xbf16> to vector<48x226xbf16>
    %slice3A_592 = vector.extract_strided_slice %reshape3A_591 {offsets = [0, 0], sizes = [48, 224], strides = [1, 1]} : vector<48x226xbf16> to vector<48x224xbf16>
    %slice3A_593 = vector.extract_strided_slice %reshape3A_591 {offsets = [0, 1], sizes = [48, 224], strides = [1, 1]} : vector<48x226xbf16> to vector<48x224xbf16>
    %slice3A_594 = vector.extract_strided_slice %reshape3A_591 {offsets = [0, 2], sizes = [48, 224], strides = [1, 1]} : vector<48x226xbf16> to vector<48x224xbf16>
    %concatenate3A_595 = tpu.concatenate %slice3A_592, %slice3A_593, %slice3A_594 in 0 : vector<48x224xbf16>, vector<48x224xbf16>, vector<48x224xbf16> -> vector<144x224xbf16>
    %slice3A_596 = vector.extract_strided_slice %pad3A_11 {offsets = [4, 0, 70, 0], sizes = [1, 3, 16, 226], strides = [1, 1, 1, 1]} : vector<8x3x226x226xbf16> to vector<1x3x16x226xbf16>
    %squeeze3A_597 = vector.shape_cast %slice3A_596 : vector<1x3x16x226xbf16> to vector<3x16x226xbf16>
    %reshape3A_598 = vector.shape_cast %squeeze3A_597 : vector<3x16x226xbf16> to vector<48x226xbf16>
    %slice3A_599 = vector.extract_strided_slice %reshape3A_598 {offsets = [0, 0], sizes = [48, 224], strides = [1, 1]} : vector<48x226xbf16> to vector<48x224xbf16>
    %slice3A_600 = vector.extract_strided_slice %reshape3A_598 {offsets = [0, 1], sizes = [48, 224], strides = [1, 1]} : vector<48x226xbf16> to vector<48x224xbf16>
    %slice3A_601 = vector.extract_strided_slice %reshape3A_598 {offsets = [0, 2], sizes = [48, 224], strides = [1, 1]} : vector<48x226xbf16> to vector<48x224xbf16>
    %concatenate3A_602 = tpu.concatenate %slice3A_599, %slice3A_600, %slice3A_601 in 0 : vector<48x224xbf16>, vector<48x224xbf16>, vector<48x224xbf16> -> vector<144x224xbf16>
    %slice3A_603 = vector.extract_strided_slice %pad3A_11 {offsets = [4, 0, 84, 0], sizes = [1, 3, 16, 226], strides = [1, 1, 1, 1]} : vector<8x3x226x226xbf16> to vector<1x3x16x226xbf16>
    %squeeze3A_604 = vector.shape_cast %slice3A_603 : vector<1x3x16x226xbf16> to vector<3x16x226xbf16>
    %reshape3A_605 = vector.shape_cast %squeeze3A_604 : vector<3x16x226xbf16> to vector<48x226xbf16>
    %slice3A_606 = vector.extract_strided_slice %reshape3A_605 {offsets = [0, 0], sizes = [48, 224], strides = [1, 1]} : vector<48x226xbf16> to vector<48x224xbf16>
    %slice3A_607 = vector.extract_strided_slice %reshape3A_605 {offsets = [0, 1], sizes = [48, 224], strides = [1, 1]} : vector<48x226xbf16> to vector<48x224xbf16>
    %slice3A_608 = vector.extract_strided_slice %reshape3A_605 {offsets = [0, 2], sizes = [48, 224], strides = [1, 1]} : vector<48x226xbf16> to vector<48x224xbf16>
    %concatenate3A_609 = tpu.concatenate %slice3A_606, %slice3A_607, %slice3A_608 in 0 : vector<48x224xbf16>, vector<48x224xbf16>, vector<48x224xbf16> -> vector<144x224xbf16>
    %slice3A_610 = vector.extract_strided_slice %pad3A_11 {offsets = [4, 0, 98, 0], sizes = [1, 3, 16, 226], strides = [1, 1, 1, 1]} : vector<8x3x226x226xbf16> to vector<1x3x16x226xbf16>
    %squeeze3A_611 = vector.shape_cast %slice3A_610 : vector<1x3x16x226xbf16> to vector<3x16x226xbf16>
    %reshape3A_612 = vector.shape_cast %squeeze3A_611 : vector<3x16x226xbf16> to vector<48x226xbf16>
    %slice3A_613 = vector.extract_strided_slice %reshape3A_612 {offsets = [0, 0], sizes = [48, 224], strides = [1, 1]} : vector<48x226xbf16> to vector<48x224xbf16>
    %slice3A_614 = vector.extract_strided_slice %reshape3A_612 {offsets = [0, 1], sizes = [48, 224], strides = [1, 1]} : vector<48x226xbf16> to vector<48x224xbf16>
    %slice3A_615 = vector.extract_strided_slice %reshape3A_612 {offsets = [0, 2], sizes = [48, 224], strides = [1, 1]} : vector<48x226xbf16> to vector<48x224xbf16>
    %concatenate3A_616 = tpu.concatenate %slice3A_613, %slice3A_614, %slice3A_615 in 0 : vector<48x224xbf16>, vector<48x224xbf16>, vector<48x224xbf16> -> vector<144x224xbf16>
    %slice3A_617 = vector.extract_strided_slice %pad3A_11 {offsets = [4, 0, 112, 0], sizes = [1, 3, 16, 226], strides = [1, 1, 1, 1]} : vector<8x3x226x226xbf16> to vector<1x3x16x226xbf16>
    %squeeze3A_618 = vector.shape_cast %slice3A_617 : vector<1x3x16x226xbf16> to vector<3x16x226xbf16>
    %reshape3A_619 = vector.shape_cast %squeeze3A_618 : vector<3x16x226xbf16> to vector<48x226xbf16>
    %slice3A_620 = vector.extract_strided_slice %reshape3A_619 {offsets = [0, 0], sizes = [48, 224], strides = [1, 1]} : vector<48x226xbf16> to vector<48x224xbf16>
    %slice3A_621 = vector.extract_strided_slice %reshape3A_619 {offsets = [0, 1], sizes = [48, 224], strides = [1, 1]} : vector<48x226xbf16> to vector<48x224xbf16>
    %slice3A_622 = vector.extract_strided_slice %reshape3A_619 {offsets = [0, 2], sizes = [48, 224], strides = [1, 1]} : vector<48x226xbf16> to vector<48x224xbf16>
    %concatenate3A_623 = tpu.concatenate %slice3A_620, %slice3A_621, %slice3A_622 in 0 : vector<48x224xbf16>, vector<48x224xbf16>, vector<48x224xbf16> -> vector<144x224xbf16>
    %slice3A_624 = vector.extract_strided_slice %pad3A_11 {offsets = [4, 0, 126, 0], sizes = [1, 3, 16, 226], strides = [1, 1, 1, 1]} : vector<8x3x226x226xbf16> to vector<1x3x16x226xbf16>
    %squeeze3A_625 = vector.shape_cast %slice3A_624 : vector<1x3x16x226xbf16> to vector<3x16x226xbf16>
    %reshape3A_626 = vector.shape_cast %squeeze3A_625 : vector<3x16x226xbf16> to vector<48x226xbf16>
    %slice3A_627 = vector.extract_strided_slice %reshape3A_626 {offsets = [0, 0], sizes = [48, 224], strides = [1, 1]} : vector<48x226xbf16> to vector<48x224xbf16>
    %slice3A_628 = vector.extract_strided_slice %reshape3A_626 {offsets = [0, 1], sizes = [48, 224], strides = [1, 1]} : vector<48x226xbf16> to vector<48x224xbf16>
    %slice3A_629 = vector.extract_strided_slice %reshape3A_626 {offsets = [0, 2], sizes = [48, 224], strides = [1, 1]} : vector<48x226xbf16> to vector<48x224xbf16>
    %concatenate3A_630 = tpu.concatenate %slice3A_627, %slice3A_628, %slice3A_629 in 0 : vector<48x224xbf16>, vector<48x224xbf16>, vector<48x224xbf16> -> vector<144x224xbf16>
    %slice3A_631 = vector.extract_strided_slice %pad3A_11 {offsets = [4, 0, 140, 0], sizes = [1, 3, 16, 226], strides = [1, 1, 1, 1]} : vector<8x3x226x226xbf16> to vector<1x3x16x226xbf16>
    %squeeze3A_632 = vector.shape_cast %slice3A_631 : vector<1x3x16x226xbf16> to vector<3x16x226xbf16>
    %reshape3A_633 = vector.shape_cast %squeeze3A_632 : vector<3x16x226xbf16> to vector<48x226xbf16>
    %slice3A_634 = vector.extract_strided_slice %reshape3A_633 {offsets = [0, 0], sizes = [48, 224], strides = [1, 1]} : vector<48x226xbf16> to vector<48x224xbf16>
    %slice3A_635 = vector.extract_strided_slice %reshape3A_633 {offsets = [0, 1], sizes = [48, 224], strides = [1, 1]} : vector<48x226xbf16> to vector<48x224xbf16>
    %slice3A_636 = vector.extract_strided_slice %reshape3A_633 {offsets = [0, 2], sizes = [48, 224], strides = [1, 1]} : vector<48x226xbf16> to vector<48x224xbf16>
    %concatenate3A_637 = tpu.concatenate %slice3A_634, %slice3A_635, %slice3A_636 in 0 : vector<48x224xbf16>, vector<48x224xbf16>, vector<48x224xbf16> -> vector<144x224xbf16>
    %slice3A_638 = vector.extract_strided_slice %pad3A_11 {offsets = [4, 0, 154, 0], sizes = [1, 3, 16, 226], strides = [1, 1, 1, 1]} : vector<8x3x226x226xbf16> to vector<1x3x16x226xbf16>
    %squeeze3A_639 = vector.shape_cast %slice3A_638 : vector<1x3x16x226xbf16> to vector<3x16x226xbf16>
    %reshape3A_640 = vector.shape_cast %squeeze3A_639 : vector<3x16x226xbf16> to vector<48x226xbf16>
    %slice3A_641 = vector.extract_strided_slice %reshape3A_640 {offsets = [0, 0], sizes = [48, 224], strides = [1, 1]} : vector<48x226xbf16> to vector<48x224xbf16>
    %slice3A_642 = vector.extract_strided_slice %reshape3A_640 {offsets = [0, 1], sizes = [48, 224], strides = [1, 1]} : vector<48x226xbf16> to vector<48x224xbf16>
    %slice3A_643 = vector.extract_strided_slice %reshape3A_640 {offsets = [0, 2], sizes = [48, 224], strides = [1, 1]} : vector<48x226xbf16> to vector<48x224xbf16>
    %concatenate3A_644 = tpu.concatenate %slice3A_641, %slice3A_642, %slice3A_643 in 0 : vector<48x224xbf16>, vector<48x224xbf16>, vector<48x224xbf16> -> vector<144x224xbf16>
    %slice3A_645 = vector.extract_strided_slice %pad3A_11 {offsets = [4, 0, 168, 0], sizes = [1, 3, 16, 226], strides = [1, 1, 1, 1]} : vector<8x3x226x226xbf16> to vector<1x3x16x226xbf16>
    %squeeze3A_646 = vector.shape_cast %slice3A_645 : vector<1x3x16x226xbf16> to vector<3x16x226xbf16>
    %reshape3A_647 = vector.shape_cast %squeeze3A_646 : vector<3x16x226xbf16> to vector<48x226xbf16>
    %slice3A_648 = vector.extract_strided_slice %reshape3A_647 {offsets = [0, 0], sizes = [48, 224], strides = [1, 1]} : vector<48x226xbf16> to vector<48x224xbf16>
    %slice3A_649 = vector.extract_strided_slice %reshape3A_647 {offsets = [0, 1], sizes = [48, 224], strides = [1, 1]} : vector<48x226xbf16> to vector<48x224xbf16>
    %slice3A_650 = vector.extract_strided_slice %reshape3A_647 {offsets = [0, 2], sizes = [48, 224], strides = [1, 1]} : vector<48x226xbf16> to vector<48x224xbf16>
    %concatenate3A_651 = tpu.concatenate %slice3A_648, %slice3A_649, %slice3A_650 in 0 : vector<48x224xbf16>, vector<48x224xbf16>, vector<48x224xbf16> -> vector<144x224xbf16>
    %slice3A_652 = vector.extract_strided_slice %pad3A_11 {offsets = [4, 0, 182, 0], sizes = [1, 3, 16, 226], strides = [1, 1, 1, 1]} : vector<8x3x226x226xbf16> to vector<1x3x16x226xbf16>
    %squeeze3A_653 = vector.shape_cast %slice3A_652 : vector<1x3x16x226xbf16> to vector<3x16x226xbf16>
    %reshape3A_654 = vector.shape_cast %squeeze3A_653 : vector<3x16x226xbf16> to vector<48x226xbf16>
    %slice3A_655 = vector.extract_strided_slice %reshape3A_654 {offsets = [0, 0], sizes = [48, 224], strides = [1, 1]} : vector<48x226xbf16> to vector<48x224xbf16>
    %slice3A_656 = vector.extract_strided_slice %reshape3A_654 {offsets = [0, 1], sizes = [48, 224], strides = [1, 1]} : vector<48x226xbf16> to vector<48x224xbf16>
    %slice3A_657 = vector.extract_strided_slice %reshape3A_654 {offsets = [0, 2], sizes = [48, 224], strides = [1, 1]} : vector<48x226xbf16> to vector<48x224xbf16>
    %concatenate3A_658 = tpu.concatenate %slice3A_655, %slice3A_656, %slice3A_657 in 0 : vector<48x224xbf16>, vector<48x224xbf16>, vector<48x224xbf16> -> vector<144x224xbf16>
    %slice3A_659 = vector.extract_strided_slice %pad3A_11 {offsets = [4, 0, 196, 0], sizes = [1, 3, 16, 226], strides = [1, 1, 1, 1]} : vector<8x3x226x226xbf16> to vector<1x3x16x226xbf16>
    %squeeze3A_660 = vector.shape_cast %slice3A_659 : vector<1x3x16x226xbf16> to vector<3x16x226xbf16>
    %reshape3A_661 = vector.shape_cast %squeeze3A_660 : vector<3x16x226xbf16> to vector<48x226xbf16>
    %slice3A_662 = vector.extract_strided_slice %reshape3A_661 {offsets = [0, 0], sizes = [48, 224], strides = [1, 1]} : vector<48x226xbf16> to vector<48x224xbf16>
    %slice3A_663 = vector.extract_strided_slice %reshape3A_661 {offsets = [0, 1], sizes = [48, 224], strides = [1, 1]} : vector<48x226xbf16> to vector<48x224xbf16>
    %slice3A_664 = vector.extract_strided_slice %reshape3A_661 {offsets = [0, 2], sizes = [48, 224], strides = [1, 1]} : vector<48x226xbf16> to vector<48x224xbf16>
    %concatenate3A_665 = tpu.concatenate %slice3A_662, %slice3A_663, %slice3A_664 in 0 : vector<48x224xbf16>, vector<48x224xbf16>, vector<48x224xbf16> -> vector<144x224xbf16>
    %slice3A_666 = vector.extract_strided_slice %pad3A_11 {offsets = [4, 0, 210, 0], sizes = [1, 3, 16, 226], strides = [1, 1, 1, 1]} : vector<8x3x226x226xbf16> to vector<1x3x16x226xbf16>
    %squeeze3A_667 = vector.shape_cast %slice3A_666 : vector<1x3x16x226xbf16> to vector<3x16x226xbf16>
    %reshape3A_668 = vector.shape_cast %squeeze3A_667 : vector<3x16x226xbf16> to vector<48x226xbf16>
    %slice3A_669 = vector.extract_strided_slice %reshape3A_668 {offsets = [0, 0], sizes = [48, 224], strides = [1, 1]} : vector<48x226xbf16> to vector<48x224xbf16>
    %slice3A_670 = vector.extract_strided_slice %reshape3A_668 {offsets = [0, 1], sizes = [48, 224], strides = [1, 1]} : vector<48x226xbf16> to vector<48x224xbf16>
    %slice3A_671 = vector.extract_strided_slice %reshape3A_668 {offsets = [0, 2], sizes = [48, 224], strides = [1, 1]} : vector<48x226xbf16> to vector<48x224xbf16>
    %concatenate3A_672 = tpu.concatenate %slice3A_669, %slice3A_670, %slice3A_671 in 0 : vector<48x224xbf16>, vector<48x224xbf16>, vector<48x224xbf16> -> vector<144x224xbf16>
    %concatenate3A_673 = tpu.concatenate %concatenate3A_567, %concatenate3A_574, %concatenate3A_581, %concatenate3A_588, %concatenate3A_595, %concatenate3A_602, %concatenate3A_609, %concatenate3A_616, %concatenate3A_623, %concatenate3A_630, %concatenate3A_637, %concatenate3A_644, %concatenate3A_651, %concatenate3A_658, %concatenate3A_665, %concatenate3A_672 in 1 : vector<144x224xbf16>, vector<144x224xbf16>, vector<144x224xbf16>, vector<144x224xbf16>, vector<144x224xbf16>, vector<144x224xbf16>, vector<144x224xbf16>, vector<144x224xbf16>, vector<144x224xbf16>, vector<144x224xbf16>, vector<144x224xbf16>, vector<144x224xbf16>, vector<144x224xbf16>, vector<144x224xbf16>, vector<144x224xbf16>, vector<144x224xbf16> -> vector<144x3584xbf16>
    %concatenate3A_674 = tpu.concatenate %concatenate3A_673, %broadcast_in_dim3A_12 in 0 : vector<144x3584xbf16>, vector<1x3584xbf16> -> vector<145x3584xbf16>
    %get3A_675 = arith.constant 0 : index
    %get3A_676 = arith.constant 0 : index
    %get3A_677 = vector.load %arg2[%get3A_675, %get3A_676] : memref<896x145xbf16, #tpu.memory_space<vmem>>, vector<896x145xbf16>
    %dot_general3A_678 = arith.constant dense<0.000000e+00> : vector<896x3584xf32>
    %dot_general3A_679 = tpu.matmul %get3A_677, %concatenate3A_674, %dot_general3A_678 {dimension_numbers = #tpu.dot_dimension_numbers<[1], [0], [0], [1], [0, 0, 1, 1], [], []>, transpose_lhs_hint = false} : vector<896x145xbf16>, vector<145x3584xbf16>, vector<896x3584xf32> -> vector<896x3584xf32>
    %max3A_680 = arith.constant 0.000000e+00 : f32
    %max3A_681 = vector.broadcast %max3A_680 : f32 to vector<896x3584xf32>
    %max3A_682 = arith.maximumf %dot_general3A_679, %max3A_681 : vector<896x3584xf32>
    %reduce_sum3A_683 = arith.constant dense<0.000000e+00> : vector<896xf32>
    %reduce_sum3A_684 = vector.multi_reduction <add>, %max3A_682, %reduce_sum3A_683 [1] : vector<896x3584xf32> to vector<896xf32>
    %reshape3A_685 = vector.shape_cast %reduce_sum3A_684 : vector<896xf32> to vector<14x64xf32>
    %add3A_686 = arith.addf %broadcast_in_dim3A_560, %reshape3A_685 : vector<14x64xf32>
    %reduce_sum3A_687 = arith.constant dense<0.000000e+00> : vector<64xf32>
    %reduce_sum3A_688 = vector.multi_reduction <add>, %add3A_686, %reduce_sum3A_687 [0] : vector<14x64xf32> to vector<64xf32>
    %mul3A_689 = arith.constant 1.99298465E-5 : f32
    %mul3A_690 = vector.broadcast %mul3A_689 : f32 to vector<64xf32>
    %mul3A_691 = arith.mulf %reduce_sum3A_688, %mul3A_690 : vector<64xf32>
    %swap3A_692 = arith.constant 4 : index
    %swap3A_693 = arith.constant 0 : index
    %swap3A_694 = arith.constant 0 : index
    %swap3A_695 = vector.load %arg3[%swap3A_692, %swap3A_693, %swap3A_694] : memref<8x1x64xf32, #tpu.memory_space<vmem>>, vector<1x1x64xf32>
    %swap3A_696 = vector.shape_cast %swap3A_695 : vector<1x1x64xf32> to vector<64xf32>
    %swap3A_697 = vector.shape_cast %mul3A_691 : vector<64xf32> to vector<1x1x64xf32>
    tpu.vector_store %arg3[%swap3A_692, %swap3A_693, %swap3A_694], %swap3A_697 {strides = array<i32>} : memref<8x1x64xf32, #tpu.memory_space<vmem>>, vector<1x1x64xf32>,
    %broadcast_in_dim3A_698 = arith.constant 0.000000e+00 : f32
    %broadcast_in_dim3A_699 = vector.broadcast %broadcast_in_dim3A_698 : f32 to vector<14x64xf32>
    %slice3A_700 = vector.extract_strided_slice %pad3A_11 {offsets = [5, 0, 0, 0], sizes = [1, 3, 16, 226], strides = [1, 1, 1, 1]} : vector<8x3x226x226xbf16> to vector<1x3x16x226xbf16>
    %squeeze3A_701 = vector.shape_cast %slice3A_700 : vector<1x3x16x226xbf16> to vector<3x16x226xbf16>
    %reshape3A_702 = vector.shape_cast %squeeze3A_701 : vector<3x16x226xbf16> to vector<48x226xbf16>
    %slice3A_703 = vector.extract_strided_slice %reshape3A_702 {offsets = [0, 0], sizes = [48, 224], strides = [1, 1]} : vector<48x226xbf16> to vector<48x224xbf16>
    %slice3A_704 = vector.extract_strided_slice %reshape3A_702 {offsets = [0, 1], sizes = [48, 224], strides = [1, 1]} : vector<48x226xbf16> to vector<48x224xbf16>
    %slice3A_705 = vector.extract_strided_slice %reshape3A_702 {offsets = [0, 2], sizes = [48, 224], strides = [1, 1]} : vector<48x226xbf16> to vector<48x224xbf16>
    %concatenate3A_706 = tpu.concatenate %slice3A_703, %slice3A_704, %slice3A_705 in 0 : vector<48x224xbf16>, vector<48x224xbf16>, vector<48x224xbf16> -> vector<144x224xbf16>
    %slice3A_707 = vector.extract_strided_slice %pad3A_11 {offsets = [5, 0, 14, 0], sizes = [1, 3, 16, 226], strides = [1, 1, 1, 1]} : vector<8x3x226x226xbf16> to vector<1x3x16x226xbf16>
    %squeeze3A_708 = vector.shape_cast %slice3A_707 : vector<1x3x16x226xbf16> to vector<3x16x226xbf16>
    %reshape3A_709 = vector.shape_cast %squeeze3A_708 : vector<3x16x226xbf16> to vector<48x226xbf16>
    %slice3A_710 = vector.extract_strided_slice %reshape3A_709 {offsets = [0, 0], sizes = [48, 224], strides = [1, 1]} : vector<48x226xbf16> to vector<48x224xbf16>
    %slice3A_711 = vector.extract_strided_slice %reshape3A_709 {offsets = [0, 1], sizes = [48, 224], strides = [1, 1]} : vector<48x226xbf16> to vector<48x224xbf16>
    %slice3A_712 = vector.extract_strided_slice %reshape3A_709 {offsets = [0, 2], sizes = [48, 224], strides = [1, 1]} : vector<48x226xbf16> to vector<48x224xbf16>
    %concatenate3A_713 = tpu.concatenate %slice3A_710, %slice3A_711, %slice3A_712 in 0 : vector<48x224xbf16>, vector<48x224xbf16>, vector<48x224xbf16> -> vector<144x224xbf16>
    %slice3A_714 = vector.extract_strided_slice %pad3A_11 {offsets = [5, 0, 28, 0], sizes = [1, 3, 16, 226], strides = [1, 1, 1, 1]} : vector<8x3x226x226xbf16> to vector<1x3x16x226xbf16>
    %squeeze3A_715 = vector.shape_cast %slice3A_714 : vector<1x3x16x226xbf16> to vector<3x16x226xbf16>
    %reshape3A_716 = vector.shape_cast %squeeze3A_715 : vector<3x16x226xbf16> to vector<48x226xbf16>
    %slice3A_717 = vector.extract_strided_slice %reshape3A_716 {offsets = [0, 0], sizes = [48, 224], strides = [1, 1]} : vector<48x226xbf16> to vector<48x224xbf16>
    %slice3A_718 = vector.extract_strided_slice %reshape3A_716 {offsets = [0, 1], sizes = [48, 224], strides = [1, 1]} : vector<48x226xbf16> to vector<48x224xbf16>
    %slice3A_719 = vector.extract_strided_slice %reshape3A_716 {offsets = [0, 2], sizes = [48, 224], strides = [1, 1]} : vector<48x226xbf16> to vector<48x224xbf16>
    %concatenate3A_720 = tpu.concatenate %slice3A_717, %slice3A_718, %slice3A_719 in 0 : vector<48x224xbf16>, vector<48x224xbf16>, vector<48x224xbf16> -> vector<144x224xbf16>
    %slice3A_721 = vector.extract_strided_slice %pad3A_11 {offsets = [5, 0, 42, 0], sizes = [1, 3, 16, 226], strides = [1, 1, 1, 1]} : vector<8x3x226x226xbf16> to vector<1x3x16x226xbf16>
    %squeeze3A_722 = vector.shape_cast %slice3A_721 : vector<1x3x16x226xbf16> to vector<3x16x226xbf16>
    %reshape3A_723 = vector.shape_cast %squeeze3A_722 : vector<3x16x226xbf16> to vector<48x226xbf16>
    %slice3A_724 = vector.extract_strided_slice %reshape3A_723 {offsets = [0, 0], sizes = [48, 224], strides = [1, 1]} : vector<48x226xbf16> to vector<48x224xbf16>
    %slice3A_725 = vector.extract_strided_slice %reshape3A_723 {offsets = [0, 1], sizes = [48, 224], strides = [1, 1]} : vector<48x226xbf16> to vector<48x224xbf16>
    %slice3A_726 = vector.extract_strided_slice %reshape3A_723 {offsets = [0, 2], sizes = [48, 224], strides = [1, 1]} : vector<48x226xbf16> to vector<48x224xbf16>
    %concatenate3A_727 = tpu.concatenate %slice3A_724, %slice3A_725, %slice3A_726 in 0 : vector<48x224xbf16>, vector<48x224xbf16>, vector<48x224xbf16> -> vector<144x224xbf16>
    %slice3A_728 = vector.extract_strided_slice %pad3A_11 {offsets = [5, 0, 56, 0], sizes = [1, 3, 16, 226], strides = [1, 1, 1, 1]} : vector<8x3x226x226xbf16> to vector<1x3x16x226xbf16>
    %squeeze3A_729 = vector.shape_cast %slice3A_728 : vector<1x3x16x226xbf16> to vector<3x16x226xbf16>
    %reshape3A_730 = vector.shape_cast %squeeze3A_729 : vector<3x16x226xbf16> to vector<48x226xbf16>
    %slice3A_731 = vector.extract_strided_slice %reshape3A_730 {offsets = [0, 0], sizes = [48, 224], strides = [1, 1]} : vector<48x226xbf16> to vector<48x224xbf16>
    %slice3A_732 = vector.extract_strided_slice %reshape3A_730 {offsets = [0, 1], sizes = [48, 224], strides = [1, 1]} : vector<48x226xbf16> to vector<48x224xbf16>
    %slice3A_733 = vector.extract_strided_slice %reshape3A_730 {offsets = [0, 2], sizes = [48, 224], strides = [1, 1]} : vector<48x226xbf16> to vector<48x224xbf16>
    %concatenate3A_734 = tpu.concatenate %slice3A_731, %slice3A_732, %slice3A_733 in 0 : vector<48x224xbf16>, vector<48x224xbf16>, vector<48x224xbf16> -> vector<144x224xbf16>
    %slice3A_735 = vector.extract_strided_slice %pad3A_11 {offsets = [5, 0, 70, 0], sizes = [1, 3, 16, 226], strides = [1, 1, 1, 1]} : vector<8x3x226x226xbf16> to vector<1x3x16x226xbf16>
    %squeeze3A_736 = vector.shape_cast %slice3A_735 : vector<1x3x16x226xbf16> to vector<3x16x226xbf16>
    %reshape3A_737 = vector.shape_cast %squeeze3A_736 : vector<3x16x226xbf16> to vector<48x226xbf16>
    %slice3A_738 = vector.extract_strided_slice %reshape3A_737 {offsets = [0, 0], sizes = [48, 224], strides = [1, 1]} : vector<48x226xbf16> to vector<48x224xbf16>
    %slice3A_739 = vector.extract_strided_slice %reshape3A_737 {offsets = [0, 1], sizes = [48, 224], strides = [1, 1]} : vector<48x226xbf16> to vector<48x224xbf16>
    %slice3A_740 = vector.extract_strided_slice %reshape3A_737 {offsets = [0, 2], sizes = [48, 224], strides = [1, 1]} : vector<48x226xbf16> to vector<48x224xbf16>
    %concatenate3A_741 = tpu.concatenate %slice3A_738, %slice3A_739, %slice3A_740 in 0 : vector<48x224xbf16>, vector<48x224xbf16>, vector<48x224xbf16> -> vector<144x224xbf16>
    %slice3A_742 = vector.extract_strided_slice %pad3A_11 {offsets = [5, 0, 84, 0], sizes = [1, 3, 16, 226], strides = [1, 1, 1, 1]} : vector<8x3x226x226xbf16> to vector<1x3x16x226xbf16>
    %squeeze3A_743 = vector.shape_cast %slice3A_742 : vector<1x3x16x226xbf16> to vector<3x16x226xbf16>
    %reshape3A_744 = vector.shape_cast %squeeze3A_743 : vector<3x16x226xbf16> to vector<48x226xbf16>
    %slice3A_745 = vector.extract_strided_slice %reshape3A_744 {offsets = [0, 0], sizes = [48, 224], strides = [1, 1]} : vector<48x226xbf16> to vector<48x224xbf16>
    %slice3A_746 = vector.extract_strided_slice %reshape3A_744 {offsets = [0, 1], sizes = [48, 224], strides = [1, 1]} : vector<48x226xbf16> to vector<48x224xbf16>
    %slice3A_747 = vector.extract_strided_slice %reshape3A_744 {offsets = [0, 2], sizes = [48, 224], strides = [1, 1]} : vector<48x226xbf16> to vector<48x224xbf16>
    %concatenate3A_748 = tpu.concatenate %slice3A_745, %slice3A_746, %slice3A_747 in 0 : vector<48x224xbf16>, vector<48x224xbf16>, vector<48x224xbf16> -> vector<144x224xbf16>
    %slice3A_749 = vector.extract_strided_slice %pad3A_11 {offsets = [5, 0, 98, 0], sizes = [1, 3, 16, 226], strides = [1, 1, 1, 1]} : vector<8x3x226x226xbf16> to vector<1x3x16x226xbf16>
    %squeeze3A_750 = vector.shape_cast %slice3A_749 : vector<1x3x16x226xbf16> to vector<3x16x226xbf16>
    %reshape3A_751 = vector.shape_cast %squeeze3A_750 : vector<3x16x226xbf16> to vector<48x226xbf16>
    %slice3A_752 = vector.extract_strided_slice %reshape3A_751 {offsets = [0, 0], sizes = [48, 224], strides = [1, 1]} : vector<48x226xbf16> to vector<48x224xbf16>
    %slice3A_753 = vector.extract_strided_slice %reshape3A_751 {offsets = [0, 1], sizes = [48, 224], strides = [1, 1]} : vector<48x226xbf16> to vector<48x224xbf16>
    %slice3A_754 = vector.extract_strided_slice %reshape3A_751 {offsets = [0, 2], sizes = [48, 224], strides = [1, 1]} : vector<48x226xbf16> to vector<48x224xbf16>
    %concatenate3A_755 = tpu.concatenate %slice3A_752, %slice3A_753, %slice3A_754 in 0 : vector<48x224xbf16>, vector<48x224xbf16>, vector<48x224xbf16> -> vector<144x224xbf16>
    %slice3A_756 = vector.extract_strided_slice %pad3A_11 {offsets = [5, 0, 112, 0], sizes = [1, 3, 16, 226], strides = [1, 1, 1, 1]} : vector<8x3x226x226xbf16> to vector<1x3x16x226xbf16>
    %squeeze3A_757 = vector.shape_cast %slice3A_756 : vector<1x3x16x226xbf16> to vector<3x16x226xbf16>
    %reshape3A_758 = vector.shape_cast %squeeze3A_757 : vector<3x16x226xbf16> to vector<48x226xbf16>
    %slice3A_759 = vector.extract_strided_slice %reshape3A_758 {offsets = [0, 0], sizes = [48, 224], strides = [1, 1]} : vector<48x226xbf16> to vector<48x224xbf16>
    %slice3A_760 = vector.extract_strided_slice %reshape3A_758 {offsets = [0, 1], sizes = [48, 224], strides = [1, 1]} : vector<48x226xbf16> to vector<48x224xbf16>
    %slice3A_761 = vector.extract_strided_slice %reshape3A_758 {offsets = [0, 2], sizes = [48, 224], strides = [1, 1]} : vector<48x226xbf16> to vector<48x224xbf16>
    %concatenate3A_762 = tpu.concatenate %slice3A_759, %slice3A_760, %slice3A_761 in 0 : vector<48x224xbf16>, vector<48x224xbf16>, vector<48x224xbf16> -> vector<144x224xbf16>
    %slice3A_763 = vector.extract_strided_slice %pad3A_11 {offsets = [5, 0, 126, 0], sizes = [1, 3, 16, 226], strides = [1, 1, 1, 1]} : vector<8x3x226x226xbf16> to vector<1x3x16x226xbf16>
    %squeeze3A_764 = vector.shape_cast %slice3A_763 : vector<1x3x16x226xbf16> to vector<3x16x226xbf16>
    %reshape3A_765 = vector.shape_cast %squeeze3A_764 : vector<3x16x226xbf16> to vector<48x226xbf16>
    %slice3A_766 = vector.extract_strided_slice %reshape3A_765 {offsets = [0, 0], sizes = [48, 224], strides = [1, 1]} : vector<48x226xbf16> to vector<48x224xbf16>
    %slice3A_767 = vector.extract_strided_slice %reshape3A_765 {offsets = [0, 1], sizes = [48, 224], strides = [1, 1]} : vector<48x226xbf16> to vector<48x224xbf16>
    %slice3A_768 = vector.extract_strided_slice %reshape3A_765 {offsets = [0, 2], sizes = [48, 224], strides = [1, 1]} : vector<48x226xbf16> to vector<48x224xbf16>
    %concatenate3A_769 = tpu.concatenate %slice3A_766, %slice3A_767, %slice3A_768 in 0 : vector<48x224xbf16>, vector<48x224xbf16>, vector<48x224xbf16> -> vector<144x224xbf16>
    %slice3A_770 = vector.extract_strided_slice %pad3A_11 {offsets = [5, 0, 140, 0], sizes = [1, 3, 16, 226], strides = [1, 1, 1, 1]} : vector<8x3x226x226xbf16> to vector<1x3x16x226xbf16>
    %squeeze3A_771 = vector.shape_cast %slice3A_770 : vector<1x3x16x226xbf16> to vector<3x16x226xbf16>
    %reshape3A_772 = vector.shape_cast %squeeze3A_771 : vector<3x16x226xbf16> to vector<48x226xbf16>
    %slice3A_773 = vector.extract_strided_slice %reshape3A_772 {offsets = [0, 0], sizes = [48, 224], strides = [1, 1]} : vector<48x226xbf16> to vector<48x224xbf16>
    %slice3A_774 = vector.extract_strided_slice %reshape3A_772 {offsets = [0, 1], sizes = [48, 224], strides = [1, 1]} : vector<48x226xbf16> to vector<48x224xbf16>
    %slice3A_775 = vector.extract_strided_slice %reshape3A_772 {offsets = [0, 2], sizes = [48, 224], strides = [1, 1]} : vector<48x226xbf16> to vector<48x224xbf16>
    %concatenate3A_776 = tpu.concatenate %slice3A_773, %slice3A_774, %slice3A_775 in 0 : vector<48x224xbf16>, vector<48x224xbf16>, vector<48x224xbf16> -> vector<144x224xbf16>
    %slice3A_777 = vector.extract_strided_slice %pad3A_11 {offsets = [5, 0, 154, 0], sizes = [1, 3, 16, 226], strides = [1, 1, 1, 1]} : vector<8x3x226x226xbf16> to vector<1x3x16x226xbf16>
    %squeeze3A_778 = vector.shape_cast %slice3A_777 : vector<1x3x16x226xbf16> to vector<3x16x226xbf16>
    %reshape3A_779 = vector.shape_cast %squeeze3A_778 : vector<3x16x226xbf16> to vector<48x226xbf16>
    %slice3A_780 = vector.extract_strided_slice %reshape3A_779 {offsets = [0, 0], sizes = [48, 224], strides = [1, 1]} : vector<48x226xbf16> to vector<48x224xbf16>
    %slice3A_781 = vector.extract_strided_slice %reshape3A_779 {offsets = [0, 1], sizes = [48, 224], strides = [1, 1]} : vector<48x226xbf16> to vector<48x224xbf16>
    %slice3A_782 = vector.extract_strided_slice %reshape3A_779 {offsets = [0, 2], sizes = [48, 224], strides = [1, 1]} : vector<48x226xbf16> to vector<48x224xbf16>
    %concatenate3A_783 = tpu.concatenate %slice3A_780, %slice3A_781, %slice3A_782 in 0 : vector<48x224xbf16>, vector<48x224xbf16>, vector<48x224xbf16> -> vector<144x224xbf16>
    %slice3A_784 = vector.extract_strided_slice %pad3A_11 {offsets = [5, 0, 168, 0], sizes = [1, 3, 16, 226], strides = [1, 1, 1, 1]} : vector<8x3x226x226xbf16> to vector<1x3x16x226xbf16>
    %squeeze3A_785 = vector.shape_cast %slice3A_784 : vector<1x3x16x226xbf16> to vector<3x16x226xbf16>
    %reshape3A_786 = vector.shape_cast %squeeze3A_785 : vector<3x16x226xbf16> to vector<48x226xbf16>
    %slice3A_787 = vector.extract_strided_slice %reshape3A_786 {offsets = [0, 0], sizes = [48, 224], strides = [1, 1]} : vector<48x226xbf16> to vector<48x224xbf16>
    %slice3A_788 = vector.extract_strided_slice %reshape3A_786 {offsets = [0, 1], sizes = [48, 224], strides = [1, 1]} : vector<48x226xbf16> to vector<48x224xbf16>
    %slice3A_789 = vector.extract_strided_slice %reshape3A_786 {offsets = [0, 2], sizes = [48, 224], strides = [1, 1]} : vector<48x226xbf16> to vector<48x224xbf16>
    %concatenate3A_790 = tpu.concatenate %slice3A_787, %slice3A_788, %slice3A_789 in 0 : vector<48x224xbf16>, vector<48x224xbf16>, vector<48x224xbf16> -> vector<144x224xbf16>
    %slice3A_791 = vector.extract_strided_slice %pad3A_11 {offsets = [5, 0, 182, 0], sizes = [1, 3, 16, 226], strides = [1, 1, 1, 1]} : vector<8x3x226x226xbf16> to vector<1x3x16x226xbf16>
    %squeeze3A_792 = vector.shape_cast %slice3A_791 : vector<1x3x16x226xbf16> to vector<3x16x226xbf16>
    %reshape3A_793 = vector.shape_cast %squeeze3A_792 : vector<3x16x226xbf16> to vector<48x226xbf16>
    %slice3A_794 = vector.extract_strided_slice %reshape3A_793 {offsets = [0, 0], sizes = [48, 224], strides = [1, 1]} : vector<48x226xbf16> to vector<48x224xbf16>
    %slice3A_795 = vector.extract_strided_slice %reshape3A_793 {offsets = [0, 1], sizes = [48, 224], strides = [1, 1]} : vector<48x226xbf16> to vector<48x224xbf16>
    %slice3A_796 = vector.extract_strided_slice %reshape3A_793 {offsets = [0, 2], sizes = [48, 224], strides = [1, 1]} : vector<48x226xbf16> to vector<48x224xbf16>
    %concatenate3A_797 = tpu.concatenate %slice3A_794, %slice3A_795, %slice3A_796 in 0 : vector<48x224xbf16>, vector<48x224xbf16>, vector<48x224xbf16> -> vector<144x224xbf16>
    %slice3A_798 = vector.extract_strided_slice %pad3A_11 {offsets = [5, 0, 196, 0], sizes = [1, 3, 16, 226], strides = [1, 1, 1, 1]} : vector<8x3x226x226xbf16> to vector<1x3x16x226xbf16>
    %squeeze3A_799 = vector.shape_cast %slice3A_798 : vector<1x3x16x226xbf16> to vector<3x16x226xbf16>
    %reshape3A_800 = vector.shape_cast %squeeze3A_799 : vector<3x16x226xbf16> to vector<48x226xbf16>
    %slice3A_801 = vector.extract_strided_slice %reshape3A_800 {offsets = [0, 0], sizes = [48, 224], strides = [1, 1]} : vector<48x226xbf16> to vector<48x224xbf16>
    %slice3A_802 = vector.extract_strided_slice %reshape3A_800 {offsets = [0, 1], sizes = [48, 224], strides = [1, 1]} : vector<48x226xbf16> to vector<48x224xbf16>
    %slice3A_803 = vector.extract_strided_slice %reshape3A_800 {offsets = [0, 2], sizes = [48, 224], strides = [1, 1]} : vector<48x226xbf16> to vector<48x224xbf16>
    %concatenate3A_804 = tpu.concatenate %slice3A_801, %slice3A_802, %slice3A_803 in 0 : vector<48x224xbf16>, vector<48x224xbf16>, vector<48x224xbf16> -> vector<144x224xbf16>
    %slice3A_805 = vector.extract_strided_slice %pad3A_11 {offsets = [5, 0, 210, 0], sizes = [1, 3, 16, 226], strides = [1, 1, 1, 1]} : vector<8x3x226x226xbf16> to vector<1x3x16x226xbf16>
    %squeeze3A_806 = vector.shape_cast %slice3A_805 : vector<1x3x16x226xbf16> to vector<3x16x226xbf16>
    %reshape3A_807 = vector.shape_cast %squeeze3A_806 : vector<3x16x226xbf16> to vector<48x226xbf16>
    %slice3A_808 = vector.extract_strided_slice %reshape3A_807 {offsets = [0, 0], sizes = [48, 224], strides = [1, 1]} : vector<48x226xbf16> to vector<48x224xbf16>
    %slice3A_809 = vector.extract_strided_slice %reshape3A_807 {offsets = [0, 1], sizes = [48, 224], strides = [1, 1]} : vector<48x226xbf16> to vector<48x224xbf16>
    %slice3A_810 = vector.extract_strided_slice %reshape3A_807 {offsets = [0, 2], sizes = [48, 224], strides = [1, 1]} : vector<48x226xbf16> to vector<48x224xbf16>
    %concatenate3A_811 = tpu.concatenate %slice3A_808, %slice3A_809, %slice3A_810 in 0 : vector<48x224xbf16>, vector<48x224xbf16>, vector<48x224xbf16> -> vector<144x224xbf16>
    %concatenate3A_812 = tpu.concatenate %concatenate3A_706, %concatenate3A_713, %concatenate3A_720, %concatenate3A_727, %concatenate3A_734, %concatenate3A_741, %concatenate3A_748, %concatenate3A_755, %concatenate3A_762, %concatenate3A_769, %concatenate3A_776, %concatenate3A_783, %concatenate3A_790, %concatenate3A_797, %concatenate3A_804, %concatenate3A_811 in 1 : vector<144x224xbf16>, vector<144x224xbf16>, vector<144x224xbf16>, vector<144x224xbf16>, vector<144x224xbf16>, vector<144x224xbf16>, vector<144x224xbf16>, vector<144x224xbf16>, vector<144x224xbf16>, vector<144x224xbf16>, vector<144x224xbf16>, vector<144x224xbf16>, vector<144x224xbf16>, vector<144x224xbf16>, vector<144x224xbf16>, vector<144x224xbf16> -> vector<144x3584xbf16>
    %concatenate3A_813 = tpu.concatenate %concatenate3A_812, %broadcast_in_dim3A_12 in 0 : vector<144x3584xbf16>, vector<1x3584xbf16> -> vector<145x3584xbf16>
    %get3A_814 = arith.constant 0 : index
    %get3A_815 = arith.constant 0 : index
    %get3A_816 = vector.load %arg2[%get3A_814, %get3A_815] : memref<896x145xbf16, #tpu.memory_space<vmem>>, vector<896x145xbf16>
    %dot_general3A_817 = arith.constant dense<0.000000e+00> : vector<896x3584xf32>
    %dot_general3A_818 = tpu.matmul %get3A_816, %concatenate3A_813, %dot_general3A_817 {dimension_numbers = #tpu.dot_dimension_numbers<[1], [0], [0], [1], [0, 0, 1, 1], [], []>, transpose_lhs_hint = false} : vector<896x145xbf16>, vector<145x3584xbf16>, vector<896x3584xf32> -> vector<896x3584xf32>
    %max3A_819 = arith.constant 0.000000e+00 : f32
    %max3A_820 = vector.broadcast %max3A_819 : f32 to vector<896x3584xf32>
    %max3A_821 = arith.maximumf %dot_general3A_818, %max3A_820 : vector<896x3584xf32>
    %reduce_sum3A_822 = arith.constant dense<0.000000e+00> : vector<896xf32>
    %reduce_sum3A_823 = vector.multi_reduction <add>, %max3A_821, %reduce_sum3A_822 [1] : vector<896x3584xf32> to vector<896xf32>
    %reshape3A_824 = vector.shape_cast %reduce_sum3A_823 : vector<896xf32> to vector<14x64xf32>
    %add3A_825 = arith.addf %broadcast_in_dim3A_699, %reshape3A_824 : vector<14x64xf32>
    %reduce_sum3A_826 = arith.constant dense<0.000000e+00> : vector<64xf32>
    %reduce_sum3A_827 = vector.multi_reduction <add>, %add3A_825, %reduce_sum3A_826 [0] : vector<14x64xf32> to vector<64xf32>
    %mul3A_828 = arith.constant 1.99298465E-5 : f32
    %mul3A_829 = vector.broadcast %mul3A_828 : f32 to vector<64xf32>
    %mul3A_830 = arith.mulf %reduce_sum3A_827, %mul3A_829 : vector<64xf32>
    %swap3A_831 = arith.constant 5 : index
    %swap3A_832 = arith.constant 0 : index
    %swap3A_833 = arith.constant 0 : index
    %swap3A_834 = vector.load %arg3[%swap3A_831, %swap3A_832, %swap3A_833] : memref<8x1x64xf32, #tpu.memory_space<vmem>>, vector<1x1x64xf32>
    %swap3A_835 = vector.shape_cast %swap3A_834 : vector<1x1x64xf32> to vector<64xf32>
    %swap3A_836 = vector.shape_cast %mul3A_830 : vector<64xf32> to vector<1x1x64xf32>
    tpu.vector_store %arg3[%swap3A_831, %swap3A_832, %swap3A_833], %swap3A_836 {strides = array<i32>} : memref<8x1x64xf32, #tpu.memory_space<vmem>>, vector<1x1x64xf32>,
    %broadcast_in_dim3A_837 = arith.constant 0.000000e+00 : f32
    %broadcast_in_dim3A_838 = vector.broadcast %broadcast_in_dim3A_837 : f32 to vector<14x64xf32>
    %slice3A_839 = vector.extract_strided_slice %pad3A_11 {offsets = [6, 0, 0, 0], sizes = [1, 3, 16, 226], strides = [1, 1, 1, 1]} : vector<8x3x226x226xbf16> to vector<1x3x16x226xbf16>
    %squeeze3A_840 = vector.shape_cast %slice3A_839 : vector<1x3x16x226xbf16> to vector<3x16x226xbf16>
    %reshape3A_841 = vector.shape_cast %squeeze3A_840 : vector<3x16x226xbf16> to vector<48x226xbf16>
    %slice3A_842 = vector.extract_strided_slice %reshape3A_841 {offsets = [0, 0], sizes = [48, 224], strides = [1, 1]} : vector<48x226xbf16> to vector<48x224xbf16>
    %slice3A_843 = vector.extract_strided_slice %reshape3A_841 {offsets = [0, 1], sizes = [48, 224], strides = [1, 1]} : vector<48x226xbf16> to vector<48x224xbf16>
    %slice3A_844 = vector.extract_strided_slice %reshape3A_841 {offsets = [0, 2], sizes = [48, 224], strides = [1, 1]} : vector<48x226xbf16> to vector<48x224xbf16>
    %concatenate3A_845 = tpu.concatenate %slice3A_842, %slice3A_843, %slice3A_844 in 0 : vector<48x224xbf16>, vector<48x224xbf16>, vector<48x224xbf16> -> vector<144x224xbf16>
    %slice3A_846 = vector.extract_strided_slice %pad3A_11 {offsets = [6, 0, 14, 0], sizes = [1, 3, 16, 226], strides = [1, 1, 1, 1]} : vector<8x3x226x226xbf16> to vector<1x3x16x226xbf16>
    %squeeze3A_847 = vector.shape_cast %slice3A_846 : vector<1x3x16x226xbf16> to vector<3x16x226xbf16>
    %reshape3A_848 = vector.shape_cast %squeeze3A_847 : vector<3x16x226xbf16> to vector<48x226xbf16>
    %slice3A_849 = vector.extract_strided_slice %reshape3A_848 {offsets = [0, 0], sizes = [48, 224], strides = [1, 1]} : vector<48x226xbf16> to vector<48x224xbf16>
    %slice3A_850 = vector.extract_strided_slice %reshape3A_848 {offsets = [0, 1], sizes = [48, 224], strides = [1, 1]} : vector<48x226xbf16> to vector<48x224xbf16>
    %slice3A_851 = vector.extract_strided_slice %reshape3A_848 {offsets = [0, 2], sizes = [48, 224], strides = [1, 1]} : vector<48x226xbf16> to vector<48x224xbf16>
    %concatenate3A_852 = tpu.concatenate %slice3A_849, %slice3A_850, %slice3A_851 in 0 : vector<48x224xbf16>, vector<48x224xbf16>, vector<48x224xbf16> -> vector<144x224xbf16>
    %slice3A_853 = vector.extract_strided_slice %pad3A_11 {offsets = [6, 0, 28, 0], sizes = [1, 3, 16, 226], strides = [1, 1, 1, 1]} : vector<8x3x226x226xbf16> to vector<1x3x16x226xbf16>
    %squeeze3A_854 = vector.shape_cast %slice3A_853 : vector<1x3x16x226xbf16> to vector<3x16x226xbf16>
    %reshape3A_855 = vector.shape_cast %squeeze3A_854 : vector<3x16x226xbf16> to vector<48x226xbf16>
    %slice3A_856 = vector.extract_strided_slice %reshape3A_855 {offsets = [0, 0], sizes = [48, 224], strides = [1, 1]} : vector<48x226xbf16> to vector<48x224xbf16>
    %slice3A_857 = vector.extract_strided_slice %reshape3A_855 {offsets = [0, 1], sizes = [48, 224], strides = [1, 1]} : vector<48x226xbf16> to vector<48x224xbf16>
    %slice3A_858 = vector.extract_strided_slice %reshape3A_855 {offsets = [0, 2], sizes = [48, 224], strides = [1, 1]} : vector<48x226xbf16> to vector<48x224xbf16>
    %concatenate3A_859 = tpu.concatenate %slice3A_856, %slice3A_857, %slice3A_858 in 0 : vector<48x224xbf16>, vector<48x224xbf16>, vector<48x224xbf16> -> vector<144x224xbf16>
    %slice3A_860 = vector.extract_strided_slice %pad3A_11 {offsets = [6, 0, 42, 0], sizes = [1, 3, 16, 226], strides = [1, 1, 1, 1]} : vector<8x3x226x226xbf16> to vector<1x3x16x226xbf16>
    %squeeze3A_861 = vector.shape_cast %slice3A_860 : vector<1x3x16x226xbf16> to vector<3x16x226xbf16>
    %reshape3A_862 = vector.shape_cast %squeeze3A_861 : vector<3x16x226xbf16> to vector<48x226xbf16>
    %slice3A_863 = vector.extract_strided_slice %reshape3A_862 {offsets = [0, 0], sizes = [48, 224], strides = [1, 1]} : vector<48x226xbf16> to vector<48x224xbf16>
    %slice3A_864 = vector.extract_strided_slice %reshape3A_862 {offsets = [0, 1], sizes = [48, 224], strides = [1, 1]} : vector<48x226xbf16> to vector<48x224xbf16>
    %slice3A_865 = vector.extract_strided_slice %reshape3A_862 {offsets = [0, 2], sizes = [48, 224], strides = [1, 1]} : vector<48x226xbf16> to vector<48x224xbf16>
    %concatenate3A_866 = tpu.concatenate %slice3A_863, %slice3A_864, %slice3A_865 in 0 : vector<48x224xbf16>, vector<48x224xbf16>, vector<48x224xbf16> -> vector<144x224xbf16>
    %slice3A_867 = vector.extract_strided_slice %pad3A_11 {offsets = [6, 0, 56, 0], sizes = [1, 3, 16, 226], strides = [1, 1, 1, 1]} : vector<8x3x226x226xbf16> to vector<1x3x16x226xbf16>
    %squeeze3A_868 = vector.shape_cast %slice3A_867 : vector<1x3x16x226xbf16> to vector<3x16x226xbf16>
    %reshape3A_869 = vector.shape_cast %squeeze3A_868 : vector<3x16x226xbf16> to vector<48x226xbf16>
    %slice3A_870 = vector.extract_strided_slice %reshape3A_869 {offsets = [0, 0], sizes = [48, 224], strides = [1, 1]} : vector<48x226xbf16> to vector<48x224xbf16>
    %slice3A_871 = vector.extract_strided_slice %reshape3A_869 {offsets = [0, 1], sizes = [48, 224], strides = [1, 1]} : vector<48x226xbf16> to vector<48x224xbf16>
    %slice3A_872 = vector.extract_strided_slice %reshape3A_869 {offsets = [0, 2], sizes = [48, 224], strides = [1, 1]} : vector<48x226xbf16> to vector<48x224xbf16>
    %concatenate3A_873 = tpu.concatenate %slice3A_870, %slice3A_871, %slice3A_872 in 0 : vector<48x224xbf16>, vector<48x224xbf16>, vector<48x224xbf16> -> vector<144x224xbf16>
    %slice3A_874 = vector.extract_strided_slice %pad3A_11 {offsets = [6, 0, 70, 0], sizes = [1, 3, 16, 226], strides = [1, 1, 1, 1]} : vector<8x3x226x226xbf16> to vector<1x3x16x226xbf16>
    %squeeze3A_875 = vector.shape_cast %slice3A_874 : vector<1x3x16x226xbf16> to vector<3x16x226xbf16>
    %reshape3A_876 = vector.shape_cast %squeeze3A_875 : vector<3x16x226xbf16> to vector<48x226xbf16>
    %slice3A_877 = vector.extract_strided_slice %reshape3A_876 {offsets = [0, 0], sizes = [48, 224], strides = [1, 1]} : vector<48x226xbf16> to vector<48x224xbf16>
    %slice3A_878 = vector.extract_strided_slice %reshape3A_876 {offsets = [0, 1], sizes = [48, 224], strides = [1, 1]} : vector<48x226xbf16> to vector<48x224xbf16>
    %slice3A_879 = vector.extract_strided_slice %reshape3A_876 {offsets = [0, 2], sizes = [48, 224], strides = [1, 1]} : vector<48x226xbf16> to vector<48x224xbf16>
    %concatenate3A_880 = tpu.concatenate %slice3A_877, %slice3A_878, %slice3A_879 in 0 : vector<48x224xbf16>, vector<48x224xbf16>, vector<48x224xbf16> -> vector<144x224xbf16>
    %slice3A_881 = vector.extract_strided_slice %pad3A_11 {offsets = [6, 0, 84, 0], sizes = [1, 3, 16, 226], strides = [1, 1, 1, 1]} : vector<8x3x226x226xbf16> to vector<1x3x16x226xbf16>
    %squeeze3A_882 = vector.shape_cast %slice3A_881 : vector<1x3x16x226xbf16> to vector<3x16x226xbf16>
    %reshape3A_883 = vector.shape_cast %squeeze3A_882 : vector<3x16x226xbf16> to vector<48x226xbf16>
    %slice3A_884 = vector.extract_strided_slice %reshape3A_883 {offsets = [0, 0], sizes = [48, 224], strides = [1, 1]} : vector<48x226xbf16> to vector<48x224xbf16>
    %slice3A_885 = vector.extract_strided_slice %reshape3A_883 {offsets = [0, 1], sizes = [48, 224], strides = [1, 1]} : vector<48x226xbf16> to vector<48x224xbf16>
    %slice3A_886 = vector.extract_strided_slice %reshape3A_883 {offsets = [0, 2], sizes = [48, 224], strides = [1, 1]} : vector<48x226xbf16> to vector<48x224xbf16>
    %concatenate3A_887 = tpu.concatenate %slice3A_884, %slice3A_885, %slice3A_886 in 0 : vector<48x224xbf16>, vector<48x224xbf16>, vector<48x224xbf16> -> vector<144x224xbf16>
    %slice3A_888 = vector.extract_strided_slice %pad3A_11 {offsets = [6, 0, 98, 0], sizes = [1, 3, 16, 226], strides = [1, 1, 1, 1]} : vector<8x3x226x226xbf16> to vector<1x3x16x226xbf16>
    %squeeze3A_889 = vector.shape_cast %slice3A_888 : vector<1x3x16x226xbf16> to vector<3x16x226xbf16>
    %reshape3A_890 = vector.shape_cast %squeeze3A_889 : vector<3x16x226xbf16> to vector<48x226xbf16>
    %slice3A_891 = vector.extract_strided_slice %reshape3A_890 {offsets = [0, 0], sizes = [48, 224], strides = [1, 1]} : vector<48x226xbf16> to vector<48x224xbf16>
    %slice3A_892 = vector.extract_strided_slice %reshape3A_890 {offsets = [0, 1], sizes = [48, 224], strides = [1, 1]} : vector<48x226xbf16> to vector<48x224xbf16>
    %slice3A_893 = vector.extract_strided_slice %reshape3A_890 {offsets = [0, 2], sizes = [48, 224], strides = [1, 1]} : vector<48x226xbf16> to vector<48x224xbf16>
    %concatenate3A_894 = tpu.concatenate %slice3A_891, %slice3A_892, %slice3A_893 in 0 : vector<48x224xbf16>, vector<48x224xbf16>, vector<48x224xbf16> -> vector<144x224xbf16>
    %slice3A_895 = vector.extract_strided_slice %pad3A_11 {offsets = [6, 0, 112, 0], sizes = [1, 3, 16, 226], strides = [1, 1, 1, 1]} : vector<8x3x226x226xbf16> to vector<1x3x16x226xbf16>
    %squeeze3A_896 = vector.shape_cast %slice3A_895 : vector<1x3x16x226xbf16> to vector<3x16x226xbf16>
    %reshape3A_897 = vector.shape_cast %squeeze3A_896 : vector<3x16x226xbf16> to vector<48x226xbf16>
    %slice3A_898 = vector.extract_strided_slice %reshape3A_897 {offsets = [0, 0], sizes = [48, 224], strides = [1, 1]} : vector<48x226xbf16> to vector<48x224xbf16>
    %slice3A_899 = vector.extract_strided_slice %reshape3A_897 {offsets = [0, 1], sizes = [48, 224], strides = [1, 1]} : vector<48x226xbf16> to vector<48x224xbf16>
    %slice3A_900 = vector.extract_strided_slice %reshape3A_897 {offsets = [0, 2], sizes = [48, 224], strides = [1, 1]} : vector<48x226xbf16> to vector<48x224xbf16>
    %concatenate3A_901 = tpu.concatenate %slice3A_898, %slice3A_899, %slice3A_900 in 0 : vector<48x224xbf16>, vector<48x224xbf16>, vector<48x224xbf16> -> vector<144x224xbf16>
    %slice3A_902 = vector.extract_strided_slice %pad3A_11 {offsets = [6, 0, 126, 0], sizes = [1, 3, 16, 226], strides = [1, 1, 1, 1]} : vector<8x3x226x226xbf16> to vector<1x3x16x226xbf16>
    %squeeze3A_903 = vector.shape_cast %slice3A_902 : vector<1x3x16x226xbf16> to vector<3x16x226xbf16>
    %reshape3A_904 = vector.shape_cast %squeeze3A_903 : vector<3x16x226xbf16> to vector<48x226xbf16>
    %slice3A_905 = vector.extract_strided_slice %reshape3A_904 {offsets = [0, 0], sizes = [48, 224], strides = [1, 1]} : vector<48x226xbf16> to vector<48x224xbf16>
    %slice3A_906 = vector.extract_strided_slice %reshape3A_904 {offsets = [0, 1], sizes = [48, 224], strides = [1, 1]} : vector<48x226xbf16> to vector<48x224xbf16>
    %slice3A_907 = vector.extract_strided_slice %reshape3A_904 {offsets = [0, 2], sizes = [48, 224], strides = [1, 1]} : vector<48x226xbf16> to vector<48x224xbf16>
    %concatenate3A_908 = tpu.concatenate %slice3A_905, %slice3A_906, %slice3A_907 in 0 : vector<48x224xbf16>, vector<48x224xbf16>, vector<48x224xbf16> -> vector<144x224xbf16>
    %slice3A_909 = vector.extract_strided_slice %pad3A_11 {offsets = [6, 0, 140, 0], sizes = [1, 3, 16, 226], strides = [1, 1, 1, 1]} : vector<8x3x226x226xbf16> to vector<1x3x16x226xbf16>
    %squeeze3A_910 = vector.shape_cast %slice3A_909 : vector<1x3x16x226xbf16> to vector<3x16x226xbf16>
    %reshape3A_911 = vector.shape_cast %squeeze3A_910 : vector<3x16x226xbf16> to vector<48x226xbf16>
    %slice3A_912 = vector.extract_strided_slice %reshape3A_911 {offsets = [0, 0], sizes = [48, 224], strides = [1, 1]} : vector<48x226xbf16> to vector<48x224xbf16>
    %slice3A_913 = vector.extract_strided_slice %reshape3A_911 {offsets = [0, 1], sizes = [48, 224], strides = [1, 1]} : vector<48x226xbf16> to vector<48x224xbf16>
    %slice3A_914 = vector.extract_strided_slice %reshape3A_911 {offsets = [0, 2], sizes = [48, 224], strides = [1, 1]} : vector<48x226xbf16> to vector<48x224xbf16>
    %concatenate3A_915 = tpu.concatenate %slice3A_912, %slice3A_913, %slice3A_914 in 0 : vector<48x224xbf16>, vector<48x224xbf16>, vector<48x224xbf16> -> vector<144x224xbf16>
    %slice3A_916 = vector.extract_strided_slice %pad3A_11 {offsets = [6, 0, 154, 0], sizes = [1, 3, 16, 226], strides = [1, 1, 1, 1]} : vector<8x3x226x226xbf16> to vector<1x3x16x226xbf16>
    %squeeze3A_917 = vector.shape_cast %slice3A_916 : vector<1x3x16x226xbf16> to vector<3x16x226xbf16>
    %reshape3A_918 = vector.shape_cast %squeeze3A_917 : vector<3x16x226xbf16> to vector<48x226xbf16>
    %slice3A_919 = vector.extract_strided_slice %reshape3A_918 {offsets = [0, 0], sizes = [48, 224], strides = [1, 1]} : vector<48x226xbf16> to vector<48x224xbf16>
    %slice3A_920 = vector.extract_strided_slice %reshape3A_918 {offsets = [0, 1], sizes = [48, 224], strides = [1, 1]} : vector<48x226xbf16> to vector<48x224xbf16>
    %slice3A_921 = vector.extract_strided_slice %reshape3A_918 {offsets = [0, 2], sizes = [48, 224], strides = [1, 1]} : vector<48x226xbf16> to vector<48x224xbf16>
    %concatenate3A_922 = tpu.concatenate %slice3A_919, %slice3A_920, %slice3A_921 in 0 : vector<48x224xbf16>, vector<48x224xbf16>, vector<48x224xbf16> -> vector<144x224xbf16>
    %slice3A_923 = vector.extract_strided_slice %pad3A_11 {offsets = [6, 0, 168, 0], sizes = [1, 3, 16, 226], strides = [1, 1, 1, 1]} : vector<8x3x226x226xbf16> to vector<1x3x16x226xbf16>
    %squeeze3A_924 = vector.shape_cast %slice3A_923 : vector<1x3x16x226xbf16> to vector<3x16x226xbf16>
    %reshape3A_925 = vector.shape_cast %squeeze3A_924 : vector<3x16x226xbf16> to vector<48x226xbf16>
    %slice3A_926 = vector.extract_strided_slice %reshape3A_925 {offsets = [0, 0], sizes = [48, 224], strides = [1, 1]} : vector<48x226xbf16> to vector<48x224xbf16>
    %slice3A_927 = vector.extract_strided_slice %reshape3A_925 {offsets = [0, 1], sizes = [48, 224], strides = [1, 1]} : vector<48x226xbf16> to vector<48x224xbf16>
    %slice3A_928 = vector.extract_strided_slice %reshape3A_925 {offsets = [0, 2], sizes = [48, 224], strides = [1, 1]} : vector<48x226xbf16> to vector<48x224xbf16>
    %concatenate3A_929 = tpu.concatenate %slice3A_926, %slice3A_927, %slice3A_928 in 0 : vector<48x224xbf16>, vector<48x224xbf16>, vector<48x224xbf16> -> vector<144x224xbf16>
    %slice3A_930 = vector.extract_strided_slice %pad3A_11 {offsets = [6, 0, 182, 0], sizes = [1, 3, 16, 226], strides = [1, 1, 1, 1]} : vector<8x3x226x226xbf16> to vector<1x3x16x226xbf16>
    %squeeze3A_931 = vector.shape_cast %slice3A_930 : vector<1x3x16x226xbf16> to vector<3x16x226xbf16>
    %reshape3A_932 = vector.shape_cast %squeeze3A_931 : vector<3x16x226xbf16> to vector<48x226xbf16>
    %slice3A_933 = vector.extract_strided_slice %reshape3A_932 {offsets = [0, 0], sizes = [48, 224], strides = [1, 1]} : vector<48x226xbf16> to vector<48x224xbf16>
    %slice3A_934 = vector.extract_strided_slice %reshape3A_932 {offsets = [0, 1], sizes = [48, 224], strides = [1, 1]} : vector<48x226xbf16> to vector<48x224xbf16>
    %slice3A_935 = vector.extract_strided_slice %reshape3A_932 {offsets = [0, 2], sizes = [48, 224], strides = [1, 1]} : vector<48x226xbf16> to vector<48x224xbf16>
    %concatenate3A_936 = tpu.concatenate %slice3A_933, %slice3A_934, %slice3A_935 in 0 : vector<48x224xbf16>, vector<48x224xbf16>, vector<48x224xbf16> -> vector<144x224xbf16>
    %slice3A_937 = vector.extract_strided_slice %pad3A_11 {offsets = [6, 0, 196, 0], sizes = [1, 3, 16, 226], strides = [1, 1, 1, 1]} : vector<8x3x226x226xbf16> to vector<1x3x16x226xbf16>
    %squeeze3A_938 = vector.shape_cast %slice3A_937 : vector<1x3x16x226xbf16> to vector<3x16x226xbf16>
    %reshape3A_939 = vector.shape_cast %squeeze3A_938 : vector<3x16x226xbf16> to vector<48x226xbf16>
    %slice3A_940 = vector.extract_strided_slice %reshape3A_939 {offsets = [0, 0], sizes = [48, 224], strides = [1, 1]} : vector<48x226xbf16> to vector<48x224xbf16>
    %slice3A_941 = vector.extract_strided_slice %reshape3A_939 {offsets = [0, 1], sizes = [48, 224], strides = [1, 1]} : vector<48x226xbf16> to vector<48x224xbf16>
    %slice3A_942 = vector.extract_strided_slice %reshape3A_939 {offsets = [0, 2], sizes = [48, 224], strides = [1, 1]} : vector<48x226xbf16> to vector<48x224xbf16>
    %concatenate3A_943 = tpu.concatenate %slice3A_940, %slice3A_941, %slice3A_942 in 0 : vector<48x224xbf16>, vector<48x224xbf16>, vector<48x224xbf16> -> vector<144x224xbf16>
    %slice3A_944 = vector.extract_strided_slice %pad3A_11 {offsets = [6, 0, 210, 0], sizes = [1, 3, 16, 226], strides = [1, 1, 1, 1]} : vector<8x3x226x226xbf16> to vector<1x3x16x226xbf16>
    %squeeze3A_945 = vector.shape_cast %slice3A_944 : vector<1x3x16x226xbf16> to vector<3x16x226xbf16>
    %reshape3A_946 = vector.shape_cast %squeeze3A_945 : vector<3x16x226xbf16> to vector<48x226xbf16>
    %slice3A_947 = vector.extract_strided_slice %reshape3A_946 {offsets = [0, 0], sizes = [48, 224], strides = [1, 1]} : vector<48x226xbf16> to vector<48x224xbf16>
    %slice3A_948 = vector.extract_strided_slice %reshape3A_946 {offsets = [0, 1], sizes = [48, 224], strides = [1, 1]} : vector<48x226xbf16> to vector<48x224xbf16>
    %slice3A_949 = vector.extract_strided_slice %reshape3A_946 {offsets = [0, 2], sizes = [48, 224], strides = [1, 1]} : vector<48x226xbf16> to vector<48x224xbf16>
    %concatenate3A_950 = tpu.concatenate %slice3A_947, %slice3A_948, %slice3A_949 in 0 : vector<48x224xbf16>, vector<48x224xbf16>, vector<48x224xbf16> -> vector<144x224xbf16>
    %concatenate3A_951 = tpu.concatenate %concatenate3A_845, %concatenate3A_852, %concatenate3A_859, %concatenate3A_866, %concatenate3A_873, %concatenate3A_880, %concatenate3A_887, %concatenate3A_894, %concatenate3A_901, %concatenate3A_908, %concatenate3A_915, %concatenate3A_922, %concatenate3A_929, %concatenate3A_936, %concatenate3A_943, %concatenate3A_950 in 1 : vector<144x224xbf16>, vector<144x224xbf16>, vector<144x224xbf16>, vector<144x224xbf16>, vector<144x224xbf16>, vector<144x224xbf16>, vector<144x224xbf16>, vector<144x224xbf16>, vector<144x224xbf16>, vector<144x224xbf16>, vector<144x224xbf16>, vector<144x224xbf16>, vector<144x224xbf16>, vector<144x224xbf16>, vector<144x224xbf16>, vector<144x224xbf16> -> vector<144x3584xbf16>
    %concatenate3A_952 = tpu.concatenate %concatenate3A_951, %broadcast_in_dim3A_12 in 0 : vector<144x3584xbf16>, vector<1x3584xbf16> -> vector<145x3584xbf16>
    %get3A_953 = arith.constant 0 : index
    %get3A_954 = arith.constant 0 : index
    %get3A_955 = vector.load %arg2[%get3A_953, %get3A_954] : memref<896x145xbf16, #tpu.memory_space<vmem>>, vector<896x145xbf16>
    %dot_general3A_956 = arith.constant dense<0.000000e+00> : vector<896x3584xf32>
    %dot_general3A_957 = tpu.matmul %get3A_955, %concatenate3A_952, %dot_general3A_956 {dimension_numbers = #tpu.dot_dimension_numbers<[1], [0], [0], [1], [0, 0, 1, 1], [], []>, transpose_lhs_hint = false} : vector<896x145xbf16>, vector<145x3584xbf16>, vector<896x3584xf32> -> vector<896x3584xf32>
    %max3A_958 = arith.constant 0.000000e+00 : f32
    %max3A_959 = vector.broadcast %max3A_958 : f32 to vector<896x3584xf32>
    %max3A_960 = arith.maximumf %dot_general3A_957, %max3A_959 : vector<896x3584xf32>
    %reduce_sum3A_961 = arith.constant dense<0.000000e+00> : vector<896xf32>
    %reduce_sum3A_962 = vector.multi_reduction <add>, %max3A_960, %reduce_sum3A_961 [1] : vector<896x3584xf32> to vector<896xf32>
    %reshape3A_963 = vector.shape_cast %reduce_sum3A_962 : vector<896xf32> to vector<14x64xf32>
    %add3A_964 = arith.addf %broadcast_in_dim3A_838, %reshape3A_963 : vector<14x64xf32>
    %reduce_sum3A_965 = arith.constant dense<0.000000e+00> : vector<64xf32>
    %reduce_sum3A_966 = vector.multi_reduction <add>, %add3A_964, %reduce_sum3A_965 [0] : vector<14x64xf32> to vector<64xf32>
    %mul3A_967 = arith.constant 1.99298465E-5 : f32
    %mul3A_968 = vector.broadcast %mul3A_967 : f32 to vector<64xf32>
    %mul3A_969 = arith.mulf %reduce_sum3A_966, %mul3A_968 : vector<64xf32>
    %swap3A_970 = arith.constant 6 : index
    %swap3A_971 = arith.constant 0 : index
    %swap3A_972 = arith.constant 0 : index
    %swap3A_973 = vector.load %arg3[%swap3A_970, %swap3A_971, %swap3A_972] : memref<8x1x64xf32, #tpu.memory_space<vmem>>, vector<1x1x64xf32>
    %swap3A_974 = vector.shape_cast %swap3A_973 : vector<1x1x64xf32> to vector<64xf32>
    %swap3A_975 = vector.shape_cast %mul3A_969 : vector<64xf32> to vector<1x1x64xf32>
    tpu.vector_store %arg3[%swap3A_970, %swap3A_971, %swap3A_972], %swap3A_975 {strides = array<i32>} : memref<8x1x64xf32, #tpu.memory_space<vmem>>, vector<1x1x64xf32>,
    %broadcast_in_dim3A_976 = arith.constant 0.000000e+00 : f32
    %broadcast_in_dim3A_977 = vector.broadcast %broadcast_in_dim3A_976 : f32 to vector<14x64xf32>
    %slice3A_978 = vector.extract_strided_slice %pad3A_11 {offsets = [7, 0, 0, 0], sizes = [1, 3, 16, 226], strides = [1, 1, 1, 1]} : vector<8x3x226x226xbf16> to vector<1x3x16x226xbf16>
    %squeeze3A_979 = vector.shape_cast %slice3A_978 : vector<1x3x16x226xbf16> to vector<3x16x226xbf16>
    %reshape3A_980 = vector.shape_cast %squeeze3A_979 : vector<3x16x226xbf16> to vector<48x226xbf16>
    %slice3A_981 = vector.extract_strided_slice %reshape3A_980 {offsets = [0, 0], sizes = [48, 224], strides = [1, 1]} : vector<48x226xbf16> to vector<48x224xbf16>
    %slice3A_982 = vector.extract_strided_slice %reshape3A_980 {offsets = [0, 1], sizes = [48, 224], strides = [1, 1]} : vector<48x226xbf16> to vector<48x224xbf16>
    %slice3A_983 = vector.extract_strided_slice %reshape3A_980 {offsets = [0, 2], sizes = [48, 224], strides = [1, 1]} : vector<48x226xbf16> to vector<48x224xbf16>
    %concatenate3A_984 = tpu.concatenate %slice3A_981, %slice3A_982, %slice3A_983 in 0 : vector<48x224xbf16>, vector<48x224xbf16>, vector<48x224xbf16> -> vector<144x224xbf16>
    %slice3A_985 = vector.extract_strided_slice %pad3A_11 {offsets = [7, 0, 14, 0], sizes = [1, 3, 16, 226], strides = [1, 1, 1, 1]} : vector<8x3x226x226xbf16> to vector<1x3x16x226xbf16>
    %squeeze3A_986 = vector.shape_cast %slice3A_985 : vector<1x3x16x226xbf16> to vector<3x16x226xbf16>
    %reshape3A_987 = vector.shape_cast %squeeze3A_986 : vector<3x16x226xbf16> to vector<48x226xbf16>
    %slice3A_988 = vector.extract_strided_slice %reshape3A_987 {offsets = [0, 0], sizes = [48, 224], strides = [1, 1]} : vector<48x226xbf16> to vector<48x224xbf16>
    %slice3A_989 = vector.extract_strided_slice %reshape3A_987 {offsets = [0, 1], sizes = [48, 224], strides = [1, 1]} : vector<48x226xbf16> to vector<48x224xbf16>
    %slice3A_990 = vector.extract_strided_slice %reshape3A_987 {offsets = [0, 2], sizes = [48, 224], strides = [1, 1]} : vector<48x226xbf16> to vector<48x224xbf16>
    %concatenate3A_991 = tpu.concatenate %slice3A_988, %slice3A_989, %slice3A_990 in 0 : vector<48x224xbf16>, vector<48x224xbf16>, vector<48x224xbf16> -> vector<144x224xbf16>
    %slice3A_992 = vector.extract_strided_slice %pad3A_11 {offsets = [7, 0, 28, 0], sizes = [1, 3, 16, 226], strides = [1, 1, 1, 1]} : vector<8x3x226x226xbf16> to vector<1x3x16x226xbf16>
    %squeeze3A_993 = vector.shape_cast %slice3A_992 : vector<1x3x16x226xbf16> to vector<3x16x226xbf16>
    %reshape3A_994 = vector.shape_cast %squeeze3A_993 : vector<3x16x226xbf16> to vector<48x226xbf16>
    %slice3A_995 = vector.extract_strided_slice %reshape3A_994 {offsets = [0, 0], sizes = [48, 224], strides = [1, 1]} : vector<48x226xbf16> to vector<48x224xbf16>
    %slice3A_996 = vector.extract_strided_slice %reshape3A_994 {offsets = [0, 1], sizes = [48, 224], strides = [1, 1]} : vector<48x226xbf16> to vector<48x224xbf16>
    %slice3A_997 = vector.extract_strided_slice %reshape3A_994 {offsets = [0, 2], sizes = [48, 224], strides = [1, 1]} : vector<48x226xbf16> to vector<48x224xbf16>
    %concatenate3A_998 = tpu.concatenate %slice3A_995, %slice3A_996, %slice3A_997 in 0 : vector<48x224xbf16>, vector<48x224xbf16>, vector<48x224xbf16> -> vector<144x224xbf16>
    %slice3A_999 = vector.extract_strided_slice %pad3A_11 {offsets = [7, 0, 42, 0], sizes = [1, 3, 16, 226], strides = [1, 1, 1, 1]} : vector<8x3x226x226xbf16> to vector<1x3x16x226xbf16>
    %squeeze3A_1000 = vector.shape_cast %slice3A_999 : vector<1x3x16x226xbf16> to vector<3x16x226xbf16>
    %reshape3A_1001 = vector.shape_cast %squeeze3A_1000 : vector<3x16x226xbf16> to vector<48x226xbf16>
    %slice3A_1002 = vector.extract_strided_slice %reshape3A_1001 {offsets = [0, 0], sizes = [48, 224], strides = [1, 1]} : vector<48x226xbf16> to vector<48x224xbf16>
    %slice3A_1003 = vector.extract_strided_slice %reshape3A_1001 {offsets = [0, 1], sizes = [48, 224], strides = [1, 1]} : vector<48x226xbf16> to vector<48x224xbf16>
    %slice3A_1004 = vector.extract_strided_slice %reshape3A_1001 {offsets = [0, 2], sizes = [48, 224], strides = [1, 1]} : vector<48x226xbf16> to vector<48x224xbf16>
    %concatenate3A_1005 = tpu.concatenate %slice3A_1002, %slice3A_1003, %slice3A_1004 in 0 : vector<48x224xbf16>, vector<48x224xbf16>, vector<48x224xbf16> -> vector<144x224xbf16>
    %slice3A_1006 = vector.extract_strided_slice %pad3A_11 {offsets = [7, 0, 56, 0], sizes = [1, 3, 16, 226], strides = [1, 1, 1, 1]} : vector<8x3x226x226xbf16> to vector<1x3x16x226xbf16>
    %squeeze3A_1007 = vector.shape_cast %slice3A_1006 : vector<1x3x16x226xbf16> to vector<3x16x226xbf16>
    %reshape3A_1008 = vector.shape_cast %squeeze3A_1007 : vector<3x16x226xbf16> to vector<48x226xbf16>
    %slice3A_1009 = vector.extract_strided_slice %reshape3A_1008 {offsets = [0, 0], sizes = [48, 224], strides = [1, 1]} : vector<48x226xbf16> to vector<48x224xbf16>
    %slice3A_1010 = vector.extract_strided_slice %reshape3A_1008 {offsets = [0, 1], sizes = [48, 224], strides = [1, 1]} : vector<48x226xbf16> to vector<48x224xbf16>
    %slice3A_1011 = vector.extract_strided_slice %reshape3A_1008 {offsets = [0, 2], sizes = [48, 224], strides = [1, 1]} : vector<48x226xbf16> to vector<48x224xbf16>
    %concatenate3A_1012 = tpu.concatenate %slice3A_1009, %slice3A_1010, %slice3A_1011 in 0 : vector<48x224xbf16>, vector<48x224xbf16>, vector<48x224xbf16> -> vector<144x224xbf16>
    %slice3A_1013 = vector.extract_strided_slice %pad3A_11 {offsets = [7, 0, 70, 0], sizes = [1, 3, 16, 226], strides = [1, 1, 1, 1]} : vector<8x3x226x226xbf16> to vector<1x3x16x226xbf16>
    %squeeze3A_1014 = vector.shape_cast %slice3A_1013 : vector<1x3x16x226xbf16> to vector<3x16x226xbf16>
    %reshape3A_1015 = vector.shape_cast %squeeze3A_1014 : vector<3x16x226xbf16> to vector<48x226xbf16>
    %slice3A_1016 = vector.extract_strided_slice %reshape3A_1015 {offsets = [0, 0], sizes = [48, 224], strides = [1, 1]} : vector<48x226xbf16> to vector<48x224xbf16>
    %slice3A_1017 = vector.extract_strided_slice %reshape3A_1015 {offsets = [0, 1], sizes = [48, 224], strides = [1, 1]} : vector<48x226xbf16> to vector<48x224xbf16>
    %slice3A_1018 = vector.extract_strided_slice %reshape3A_1015 {offsets = [0, 2], sizes = [48, 224], strides = [1, 1]} : vector<48x226xbf16> to vector<48x224xbf16>
    %concatenate3A_1019 = tpu.concatenate %slice3A_1016, %slice3A_1017, %slice3A_1018 in 0 : vector<48x224xbf16>, vector<48x224xbf16>, vector<48x224xbf16> -> vector<144x224xbf16>
    %slice3A_1020 = vector.extract_strided_slice %pad3A_11 {offsets = [7, 0, 84, 0], sizes = [1, 3, 16, 226], strides = [1, 1, 1, 1]} : vector<8x3x226x226xbf16> to vector<1x3x16x226xbf16>
    %squeeze3A_1021 = vector.shape_cast %slice3A_1020 : vector<1x3x16x226xbf16> to vector<3x16x226xbf16>
    %reshape3A_1022 = vector.shape_cast %squeeze3A_1021 : vector<3x16x226xbf16> to vector<48x226xbf16>
    %slice3A_1023 = vector.extract_strided_slice %reshape3A_1022 {offsets = [0, 0], sizes = [48, 224], strides = [1, 1]} : vector<48x226xbf16> to vector<48x224xbf16>
    %slice3A_1024 = vector.extract_strided_slice %reshape3A_1022 {offsets = [0, 1], sizes = [48, 224], strides = [1, 1]} : vector<48x226xbf16> to vector<48x224xbf16>
    %slice3A_1025 = vector.extract_strided_slice %reshape3A_1022 {offsets = [0, 2], sizes = [48, 224], strides = [1, 1]} : vector<48x226xbf16> to vector<48x224xbf16>
    %concatenate3A_1026 = tpu.concatenate %slice3A_1023, %slice3A_1024, %slice3A_1025 in 0 : vector<48x224xbf16>, vector<48x224xbf16>, vector<48x224xbf16> -> vector<144x224xbf16>
    %slice3A_1027 = vector.extract_strided_slice %pad3A_11 {offsets = [7, 0, 98, 0], sizes = [1, 3, 16, 226], strides = [1, 1, 1, 1]} : vector<8x3x226x226xbf16> to vector<1x3x16x226xbf16>
    %squeeze3A_1028 = vector.shape_cast %slice3A_1027 : vector<1x3x16x226xbf16> to vector<3x16x226xbf16>
    %reshape3A_1029 = vector.shape_cast %squeeze3A_1028 : vector<3x16x226xbf16> to vector<48x226xbf16>
    %slice3A_1030 = vector.extract_strided_slice %reshape3A_1029 {offsets = [0, 0], sizes = [48, 224], strides = [1, 1]} : vector<48x226xbf16> to vector<48x224xbf16>
    %slice3A_1031 = vector.extract_strided_slice %reshape3A_1029 {offsets = [0, 1], sizes = [48, 224], strides = [1, 1]} : vector<48x226xbf16> to vector<48x224xbf16>
    %slice3A_1032 = vector.extract_strided_slice %reshape3A_1029 {offsets = [0, 2], sizes = [48, 224], strides = [1, 1]} : vector<48x226xbf16> to vector<48x224xbf16>
    %concatenate3A_1033 = tpu.concatenate %slice3A_1030, %slice3A_1031, %slice3A_1032 in 0 : vector<48x224xbf16>, vector<48x224xbf16>, vector<48x224xbf16> -> vector<144x224xbf16>
    %slice3A_1034 = vector.extract_strided_slice %pad3A_11 {offsets = [7, 0, 112, 0], sizes = [1, 3, 16, 226], strides = [1, 1, 1, 1]} : vector<8x3x226x226xbf16> to vector<1x3x16x226xbf16>
    %squeeze3A_1035 = vector.shape_cast %slice3A_1034 : vector<1x3x16x226xbf16> to vector<3x16x226xbf16>
    %reshape3A_1036 = vector.shape_cast %squeeze3A_1035 : vector<3x16x226xbf16> to vector<48x226xbf16>
    %slice3A_1037 = vector.extract_strided_slice %reshape3A_1036 {offsets = [0, 0], sizes = [48, 224], strides = [1, 1]} : vector<48x226xbf16> to vector<48x224xbf16>
    %slice3A_1038 = vector.extract_strided_slice %reshape3A_1036 {offsets = [0, 1], sizes = [48, 224], strides = [1, 1]} : vector<48x226xbf16> to vector<48x224xbf16>
    %slice3A_1039 = vector.extract_strided_slice %reshape3A_1036 {offsets = [0, 2], sizes = [48, 224], strides = [1, 1]} : vector<48x226xbf16> to vector<48x224xbf16>
    %concatenate3A_1040 = tpu.concatenate %slice3A_1037, %slice3A_1038, %slice3A_1039 in 0 : vector<48x224xbf16>, vector<48x224xbf16>, vector<48x224xbf16> -> vector<144x224xbf16>
    %slice3A_1041 = vector.extract_strided_slice %pad3A_11 {offsets = [7, 0, 126, 0], sizes = [1, 3, 16, 226], strides = [1, 1, 1, 1]} : vector<8x3x226x226xbf16> to vector<1x3x16x226xbf16>
    %squeeze3A_1042 = vector.shape_cast %slice3A_1041 : vector<1x3x16x226xbf16> to vector<3x16x226xbf16>
    %reshape3A_1043 = vector.shape_cast %squeeze3A_1042 : vector<3x16x226xbf16> to vector<48x226xbf16>
    %slice3A_1044 = vector.extract_strided_slice %reshape3A_1043 {offsets = [0, 0], sizes = [48, 224], strides = [1, 1]} : vector<48x226xbf16> to vector<48x224xbf16>
    %slice3A_1045 = vector.extract_strided_slice %reshape3A_1043 {offsets = [0, 1], sizes = [48, 224], strides = [1, 1]} : vector<48x226xbf16> to vector<48x224xbf16>
    %slice3A_1046 = vector.extract_strided_slice %reshape3A_1043 {offsets = [0, 2], sizes = [48, 224], strides = [1, 1]} : vector<48x226xbf16> to vector<48x224xbf16>
    %concatenate3A_1047 = tpu.concatenate %slice3A_1044, %slice3A_1045, %slice3A_1046 in 0 : vector<48x224xbf16>, vector<48x224xbf16>, vector<48x224xbf16> -> vector<144x224xbf16>
    %slice3A_1048 = vector.extract_strided_slice %pad3A_11 {offsets = [7, 0, 140, 0], sizes = [1, 3, 16, 226], strides = [1, 1, 1, 1]} : vector<8x3x226x226xbf16> to vector<1x3x16x226xbf16>
    %squeeze3A_1049 = vector.shape_cast %slice3A_1048 : vector<1x3x16x226xbf16> to vector<3x16x226xbf16>
    %reshape3A_1050 = vector.shape_cast %squeeze3A_1049 : vector<3x16x226xbf16> to vector<48x226xbf16>
    %slice3A_1051 = vector.extract_strided_slice %reshape3A_1050 {offsets = [0, 0], sizes = [48, 224], strides = [1, 1]} : vector<48x226xbf16> to vector<48x224xbf16>
    %slice3A_1052 = vector.extract_strided_slice %reshape3A_1050 {offsets = [0, 1], sizes = [48, 224], strides = [1, 1]} : vector<48x226xbf16> to vector<48x224xbf16>
    %slice3A_1053 = vector.extract_strided_slice %reshape3A_1050 {offsets = [0, 2], sizes = [48, 224], strides = [1, 1]} : vector<48x226xbf16> to vector<48x224xbf16>
    %concatenate3A_1054 = tpu.concatenate %slice3A_1051, %slice3A_1052, %slice3A_1053 in 0 : vector<48x224xbf16>, vector<48x224xbf16>, vector<48x224xbf16> -> vector<144x224xbf16>
    %slice3A_1055 = vector.extract_strided_slice %pad3A_11 {offsets = [7, 0, 154, 0], sizes = [1, 3, 16, 226], strides = [1, 1, 1, 1]} : vector<8x3x226x226xbf16> to vector<1x3x16x226xbf16>
    %squeeze3A_1056 = vector.shape_cast %slice3A_1055 : vector<1x3x16x226xbf16> to vector<3x16x226xbf16>
    %reshape3A_1057 = vector.shape_cast %squeeze3A_1056 : vector<3x16x226xbf16> to vector<48x226xbf16>
    %slice3A_1058 = vector.extract_strided_slice %reshape3A_1057 {offsets = [0, 0], sizes = [48, 224], strides = [1, 1]} : vector<48x226xbf16> to vector<48x224xbf16>
    %slice3A_1059 = vector.extract_strided_slice %reshape3A_1057 {offsets = [0, 1], sizes = [48, 224], strides = [1, 1]} : vector<48x226xbf16> to vector<48x224xbf16>
    %slice3A_1060 = vector.extract_strided_slice %reshape3A_1057 {offsets = [0, 2], sizes = [48, 224], strides = [1, 1]} : vector<48x226xbf16> to vector<48x224xbf16>
    %concatenate3A_1061 = tpu.concatenate %slice3A_1058, %slice3A_1059, %slice3A_1060 in 0 : vector<48x224xbf16>, vector<48x224xbf16>, vector<48x224xbf16> -> vector<144x224xbf16>
    %slice3A_1062 = vector.extract_strided_slice %pad3A_11 {offsets = [7, 0, 168, 0], sizes = [1, 3, 16, 226], strides = [1, 1, 1, 1]} : vector<8x3x226x226xbf16> to vector<1x3x16x226xbf16>
    %squeeze3A_1063 = vector.shape_cast %slice3A_1062 : vector<1x3x16x226xbf16> to vector<3x16x226xbf16>
    %reshape3A_1064 = vector.shape_cast %squeeze3A_1063 : vector<3x16x226xbf16> to vector<48x226xbf16>
    %slice3A_1065 = vector.extract_strided_slice %reshape3A_1064 {offsets = [0, 0], sizes = [48, 224], strides = [1, 1]} : vector<48x226xbf16> to vector<48x224xbf16>
    %slice3A_1066 = vector.extract_strided_slice %reshape3A_1064 {offsets = [0, 1], sizes = [48, 224], strides = [1, 1]} : vector<48x226xbf16> to vector<48x224xbf16>
    %slice3A_1067 = vector.extract_strided_slice %reshape3A_1064 {offsets = [0, 2], sizes = [48, 224], strides = [1, 1]} : vector<48x226xbf16> to vector<48x224xbf16>
    %concatenate3A_1068 = tpu.concatenate %slice3A_1065, %slice3A_1066, %slice3A_1067 in 0 : vector<48x224xbf16>, vector<48x224xbf16>, vector<48x224xbf16> -> vector<144x224xbf16>
    %slice3A_1069 = vector.extract_strided_slice %pad3A_11 {offsets = [7, 0, 182, 0], sizes = [1, 3, 16, 226], strides = [1, 1, 1, 1]} : vector<8x3x226x226xbf16> to vector<1x3x16x226xbf16>
    %squeeze3A_1070 = vector.shape_cast %slice3A_1069 : vector<1x3x16x226xbf16> to vector<3x16x226xbf16>
    %reshape3A_1071 = vector.shape_cast %squeeze3A_1070 : vector<3x16x226xbf16> to vector<48x226xbf16>
    %slice3A_1072 = vector.extract_strided_slice %reshape3A_1071 {offsets = [0, 0], sizes = [48, 224], strides = [1, 1]} : vector<48x226xbf16> to vector<48x224xbf16>
    %slice3A_1073 = vector.extract_strided_slice %reshape3A_1071 {offsets = [0, 1], sizes = [48, 224], strides = [1, 1]} : vector<48x226xbf16> to vector<48x224xbf16>
    %slice3A_1074 = vector.extract_strided_slice %reshape3A_1071 {offsets = [0, 2], sizes = [48, 224], strides = [1, 1]} : vector<48x226xbf16> to vector<48x224xbf16>
    %concatenate3A_1075 = tpu.concatenate %slice3A_1072, %slice3A_1073, %slice3A_1074 in 0 : vector<48x224xbf16>, vector<48x224xbf16>, vector<48x224xbf16> -> vector<144x224xbf16>
    %slice3A_1076 = vector.extract_strided_slice %pad3A_11 {offsets = [7, 0, 196, 0], sizes = [1, 3, 16, 226], strides = [1, 1, 1, 1]} : vector<8x3x226x226xbf16> to vector<1x3x16x226xbf16>
    %squeeze3A_1077 = vector.shape_cast %slice3A_1076 : vector<1x3x16x226xbf16> to vector<3x16x226xbf16>
    %reshape3A_1078 = vector.shape_cast %squeeze3A_1077 : vector<3x16x226xbf16> to vector<48x226xbf16>
    %slice3A_1079 = vector.extract_strided_slice %reshape3A_1078 {offsets = [0, 0], sizes = [48, 224], strides = [1, 1]} : vector<48x226xbf16> to vector<48x224xbf16>
    %slice3A_1080 = vector.extract_strided_slice %reshape3A_1078 {offsets = [0, 1], sizes = [48, 224], strides = [1, 1]} : vector<48x226xbf16> to vector<48x224xbf16>
    %slice3A_1081 = vector.extract_strided_slice %reshape3A_1078 {offsets = [0, 2], sizes = [48, 224], strides = [1, 1]} : vector<48x226xbf16> to vector<48x224xbf16>
    %concatenate3A_1082 = tpu.concatenate %slice3A_1079, %slice3A_1080, %slice3A_1081 in 0 : vector<48x224xbf16>, vector<48x224xbf16>, vector<48x224xbf16> -> vector<144x224xbf16>
    %slice3A_1083 = vector.extract_strided_slice %pad3A_11 {offsets = [7, 0, 210, 0], sizes = [1, 3, 16, 226], strides = [1, 1, 1, 1]} : vector<8x3x226x226xbf16> to vector<1x3x16x226xbf16>
    %squeeze3A_1084 = vector.shape_cast %slice3A_1083 : vector<1x3x16x226xbf16> to vector<3x16x226xbf16>
    %reshape3A_1085 = vector.shape_cast %squeeze3A_1084 : vector<3x16x226xbf16> to vector<48x226xbf16>
    %slice3A_1086 = vector.extract_strided_slice %reshape3A_1085 {offsets = [0, 0], sizes = [48, 224], strides = [1, 1]} : vector<48x226xbf16> to vector<48x224xbf16>
    %slice3A_1087 = vector.extract_strided_slice %reshape3A_1085 {offsets = [0, 1], sizes = [48, 224], strides = [1, 1]} : vector<48x226xbf16> to vector<48x224xbf16>
    %slice3A_1088 = vector.extract_strided_slice %reshape3A_1085 {offsets = [0, 2], sizes = [48, 224], strides = [1, 1]} : vector<48x226xbf16> to vector<48x224xbf16>
    %concatenate3A_1089 = tpu.concatenate %slice3A_1086, %slice3A_1087, %slice3A_1088 in 0 : vector<48x224xbf16>, vector<48x224xbf16>, vector<48x224xbf16> -> vector<144x224xbf16>
    %concatenate3A_1090 = tpu.concatenate %concatenate3A_984, %concatenate3A_991, %concatenate3A_998, %concatenate3A_1005, %concatenate3A_1012, %concatenate3A_1019, %concatenate3A_1026, %concatenate3A_1033, %concatenate3A_1040, %concatenate3A_1047, %concatenate3A_1054, %concatenate3A_1061, %concatenate3A_1068, %concatenate3A_1075, %concatenate3A_1082, %concatenate3A_1089 in 1 : vector<144x224xbf16>, vector<144x224xbf16>, vector<144x224xbf16>, vector<144x224xbf16>, vector<144x224xbf16>, vector<144x224xbf16>, vector<144x224xbf16>, vector<144x224xbf16>, vector<144x224xbf16>, vector<144x224xbf16>, vector<144x224xbf16>, vector<144x224xbf16>, vector<144x224xbf16>, vector<144x224xbf16>, vector<144x224xbf16>, vector<144x224xbf16> -> vector<144x3584xbf16>
    %concatenate3A_1091 = tpu.concatenate %concatenate3A_1090, %broadcast_in_dim3A_12 in 0 : vector<144x3584xbf16>, vector<1x3584xbf16> -> vector<145x3584xbf16>
    %get3A_1092 = arith.constant 0 : index
    %get3A_1093 = arith.constant 0 : index
    %get3A_1094 = vector.load %arg2[%get3A_1092, %get3A_1093] : memref<896x145xbf16, #tpu.memory_space<vmem>>, vector<896x145xbf16>
    %dot_general3A_1095 = arith.constant dense<0.000000e+00> : vector<896x3584xf32>
    %dot_general3A_1096 = tpu.matmul %get3A_1094, %concatenate3A_1091, %dot_general3A_1095 {dimension_numbers = #tpu.dot_dimension_numbers<[1], [0], [0], [1], [0, 0, 1, 1], [], []>, transpose_lhs_hint = false} : vector<896x145xbf16>, vector<145x3584xbf16>, vector<896x3584xf32> -> vector<896x3584xf32>
    %max3A_1097 = arith.constant 0.000000e+00 : f32
    %max3A_1098 = vector.broadcast %max3A_1097 : f32 to vector<896x3584xf32>
    %max3A_1099 = arith.maximumf %dot_general3A_1096, %max3A_1098 : vector<896x3584xf32>
    %reduce_sum3A_1100 = arith.constant dense<0.000000e+00> : vector<896xf32>
    %reduce_sum3A_1101 = vector.multi_reduction <add>, %max3A_1099, %reduce_sum3A_1100 [1] : vector<896x3584xf32> to vector<896xf32>
    %reshape3A_1102 = vector.shape_cast %reduce_sum3A_1101 : vector<896xf32> to vector<14x64xf32>
    %add3A_1103 = arith.addf %broadcast_in_dim3A_977, %reshape3A_1102 : vector<14x64xf32>
    %reduce_sum3A_1104 = arith.constant dense<0.000000e+00> : vector<64xf32>
    %reduce_sum3A_1105 = vector.multi_reduction <add>, %add3A_1103, %reduce_sum3A_1104 [0] : vector<14x64xf32> to vector<64xf32>
    %mul3A_1106 = arith.constant 1.99298465E-5 : f32
    %mul3A_1107 = vector.broadcast %mul3A_1106 : f32 to vector<64xf32>
    %mul3A_1108 = arith.mulf %reduce_sum3A_1105, %mul3A_1107 : vector<64xf32>
    %swap3A_1109 = arith.constant 7 : index
    %swap3A_1110 = arith.constant 0 : index
    %swap3A_1111 = arith.constant 0 : index
    %swap3A_1112 = vector.load %arg3[%swap3A_1109, %swap3A_1110, %swap3A_1111] : memref<8x1x64xf32, #tpu.memory_space<vmem>>, vector<1x1x64xf32>
    %swap3A_1113 = vector.shape_cast %swap3A_1112 : vector<1x1x64xf32> to vector<64xf32>
    %swap3A_1114 = vector.shape_cast %mul3A_1108 : vector<64xf32> to vector<1x1x64xf32>
    tpu.vector_store %arg3[%swap3A_1109, %swap3A_1110, %swap3A_1111], %swap3A_1114 {strides = array<i32>} : memref<8x1x64xf32, #tpu.memory_space<vmem>>, vector<1x1x64xf32>,
    return
  }
  func.func @transform_0(%arg0: i32) -> (i32, i32, i32, i32) {
    %c0_i32 = arith.constant 0 : i32
    %c0_i32_0 = arith.constant 0 : i32
    %c0_i32_1 = arith.constant 0 : i32
    %c0_i32_2 = arith.constant 0 : i32
    return %arg0, %c0_i32, %c0_i32_0, %c0_i32_1 : i32, i32, i32, i32
  }
  func.func @transform_1(%arg0: i32) -> (i32, i32) {
    %c0_i32 = arith.constant 0 : i32
    %c0_i32_0 = arith.constant 0 : i32
    %c0_i32_1 = arith.constant 0 : i32
    return %c0_i32, %c0_i32_0 : i32, i32
  }
  func.func @transform_2(%arg0: i32) -> (i32, i32, i32) {
    %c0_i32 = arith.constant 0 : i32
    %c0_i32_0 = arith.constant 0 : i32
    %c0_i32_1 = arith.constant 0 : i32
    return %arg0, %c0_i32, %c0_i32_0 : i32, i32, i32
  }
}

module attributes {stable_mosaic.version = 14 : i64} {
  func.func @_logits_body(%arg0: memref<128x64xf32, #tpu.memory_space<vmem>>, %arg1: memref<64x64xf32, #tpu.memory_space<vmem>>, %arg2: memref<1x64xf32, #tpu.memory_space<vmem>>, %arg3: memref<128x64xf32, #tpu.memory_space<vmem>>) attributes {dimension_semantics = [], scalar_prefetch = 0 : i64, scratch_operands = 0 : i64, tpu.core_type = #tpu.core_type<tc>} {
    %get3A = arith.constant 0 : index
    %get3A_0 = arith.constant 0 : index
    %get3A_1 = vector.load %arg0[%get3A, %get3A_0] : memref<128x64xf32, #tpu.memory_space<vmem>>, vector<128x64xf32>
    %get3A_2 = arith.constant 0 : index
    %get3A_3 = arith.constant 0 : index
    %get3A_4 = vector.load %arg1[%get3A_2, %get3A_3] : memref<64x64xf32, #tpu.memory_space<vmem>>, vector<64x64xf32>
    %dot_general3A = arith.constant dense<0.000000e+00> : vector<128x64xf32>
    %dot_general3A_5 = tpu.matmul %get3A_1, %get3A_4, %dot_general3A {dimension_numbers = #tpu.dot_dimension_numbers<[1], [1], [0], [0], [0, 0, 1, 0], [], []>, transpose_lhs_hint = false} : vector<128x64xf32>, vector<64x64xf32>, vector<128x64xf32> -> vector<128x64xf32>
    %get3A_6 = arith.constant 0 : index
    %get3A_7 = arith.constant 0 : index
    %get3A_8 = vector.load %arg2[%get3A_6, %get3A_7] : memref<1x64xf32, #tpu.memory_space<vmem>>, vector<1x64xf32>
    %add3A = vector.broadcast %get3A_8 : vector<1x64xf32> to vector<128x64xf32>
    %add3A_9 = arith.addf %dot_general3A_5, %add3A : vector<128x64xf32>
    %swap3A = arith.constant 0 : index
    %swap3A_10 = arith.constant 0 : index
    %swap3A_11 = vector.load %arg3[%swap3A, %swap3A_10] : memref<128x64xf32, #tpu.memory_space<vmem>>, vector<128x64xf32>
    tpu.vector_store %arg3[%swap3A, %swap3A_10], %add3A_9 {strides = array<i32>} : memref<128x64xf32, #tpu.memory_space<vmem>>, vector<128x64xf32>,
    return
  }
}

module attributes {stable_mosaic.version = 14 : i64} {
  func.func @_load_body(%arg0: memref<32x64xf32, #tpu.memory_space<vmem>>, %arg1: memref<1x64xf32, #tpu.memory_space<vmem>>) attributes {dimension_semantics = [], scalar_prefetch = 0 : i64, scratch_operands = 0 : i64, tpu.core_type = #tpu.core_type<tc>} {
    %get3A = arith.constant 0 : index
    %get3A_0 = arith.constant 0 : index
    %get3A_1 = vector.load %arg0[%get3A, %get3A_0] : memref<32x64xf32, #tpu.memory_space<vmem>>, vector<32x64xf32>
    %reduce_sum3A = arith.constant dense<0.000000e+00> : vector<64xf32>
    %reduce_sum3A_2 = vector.multi_reduction <add>, %get3A_1, %reduce_sum3A [0] : vector<32x64xf32> to vector<64xf32>
    %broadcast_in_dim3A = vector.shape_cast %reduce_sum3A_2 : vector<64xf32> to vector<1x64xf32>
    %swap3A = arith.constant 0 : index
    %swap3A_3 = arith.constant 0 : index
    %swap3A_4 = vector.load %arg1[%swap3A, %swap3A_3] : memref<1x64xf32, #tpu.memory_space<vmem>>, vector<1x64xf32>
    tpu.vector_store %arg1[%swap3A, %swap3A_3], %broadcast_in_dim3A {strides = array<i32>} : memref<1x64xf32, #tpu.memory_space<vmem>>, vector<1x64xf32>,
    return
  }
}

</mosaic_0001>

<sc_bundles>
// kernel: kernel.6.cloned.1.call-start
scs
__scs_entry_jumppad:
0x0: {  	(pc) =	sbr.rel $0x88, $3  }
0x1: {  	(tag) =	ssettag $0x0;
	lr =	simm.s32 $0x1  }
0x2: {  	[smem:$0x3F9C] =	sst lr;
	_ =	strace $0xD0000000  }
0x3: {  	_ = 	snop  }
0x4: {  	_ = 	snop  }
0x5: {  	_ = 	snop  }
0x6: {  	_ = 	snop  }
0x7: {  	_ = 	snop  }
__scs_overlays_trampoline_lowered:
0x8: {  	[smem:$0x3FAB] =	sst s0  }
0x9: {  	[smem:$0x3FAC] =	sst s1  }
0xa: {  	[smem:$0x3FAD] =	sst s2  }
0xb: {  	[smem:$0x3FAE] =	sst s3  }
0xc: {  	[smem:$0x3FAF] =	sst s4  }
0xd: {  	[smem:$0x3FB0] =	sst s5  }
0xe: {  	[smem:$0x3FB1] =	sst s6  }
0xf: {  	[smem:$0x3FB2] =	sst s7  }
0x10: {  	[smem:$0x3FB3] =	sst s8  }
0x11: {  	[smem:$0x3FB4] =	sst s9;
	s0 =	simm.s32 @!p0 $0x0  }
0x12: {  	s1 =	sld [smem:$0x3F9A];
	s0 =	simm.s32 @p0 $0x1  }
0x13: {  	[smem:$0x3FB5] =	sst s0;
	s0 =	simm.s32 @!p1 $0x0  }
0x14: {  	s2 =	sld [smem:$0x3F99];
	s0 =	simm.s32 @p1 $0x1  }
0x15: {  	[smem:$0x3FB6] =	sst s0;
	s0 =	simm.s32 @!p2 $0x0  }
0x16: {  	s3 =	sld [smem:$0x3FDB];
	s0 =	simm.s32 @p2 $0x1  }
0x17: {  	s4 =	simm.s32 $0x1BF5;
	[smem:$0x3FB8] =	sst s0  }
0x18: {  	s0 =	sld [smem:$0x3F9B];
	_ =	swait.ge [sflag:s4], $0x0  }
0x19: {  	s7 =	sld [smem:$0x3F9C]  }
0x1a: {  	s8 =	sadd.s32 $0xFFFFE003, lr  }
0x1b: {  	s9 =	sadd.s32 $0xFFFFFEF7, lr;
	s5 =	simm.s32 $0xFFFFFFFF;
	p2 =	slt.u32 s8, $0xFFFFF086  }
0x1c: {  	p1 =	slt.u32 s9, $0xF7A;
	s5 =	simm.s32 @!p2 $0x0  }
0x1d: {  	s5 =	simm.s32 @p1 $0x1;
	p0 =	seq.s32 s7, s2  }
0x1e: {  	s7 =	smul.u32 @!p0 $0xF7A, s2;
	p2 =	seq.s32 @!p0 s5, $0x0  }
0x1f: {  	s9 =	smul.u32 $0xF7A, s1;
	s8 =	simm.s32 @!p0 $0x1BF5;
	p2 =	por !p2, p0  }
0x20: {  	[sflag:s8] =	ssyncset.s32 @!p0 $0xFFFFF086;
	s6 =	sadd.s32 @!p0 s3, s7;
	s7 =	simm.s32 @!p0 $0x108  }
0x21: {  	s3 =	sadd.s32 s3, s9;
	s6 =	sadd.s32 @!p0 $0x88, s6;
	s7 =	simm.s32 @p2 $0x1082  }
0x22: {  	[simem:s7], [sflag:s8] =	dma.local @!p0 [hbm:s6], $0xF7A  }
0x23: {  	s9 =	sor.u32 $0xD0000000, s2;
	s6 =	simm.s32 $0x108;
	_ =	swait.ge @!p0 [sflag:s8], $0x0  }
0x24: {  	s3 =	sadd.s32 $0x88, s3;
	s6 =	simm.s32 @!p1 $0x1082;
	[sflag:s4] =	ssyncset.s32 $0xFFFFF086  }
0x25: {  	[simem:s6], [sflag:s4] =	dma.local [hbm:s3], $0xF7A  }
0x26: {  	[smem:$0x3F9C] =	sst s1;
	(tag) =	ssettag s2;
	_ =	strace s9  }
0x27: {  	s1 =	sld [smem:$0x3FAC]  }
0x28: {  	s2 =	sld [smem:$0x3FAD]  }
0x29: {  	s4 =	sld [smem:$0x3FAF]  }
0x2a: {  	p0 =	seq.s32 s5, $0x0;
	s5 =	sld [smem:$0x3FB0]  }
0x2b: {  	s6 =	sld [smem:$0x3FB1]  }
0x2c: {  	s7 =	sld [smem:$0x3FB2]  }
0x2d: {  	s3 =	simm.s32 $0x108;
	s8 =	sld [smem:$0x3FB3]  }
0x2e: {  	s3 =	simm.s32 @!p0 $0x1082;
	s9 =	sld [smem:$0x3FB4]  }
0x2f: {  	lr =	sadd.s32 s0, s3;
	s0 =	sld [smem:$0x3FAB]  }
0x30: {  	s3 =	sld [smem:$0x3FAE]  }
0x31: {  	[smem:$0x3FB7] =	sst s10  }
0x32: {  	s10 =	sld [smem:$0x3FB5];
	_ =	sdelay $0x3  }
0x33: {  	p0 =	seq.s32 s10, $0x1;
	s10 =	sld [smem:$0x3FB7];
	_ =	sdelay $0x3  }
0x34: {  	[smem:$0x3FB7] =	sst s10  }
0x35: {  	s10 =	sld [smem:$0x3FB6];
	_ =	sdelay $0x3  }
0x36: {  	p1 =	seq.s32 s10, $0x1;
	s10 =	sld [smem:$0x3FB7];
	_ =	sdelay $0x3  }
0x37: {  	[smem:$0x3FB7] =	sst s10  }
0x38: {  	s10 =	sld [smem:$0x3FB8]  }
0x39: {  	_ = 	snop;
	(pc) =	sbr.ind lr, $3  }
0x3a: {  	_ = 	snop  }
0x3b: {  	_ = 	snop  }
0x3c: {  	p2 =	seq.s32 s10, $0x1;
	s10 =	sld [smem:$0x3FB7]  }
0x3d: {  	_ =	shalt  }
0x3e: {  	_ =	shalt  }
0x3f: {  	_ =	shalt  }
0x40: {  	_ =	shalt  }
0x41: {  	_ =	shalt  }
0x42: {  	_ =	shalt  }
0x43: {  	_ =	shalt  }
0x44: {  	_ =	shalt  }
0x45: {  	_ =	shalt  }
0x46: {  	_ =	shalt  }
0x47: {  	_ =	shalt  }
0x48: {  	_ =	shalt  }
0x49: {  	_ =	shalt  }
0x4a: {  	_ =	shalt  }
0x4b: {  	_ =	shalt  }
0x4c: {  	_ =	shalt  }
0x4d: {  	_ =	shalt  }
0x4e: {  	_ =	shalt  }
0x4f: {  	_ =	shalt  }
0x50: {  	_ =	shalt  }
0x51: {  	_ =	shalt  }
0x52: {  	_ =	shalt  }
0x53: {  	_ =	shalt  }
0x54: {  	_ =	shalt  }
0x55: {  	_ =	shalt  }
0x56: {  	_ =	shalt  }
0x57: {  	_ =	shalt  }
0x58: {  	_ =	shalt  }
0x59: {  	_ =	shalt  }
0x5a: {  	_ =	shalt  }
0x5b: {  	_ =	shalt  }
0x5c: {  	_ =	shalt  }
0x5d: {  	_ =	shalt  }
0x5e: {  	_ =	shalt  }
0x5f: {  	_ =	shalt  }
0x60: {  	_ =	shalt  }
0x61: {  	_ =	shalt  }
0x62: {  	_ =	shalt  }
0x63: {  	_ =	shalt  }
0x64: {  	_ =	shalt  }
0x65: {  	_ =	shalt  }
0x66: {  	_ =	shalt  }
0x67: {  	_ =	shalt  }
0x68: {  	_ =	shalt  }
0x69: {  	_ =	shalt  }
0x6a: {  	_ =	shalt  }
0x6b: {  	_ =	shalt  }
0x6c: {  	_ =	shalt  }
0x6d: {  	_ =	shalt  }
0x6e: {  	_ =	shalt  }
0x6f: {  	_ =	shalt  }
0x70: {  	_ =	shalt  }
0x71: {  	_ =	shalt  }
0x72: {  	_ =	shalt  }
0x73: {  	_ =	shalt  }
0x74: {  	_ =	shalt  }
0x75: {  	_ =	shalt  }
0x76: {  	_ =	shalt  }
0x77: {  	_ =	shalt  }
0x78: {  	_ =	shalt  }
0x79: {  	_ =	shalt  }
0x7a: {  	_ =	shalt  }
0x7b: {  	_ =	shalt  }
0x7c: {  	_ =	shalt  }
0x7d: {  	_ =	shalt  }
0x7e: {  	_ =	shalt  }
0x7f: {  	_ =	shalt  }
0x80: {  	_ =	shalt  }
0x81: {  	_ =	shalt  }
0x82: {  	_ =	shalt  }
0x83: {  	_ =	shalt  }
0x84: {  	_ =	shalt  }
0x85: {  	_ =	shalt  }
0x86: {  	_ =	shalt  }
0x87: {  	_ =	shalt  }
.Lfunc_end0:
.L_simem_size_0:
called_computation_lowered:
.L_overlay_start_0:
0x88: {  	s2 =	sld [smem:$0x3FD9]  }
0x89: {  	s3 =	sld [smem:$0x3FFE];
	_ =	sdelay $0x1  }
0x8a: {  	s1 =	srdreg.scid  }
0x8b: {  	s0 =	sand.u32 $0x1, s1  }
0x8c: {  	s16 =	sshll.u32 s0, $0xA;
	s2 =	sadd.s32 s3, s2  }
0x8d: {  	s2 =	sadd.s32 s2, s16  }
0x8e: {  	[smem:$0x3FC3] =	sst s2  }
0x8f: {  	_ = 	snop  }
0x90: {  	(tm) =	ssettm $0x1  }
0x91: {  	s17 =	sld [smem:$0x3FFB];
	_ =	sdelay $0x3  }
0x92: {  	_ =	strace s17  }
0x93: {  	s2 =	sld [smem:$0x3FFC];
	_ =	sdelay $0x3  }
0x94: {  	_ =	strace s2  }
0x95: {  	s2 =	sld [smem:$0x3FFD];
	_ =	sdelay $0x3  }
0x96: {  	_ =	strace s2  }
0x97: {  	_ =	strace $0x8FFFFFFF  }
0x98: {  	s18 =	sld [smem:$0x3FDB];
	_ =	sdelay $0x1  }
0x99: {  	s19 =	simm.s32 $_scs_section_size  }
0x9a: {  	s4 =	simm.s32 $_size__tile_overlayer_lowered;
	s5 =	simm.s32 $_tile_overlayer_lowered  }
0x9b: {  	s22 =	simm.s32 $0x1BFF;
	s21 =	sshll.u32 s5, $0x1;
	s2 =	sadd.s32 s19, s18  }
0x9c: {  	s6 =	simm.s32 $0x0;
	s20 =	sshll.u32 s4, $0x1;
	s4 =	sadd.s32 s21, s2  }
0x9d: {  	[timem:s6], [sflag:s22] =	dma.local [hbm:s4], s20  }
0x9e: {  	_ =	swait.ge [sflag:s22], s20  }
0x9f: {  	s3 =	ssub.s32 $0x0, s20;
	[sflag:s22] =	ssyncset.done $0x0  }
0xa0: {  	[sflag:s22] =	ssyncadd.s32 s3;
	_ =	sdelay $0x1  }
0xa1: {  	s23 =	simm.s32 $0x1B8B  }
0xa2: {  	_ =	swait.ge [sflag:s23], $0x1  }
0xa3: {  	[sflag:s23] =	ssyncset.done $0x0  }
0xa4: {  	s25 =	simm.s32 $0x1B8E;
	s24 =	sld [smem:$0x3FFE];
	[sflag:s23] =	ssyncadd.s32 $0xFFFFFFFF  }
0xa5: {  	s26 =	simm.s32 $execute0_lowered;
	[smem:$0x3FD2] =	sst s25  }
0xa6: {  	s4 =	sshll.u32 s26, $0x1;
	_ =	strace $0x80000046;
	[dreg:$0x1] =	wrdreg $0xFFFFFFFF  }
0xa7: {  	s28 =	simm.s32 $_size_execute0_lowered;
	s2 =	sadd.s32 s2, s4;
	[dreg:$0x0] =	wrdreg $0x0  }
0xa8: {  	s4 =	sshll.u32 s28, $0x1;
	[dreg:$0x2] =	wrdreg s2  }
0xa9: {  	[dreg:$0x3] =	wrdreg s4  }
0xaa: {  	[dreg:$0x4] =	wrdreg $0xC0  }
0xab: {  	_ =	task [dreg:s6], $0x5FFFF  }
0xac: {  	[dreg:$0x1] =	wrdreg $0xFFFFFFFF  }
0xad: {  	[dreg:$0x0] =	wrdreg $0x60  }
0xae: {  	[dreg:$0x2] =	wrdreg s24  }
0xaf: {  	[dreg:$0x3] =	wrdreg $0x9  }
0xb0: {  	_ =	task.clear_ibuf [dreg:s6], $0x4FFFF;
	_ =	strace $0x90000046  }
0xb1: {  	s29 =	simm.s32 $0x9;
	_ =	strace $0x80000048  }
0xb2: {  	_ =	swait.ge [sflag:s29], $0x1  }
0xb3: {  	[sflag:s29] =	ssyncadd.s32 $0xFFFFFFFF  }
0xb4: {  	_ =	strace $0x90000048  }
0xb5: {  	_ =	sfence  }
0xb6: {  	s30 =	sld [smem:$0x0];
	_ =	sdelay $0x2  }
0xb7: {  	s31 =	sshll.u32 s1, $0xD;
	s1 =	sshrl.u32 s1, $0x2  }
0xb8: {  	s3 =	sand.u32 $0x4000, s31;
	s1 =	sadd.s32 s1, s30  }
0xb9: {  	s0 =	sor.u32 s3, s0;
	s1 =	sshll.u32 s1, $0x11  }
0xba: {  	s0 =	sor.u32 s1, s0  }
0xbb: {  	s0 =	sadd.s32 $0x8F2B, s0  }
0xbc: {  	[sflag:s0] =	ssyncadd.remote.s32 $0x1  }
0xbd: {  	_ =	sfence.sel $0xFFFF  }
0xbe: {  	[dreg:$0x0] =	wrdreg $0xFFFFFFFF;
	(pc) =	sbr.abs _section_cstart, $3  }
0xbf: {  	[dreg:$0x1] =	wrdreg $0xFFFFFFFF  }
0xc0: {  	_ =	task.clear_ibuf [dreg:s6], $0x2FFFF;
	_ =	strace $0x9FFFFFFF  }
0xc1: {  	(tm) =	ssettm $0x7FFFFFFF  }
tec
execute0_lowered:
.L_overlay_start_1:
0x0: {  	(tag) =	ssettag $0x1  }
0x1: {  	v0 =	vimm.s32 $0xFEDCBA98;
	v1 =	vimm.s32 $0x76543210  }
0x2: {  	v2 =	vimm.s32 $0xBA98FEDC;
	v3 =	vimm.s32 $0x32107654;
	v4 =	vimm.s32 $0xDCFE98BA  }
0x3: {  	s3 =	rddreg [dreg:$0x0];
	v5 =	vimm.s32 $0x54761032;
	v6 =	vimm.s32 $0xEFCDAB89;
	v7 =	vimm.s32 $0x67452301  }
0x4: {  	s0 =	rddreg [dreg:$0x1];
	v0 =	vunpack.c.l.s4.s8 v0;
	v1 =	vunpack.c.l.s4.s8 v1;
	v2 =	vunpack.c.l.s4.s8 v2  }
0x5: {  	s4 =	srdreg.scid;
	s2 =	simm.s32 $0x0;
	s1 =	stileid.u32;
	v3 =	vunpack.c.l.s4.s8 v3;
	v4 =	vunpack.c.l.s4.s8 v4;
	v5 =	vunpack.c.l.s4.s8 v5  }
0x6: {  	s9 =	simm.s32 $0x400;
	s4 =	sand.u32 $0x1, s4;
	[smem:$0x7FF] =	sst s2;
	v6 =	vunpack.c.l.s4.s8 v6;
	v7 =	vunpack.c.l.s4.s8 v7;
	v0 =	vunpack.c.0.s8.s32 v0  }
0x7: {  	s5 =	sshll.u32 s1, $0x7;
	s7 =	sshll.u32 s1, $0x5;
	s6 =	sshll.u32 s4, $0x6;
	v2 =	vunpack.c.0.s8.s32 v2;
	v3 =	vunpack.c.0.s8.s32 v3;
	v4 =	vunpack.c.0.s8.s32 v4  }
0x8: {  	_ =	strace $0x80000047;
	s30 =	sshll.u32 s4, $0x4;
	s4 =	ssub.s32 $0x2, s4;
	v5 =	vunpack.c.0.s8.s32 v5;
	v6 =	vunpack.c.0.s8.s32 v6;
	v7 =	vunpack.c.0.s8.s32 v7  }
0x9: {  	s5 =	sor.u32 s6, s5;
	s6 =	sadd.s32 s30, s3;
	s31 =	sshrl.u32 s4, $0x1;
	v1 =	vunpack.c.0.s8.s32 v1;
	v2 =	vcombine.low v3, v2  }
0xa: {  	s5 =	sadd.s32 s5, s3;
	s8 =	ssub.s32 s4, s31;
	s6 =	sadd.s32 s7, s6;
	v3 =	vcombine.low v5, v4;
	v4 =	vcombine.low v7, v6;
	v0 =	vand.u32 $0xF, v0  }
0xb: {  	s7 =	simm.s32 $0x1;
	s3 =	sadd.s32 $0x1000, s5;
	s4 =	sadd.s32 $0x1800, s5;
	v0 =	vcombine.low v0, v1  }
0xc: {  	s5 =	sadd.s32 $0x2000, s6;
	s6 =	smax.u32 s8, $0x1;
	s8 =	simm.s32 $0x200;
	v1 =	vand.u32 $0xF, v2;
	v2 =	vand.u32 $0xF, v3;
	v3 =	vand.u32 $0xF, v4  }
.LBB2_1:
0xd: {  	[tilespmem:s2], [sflag:$0x1] =	stream.linear.gather [hbm4b:s3+s2], $0x200, $0x38;
	[tilespmem:$0x480] =	vst v63  }
0xe: {  	_ =	swait.ge [sflag:s7], $0x200  }
0xf: {  	[sflag:s7] =	ssyncset.done $0x0  }
0x10: {  	[sflag:s7] =	ssyncadd.s32 $0xFFFFFE00  }
0x11: {  	v12 =	vld [tilespmem:$0x0]  }
0x12: {  	v13 =	vld [tilespmem:$0x10]  }
0x13: {  	v14 =	vld [tilespmem:$0x20]  }
0x14: {  	v15 =	vld [tilespmem:$0x30];
	_ =	sdelay $0x2  }
0x15: {  	v4 =	vmax.f32 v12, v13  }
0x16: {  	v4 =	vmax.f32 v4, v14  }
0x17: {  	v4 =	vmax.f32 v4, v15  }
0x18: {  	v5 =	vperm.xlane v4, v0;
	_ =	sdelay $0x1  }
0x19: {  	v4 =	vmax.f32 v4, v5  }
0x1a: {  	v5 =	vperm.xlane v4, v1;
	_ =	sdelay $0x1  }
0x1b: {  	v4 =	vmax.f32 v4, v5  }
0x1c: {  	v5 =	vperm.xlane v4, v2;
	_ =	sdelay $0x1  }
0x1d: {  	v4 =	vmax.f32 v4, v5  }
0x1e: {  	v5 =	vperm.xlane v4, v3;
	_ =	sdelay $0x1  }
0x1f: {  	v18 =	vmax.f32 v4, v5  }
0x20: {  	vm0 =	vge.f32 v12, v18;
	vm1 =	vge.f32 v13, v18  }
0x21: {  	vm15 =	vge.f32 v14, v18;
	v4 =	vsel vm0, $0xFF800000, v12;
	v5 =	vsel vm1, $0xFF800000, v13  }
0x22: {  	vm4 =	vge.f32 v15, v18;
	v6 =	vsel vm15, $0xFF800000, v14;
	v7 =	vmax.f32 v4, v5  }
0x23: {  	v8 =	vsel vm4, $0xFF800000, v15;
	v7 =	vmax.f32 v7, v6  }
0x24: {  	v7 =	vmax.f32 v7, v8  }
0x25: {  	v9 =	vperm.xlane v7, v0;
	_ =	sdelay $0x1  }
0x26: {  	v7 =	vmax.f32 v7, v9  }
0x27: {  	v9 =	vperm.xlane v7, v1;
	_ =	sdelay $0x1  }
0x28: {  	v7 =	vmax.f32 v7, v9  }
0x29: {  	v9 =	vperm.xlane v7, v2;
	_ =	sdelay $0x1  }
0x2a: {  	v7 =	vmax.f32 v7, v9  }
0x2b: {  	v9 =	vperm.xlane v7, v3;
	_ =	sdelay $0x1  }
0x2c: {  	v7 =	vmax.f32 v7, v9  }
0x2d: {  	vm5 =	vge.f32 v4, v7;
	vm1 =	vge.f32 v5, v7  }
0x2e: {  	vm6 =	vge.f32 v6, v7;
	v4 =	vsel vm5, $0xFF800000, v4;
	v5 =	vsel vm1, $0xFF800000, v5  }
0x2f: {  	vm7 =	vge.f32 v8, v7;
	v6 =	vsel vm6, $0xFF800000, v6;
	v22 =	vmax.f32 v4, v5  }
0x30: {  	v8 =	vsel vm7, $0xFF800000, v8;
	v7 =	vmax.f32 v22, v6  }
0x31: {  	v7 =	vmax.f32 v7, v8  }
0x32: {  	v23 =	vperm.xlane v7, v0;
	_ =	sdelay $0x1  }
0x33: {  	v7 =	vmax.f32 v7, v23  }
0x34: {  	v9 =	vperm.xlane v7, v1;
	_ =	sdelay $0x1  }
0x35: {  	v7 =	vmax.f32 v7, v9  }
0x36: {  	v9 =	vperm.xlane v7, v2;
	_ =	sdelay $0x1  }
0x37: {  	v7 =	vmax.f32 v7, v9  }
0x38: {  	v9 =	vperm.xlane v7, v3;
	_ =	sdelay $0x1  }
0x39: {  	v7 =	vmax.f32 v7, v9  }
0x3a: {  	vm8 =	vge.f32 v4, v7;
	vm1 =	vge.f32 v5, v7  }
0x3b: {  	vm9 =	vge.f32 v6, v7;
	v4 =	vsel vm8, $0xFF800000, v4;
	v16 =	vsel vm1, $0xFF800000, v5  }
0x3c: {  	vm10 =	vge.f32 v8, v7;
	v6 =	vsel vm9, $0xFF800000, v6;
	v5 =	vmax.f32 v4, v16  }
0x3d: {  	v7 =	vsel vm10, $0xFF800000, v8;
	v5 =	vmax.f32 v5, v6  }
0x3e: {  	v5 =	vmax.f32 v5, v7  }
0x3f: {  	v24 =	vperm.xlane v5, v0;
	_ =	sdelay $0x1  }
0x40: {  	v5 =	vmax.f32 v5, v24  }
0x41: {  	v8 =	vperm.xlane v5, v1;
	_ =	sdelay $0x1  }
0x42: {  	v11 =	vld [tilespmem:$0x80];
	v5 =	vmax.f32 v5, v8  }
0x43: {  	v10 =	vld [tilespmem:$0x90];
	v8 =	vperm.xlane v5, v2  }
0x44: {  	v9 =	vld [tilespmem:$0xA0]  }
0x45: {  	v8 =	vmax.f32 v5, v8;
	v5 =	vld [tilespmem:$0xB0]  }
0x46: {  	v17 =	vperm.xlane v8, v3;
	_ =	sdelay $0x1  }
0x47: {  	v25 =	vmax.f32 v11, v10;
	v8 =	vmax.f32 v8, v17  }
0x48: {  	v17 =	vmax.f32 v25, v9;
	vm11 =	vge.f32 v4, v8  }
0x49: {  	vm12 =	vge.f32 v16, v8;
	vm13 =	vge.f32 v6, v8;
	v17 =	vmax.f32 v17, v5  }
0x4a: {  	v4 =	vsel vm11, $0xFF800000, v4;
	v19 =	vsel vm12, $0xFF800000, v16;
	v26 =	vperm.xlane v17, v0  }
0x4b: {  	vm14 =	vge.f32 v7, v8;
	v6 =	vsel vm13, $0xFF800000, v6;
	v27 =	vmax.f32 v4, v19  }
0x4c: {  	v7 =	vsel vm14, $0xFF800000, v7;
	v8 =	vmax.f32 v27, v6;
	v16 =	vmax.f32 v17, v26  }
0x4d: {  	v8 =	vmax.f32 v8, v7;
	v17 =	vperm.xlane v16, v1  }
0x4e: {  	v20 =	vperm.xlane v8, v0  }
0x4f: {  	v16 =	vmax.f32 v16, v17  }
0x50: {  	v8 =	vmax.f32 v8, v20;
	v17 =	vperm.xlane v16, v2  }
0x51: {  	v20 =	vperm.xlane v8, v1  }
0x52: {  	v16 =	vmax.f32 v16, v17  }
0x53: {  	v8 =	vmax.f32 v8, v20;
	v17 =	vperm.xlane v16, v3  }
0x54: {  	v20 =	vperm.xlane v8, v2  }
0x55: {  	v16 =	vmax.f32 v16, v17  }
0x56: {  	v8 =	vmax.f32 v8, v20;
	vm15 =	vge.f32 v11, v16;
	vm4 =	vge.f32 v10, v16  }
0x57: {  	vm5 =	vge.f32 v9, v16;
	v28 =	vsel vm15, $0xFF800000, v11;
	v29 =	vsel vm4, $0xFF800000, v10  }
0x58: {  	vm6 =	vge.f32 v5, v16;
	v21 =	vsel vm5, $0xFF800000, v9;
	v22 =	vmax.f32 v28, v29  }
0x59: {  	v23 =	vperm.xlane v8, v3;
	v24 =	vsel vm6, $0xFF800000, v5;
	v22 =	vmax.f32 v22, v21  }
0x5a: {  	v22 =	vmax.f32 v22, v24  }
0x5b: {  	v8 =	vmax.f32 v8, v23;
	v30 =	vperm.xlane v22, v0  }
0x5c: {  	vm7 =	vge.f32 v4, v8  }
0x5d: {  	vm8 =	vge.f32 v19, v8;
	vm9 =	vge.f32 v6, v8;
	v22 =	vmax.f32 v22, v30  }
0x5e: {  	v4 =	vsel vm7, $0xFF800000, v4;
	v19 =	vsel vm8, $0xFF800000, v19;
	v23 =	vperm.xlane v22, v1  }
0x5f: {  	vm10 =	vge.f32 v7, v8;
	v6 =	vsel vm9, $0xFF800000, v6;
	v31 =	vmax.f32 v4, v19  }
0x60: {  	v7 =	vsel vm10, $0xFF800000, v7;
	v8 =	vmax.f32 v31, v6;
	v22 =	vmax.f32 v22, v23  }
0x61: {  	v8 =	vmax.f32 v8, v7;
	v23 =	vperm.xlane v22, v2  }
0x62: {  	v25 =	vperm.xlane v8, v0  }
0x63: {  	v22 =	vmax.f32 v22, v23  }
0x64: {  	v8 =	vmax.f32 v8, v25;
	v23 =	vperm.xlane v22, v3  }
0x65: {  	v25 =	vperm.xlane v8, v1  }
0x66: {  	v22 =	vmax.f32 v22, v23  }
0x67: {  	v8 =	vmax.f32 v8, v25;
	vm11 =	vge.f32 v28, v22;
	vm1 =	vge.f32 v29, v22  }
0x68: {  	vm12 =	vge.f32 v21, v22;
	v17 =	vsel vm11, $0xFF800000, v28;
	v20 =	vsel vm1, $0xFF800000, v29  }
0x69: {  	vm13 =	vge.f32 v24, v22;
	v21 =	vsel vm12, $0xFF800000, v21;
	v32 =	vmax.f32 v17, v20  }
0x6a: {  	v33 =	vperm.xlane v8, v2;
	v24 =	vsel vm13, $0xFF800000, v24;
	v22 =	vmax.f32 v32, v21  }
0x6b: {  	v22 =	vmax.f32 v22, v24  }
0x6c: {  	v8 =	vmax.f32 v8, v33;
	v34 =	vperm.xlane v22, v0  }
0x6d: {  	v35 =	vperm.xlane v8, v3  }
0x6e: {  	v22 =	vmax.f32 v22, v34  }
0x6f: {  	v8 =	vmax.f32 v8, v35;
	v23 =	vperm.xlane v22, v1  }
0x70: {  	vm14 =	vge.f32 v4, v8  }
0x71: {  	vm15 =	vge.f32 v19, v8;
	v36 =	vsel vm14, $0xFF800000, v4;
	v4 =	vmax.f32 v22, v23  }
0x72: {  	vm4 =	vge.f32 v6, v8;
	v19 =	vsel vm15, $0xFF800000, v19;
	v22 =	vperm.xlane v4, v2  }
0x73: {  	vm5 =	vge.f32 v7, v8;
	v37 =	vsel vm4, $0xFF800000, v6;
	v38 =	vmax.f32 v36, v19  }
0x74: {  	v26 =	vsel vm5, $0xFF800000, v7;
	v6 =	vmax.f32 v38, v37;
	v4 =	vmax.f32 v4, v22  }
0x75: {  	v6 =	vmax.f32 v6, v26;
	v39 =	vperm.xlane v4, v3  }
0x76: {  	v40 =	vperm.xlane v6, v0  }
0x77: {  	v4 =	vmax.f32 v4, v39  }
0x78: {  	v6 =	vmax.f32 v6, v40;
	vm6 =	vge.f32 v17, v4;
	vm1 =	vge.f32 v20, v4  }
0x79: {  	vm7 =	vge.f32 v21, v4;
	v17 =	vsel vm6, $0xFF800000, v17;
	v20 =	vsel vm1, $0xFF800000, v20  }
0x7a: {  	vm8 =	vge.f32 v24, v4;
	v21 =	vsel vm7, $0xFF800000, v21;
	v4 =	vmax.f32 v17, v20  }
0x7b: {  	v41 =	vperm.xlane v6, v1;
	v42 =	vsel vm8, $0xFF800000, v24;
	v4 =	vmax.f32 v4, v21  }
0x7c: {  	v4 =	vmax.f32 v4, v42  }
0x7d: {  	v6 =	vmax.f32 v6, v41;
	v43 =	vperm.xlane v4, v0  }
0x7e: {  	v44 =	vperm.xlane v6, v2  }
0x7f: {  	v4 =	vmax.f32 v4, v43  }
0x80: {  	v6 =	vmax.f32 v6, v44;
	v7 =	vperm.xlane v4, v1  }
0x81: {  	v45 =	vperm.xlane v6, v3  }
0x82: {  	v8 =	vld [tilespmem:$0x100];
	v4 =	vmax.f32 v4, v7  }
0x83: {  	v24 =	vmax.f32 v6, v45;
	v7 =	vld [tilespmem:$0x110];
	v27 =	vperm.xlane v4, v2  }
0x84: {  	v6 =	vld [tilespmem:$0x120];
	vm9 =	vge.f32 v19, v24  }
0x85: {  	v19 =	vsel vm9, $0xFF800000, v19;
	v27 =	vmax.f32 v4, v27;
	v4 =	vld [tilespmem:$0x130]  }
0x86: {  	vm10 =	vge.f32 v36, v24;
	v25 =	vmax.f32 v36, v19;
	v28 =	vperm.xlane v27, v3  }
0x87: {  	vm11 =	vge.f32 v37, v24;
	vm2 =	vge.f32 v26, v24;
	v19 =	vsel vm10, v19, v25  }
0x88: {  	v23 =	vmax.f32 v19, v37;
	v47 =	vmax.f32 v8, v7;
	v46 =	vmax.f32 v27, v28  }
0x89: {  	v19 =	vsel vm11, v19, v23;
	v48 =	vmax.f32 v47, v6;
	vm12 =	vge.f32 v17, v46  }
0x8a: {  	vm13 =	vge.f32 v20, v46;
	vm14 =	vge.f32 v21, v46;
	v50 =	vmax.f32 v48, v4  }
0x8b: {  	v49 =	vsel vm12, $0xFF800000, v17;
	v20 =	vsel vm13, $0xFF800000, v20;
	v23 =	vperm.xlane v50, v0  }
0x8c: {  	vm15 =	vge.f32 v42, v46;
	v21 =	vsel vm14, $0xFF800000, v21;
	v51 =	vmax.f32 v49, v20  }
0x8d: {  	v22 =	vsel vm15, $0xFF800000, v42;
	v24 =	vmax.f32 v51, v21;
	v17 =	vmax.f32 v50, v23  }
0x8e: {  	v24 =	vmax.f32 v24, v22;
	v53 =	vperm.xlane v17, v1  }
0x8f: {  	v54 =	vperm.xlane v24, v0  }
0x90: {  	v17 =	vmax.f32 v17, v53  }
0x91: {  	v23 =	vmax.f32 v24, v54;
	v56 =	vperm.xlane v17, v2  }
0x92: {  	v52 =	vmax.f32 v19, v26;
	v57 =	vperm.xlane v23, v1  }
0x93: {  	v58 =	vsub.f32 v12, v18;
	v19 =	vsel vm2, v19, v52;
	v17 =	vmax.f32 v17, v56  }
0x94: {  	v55 =	vperm.xlane v19, v0;
	v23 =	vmax.f32 v23, v57;
	v59 =	vperm.xlane v17, v3  }
0x95: {  	v33 =	vsub.f32 v13, v18;
	v35 =	vsub.f32 v14, v18;
	v60 =	vperm.xlane v23, v2  }
0x96: {  	v18 =	vsub.f32 v15, v18;
	v19 =	vmax.f32 v19, v55;
	v17 =	vmax.f32 v17, v59  }
0x97: {  	v23 =	vmax.f32 v23, v60;
	vm4 =	vge.f32 v8, v17;
	vm5 =	vge.f32 v7, v17  }
0x98: {  	vm6 =	vge.f32 v6, v17;
	v62 =	vsel vm4, $0xFF800000, v8;
	v63 =	vsel vm5, $0xFF800000, v7  }
0x99: {  	vm7 =	vge.f32 v4, v17;
	v29 =	vsel vm6, $0xFF800000, v6;
	v30 =	vmax.f32 v62, v63  }
0x9a: {  	v31 =	vperm.xlane v23, v3;
	v32 =	vsel vm7, $0xFF800000, v4;
	v30 =	vmax.f32 v30, v29  }
0x9b: {  	v27 =	vperm.xlane v19, v1;
	v24 =	vmul.f32 $1.442695020e+00, v58;
	v30 =	vmax.f32 v30, v32  }
0x9c: {  	v18 =	vmul.f32 $1.442695020e+00, v18;
	v23 =	vmax.f32 v23, v31;
	v34 =	vperm.xlane v30, v0  }
0x9d: {  	v19 =	vmax.f32 v19, v27;
	(erf) = vpow2.f32 v24;
	vm8 =	vge.f32 v49, v23  }
0x9e: {  	vm9 =	vge.f32 v20, v23;
	vm10 =	vge.f32 v21, v23;
	v24 =	vmax.f32 v30, v34  }
0x9f: {  	v25 =	vsel vm8, $0xFF800000, v49;
	v20 =	vsel vm9, $0xFF800000, v20;
	v30 =	vperm.xlane v24, v1  }
0xa0: {  	vm11 =	vge.f32 v22, v23;
	v21 =	vsel vm10, $0xFF800000, v21;
	v36 =	vmax.f32 v25, v20  }
0xa1: {  	v22 =	vsel vm11, $0xFF800000, v22;
	v23 =	vmax.f32 v36, v21;
	v24 =	vmax.f32 v24, v30  }
0xa2: {  	v61 =	vperm.xlane v19, v2;
	v23 =	vmax.f32 v23, v22;
	v38 =	vperm.xlane v24, v2  }
0xa3: {  	v37 =	vmul.f32 $1.442695020e+00, v35;
	v39 =	vperm.xlane v23, v0  }
0xa4: {  	v28 =	vmul.f32 $1.442695020e+00, v33;
	v19 =	vmax.f32 v19, v61;
	v24 =	vmax.f32 v24, v38  }
0xa5: {  	v33 =	vperm.xlane v19, v3;
	v23 =	vmax.f32 v23, v39;
	v40 =	vperm.xlane v24, v3  }
0xa6: {  	(erf) = vpow2.f32 v28;
	v41 =	vperm.xlane v23, v1  }
0xa7: {  	v19 =	vmax.f32 v19, v33;
	(erf) = vpow2.f32 v37;
	v42 =	vmax.f32 v24, v40  }
0xa8: {  	v43 =	vmax.f32 v23, v41;
	vm13 =	vge.f32 v62, v42;
	vm14 =	vge.f32 v63, v42  }
0xa9: {  	vm15 =	vge.f32 v29, v42;
	v44 =	vsel vm13, $0xFF800000, v62;
	v45 =	vsel vm14, $0xFF800000, v63  }
0xaa: {  	vm4 =	vge.f32 v32, v42;
	v46 =	vsel vm15, $0xFF800000, v29;
	v47 =	vmax.f32 v44, v45  }
0xab: {  	v49 =	vperm.xlane v43, v2;
	v50 =	vsel vm4, $0xFF800000, v32;
	v51 =	vmax.f32 v47, v46  }
0xac: {  	vm12 =	vge.f32 v12, v19;
	v52 =	vmax.f32 v51, v50  }
0xad: {  	(erf) = vpow2.f32 v18;
	v18 =	vmax.f32 v43, v49;
	v54 =	vperm.xlane v52, v0  }
0xae: {  	vm5 =	vge.f32 v13, v19;
	vm6 =	vge.f32 v14, v19;
	v48 =	vpop (erf);
	v56 =	vperm.xlane v18, v3  }
0xaf: {  	vm7 =	vge.f32 v15, v19;
	v12 =	vnsel vm12, $0x0, v48;
	v53 =	vpop (erf);
	v27 =	vmax.f32 v52, v54  }
0xb0: {  	v13 =	vnsel vm5, $0x0, v53;
	v55 =	vpop (erf);
	v18 =	vmax.f32 v18, v56;
	v59 =	vperm.xlane v27, v1  }
0xb1: {  	v14 =	vnsel vm6, $0x0, v55;
	v57 =	vadd.f32 v13, v12;
	vm8 =	vge.f32 v25, v18  }
0xb2: {  	vm9 =	vge.f32 v20, v18;
	vm10 =	vge.f32 v21, v18;
	v19 =	vmax.f32 v27, v59  }
0xb3: {  	v25 =	vsel vm8, $0xFF800000, v25;
	v61 =	vsel vm9, $0xFF800000, v20;
	v62 =	vperm.xlane v19, v2  }
0xb4: {  	vm11 =	vge.f32 v22, v18;
	v63 =	vsel vm10, $0xFF800000, v21;
	v39 =	vmax.f32 v25, v61  }
0xb5: {  	v40 =	vsel vm11, $0xFF800000, v22;
	v18 =	vmax.f32 v39, v63;
	v19 =	vmax.f32 v19, v62  }
0xb6: {  	v58 =	vpop (erf);
	v60 =	vadd.f32 v57, v14;
	v18 =	vmax.f32 v18, v40;
	v20 =	vperm.xlane v19, v3  }
0xb7: {  	v15 =	vnsel vm7, $0x0, v58;
	v42 =	vperm.xlane v18, v0  }
0xb8: {  	v41 =	vadd.f32 v60, v15;
	v19 =	vmax.f32 v19, v20  }
0xb9: {  	v43 =	vmax.f32 v18, v42;
	vm12 =	vge.f32 v44, v19;
	vm13 =	vge.f32 v45, v19  }
0xba: {  	v18 =	vld [tilespmem:$0x180];
	vm14 =	vge.f32 v46, v19;
	v23 =	vsel vm12, $0xFF800000, v44;
	v24 =	vsel vm13, $0xFF800000, v45  }
0xbb: {  	v20 =	vld [tilespmem:$0x190];
	vm15 =	vge.f32 v50, v19;
	v26 =	vsel vm14, $0xFF800000, v46;
	v44 =	vmax.f32 v23, v24  }
0xbc: {  	v21 =	vld [tilespmem:$0x1A0];
	v29 =	vsel vm15, $0xFF800000, v50;
	v19 =	vmax.f32 v44, v26  }
0xbd: {  	v28 =	vperm.xlane v41, v0;
	v45 =	vperm.xlane v43, v1;
	v34 =	vmax.f32 v19, v29;
	v19 =	vld [tilespmem:$0x1B0];
	_ =	sdelay $0x1  }
0xbe: {  	v22 =	vadd.f32 v41, v28;
	v46 =	vmax.f32 v43, v45;
	v47 =	vperm.xlane v34, v0  }
0xbf: {  	v33 =	vperm.xlane v46, v2;
	v48 =	vmax.f32 v18, v20  }
0xc0: {  	v35 =	vperm.xlane v22, v1;
	v32 =	vmax.f32 v34, v47;
	v34 =	vmax.f32 v48, v21  }
0xc1: {  	v28 =	vmax.f32 v46, v33;
	v49 =	vperm.xlane v32, v1;
	v34 =	vmax.f32 v34, v19  }
0xc2: {  	v36 =	vperm.xlane v28, v3;
	v50 =	vperm.xlane v34, v0  }
0xc3: {  	v22 =	vadd.f32 v22, v35;
	v32 =	vmax.f32 v32, v49  }
0xc4: {  	v28 =	vmax.f32 v28, v36;
	v51 =	vperm.xlane v32, v2;
	v33 =	vmax.f32 v34, v50  }
0xc5: {  	v52 =	vperm.xlane v22, v2;
	vm4 =	vge.f32 v61, v28;
	v34 =	vperm.xlane v33, v1  }
0xc6: {  	vm5 =	vge.f32 v25, v28;
	v27 =	vsel vm4, $0xFF800000, v61;
	v32 =	vmax.f32 v32, v51  }
0xc7: {  	v25 =	vmax.f32 v25, v27;
	v35 =	vperm.xlane v32, v3;
	v53 =	vmax.f32 v33, v34  }
0xc8: {  	v54 =	vadd.f32 v22, v52;
	v25 =	vsel vm5, v27, v25;
	v33 =	vperm.xlane v53, v2  }
0xc9: {  	vm6 =	vge.f32 v63, v28;
	v30 =	vmax.f32 v25, v63;
	v32 =	vmax.f32 v32, v35  }
0xca: {  	v25 =	vsel vm6, v25, v30;
	vm7 =	vge.f32 v23, v32;
	v55 =	vmax.f32 v53, v33  }
0xcb: {  	vm8 =	vge.f32 v24, v32;
	vm9 =	vge.f32 v26, v32;
	v27 =	vperm.xlane v55, v3  }
0xcc: {  	vm10 =	vge.f32 v29, v32;
	v23 =	vsel vm7, $0xFF800000, v23;
	v24 =	vsel vm8, $0xFF800000, v24  }
0xcd: {  	v26 =	vsel vm9, $0xFF800000, v26;
	v29 =	vsel vm10, $0xFF800000, v29;
	v22 =	vmax.f32 v55, v27  }
0xce: {  	v56 =	vmax.f32 v23, v24;
	vm11 =	vge.f32 v18, v22;
	vm12 =	vge.f32 v20, v22  }
0xcf: {  	vm13 =	vge.f32 v21, v22;
	v58 =	vsel vm11, $0xFF800000, v18;
	v59 =	vsel vm12, $0xFF800000, v20  }
0xd0: {  	vm14 =	vge.f32 v19, v22;
	v60 =	vsel vm13, $0xFF800000, v21;
	v61 =	vmax.f32 v58, v59  }
0xd1: {  	v30 =	vmax.f32 v56, v26;
	v37 =	vsel vm14, $0xFF800000, v19;
	v35 =	vmax.f32 v61, v60  }
0xd2: {  	vm15 =	vge.f32 v40, v28;
	v57 =	vmax.f32 v30, v29;
	v35 =	vmax.f32 v35, v37  }
0xd3: {  	v31 =	vmax.f32 v25, v40;
	v62 =	vperm.xlane v57, v0;
	v40 =	vperm.xlane v35, v0;
	_ =	sdelay $0x1  }
0xd4: {  	v63 =	vperm.xlane v54, v3;
	v27 =	vmax.f32 v57, v62;
	v35 =	vmax.f32 v35, v40  }
0xd5: {  	v41 =	vperm.xlane v27, v1;
	v43 =	vperm.xlane v35, v1  }
0xd6: {  	v45 =	vsub.f32 v11, v16;
	v28 =	vadd.f32 v54, v63;
	v25 =	vsel vm15, v25, v31  }
0xd7: {  	v42 =	vperm.xlane v25, v0;
	v27 =	vmax.f32 v27, v41;
	v31 =	vmax.f32 v35, v43  }
0xd8: {  	v46 =	vsub.f32 v10, v16;
	v44 =	vperm.xlane v27, v2;
	v47 =	vperm.xlane v31, v2  }
0xd9: {  	v48 =	vmul.f32 $1.442695020e+00, v45;
	(erf) = vrcp.f32 v28;
	v25 =	vmax.f32 v25, v42  }
0xda: {  	v34 =	vperm.xlane v25, v1;
	v27 =	vmax.f32 v27, v44;
	v28 =	vmax.f32 v31, v47  }
0xdb: {  	v49 =	vperm.xlane v27, v3;
	v51 =	vperm.xlane v28, v3  }
0xdc: {  	(erf) = vpow2.f32 v48;
	v25 =	vmax.f32 v25, v34;
	v35 =	vmul.f32 $1.442695020e+00, v46  }
0xdd: {  	v50 =	vperm.xlane v25, v2;
	v27 =	vmax.f32 v27, v49;
	v28 =	vmax.f32 v28, v51  }
0xde: {  	(erf) = vpow2.f32 v35;
	vm6 =	vge.f32 v58, v28;
	vm7 =	vge.f32 v59, v28  }
0xdf: {  	vm8 =	vge.f32 v60, v28;
	v30 =	vsel vm6, $0xFF800000, v58;
	v32 =	vsel vm7, $0xFF800000, v59  }
0xe0: {  	vm9 =	vge.f32 v37, v28;
	v33 =	vsel vm8, $0xFF800000, v60;
	v53 =	vmax.f32 v30, v32  }
0xe1: {  	vm4 =	vge.f32 v23, v27;
	v54 =	vsel vm9, $0xFF800000, v37;
	v28 =	vmax.f32 v53, v33  }
0xe2: {  	vm5 =	vge.f32 v24, v27;
	vm10 =	vge.f32 v26, v27;
	v28 =	vmax.f32 v28, v54  }
0xe3: {  	v23 =	vsel vm4, $0xFF800000, v23;
	v24 =	vsel vm5, $0xFF800000, v24;
	v56 =	vperm.xlane v28, v0  }
0xe4: {  	vm11 =	vge.f32 v29, v27;
	v26 =	vsel vm10, $0xFF800000, v26;
	v55 =	vmax.f32 v23, v24  }
0xe5: {  	v29 =	vsel vm11, $0xFF800000, v29;
	v27 =	vmax.f32 v55, v26;
	v28 =	vmax.f32 v28, v56  }
0xe6: {  	v27 =	vmax.f32 v27, v29;
	v59 =	vperm.xlane v28, v1  }
0xe7: {  	v52 =	vsub.f32 v9, v16;
	v25 =	vmax.f32 v25, v50;
	v58 =	vperm.xlane v27, v0  }
0xe8: {  	v57 =	vperm.xlane v25, v3;
	v28 =	vmax.f32 v28, v59  }
0xe9: {  	v31 =	vmul.f32 $1.442695020e+00, v52;
	v27 =	vmax.f32 v27, v58;
	v61 =	vperm.xlane v28, v2  }
0xea: {  	v60 =	vsub.f32 v5, v16;
	v35 =	vperm.xlane v27, v1  }
0xeb: {  	v25 =	vmax.f32 v25, v57;
	(erf) = vpow2.f32 v31;
	v28 =	vmax.f32 v28, v61  }
0xec: {  	v16 =	vpop (erf);
	v31 =	vmul.f32 $1.442695020e+00, v60;
	v27 =	vmax.f32 v27, v35;
	v36 =	vperm.xlane v28, v3  }
0xed: {  	vm12 =	vge.f32 v11, v25;
	v62 =	vpop (erf);
	v35 =	vperm.xlane v27, v2  }
0xee: {  	vm13 =	vge.f32 v10, v25;
	v63 =	vpop (erf);
	(erf) = vpow2.f32 v31;
	v40 =	vmax.f32 v28, v36  }
0xef: {  	v27 =	vmax.f32 v27, v35;
	vm15 =	vge.f32 v30, v40;
	vm4 =	vge.f32 v32, v40  }
0xf0: {  	vm5 =	vge.f32 v33, v40;
	v30 =	vsel vm15, $0xFF800000, v30;
	v42 =	vsel vm4, $0xFF800000, v32  }
0xf1: {  	vm6 =	vge.f32 v54, v40;
	v33 =	vsel vm5, $0xFF800000, v33;
	v44 =	vmax.f32 v30, v42  }
0xf2: {  	v41 =	vperm.xlane v27, v3;
	v45 =	vsel vm6, $0xFF800000, v54;
	v46 =	vmax.f32 v44, v33  }
0xf3: {  	vm7 =	vge.f32 v5, v25;
	v11 =	vnsel vm12, $0x0, v62;
	v47 =	vmax.f32 v46, v45  }
0xf4: {  	v10 =	vnsel vm13, $0x0, v63;
	v5 =	vmax.f32 v27, v41;
	v49 =	vperm.xlane v47, v0  }
0xf5: {  	vm14 =	vge.f32 v9, v25;
	v48 =	vadd.f32 v10, v11;
	vm8 =	vge.f32 v23, v5  }
0xf6: {  	vm9 =	vge.f32 v24, v5;
	vm10 =	vge.f32 v26, v5;
	v25 =	vmax.f32 v47, v49  }
0xf7: {  	v23 =	vsel vm8, $0xFF800000, v23;
	v24 =	vsel vm9, $0xFF800000, v24;
	v28 =	vperm.xlane v25, v1  }
0xf8: {  	vm11 =	vge.f32 v29, v5;
	v26 =	vsel vm10, $0xFF800000, v26;
	v5 =	vmax.f32 v23, v24  }
0xf9: {  	v43 =	vpop (erf);
	v29 =	vsel vm11, $0xFF800000, v29;
	v51 =	vmax.f32 v5, v26;
	v25 =	vmax.f32 v25, v28  }
0xfa: {  	v9 =	vnsel vm14, $0x0, v43;
	v52 =	vmax.f32 v51, v29;
	v54 =	vperm.xlane v25, v2  }
0xfb: {  	v27 =	vadd.f32 v48, v9;
	v50 =	vpop (erf);
	v53 =	vperm.xlane v52, v0  }
0xfc: {  	v5 =	vnsel vm7, $0x0, v50;
	v25 =	vmax.f32 v25, v54  }
0xfd: {  	v27 =	vadd.f32 v27, v5;
	v28 =	vmax.f32 v52, v53;
	v35 =	vperm.xlane v25, v3  }
0xfe: {  	v34 =	vperm.xlane v28, v1  }
0xff: {  	v55 =	vperm.xlane v27, v0;
	v25 =	vmax.f32 v25, v35  }
0x100: {  	v28 =	vmax.f32 v28, v34;
	vm12 =	vge.f32 v30, v25;
	vm13 =	vge.f32 v42, v25  }
0x101: {  	vm14 =	vge.f32 v33, v25;
	v30 =	vsel vm12, $0xFF800000, v30;
	v31 =	vsel vm13, $0xFF800000, v42  }
0x102: {  	vm15 =	vge.f32 v45, v25;
	v33 =	vsel vm14, $0xFF800000, v33;
	v56 =	vmax.f32 v30, v31  }
0x103: {  	v34 =	vperm.xlane v28, v2;
	v32 =	vsel vm15, $0xFF800000, v45;
	v25 =	vmax.f32 v56, v33  }
0x104: {  	v27 =	vadd.f32 v27, v55;
	v25 =	vmax.f32 v25, v32  }
0x105: {  	v28 =	vmax.f32 v28, v34;
	v59 =	vperm.xlane v25, v0  }
0x106: {  	v57 =	vperm.xlane v27, v1;
	v58 =	vperm.xlane v28, v3  }
0x107: {  	v25 =	vmax.f32 v25, v59  }
0x108: {  	v27 =	vadd.f32 v27, v57;
	v28 =	vmax.f32 v28, v58;
	v60 =	vperm.xlane v25, v1  }
0x109: {  	vm4 =	vge.f32 v24, v28  }
0x10a: {  	v34 =	vperm.xlane v27, v2;
	v24 =	vsel vm4, $0xFF800000, v24;
	v61 =	vmax.f32 v25, v60  }
0x10b: {  	vm5 =	vge.f32 v23, v28;
	v23 =	vmax.f32 v23, v24;
	v63 =	vperm.xlane v61, v2  }
0x10c: {  	v27 =	vadd.f32 v27, v34;
	v23 =	vsel vm5, v24, v23  }
0x10d: {  	vm6 =	vge.f32 v26, v28;
	v62 =	vmax.f32 v23, v26;
	v24 =	vmax.f32 v61, v63  }
0x10e: {  	v23 =	vsel vm6, v23, v62;
	v35 =	vperm.xlane v24, v3  }
0x10f: {  	vm7 =	vge.f32 v29, v28;
	v28 =	vperm.xlane v27, v3;
	v34 =	vmax.f32 v23, v29  }
0x110: {  	v37 =	vsub.f32 v8, v17;
	v23 =	vsel vm7, v23, v34;
	v24 =	vmax.f32 v24, v35  }
0x111: {  	v25 =	vadd.f32 v27, v28;
	vm8 =	vge.f32 v30, v24;
	vm9 =	vge.f32 v31, v24  }
0x112: {  	vm10 =	vge.f32 v33, v24;
	v38 =	vsel vm8, $0xFF800000, v30;
	v40 =	vsel vm9, $0xFF800000, v31  }
0x113: {  	vm11 =	vge.f32 v32, v24;
	v41 =	vsel vm10, $0xFF800000, v33;
	v42 =	vmax.f32 v38, v40  }
0x114: {  	v36 =	vperm.xlane v23, v0;
	v43 =	vsel vm11, $0xFF800000, v32;
	v24 =	vmax.f32 v42, v41  }
0x115: {  	(erf) = vrcp.f32 v25;
	v24 =	vmax.f32 v24, v43  }
0x116: {  	v25 =	vmul.f32 $1.442695020e+00, v37;
	v23 =	vmax.f32 v23, v36;
	v45 =	vperm.xlane v24, v0  }
0x117: {  	v39 =	vsub.f32 v7, v17;
	v44 =	vperm.xlane v23, v1  }
0x118: {  	v46 =	vsub.f32 v6, v17;
	(erf) = vpow2.f32 v25;
	v24 =	vmax.f32 v24, v45  }
0x119: {  	v27 =	vmul.f32 $1.442695020e+00, v39;
	v23 =	vmax.f32 v23, v44;
	v48 =	vperm.xlane v24, v1  }
0x11a: {  	v17 =	vsub.f32 v4, v17;
	v31 =	vperm.xlane v23, v2  }
0x11b: {  	v47 =	vmul.f32 $1.442695020e+00, v46;
	(erf) = vpow2.f32 v27;
	v24 =	vmax.f32 v24, v48  }
0x11c: {  	v17 =	vmul.f32 $1.442695020e+00, v17;
	v23 =	vmax.f32 v23, v31;
	v27 =	vperm.xlane v24, v2  }
0x11d: {  	(erf) = vpow2.f32 v47;
	v49 =	vperm.xlane v23, v3  }
0x11e: {  	v24 =	vmax.f32 v24, v27  }
0x11f: {  	(erf) = vpow2.f32 v17;
	v23 =	vmax.f32 v23, v49;
	v51 =	vperm.xlane v24, v3  }
0x120: {  	v17 =	vpop (erf);
	vm12 =	vge.f32 v8, v23  }
0x121: {  	v50 =	vpop (erf);
	vm13 =	vge.f32 v7, v23;
	vm14 =	vge.f32 v6, v23;
	v53 =	vmax.f32 v24, v51  }
0x122: {  	v8 =	vnsel vm12, $0x0, v50;
	vm15 =	vge.f32 v38, v53;
	vm4 =	vge.f32 v40, v53  }
0x123: {  	vm5 =	vge.f32 v41, v53;
	v55 =	vsel vm15, $0xFF800000, v38;
	v56 =	vsel vm4, $0xFF800000, v40  }
0x124: {  	v52 =	vpop (erf);
	vm6 =	vge.f32 v43, v53;
	v58 =	vsel vm5, $0xFF800000, v41;
	v59 =	vmax.f32 v55, v56  }
0x125: {  	v7 =	vnsel vm13, $0x0, v52;
	v60 =	vsel vm6, $0xFF800000, v43;
	v6 =	vmax.f32 v59, v58  }
0x126: {  	v57 =	vpop (erf);
	v54 =	vadd.f32 v7, v8;
	v6 =	vmax.f32 v6, v60  }
0x127: {  	v27 =	vnsel vm14, $0x0, v57;
	v62 =	vperm.xlane v6, v0  }
0x128: {  	vm7 =	vge.f32 v4, v23;
	v4 =	vpop (erf);
	v61 =	vadd.f32 v54, v27  }
0x129: {  	v4 =	vnsel vm7, $0x0, v4;
	v6 =	vmax.f32 v6, v62  }
0x12a: {  	v23 =	vadd.f32 v61, v4;
	v33 =	vperm.xlane v6, v1;
	_ =	sdelay $0x1  }
0x12b: {  	v63 =	vperm.xlane v23, v0;
	v6 =	vmax.f32 v6, v33  }
0x12c: {  	v34 =	vperm.xlane v6, v2  }
0x12d: {  	v23 =	vadd.f32 v23, v63  }
0x12e: {  	v6 =	vmax.f32 v6, v34  }
0x12f: {  	v35 =	vperm.xlane v23, v1;
	v24 =	vperm.xlane v6, v3;
	_ =	sdelay $0x1  }
0x130: {  	v23 =	vadd.f32 v23, v35;
	v6 =	vmax.f32 v6, v24  }
0x131: {  	vm8 =	vge.f32 v56, v6  }
0x132: {  	v36 =	vperm.xlane v23, v2;
	v37 =	vsel vm8, $0xFF800000, v56  }
0x133: {  	vm9 =	vge.f32 v55, v6;
	v25 =	vmax.f32 v55, v37  }
0x134: {  	v23 =	vadd.f32 v23, v36;
	v24 =	vsel vm9, v37, v25  }
0x135: {  	vm10 =	vge.f32 v58, v6;
	v39 =	vmax.f32 v24, v58  }
0x136: {  	v38 =	vperm.xlane v23, v3;
	v24 =	vsel vm10, v24, v39  }
0x137: {  	v40 =	vsub.f32 v18, v22;
	vm11 =	vge.f32 v60, v6;
	v41 =	vmax.f32 v24, v60  }
0x138: {  	v42 =	vsub.f32 v20, v22;
	v23 =	vadd.f32 v23, v38;
	v6 =	vsel vm11, v24, v41  }
0x139: {  	v45 =	vsub.f32 v21, v22;
	v43 =	vmul.f32 $1.442695020e+00, v40;
	v24 =	vperm.xlane v6, v0  }
0x13a: {  	v44 =	vmul.f32 $1.442695020e+00, v42;
	(erf) = vrcp.f32 v23  }
0x13b: {  	v23 =	vmul.f32 $1.442695020e+00, v45;
	(erf) = vpow2.f32 v43;
	v6 =	vmax.f32 v6, v24  }
0x13c: {  	v22 =	vsub.f32 v19, v22;
	(erf) = vpow2.f32 v44;
	v24 =	vperm.xlane v6, v1;
	_ =	sdelay $0x1  }
0x13d: {  	v22 =	vmul.f32 $1.442695020e+00, v22;
	(erf) = vpow2.f32 v23;
	v6 =	vmax.f32 v6, v24  }
0x13e: {  	v46 =	vperm.xlane v6, v2  }
0x13f: {  	(erf) = vpow2.f32 v22  }
0x140: {  	v6 =	vmax.f32 v6, v46  }
0x141: {  	v47 =	vperm.xlane v6, v3  }
0x142: {  	v48 =	vpop (erf)  }
0x143: {  	v49 =	vpop (erf);
	v6 =	vmax.f32 v6, v47  }
0x144: {  	v50 =	vpop (erf);
	vm12 =	vge.f32 v18, v6;
	vm13 =	vge.f32 v20, v6  }
0x145: {  	v18 =	vnsel vm12, $0x0, v49;
	v20 =	vnsel vm13, $0x0, v50  }
0x146: {  	v51 =	vpop (erf);
	vm14 =	vge.f32 v21, v6;
	v52 =	vadd.f32 v20, v18  }
0x147: {  	v22 =	vnsel vm14, $0x0, v51  }
0x148: {  	v53 =	vpop (erf);
	vm15 =	vge.f32 v19, v6;
	v54 =	vadd.f32 v52, v22  }
0x149: {  	v6 =	vnsel vm15, $0x0, v53  }
0x14a: {  	v19 =	vadd.f32 v54, v6;
	_ =	sdelay $0x1  }
0x14b: {  	v55 =	vperm.xlane v19, v0;
	_ =	sdelay $0x1  }
0x14c: {  	v19 =	vadd.f32 v19, v55;
	_ =	sdelay $0x1  }
0x14d: {  	v21 =	vperm.xlane v19, v1;
	_ =	sdelay $0x1  }
0x14e: {  	v19 =	vadd.f32 v19, v21;
	_ =	sdelay $0x1  }
0x14f: {  	v21 =	vperm.xlane v19, v2;
	_ =	sdelay $0x1  }
0x150: {  	v19 =	vadd.f32 v19, v21;
	_ =	sdelay $0x1  }
0x151: {  	v21 =	vperm.xlane v19, v3;
	_ =	sdelay $0x1  }
0x152: {  	v12 =	vmul.f32 v16, v12;
	v19 =	vadd.f32 v19, v21  }
0x153: {  	v13 =	vmul.f32 v16, v13  }
0x154: {  	v14 =	vmul.f32 v16, v14;
	[tilespmem:$0x200] =	vst v12;
	(erf) = vrcp.f32 v19  }
0x155: {  	v15 =	vmul.f32 v16, v15;
	[tilespmem:$0x210] =	vst v13  }
0x156: {  	[tilespmem:$0x220] =	vst v14;
	v11 =	vmul.f32 v17, v11  }
0x157: {  	[tilespmem:$0x230] =	vst v15;
	v10 =	vmul.f32 v17, v10  }
0x158: {  	v9 =	vmul.f32 v17, v9;
	[tilespmem:$0x280] =	vst v11  }
0x159: {  	v5 =	vmul.f32 v17, v5;
	[tilespmem:$0x290] =	vst v10  }
0x15a: {  	[tilespmem:$0x2A0] =	vst v9;
	v8 =	vmul.f32 v48, v8  }
0x15b: {  	[tilespmem:$0x2B0] =	vst v5;
	v7 =	vmul.f32 v48, v7  }
0x15c: {  	v12 =	vadd.f32 $0.0e+00, v12;
	v56 =	vmul.f32 v48, v27;
	[tilespmem:$0x300] =	vst v8  }
0x15d: {  	v13 =	vadd.f32 $0.0e+00, v13;
	v4 =	vmul.f32 v48, v4;
	[tilespmem:$0x310] =	vst v7;
	v57 =	vpop (erf)  }
0x15e: {  	v11 =	vadd.f32 v11, v12;
	v58 =	vadd.f32 $0.0e+00, v14;
	[tilespmem:$0x320] =	vst v56;
	v59 =	vmul.f32 v57, v18  }
0x15f: {  	v10 =	vadd.f32 v10, v13;
	v60 =	vadd.f32 $0.0e+00, v15;
	[tilespmem:$0x330] =	vst v4;
	v61 =	vmul.f32 v57, v20  }
0x160: {  	v9 =	vadd.f32 v9, v58;
	v8 =	vadd.f32 v8, v11;
	v62 =	vmul.f32 v57, v22;
	[tilespmem:$0x380] =	vst v59  }
0x161: {  	v5 =	vadd.f32 v5, v60;
	v7 =	vadd.f32 v7, v10;
	v6 =	vmul.f32 v57, v6;
	[tilespmem:$0x390] =	vst v61  }
0x162: {  	v9 =	vadd.f32 v56, v9;
	v8 =	vadd.f32 v59, v8;
	[tilespmem:$0x3A0] =	vst v62  }
0x163: {  	v4 =	vadd.f32 v4, v5;
	v5 =	vadd.f32 v61, v7;
	[tilespmem:$0x3B0] =	vst v6  }
0x164: {  	v63 =	vadd.f32 v62, v9;
	[tilespmem:$0x400] =	vst v8  }
0x165: {  	v4 =	vadd.f32 v6, v4;
	[tilespmem:$0x410] =	vst v5  }
0x166: {  	[tilespmem:$0x420] =	vst v63  }
0x167: {  	[tilespmem:$0x430] =	vst v4  }
0x168: {  	[hbm4b:s4+s2] =	stream.linear.scatter [tilespmem:s8], [sflag:$0x1], $0x200, $0x38;
	[tilespmem:$0x480] =	vst v63  }
0x169: {  	_ =	swait.ge [sflag:s7], $0x200  }
0x16a: {  	p0 =	sne.s32 s6, $0x1;
	[sflag:s7] =	ssyncset.done $0x0  }
.Ltmp0:
0x16b: {  	[sflag:s7] =	ssyncadd.s32 $0xFFFFFE00;
	(pc) =	sbr.rel @p0 .LBB2_1-.Ltmp0, $4  }
0x16c: {  	[hbm4b:s5+s2] =	stream.linear.scatter [tilespmem:s9], [sflag:$0x1], $0x80, $0x38;
	[tilespmem:$0x480] =	vst v63  }
0x16d: {  	_ =	swait.ge [sflag:s7], $0x80  }
0x16e: {  	[sflag:s7] =	ssyncset.done $0x0  }
0x16f: {  	s6 =	sadd.s32 $0xFFFFFFFF, s6;
	[sflag:s7] =	ssyncadd.s32 $0xFFFFFF80  }
0x170: {  	_ =	sfence.sel $0x180000  }
0x171: {  	[bflag:$0x0] =	sbarrier.arrive $0xFFFF  }
0x172: {  	p0 =	sne.s32 s1, $0x0;
	_ =	strace $0x90000047  }
0x173: {  	s0 =	sadd.s32 @!p0 $0x100000, s0;
	[bflag:$0x2] =	sbarrier.arrive $0xFFFF  }
0x174: {  	[sflag:s0] =	ssyncadd.tile.s32 @!p0 $0x1;
	_ =	shalt  }
.Lfunc_end2:
_tile_overlayer_lowered:
.L_overlay_start_2:
0x175: {  	(tag) =	ssettag $0x2  }
0x176: {  	s0 =	rddreg [dreg:$0x0];
	s2 =	stileid.u32  }
0x177: {  	s1 =	rddreg [dreg:$0x1];
	p0 =	sne.s32 s2, $0x0  }
0x178: {  	s3 =	rddreg [dreg:$0x2];
	[bflag:$0x3] =	sbarrier.arrive $0xFFFF;
	s2 =	simm.s32 @!p0 $0x1C01  }
0x179: {  	[timem:s3], [sflag:s2] =	dma.local @!p0 [hbm:s0], s1  }
0x17a: {  	s0 =	simm.s32 @!p0 $0x1  }
0x17b: {  	_ =	swait.ge @!p0 [sflag:s0], s1  }
0x17c: {  	s1 =	ssub.s32 @!p0 $0x0, s1;
	[sflag:s0] =	ssyncset.done @!p0 $0x0  }
0x17d: {  	[sflag:s0] =	ssyncadd.s32 @!p0 s1  }
0x17e: {  	[bflag:$0x3] =	sbarrier.arrive $0xFFFF  }
0x17f: {  	_ =	shalt  }

</sc_bundles>
